<compile_context>
chip_gen: v7x
topology: tpu7x:2x2x1
jax: 0.10.2.dev20260603
libtpu: 0.0.44.dev20260713+nightly
codegen_flags: <defaults>
</compile_context>

<pallas_src>
import jax
import jax.numpy as jnp
from jax import lax
from jax.experimental import pallas as pl
from jax.experimental.pallas import tpu as pltpu
from jax.experimental.pallas import tpu_sc as plsc

_VOCAB = 100000
_EMBED = 64
_TOKENS = 200
_BATCH = 4096

_NC = 2
_NS = 16
_NW = _NC * _NS

_BT = _BATCH // 128
_TT = _TOKENS // 8


def _transpose_add(t, rows_v, obuf, pos_v):
    iota = jnp.arange(16, dtype=jnp.int32)
    pos_segs = [pos_v[t, pl.ds(q * 16, 16)] for q in range(4)]

    @plsc.parallel_loop(0, 16, unroll=2)
    def _k(k):
        pat = (iota + k) & 15
        for q in range(4):
            dvec = pat + (q * 16)
            dt = lax.shift_right_logical(dvec, 3)
            low0 = lax.shift_left(dvec & 7, 7)
            pp = pos_segs[q].at[pat].get(mode="promise_in_bounds")
            for g in range(8):
                bvec = iota + (g * 16)
                vals = plsc.load_gather(rows_v, [bvec, dvec])
                plsc.store_scatter(obuf, [dt, low0 + bvec], vals + pp)


def _body(x_hbm, tab_hbm, pos_hbm, out_hbm,
          xbuf, pos_v, rows0, rows1, ob0, ob1,
          gsem0, gsem1, osem0, osem1):
    wid = lax.axis_index("s") * _NC + lax.axis_index("c")
    pltpu.sync_copy(pos_hbm, pos_v)
    pltpu.sync_copy(x_hbm.at[:, wid], xbuf)

    def _gather(t, rows, gsem):
        idx = xbuf.at[t // 8, t % 8]
        pltpu.async_copy(tab_hbm.at[idx], rows, gsem)

    def _drain_rows(rows, sem):
        pltpu.make_async_copy(tab_hbm.at[pl.ds(0, 128)], rows, sem).wait()

    def _drain_ob(obuf, sem):
        pltpu.make_async_copy(out_hbm.at[0, :, 0], obuf, sem).wait()

    def _emit_out(t, obuf, osem):
        pltpu.async_copy(obuf, out_hbm.at[t, :, wid], osem)

    _gather(0, rows0, gsem0)

    @pl.loop(0, _TOKENS, step=2)
    def _t2(t):
        _gather(t + 1, rows1, gsem1)
        _drain_rows(rows0, gsem0)

        @pl.when(t >= 2)
        def _():
            _drain_ob(ob0, osem0)

        _transpose_add(t, rows0, ob0, pos_v)
        _emit_out(t, ob0, osem0)

        @pl.when(t + 2 < _TOKENS)
        def _():
            _gather(t + 2, rows0, gsem0)

        _drain_rows(rows1, gsem1)

        @pl.when(t >= 2)
        def _():
            _drain_ob(ob1, osem1)

        _transpose_add(t + 1, rows1, ob1, pos_v)
        _emit_out(t + 1, ob1, osem1)

    _drain_ob(ob0, osem0)
    _drain_ob(ob1, osem1)


@jax.jit
def _run(x_lin, table, pos):
    mesh = plsc.VectorSubcoreMesh(core_axis_name="c", subcore_axis_name="s")
    kfn = pl.kernel(
        _body,
        out_type=jax.ShapeDtypeStruct((_TOKENS, 8, _BT, 1024), jnp.float32),
        mesh=mesh,
        scratch_types=[
            pltpu.VMEM((_TT, 8, 128), jnp.int32),
            pltpu.VMEM((_TOKENS, _EMBED), jnp.float32),
            pltpu.VMEM((128, _EMBED), jnp.float32),
            pltpu.VMEM((128, _EMBED), jnp.float32),
            pltpu.VMEM((8, 1024), jnp.float32),
            pltpu.VMEM((8, 1024), jnp.float32),
            pltpu.SemaphoreType.DMA,
            pltpu.SemaphoreType.DMA,
            pltpu.SemaphoreType.DMA,
            pltpu.SemaphoreType.DMA,
        ],
        compiler_params=pltpu.CompilerParams(use_tc_tiling_on_sc=False,
                                               needs_layout_passes=False),
    )
    return kfn(x_lin, table, pos)


def kernel(x, token_embedding, position_embedding):
    x_lin = x.astype(jnp.int32).reshape(_BT, 128, _TT, 8).transpose(2, 0, 3, 1)
    out_lin = _run(x_lin, token_embedding, position_embedding)
    out5 = out_lin.reshape(_TOKENS, 8, _BT, 8, 128)
    return out5.transpose(2, 4, 0, 1, 3).reshape(_BATCH, _TOKENS, _EMBED)

# --- scband reference (transcript-rebuilt; emitter-appended) ---
"""Pipeline reference for scband-clipembedding-55027120996986 (READ-ONLY COPY).

The authoritative reference and input builder live on the scoring server;
editing this copy changes nothing except your own understanding.
"""

import jax, jax.numpy as jnp
import numpy as np

VOCAB = 100000
EMBED = 64
NUM_TOKENS = 200
BATCH = 4096

def setup_inputs(seed: int = 0) -> dict:
    key = jax.random.key(seed)
    k1, k2, k3 = jax.random.split(key, 3)
    x = jax.random.randint(k1, (BATCH, NUM_TOKENS), 0, VOCAB, dtype=jnp.int64 if jax.config.read('jax_enable_x64') else jnp.int32)
    token_embedding = jax.random.normal(k2, (VOCAB, EMBED), dtype=jnp.float32) * 0.02
    position_embedding = jnp.zeros((NUM_TOKENS, EMBED), dtype=jnp.float32)
    return {"x": x, "token_embedding": token_embedding, "position_embedding": position_embedding}

def reference(x, token_embedding, position_embedding):
    # token embedding gather + broadcast-add of learned positional embedding
    tok = jnp.take(token_embedding, x, axis=0)  # [B, T, D]
    return tok + position_embedding[None, :, :]

if __name__ == "__main__":
    import jax
    _d = setup_inputs()
    print(jax.jit(kernel)(*tuple(_d.values())))

</pallas_src>

<mosaic_0001>
#map = affine_map<(d0, d1) -> (0, 0, 0, 0)>
#map1 = affine_map<(d0, d1) -> (0, 0)>
module attributes {stable_mosaic.version = 14 : i64} {
  func.func @_body(%arg0: i32, %arg1: i32, %arg2: memref<25x32x8x128xi32, #tpu.memory_space<hbm>>, %arg3: memref<100000x64xf32, #tpu.memory_space<hbm>>, %arg4: memref<200x64xf32, #tpu.memory_space<hbm>>, %arg5: memref<200x8x32x1024xf32, #tpu.memory_space<hbm>>, %arg6: memref<25x8x128xi32, #tpu.memory_space<vmem>>, %arg7: memref<200x64xf32, #tpu.memory_space<vmem>>, %arg8: memref<128x64xf32, #tpu.memory_space<vmem>>, %arg9: memref<128x64xf32, #tpu.memory_space<vmem>>, %arg10: memref<8x1024xf32, #tpu.memory_space<vmem>>, %arg11: memref<8x1024xf32, #tpu.memory_space<vmem>>, %arg12: memref<!tpu.dma_semaphore, #tpu.memory_space<semaphore_mem>>, %arg13: memref<!tpu.dma_semaphore, #tpu.memory_space<semaphore_mem>>, %arg14: memref<!tpu.dma_semaphore, #tpu.memory_space<semaphore_mem>>, %arg15: memref<!tpu.dma_semaphore, #tpu.memory_space<semaphore_mem>>) attributes {dimension_semantics = [#tpu.dimension_semantics<core_parallel>, #tpu.dimension_semantics<subcore_parallel>], iteration_bounds = array<i64: 2, 16>, scalar_prefetch = 0 : i64, scratch_operands = 10 : i64, tpu.core_type = #tpu.core_type<sc_vector_subcore>, window_params = [{transform_indices = #map}, {transform_indices = #map1}, {transform_indices = #map1}, {transform_indices = #map}]} {
    %mul3A = arith.constant 2 : i32
    %mul3A_0 = arith.muli %arg1, %mul3A : i32
    %add3A = arith.addi %mul3A_0, %arg0 : i32
    "tpu.region"() ({
      %run_scoped3A = tpu.sem_alloc : memref<!tpu.dma_semaphore, #tpu.memory_space<semaphore_mem>>
      tpu.enqueue_dma source(%arg4 : memref<200x64xf32, #tpu.memory_space<hbm>>) target(%arg7 : memref<200x64xf32, #tpu.memory_space<vmem>>) target_semaphore(%run_scoped3A : memref<!tpu.dma_semaphore, #tpu.memory_space<semaphore_mem>>)
      tpu.wait_dma2 semaphore(%run_scoped3A : memref<!tpu.dma_semaphore, #tpu.memory_space<semaphore_mem>>) src(%arg4 : memref<200x64xf32, #tpu.memory_space<hbm>>) dst(%arg7 : memref<200x64xf32, #tpu.memory_space<vmem>>)
      tpu.yield
    }) : () -> ()
    "tpu.region"() ({
      %run_scoped3A = tpu.sem_alloc : memref<!tpu.dma_semaphore, #tpu.memory_space<semaphore_mem>>
      %dma_start3A_31 = arith.constant 0 : i32
      %dma_start3A_32 = arith.constant 0 : i32
      %dma_start3A_33 = arith.constant 0 : i32
      %dma_start3A_34 = tpu.memref_slice %arg2[%dma_start3A_31, %add3A, %dma_start3A_32, %dma_start3A_33] : memref<25x32x8x128xi32, #tpu.memory_space<hbm>> -> memref<25x1x8x128xi32, #tpu.memory_space<hbm>>
      %dma_start3A_35 = tpu.memref_squeeze %dma_start3A_34 : memref<25x1x8x128xi32, #tpu.memory_space<hbm>> -> memref<25x8x128xi32, #tpu.memory_space<hbm>>
      %dma_start3A_36 = arith.constant 0 : i32
      %dma_start3A_37 = arith.constant 0 : i32
      %dma_start3A_38 = arith.constant 0 : i32
      %dma_start3A_39 = tpu.memref_slice %arg2[%dma_start3A_36, %add3A, %dma_start3A_37, %dma_start3A_38] : memref<25x32x8x128xi32, #tpu.memory_space<hbm>> -> memref<25x1x8x128xi32, #tpu.memory_space<hbm>>
      %dma_start3A_40 = tpu.memref_squeeze %dma_start3A_39 : memref<25x1x8x128xi32, #tpu.memory_space<hbm>> -> memref<25x8x128xi32, #tpu.memory_space<hbm>>
      tpu.enqueue_dma source(%dma_start3A_40 : memref<25x8x128xi32, #tpu.memory_space<hbm>>) target(%arg6 : memref<25x8x128xi32, #tpu.memory_space<vmem>>) target_semaphore(%run_scoped3A : memref<!tpu.dma_semaphore, #tpu.memory_space<semaphore_mem>>)
      %dma_wait3A_41 = arith.constant 0 : i32
      %dma_wait3A_42 = arith.constant 0 : i32
      %dma_wait3A_43 = arith.constant 0 : i32
      %dma_wait3A_44 = tpu.memref_slice %arg2[%dma_wait3A_41, %add3A, %dma_wait3A_42, %dma_wait3A_43] : memref<25x32x8x128xi32, #tpu.memory_space<hbm>> -> memref<25x1x8x128xi32, #tpu.memory_space<hbm>>
      %dma_wait3A_45 = tpu.memref_squeeze %dma_wait3A_44 : memref<25x1x8x128xi32, #tpu.memory_space<hbm>> -> memref<25x8x128xi32, #tpu.memory_space<hbm>>
      %dma_wait3A_46 = arith.constant 0 : i32
      %dma_wait3A_47 = arith.constant 0 : i32
      %dma_wait3A_48 = arith.constant 0 : i32
      %dma_wait3A_49 = tpu.memref_slice %arg2[%dma_wait3A_46, %add3A, %dma_wait3A_47, %dma_wait3A_48] : memref<25x32x8x128xi32, #tpu.memory_space<hbm>> -> memref<25x1x8x128xi32, #tpu.memory_space<hbm>>
      %dma_wait3A_50 = tpu.memref_squeeze %dma_wait3A_49 : memref<25x1x8x128xi32, #tpu.memory_space<hbm>> -> memref<25x8x128xi32, #tpu.memory_space<hbm>>
      tpu.wait_dma2 semaphore(%run_scoped3A : memref<!tpu.dma_semaphore, #tpu.memory_space<semaphore_mem>>) src(%dma_wait3A_50 : memref<25x8x128xi32, #tpu.memory_space<hbm>>) dst(%arg6 : memref<25x8x128xi32, #tpu.memory_space<vmem>>)
      tpu.yield
    }) : () -> ()
    %dma_start3A = arith.constant 0 : i32
    %dma_start3A_1 = arith.constant 0 : i32
    %dma_start3A_2 = arith.constant 0 : i32
    %dma_start3A_3 = tpu.memref_slice %arg6[%dma_start3A, %dma_start3A_1, %dma_start3A_2] : memref<25x8x128xi32, #tpu.memory_space<vmem>> -> memref<1x1x128xi32, #tpu.memory_space<vmem>>
    %dma_start3A_4 = tpu.memref_squeeze %dma_start3A_3 : memref<1x1x128xi32, #tpu.memory_space<vmem>> -> memref<128xi32, #tpu.memory_space<vmem>>
    %dma_start3A_5 = arith.constant 0 : i32
    %dma_start3A_6 = arith.constant 0 : i32
    %dma_start3A_7 = tpu.memref_slice %arg3[%dma_start3A_5, %dma_start3A_6] : memref<100000x64xf32, #tpu.memory_space<hbm>> -> memref<100000x64xf32, #tpu.memory_space<hbm>>
    tpu.enqueue_indirect_dma source(%dma_start3A_7 : memref<100000x64xf32, #tpu.memory_space<hbm>>) target(%arg8 : memref<128x64xf32, #tpu.memory_space<vmem>>) offsets(%dma_start3A_4 : memref<128xi32, #tpu.memory_space<vmem>>) semaphore(%arg12 : memref<!tpu.dma_semaphore, #tpu.memory_space<semaphore_mem>>)
    %scan3A = arith.constant 0 : i32
    %scan3A_8 = arith.constant 100 : i32
    %scan3A_9 = arith.addi %scan3A, %scan3A_8 : i32
    %scan3A_10 = arith.constant 1 : i32
    scf.for %scan3A_31 = %scan3A to %scan3A_9 step %scan3A_10  : i32 {
      %mul3A_32 = arith.constant 2 : i32
      %mul3A_33 = arith.muli %scan3A_31, %mul3A_32 : i32
      %add3A_34 = arith.constant 0 : i32
      %add3A_35 = arith.addi %add3A_34, %mul3A_33 : i32
      %add3A_36 = arith.constant 1 : i32
      %add3A_37 = arith.addi %add3A_35, %add3A_36 : i32
      %jit3A = arith.constant 8 : i32
      %div3A = arith.divsi %add3A_37, %jit3A : i32
      %sign3A = arith.constant 0 : i32
      %sign3A_38 = arith.cmpi sgt, %add3A_37, %sign3A : i32
      %sign3A_39 = arith.extui %sign3A_38 : i1 to i32
      %sign3A_40 = arith.constant 0 : i32
      %sign3A_41 = arith.cmpi slt, %add3A_37, %sign3A_40 : i32
      %sign3A_42 = arith.extui %sign3A_41 : i1 to i32
      %sign3A_43 = arith.subi %sign3A_39, %sign3A_42 : i32
      %sign3A_44 = arith.constant 0 : i32
      %sign3A_45 = arith.cmpi sgt, %jit3A, %sign3A_44 : i32
      %sign3A_46 = arith.extui %sign3A_45 : i1 to i32
      %sign3A_47 = arith.constant 0 : i32
      %sign3A_48 = arith.cmpi slt, %jit3A, %sign3A_47 : i32
      %sign3A_49 = arith.extui %sign3A_48 : i1 to i32
      %sign3A_50 = arith.subi %sign3A_46, %sign3A_49 : i32
      %ne3A = arith.cmpi ne, %sign3A_43, %sign3A_50 : i32
      %rem3A = arith.remsi %add3A_37, %jit3A : i32
      %ne3A_51 = arith.constant 0 : i32
      %ne3A_52 = arith.cmpi ne, %rem3A, %ne3A_51 : i32
      %and3A = arith.andi %ne3A, %ne3A_52 : i1
      %sub3A = arith.constant 1 : i32
      %sub3A_53 = arith.subi %div3A, %sub3A : i32
      %select_n3A = arith.select %and3A, %sub3A_53, %div3A : i32
      %jit3A_54 = arith.constant 8 : i32
      %eq3A = arith.constant 0 : i32
      %eq3A_55 = arith.cmpi eq, %jit3A_54, %eq3A : i32
      %jit3A_56 = arith.constant 1 : i32
      %select_n3A_57 = arith.select %eq3A_55, %jit3A_56, %jit3A_54 : i32
      %rem3A_58 = arith.remsi %add3A_37, %select_n3A_57 : i32
      %ne3A_59 = arith.constant 0 : i32
      %ne3A_60 = arith.cmpi ne, %rem3A_58, %ne3A_59 : i32
      %lt3A = arith.constant 0 : i32
      %lt3A_61 = arith.cmpi slt, %rem3A_58, %lt3A : i32
      %lt3A_62 = arith.constant 0 : i32
      %lt3A_63 = arith.cmpi slt, %select_n3A_57, %lt3A_62 : i32
      %ne3A_64 = arith.xori %lt3A_61, %lt3A_63 : i1
      %and3A_65 = arith.andi %ne3A_64, %ne3A_60 : i1
      %add3A_66 = arith.addi %rem3A_58, %select_n3A_57 : i32
      %select_n3A_67 = arith.select %and3A_65, %add3A_66, %rem3A_58 : i32
      %dma_start3A_68 = arith.constant 0 : i32
      %dma_start3A_69 = tpu.memref_slice %arg6[%select_n3A, %select_n3A_67, %dma_start3A_68] : memref<25x8x128xi32, #tpu.memory_space<vmem>> -> memref<1x1x128xi32, #tpu.memory_space<vmem>>
      %dma_start3A_70 = tpu.memref_squeeze %dma_start3A_69 : memref<1x1x128xi32, #tpu.memory_space<vmem>> -> memref<128xi32, #tpu.memory_space<vmem>>
      %dma_start3A_71 = arith.constant 0 : i32
      %dma_start3A_72 = arith.constant 0 : i32
      %dma_start3A_73 = tpu.memref_slice %arg3[%dma_start3A_71, %dma_start3A_72] : memref<100000x64xf32, #tpu.memory_space<hbm>> -> memref<100000x64xf32, #tpu.memory_space<hbm>>
      tpu.enqueue_indirect_dma source(%dma_start3A_73 : memref<100000x64xf32, #tpu.memory_space<hbm>>) target(%arg9 : memref<128x64xf32, #tpu.memory_space<vmem>>) offsets(%dma_start3A_70 : memref<128xi32, #tpu.memory_space<vmem>>) semaphore(%arg13 : memref<!tpu.dma_semaphore, #tpu.memory_space<semaphore_mem>>)
      %dma_wait3A_74 = arith.constant 0 : i32
      %dma_wait3A_75 = arith.constant 0 : i32
      %dma_wait3A_76 = tpu.memref_slice %arg3[%dma_wait3A_74, %dma_wait3A_75] : memref<100000x64xf32, #tpu.memory_space<hbm>> -> memref<128x64xf32, #tpu.memory_space<hbm>>
      %dma_wait3A_77 = arith.constant 0 : i32
      %dma_wait3A_78 = arith.constant 0 : i32
      %dma_wait3A_79 = tpu.memref_slice %arg3[%dma_wait3A_77, %dma_wait3A_78] : memref<100000x64xf32, #tpu.memory_space<hbm>> -> memref<128x64xf32, #tpu.memory_space<hbm>>
      tpu.wait_dma2 semaphore(%arg12 : memref<!tpu.dma_semaphore, #tpu.memory_space<semaphore_mem>>) src(%dma_wait3A_79 : memref<128x64xf32, #tpu.memory_space<hbm>>) dst(%arg8 : memref<128x64xf32, #tpu.memory_space<vmem>>)
      %ge3A = arith.constant 2 : i32
      %ge3A_80 = arith.cmpi sge, %add3A_35, %ge3A : i32
      %convert_element_type3A = arith.extui %ge3A_80 : i1 to i32
      %cond3A = arith.constant 0 : i32
      %cond3A_81 = arith.cmpi ne, %convert_element_type3A, %cond3A : i32
      scf.if %cond3A_81 {
        %dma_wait3A_149 = arith.constant 0 : i32
        %dma_wait3A_150 = arith.constant 0 : i32
        %dma_wait3A_151 = arith.constant 0 : i32
        %dma_wait3A_152 = arith.constant 0 : i32
        %dma_wait3A_153 = tpu.memref_slice %arg5[%dma_wait3A_149, %dma_wait3A_151, %dma_wait3A_150, %dma_wait3A_152] : memref<200x8x32x1024xf32, #tpu.memory_space<hbm>> -> memref<1x8x1x1024xf32, #tpu.memory_space<hbm>>
        %dma_wait3A_154 = tpu.memref_squeeze %dma_wait3A_153 : memref<1x8x1x1024xf32, #tpu.memory_space<hbm>> -> memref<8x1024xf32, #tpu.memory_space<hbm>>
        %dma_wait3A_155 = arith.constant 0 : i32
        %dma_wait3A_156 = arith.constant 0 : i32
        %dma_wait3A_157 = tpu.memref_slice %arg5[%dma_wait3A_149, %dma_wait3A_155, %dma_wait3A_150, %dma_wait3A_156] : memref<200x8x32x1024xf32, #tpu.memory_space<hbm>> -> memref<1x8x1x1024xf32, #tpu.memory_space<hbm>>
        %dma_wait3A_158 = tpu.memref_squeeze %dma_wait3A_157 : memref<1x8x1x1024xf32, #tpu.memory_space<hbm>> -> memref<8x1024xf32, #tpu.memory_space<hbm>>
        tpu.wait_dma2 semaphore(%arg14 : memref<!tpu.dma_semaphore, #tpu.memory_space<semaphore_mem>>) src(%dma_wait3A_158 : memref<8x1024xf32, #tpu.memory_space<hbm>>) dst(%arg10 : memref<8x1024xf32, #tpu.memory_space<vmem>>)
      } else {
      }
      %iota3A = tpu.iota {dimensions = array<i32: 0>} : vector<16xi32>
      %get3A = arith.index_cast %add3A_35 : i32 to index
      %get3A_82 = arith.constant 0 : index
      %get3A_83 = tpu.vector_load %arg7[%get3A, %get3A_82] {strides = array<i32>} : memref<200x64xf32, #tpu.memory_space<vmem>>, vector<16xf32>,
      %get3A_84 = arith.index_cast %add3A_35 : i32 to index
      %get3A_85 = arith.constant 16 : index
      %get3A_86 = tpu.vector_load %arg7[%get3A_84, %get3A_85] {strides = array<i32>} : memref<200x64xf32, #tpu.memory_space<vmem>>, vector<16xf32>,
      %get3A_87 = arith.index_cast %add3A_35 : i32 to index
      %get3A_88 = arith.constant 32 : index
      %get3A_89 = tpu.vector_load %arg7[%get3A_87, %get3A_88] {strides = array<i32>} : memref<200x64xf32, #tpu.memory_space<vmem>>, vector<16xf32>,
      %get3A_90 = arith.index_cast %add3A_35 : i32 to index
      %get3A_91 = arith.constant 48 : index
      %get3A_92 = tpu.vector_load %arg7[%get3A_90, %get3A_91] {strides = array<i32>} : memref<200x64xf32, #tpu.memory_space<vmem>>, vector<16xf32>,
      %parallel_loop3A = arith.constant 0 : i32
      %parallel_loop3A_93 = arith.constant 16 : i32
      %parallel_loop3A_94 = arith.constant 1 : i32
      scf.for %parallel_loop3A_149 = %parallel_loop3A to %parallel_loop3A_93 step %parallel_loop3A_94  : i32 {
        %parallel_loop3A_150 = vector.broadcast %parallel_loop3A_149 : i32 to vector<16xi32>
        %parallel_loop3A_151 = arith.addi %iota3A, %parallel_loop3A_150 : vector<16xi32>
        %parallel_loop3A_152 = arith.constant 15 : i32
        %parallel_loop3A_153 = vector.broadcast %parallel_loop3A_152 : i32 to vector<16xi32>
        %parallel_loop3A_154 = arith.andi %parallel_loop3A_151, %parallel_loop3A_153 : vector<16xi32>
        %parallel_loop3A_155 = arith.constant 0 : i32
        %parallel_loop3A_156 = vector.broadcast %parallel_loop3A_155 : i32 to vector<16xi32>
        %parallel_loop3A_157 = arith.addi %parallel_loop3A_154, %parallel_loop3A_156 : vector<16xi32>
        %parallel_loop3A_158 = arith.constant 3 : i32
        %parallel_loop3A_159 = vector.broadcast %parallel_loop3A_158 : i32 to vector<16xi32>
        %parallel_loop3A_160 = arith.shrui %parallel_loop3A_157, %parallel_loop3A_159 : vector<16xi32>
        %parallel_loop3A_161 = arith.constant 7 : i32
        %parallel_loop3A_162 = vector.broadcast %parallel_loop3A_161 : i32 to vector<16xi32>
        %parallel_loop3A_163 = arith.andi %parallel_loop3A_157, %parallel_loop3A_162 : vector<16xi32>
        %parallel_loop3A_164 = arith.constant 7 : i32
        %parallel_loop3A_165 = vector.broadcast %parallel_loop3A_164 : i32 to vector<16xi32>
        %parallel_loop3A_166 = arith.shli %parallel_loop3A_163, %parallel_loop3A_165 : vector<16xi32>
        %parallel_loop3A_167 = arith.constant 0 : i32
        %parallel_loop3A_168 = vector.broadcast %parallel_loop3A_167 : i32 to vector<16xi32>
        %parallel_loop3A_169 = arith.cmpi slt, %parallel_loop3A_154, %parallel_loop3A_168 : vector<16xi32>
        %parallel_loop3A_170 = arith.constant 16 : i32
        %parallel_loop3A_171 = vector.broadcast %parallel_loop3A_170 : i32 to vector<16xi32>
        %parallel_loop3A_172 = arith.addi %parallel_loop3A_154, %parallel_loop3A_171 : vector<16xi32>
        %parallel_loop3A_173 = arith.select %parallel_loop3A_169, %parallel_loop3A_172, %parallel_loop3A_154 : vector<16xi1>, vector<16xi32>
        %parallel_loop3A_174 = vector.shape_cast %parallel_loop3A_173 : vector<16xi32> to vector<16x1xi32>
        %parallel_loop3A_175 = vector.shape_cast %parallel_loop3A_174 : vector<16x1xi32> to vector<16xi32>
        %parallel_loop3A_176 = tpu.dynamic_gather %get3A_83[%parallel_loop3A_175] in [0] : vector<16xf32>, vector<16xi32> -> vector<16xf32>
        %parallel_loop3A_177 = arith.constant 0 : i32
        %parallel_loop3A_178 = vector.broadcast %parallel_loop3A_177 : i32 to vector<16xi32>
        %parallel_loop3A_179 = arith.addi %iota3A, %parallel_loop3A_178 : vector<16xi32>
        %parallel_loop3A_180 = tpu.vector_load_idx %arg8[%parallel_loop3A_179, %parallel_loop3A_157] : memref<128x64xf32, #tpu.memory_space<vmem>>[vector<16xi32>, vector<16xi32>], vector<16xf32>,
        %parallel_loop3A_181 = arith.addi %parallel_loop3A_166, %parallel_loop3A_179 : vector<16xi32>
        %parallel_loop3A_182 = arith.addf %parallel_loop3A_180, %parallel_loop3A_176 : vector<16xf32>
        tpu.vector_store_idx %arg10[%parallel_loop3A_160, %parallel_loop3A_181], %parallel_loop3A_182 : memref<8x1024xf32, #tpu.memory_space<vmem>>[vector<16xi32>, vector<16xi32>], vector<16xf32>,
        %parallel_loop3A_183 = arith.constant 16 : i32
        %parallel_loop3A_184 = vector.broadcast %parallel_loop3A_183 : i32 to vector<16xi32>
        %parallel_loop3A_185 = arith.addi %iota3A, %parallel_loop3A_184 : vector<16xi32>
        %parallel_loop3A_186 = tpu.vector_load_idx %arg8[%parallel_loop3A_185, %parallel_loop3A_157] : memref<128x64xf32, #tpu.memory_space<vmem>>[vector<16xi32>, vector<16xi32>], vector<16xf32>,
        %parallel_loop3A_187 = arith.addi %parallel_loop3A_166, %parallel_loop3A_185 : vector<16xi32>
        %parallel_loop3A_188 = arith.addf %parallel_loop3A_186, %parallel_loop3A_176 : vector<16xf32>
        tpu.vector_store_idx %arg10[%parallel_loop3A_160, %parallel_loop3A_187], %parallel_loop3A_188 : memref<8x1024xf32, #tpu.memory_space<vmem>>[vector<16xi32>, vector<16xi32>], vector<16xf32>,
        %parallel_loop3A_189 = arith.constant 32 : i32
        %parallel_loop3A_190 = vector.broadcast %parallel_loop3A_189 : i32 to vector<16xi32>
        %parallel_loop3A_191 = arith.addi %iota3A, %parallel_loop3A_190 : vector<16xi32>
        %parallel_loop3A_192 = tpu.vector_load_idx %arg8[%parallel_loop3A_191, %parallel_loop3A_157] : memref<128x64xf32, #tpu.memory_space<vmem>>[vector<16xi32>, vector<16xi32>], vector<16xf32>,
        %parallel_loop3A_193 = arith.addi %parallel_loop3A_166, %parallel_loop3A_191 : vector<16xi32>
        %parallel_loop3A_194 = arith.addf %parallel_loop3A_192, %parallel_loop3A_176 : vector<16xf32>
        tpu.vector_store_idx %arg10[%parallel_loop3A_160, %parallel_loop3A_193], %parallel_loop3A_194 : memref<8x1024xf32, #tpu.memory_space<vmem>>[vector<16xi32>, vector<16xi32>], vector<16xf32>,
        %parallel_loop3A_195 = arith.constant 48 : i32
        %parallel_loop3A_196 = vector.broadcast %parallel_loop3A_195 : i32 to vector<16xi32>
        %parallel_loop3A_197 = arith.addi %iota3A, %parallel_loop3A_196 : vector<16xi32>
        %parallel_loop3A_198 = tpu.vector_load_idx %arg8[%parallel_loop3A_197, %parallel_loop3A_157] : memref<128x64xf32, #tpu.memory_space<vmem>>[vector<16xi32>, vector<16xi32>], vector<16xf32>,
        %parallel_loop3A_199 = arith.addi %parallel_loop3A_166, %parallel_loop3A_197 : vector<16xi32>
        %parallel_loop3A_200 = arith.addf %parallel_loop3A_198, %parallel_loop3A_176 : vector<16xf32>
        tpu.vector_store_idx %arg10[%parallel_loop3A_160, %parallel_loop3A_199], %parallel_loop3A_200 : memref<8x1024xf32, #tpu.memory_space<vmem>>[vector<16xi32>, vector<16xi32>], vector<16xf32>,
        %parallel_loop3A_201 = arith.constant 64 : i32
        %parallel_loop3A_202 = vector.broadcast %parallel_loop3A_201 : i32 to vector<16xi32>
        %parallel_loop3A_203 = arith.addi %iota3A, %parallel_loop3A_202 : vector<16xi32>
        %parallel_loop3A_204 = tpu.vector_load_idx %arg8[%parallel_loop3A_203, %parallel_loop3A_157] : memref<128x64xf32, #tpu.memory_space<vmem>>[vector<16xi32>, vector<16xi32>], vector<16xf32>,
        %parallel_loop3A_205 = arith.addi %parallel_loop3A_166, %parallel_loop3A_203 : vector<16xi32>
        %parallel_loop3A_206 = arith.addf %parallel_loop3A_204, %parallel_loop3A_176 : vector<16xf32>
        tpu.vector_store_idx %arg10[%parallel_loop3A_160, %parallel_loop3A_205], %parallel_loop3A_206 : memref<8x1024xf32, #tpu.memory_space<vmem>>[vector<16xi32>, vector<16xi32>], vector<16xf32>,
        %parallel_loop3A_207 = arith.constant 80 : i32
        %parallel_loop3A_208 = vector.broadcast %parallel_loop3A_207 : i32 to vector<16xi32>
        %parallel_loop3A_209 = arith.addi %iota3A, %parallel_loop3A_208 : vector<16xi32>
        %parallel_loop3A_210 = tpu.vector_load_idx %arg8[%parallel_loop3A_209, %parallel_loop3A_157] : memref<128x64xf32, #tpu.memory_space<vmem>>[vector<16xi32>, vector<16xi32>], vector<16xf32>,
        %parallel_loop3A_211 = arith.addi %parallel_loop3A_166, %parallel_loop3A_209 : vector<16xi32>
        %parallel_loop3A_212 = arith.addf %parallel_loop3A_210, %parallel_loop3A_176 : vector<16xf32>
        tpu.vector_store_idx %arg10[%parallel_loop3A_160, %parallel_loop3A_211], %parallel_loop3A_212 : memref<8x1024xf32, #tpu.memory_space<vmem>>[vector<16xi32>, vector<16xi32>], vector<16xf32>,
        %parallel_loop3A_213 = arith.constant 96 : i32
        %parallel_loop3A_214 = vector.broadcast %parallel_loop3A_213 : i32 to vector<16xi32>
        %parallel_loop3A_215 = arith.addi %iota3A, %parallel_loop3A_214 : vector<16xi32>
        %parallel_loop3A_216 = tpu.vector_load_idx %arg8[%parallel_loop3A_215, %parallel_loop3A_157] : memref<128x64xf32, #tpu.memory_space<vmem>>[vector<16xi32>, vector<16xi32>], vector<16xf32>,
        %parallel_loop3A_217 = arith.addi %parallel_loop3A_166, %parallel_loop3A_215 : vector<16xi32>
        %parallel_loop3A_218 = arith.addf %parallel_loop3A_216, %parallel_loop3A_176 : vector<16xf32>
        tpu.vector_store_idx %arg10[%parallel_loop3A_160, %parallel_loop3A_217], %parallel_loop3A_218 : memref<8x1024xf32, #tpu.memory_space<vmem>>[vector<16xi32>, vector<16xi32>], vector<16xf32>,
        %parallel_loop3A_219 = arith.constant 112 : i32
        %parallel_loop3A_220 = vector.broadcast %parallel_loop3A_219 : i32 to vector<16xi32>
        %parallel_loop3A_221 = arith.addi %iota3A, %parallel_loop3A_220 : vector<16xi32>
        %parallel_loop3A_222 = tpu.vector_load_idx %arg8[%parallel_loop3A_221, %parallel_loop3A_157] : memref<128x64xf32, #tpu.memory_space<vmem>>[vector<16xi32>, vector<16xi32>], vector<16xf32>,
        %parallel_loop3A_223 = arith.addi %parallel_loop3A_166, %parallel_loop3A_221 : vector<16xi32>
        %parallel_loop3A_224 = arith.addf %parallel_loop3A_222, %parallel_loop3A_176 : vector<16xf32>
        tpu.vector_store_idx %arg10[%parallel_loop3A_160, %parallel_loop3A_223], %parallel_loop3A_224 : memref<8x1024xf32, #tpu.memory_space<vmem>>[vector<16xi32>, vector<16xi32>], vector<16xf32>,
        %parallel_loop3A_225 = arith.constant 16 : i32
        %parallel_loop3A_226 = vector.broadcast %parallel_loop3A_225 : i32 to vector<16xi32>
        %parallel_loop3A_227 = arith.addi %parallel_loop3A_154, %parallel_loop3A_226 : vector<16xi32>
        %parallel_loop3A_228 = arith.constant 3 : i32
        %parallel_loop3A_229 = vector.broadcast %parallel_loop3A_228 : i32 to vector<16xi32>
        %parallel_loop3A_230 = arith.shrui %parallel_loop3A_227, %parallel_loop3A_229 : vector<16xi32>
        %parallel_loop3A_231 = arith.constant 7 : i32
        %parallel_loop3A_232 = vector.broadcast %parallel_loop3A_231 : i32 to vector<16xi32>
        %parallel_loop3A_233 = arith.andi %parallel_loop3A_227, %parallel_loop3A_232 : vector<16xi32>
        %parallel_loop3A_234 = arith.constant 7 : i32
        %parallel_loop3A_235 = vector.broadcast %parallel_loop3A_234 : i32 to vector<16xi32>
        %parallel_loop3A_236 = arith.shli %parallel_loop3A_233, %parallel_loop3A_235 : vector<16xi32>
        %parallel_loop3A_237 = arith.constant 0 : i32
        %parallel_loop3A_238 = vector.broadcast %parallel_loop3A_237 : i32 to vector<16xi32>
        %parallel_loop3A_239 = arith.cmpi slt, %parallel_loop3A_154, %parallel_loop3A_238 : vector<16xi32>
        %parallel_loop3A_240 = arith.constant 16 : i32
        %parallel_loop3A_241 = vector.broadcast %parallel_loop3A_240 : i32 to vector<16xi32>
        %parallel_loop3A_242 = arith.addi %parallel_loop3A_154, %parallel_loop3A_241 : vector<16xi32>
        %parallel_loop3A_243 = arith.select %parallel_loop3A_239, %parallel_loop3A_242, %parallel_loop3A_154 : vector<16xi1>, vector<16xi32>
        %parallel_loop3A_244 = vector.shape_cast %parallel_loop3A_243 : vector<16xi32> to vector<16x1xi32>
        %parallel_loop3A_245 = vector.shape_cast %parallel_loop3A_244 : vector<16x1xi32> to vector<16xi32>
        %parallel_loop3A_246 = tpu.dynamic_gather %get3A_86[%parallel_loop3A_245] in [0] : vector<16xf32>, vector<16xi32> -> vector<16xf32>
        %parallel_loop3A_247 = arith.constant 0 : i32
        %parallel_loop3A_248 = vector.broadcast %parallel_loop3A_247 : i32 to vector<16xi32>
        %parallel_loop3A_249 = arith.addi %iota3A, %parallel_loop3A_248 : vector<16xi32>
        %parallel_loop3A_250 = tpu.vector_load_idx %arg8[%parallel_loop3A_249, %parallel_loop3A_227] : memref<128x64xf32, #tpu.memory_space<vmem>>[vector<16xi32>, vector<16xi32>], vector<16xf32>,
        %parallel_loop3A_251 = arith.addi %parallel_loop3A_236, %parallel_loop3A_249 : vector<16xi32>
        %parallel_loop3A_252 = arith.addf %parallel_loop3A_250, %parallel_loop3A_246 : vector<16xf32>
        tpu.vector_store_idx %arg10[%parallel_loop3A_230, %parallel_loop3A_251], %parallel_loop3A_252 : memref<8x1024xf32, #tpu.memory_space<vmem>>[vector<16xi32>, vector<16xi32>], vector<16xf32>,
        %parallel_loop3A_253 = arith.constant 16 : i32
        %parallel_loop3A_254 = vector.broadcast %parallel_loop3A_253 : i32 to vector<16xi32>
        %parallel_loop3A_255 = arith.addi %iota3A, %parallel_loop3A_254 : vector<16xi32>
        %parallel_loop3A_256 = tpu.vector_load_idx %arg8[%parallel_loop3A_255, %parallel_loop3A_227] : memref<128x64xf32, #tpu.memory_space<vmem>>[vector<16xi32>, vector<16xi32>], vector<16xf32>,
        %parallel_loop3A_257 = arith.addi %parallel_loop3A_236, %parallel_loop3A_255 : vector<16xi32>
        %parallel_loop3A_258 = arith.addf %parallel_loop3A_256, %parallel_loop3A_246 : vector<16xf32>
        tpu.vector_store_idx %arg10[%parallel_loop3A_230, %parallel_loop3A_257], %parallel_loop3A_258 : memref<8x1024xf32, #tpu.memory_space<vmem>>[vector<16xi32>, vector<16xi32>], vector<16xf32>,
        %parallel_loop3A_259 = arith.constant 32 : i32
        %parallel_loop3A_260 = vector.broadcast %parallel_loop3A_259 : i32 to vector<16xi32>
        %parallel_loop3A_261 = arith.addi %iota3A, %parallel_loop3A_260 : vector<16xi32>
        %parallel_loop3A_262 = tpu.vector_load_idx %arg8[%parallel_loop3A_261, %parallel_loop3A_227] : memref<128x64xf32, #tpu.memory_space<vmem>>[vector<16xi32>, vector<16xi32>], vector<16xf32>,
        %parallel_loop3A_263 = arith.addi %parallel_loop3A_236, %parallel_loop3A_261 : vector<16xi32>
        %parallel_loop3A_264 = arith.addf %parallel_loop3A_262, %parallel_loop3A_246 : vector<16xf32>
        tpu.vector_store_idx %arg10[%parallel_loop3A_230, %parallel_loop3A_263], %parallel_loop3A_264 : memref<8x1024xf32, #tpu.memory_space<vmem>>[vector<16xi32>, vector<16xi32>], vector<16xf32>,
        %parallel_loop3A_265 = arith.constant 48 : i32
        %parallel_loop3A_266 = vector.broadcast %parallel_loop3A_265 : i32 to vector<16xi32>
        %parallel_loop3A_267 = arith.addi %iota3A, %parallel_loop3A_266 : vector<16xi32>
        %parallel_loop3A_268 = tpu.vector_load_idx %arg8[%parallel_loop3A_267, %parallel_loop3A_227] : memref<128x64xf32, #tpu.memory_space<vmem>>[vector<16xi32>, vector<16xi32>], vector<16xf32>,
        %parallel_loop3A_269 = arith.addi %parallel_loop3A_236, %parallel_loop3A_267 : vector<16xi32>
        %parallel_loop3A_270 = arith.addf %parallel_loop3A_268, %parallel_loop3A_246 : vector<16xf32>
        tpu.vector_store_idx %arg10[%parallel_loop3A_230, %parallel_loop3A_269], %parallel_loop3A_270 : memref<8x1024xf32, #tpu.memory_space<vmem>>[vector<16xi32>, vector<16xi32>], vector<16xf32>,
        %parallel_loop3A_271 = arith.constant 64 : i32
        %parallel_loop3A_272 = vector.broadcast %parallel_loop3A_271 : i32 to vector<16xi32>
        %parallel_loop3A_273 = arith.addi %iota3A, %parallel_loop3A_272 : vector<16xi32>
        %parallel_loop3A_274 = tpu.vector_load_idx %arg8[%parallel_loop3A_273, %parallel_loop3A_227] : memref<128x64xf32, #tpu.memory_space<vmem>>[vector<16xi32>, vector<16xi32>], vector<16xf32>,
        %parallel_loop3A_275 = arith.addi %parallel_loop3A_236, %parallel_loop3A_273 : vector<16xi32>
        %parallel_loop3A_276 = arith.addf %parallel_loop3A_274, %parallel_loop3A_246 : vector<16xf32>
        tpu.vector_store_idx %arg10[%parallel_loop3A_230, %parallel_loop3A_275], %parallel_loop3A_276 : memref<8x1024xf32, #tpu.memory_space<vmem>>[vector<16xi32>, vector<16xi32>], vector<16xf32>,
        %parallel_loop3A_277 = arith.constant 80 : i32
        %parallel_loop3A_278 = vector.broadcast %parallel_loop3A_277 : i32 to vector<16xi32>
        %parallel_loop3A_279 = arith.addi %iota3A, %parallel_loop3A_278 : vector<16xi32>
        %parallel_loop3A_280 = tpu.vector_load_idx %arg8[%parallel_loop3A_279, %parallel_loop3A_227] : memref<128x64xf32, #tpu.memory_space<vmem>>[vector<16xi32>, vector<16xi32>], vector<16xf32>,
        %parallel_loop3A_281 = arith.addi %parallel_loop3A_236, %parallel_loop3A_279 : vector<16xi32>
        %parallel_loop3A_282 = arith.addf %parallel_loop3A_280, %parallel_loop3A_246 : vector<16xf32>
        tpu.vector_store_idx %arg10[%parallel_loop3A_230, %parallel_loop3A_281], %parallel_loop3A_282 : memref<8x1024xf32, #tpu.memory_space<vmem>>[vector<16xi32>, vector<16xi32>], vector<16xf32>,
        %parallel_loop3A_283 = arith.constant 96 : i32
        %parallel_loop3A_284 = vector.broadcast %parallel_loop3A_283 : i32 to vector<16xi32>
        %parallel_loop3A_285 = arith.addi %iota3A, %parallel_loop3A_284 : vector<16xi32>
        %parallel_loop3A_286 = tpu.vector_load_idx %arg8[%parallel_loop3A_285, %parallel_loop3A_227] : memref<128x64xf32, #tpu.memory_space<vmem>>[vector<16xi32>, vector<16xi32>], vector<16xf32>,
        %parallel_loop3A_287 = arith.addi %parallel_loop3A_236, %parallel_loop3A_285 : vector<16xi32>
        %parallel_loop3A_288 = arith.addf %parallel_loop3A_286, %parallel_loop3A_246 : vector<16xf32>
        tpu.vector_store_idx %arg10[%parallel_loop3A_230, %parallel_loop3A_287], %parallel_loop3A_288 : memref<8x1024xf32, #tpu.memory_space<vmem>>[vector<16xi32>, vector<16xi32>], vector<16xf32>,
        %parallel_loop3A_289 = arith.constant 112 : i32
        %parallel_loop3A_290 = vector.broadcast %parallel_loop3A_289 : i32 to vector<16xi32>
        %parallel_loop3A_291 = arith.addi %iota3A, %parallel_loop3A_290 : vector<16xi32>
        %parallel_loop3A_292 = tpu.vector_load_idx %arg8[%parallel_loop3A_291, %parallel_loop3A_227] : memref<128x64xf32, #tpu.memory_space<vmem>>[vector<16xi32>, vector<16xi32>], vector<16xf32>,
        %parallel_loop3A_293 = arith.addi %parallel_loop3A_236, %parallel_loop3A_291 : vector<16xi32>
        %parallel_loop3A_294 = arith.addf %parallel_loop3A_292, %parallel_loop3A_246 : vector<16xf32>
        tpu.vector_store_idx %arg10[%parallel_loop3A_230, %parallel_loop3A_293], %parallel_loop3A_294 : memref<8x1024xf32, #tpu.memory_space<vmem>>[vector<16xi32>, vector<16xi32>], vector<16xf32>,
        %parallel_loop3A_295 = arith.constant 32 : i32
        %parallel_loop3A_296 = vector.broadcast %parallel_loop3A_295 : i32 to vector<16xi32>
        %parallel_loop3A_297 = arith.addi %parallel_loop3A_154, %parallel_loop3A_296 : vector<16xi32>
        %parallel_loop3A_298 = arith.constant 3 : i32
        %parallel_loop3A_299 = vector.broadcast %parallel_loop3A_298 : i32 to vector<16xi32>
        %parallel_loop3A_300 = arith.shrui %parallel_loop3A_297, %parallel_loop3A_299 : vector<16xi32>
        %parallel_loop3A_301 = arith.constant 7 : i32
        %parallel_loop3A_302 = vector.broadcast %parallel_loop3A_301 : i32 to vector<16xi32>
        %parallel_loop3A_303 = arith.andi %parallel_loop3A_297, %parallel_loop3A_302 : vector<16xi32>
        %parallel_loop3A_304 = arith.constant 7 : i32
        %parallel_loop3A_305 = vector.broadcast %parallel_loop3A_304 : i32 to vector<16xi32>
        %parallel_loop3A_306 = arith.shli %parallel_loop3A_303, %parallel_loop3A_305 : vector<16xi32>
        %parallel_loop3A_307 = arith.constant 0 : i32
        %parallel_loop3A_308 = vector.broadcast %parallel_loop3A_307 : i32 to vector<16xi32>
        %parallel_loop3A_309 = arith.cmpi slt, %parallel_loop3A_154, %parallel_loop3A_308 : vector<16xi32>
        %parallel_loop3A_310 = arith.constant 16 : i32
        %parallel_loop3A_311 = vector.broadcast %parallel_loop3A_310 : i32 to vector<16xi32>
        %parallel_loop3A_312 = arith.addi %parallel_loop3A_154, %parallel_loop3A_311 : vector<16xi32>
        %parallel_loop3A_313 = arith.select %parallel_loop3A_309, %parallel_loop3A_312, %parallel_loop3A_154 : vector<16xi1>, vector<16xi32>
        %parallel_loop3A_314 = vector.shape_cast %parallel_loop3A_313 : vector<16xi32> to vector<16x1xi32>
        %parallel_loop3A_315 = vector.shape_cast %parallel_loop3A_314 : vector<16x1xi32> to vector<16xi32>
        %parallel_loop3A_316 = tpu.dynamic_gather %get3A_89[%parallel_loop3A_315] in [0] : vector<16xf32>, vector<16xi32> -> vector<16xf32>
        %parallel_loop3A_317 = arith.constant 0 : i32
        %parallel_loop3A_318 = vector.broadcast %parallel_loop3A_317 : i32 to vector<16xi32>
        %parallel_loop3A_319 = arith.addi %iota3A, %parallel_loop3A_318 : vector<16xi32>
        %parallel_loop3A_320 = tpu.vector_load_idx %arg8[%parallel_loop3A_319, %parallel_loop3A_297] : memref<128x64xf32, #tpu.memory_space<vmem>>[vector<16xi32>, vector<16xi32>], vector<16xf32>,
        %parallel_loop3A_321 = arith.addi %parallel_loop3A_306, %parallel_loop3A_319 : vector<16xi32>
        %parallel_loop3A_322 = arith.addf %parallel_loop3A_320, %parallel_loop3A_316 : vector<16xf32>
        tpu.vector_store_idx %arg10[%parallel_loop3A_300, %parallel_loop3A_321], %parallel_loop3A_322 : memref<8x1024xf32, #tpu.memory_space<vmem>>[vector<16xi32>, vector<16xi32>], vector<16xf32>,
        %parallel_loop3A_323 = arith.constant 16 : i32
        %parallel_loop3A_324 = vector.broadcast %parallel_loop3A_323 : i32 to vector<16xi32>
        %parallel_loop3A_325 = arith.addi %iota3A, %parallel_loop3A_324 : vector<16xi32>
        %parallel_loop3A_326 = tpu.vector_load_idx %arg8[%parallel_loop3A_325, %parallel_loop3A_297] : memref<128x64xf32, #tpu.memory_space<vmem>>[vector<16xi32>, vector<16xi32>], vector<16xf32>,
        %parallel_loop3A_327 = arith.addi %parallel_loop3A_306, %parallel_loop3A_325 : vector<16xi32>
        %parallel_loop3A_328 = arith.addf %parallel_loop3A_326, %parallel_loop3A_316 : vector<16xf32>
        tpu.vector_store_idx %arg10[%parallel_loop3A_300, %parallel_loop3A_327], %parallel_loop3A_328 : memref<8x1024xf32, #tpu.memory_space<vmem>>[vector<16xi32>, vector<16xi32>], vector<16xf32>,
        %parallel_loop3A_329 = arith.constant 32 : i32
        %parallel_loop3A_330 = vector.broadcast %parallel_loop3A_329 : i32 to vector<16xi32>
        %parallel_loop3A_331 = arith.addi %iota3A, %parallel_loop3A_330 : vector<16xi32>
        %parallel_loop3A_332 = tpu.vector_load_idx %arg8[%parallel_loop3A_331, %parallel_loop3A_297] : memref<128x64xf32, #tpu.memory_space<vmem>>[vector<16xi32>, vector<16xi32>], vector<16xf32>,
        %parallel_loop3A_333 = arith.addi %parallel_loop3A_306, %parallel_loop3A_331 : vector<16xi32>
        %parallel_loop3A_334 = arith.addf %parallel_loop3A_332, %parallel_loop3A_316 : vector<16xf32>
        tpu.vector_store_idx %arg10[%parallel_loop3A_300, %parallel_loop3A_333], %parallel_loop3A_334 : memref<8x1024xf32, #tpu.memory_space<vmem>>[vector<16xi32>, vector<16xi32>], vector<16xf32>,
        %parallel_loop3A_335 = arith.constant 48 : i32
        %parallel_loop3A_336 = vector.broadcast %parallel_loop3A_335 : i32 to vector<16xi32>
        %parallel_loop3A_337 = arith.addi %iota3A, %parallel_loop3A_336 : vector<16xi32>
        %parallel_loop3A_338 = tpu.vector_load_idx %arg8[%parallel_loop3A_337, %parallel_loop3A_297] : memref<128x64xf32, #tpu.memory_space<vmem>>[vector<16xi32>, vector<16xi32>], vector<16xf32>,
        %parallel_loop3A_339 = arith.addi %parallel_loop3A_306, %parallel_loop3A_337 : vector<16xi32>
        %parallel_loop3A_340 = arith.addf %parallel_loop3A_338, %parallel_loop3A_316 : vector<16xf32>
        tpu.vector_store_idx %arg10[%parallel_loop3A_300, %parallel_loop3A_339], %parallel_loop3A_340 : memref<8x1024xf32, #tpu.memory_space<vmem>>[vector<16xi32>, vector<16xi32>], vector<16xf32>,
        %parallel_loop3A_341 = arith.constant 64 : i32
        %parallel_loop3A_342 = vector.broadcast %parallel_loop3A_341 : i32 to vector<16xi32>
        %parallel_loop3A_343 = arith.addi %iota3A, %parallel_loop3A_342 : vector<16xi32>
        %parallel_loop3A_344 = tpu.vector_load_idx %arg8[%parallel_loop3A_343, %parallel_loop3A_297] : memref<128x64xf32, #tpu.memory_space<vmem>>[vector<16xi32>, vector<16xi32>], vector<16xf32>,
        %parallel_loop3A_345 = arith.addi %parallel_loop3A_306, %parallel_loop3A_343 : vector<16xi32>
        %parallel_loop3A_346 = arith.addf %parallel_loop3A_344, %parallel_loop3A_316 : vector<16xf32>
        tpu.vector_store_idx %arg10[%parallel_loop3A_300, %parallel_loop3A_345], %parallel_loop3A_346 : memref<8x1024xf32, #tpu.memory_space<vmem>>[vector<16xi32>, vector<16xi32>], vector<16xf32>,
        %parallel_loop3A_347 = arith.constant 80 : i32
        %parallel_loop3A_348 = vector.broadcast %parallel_loop3A_347 : i32 to vector<16xi32>
        %parallel_loop3A_349 = arith.addi %iota3A, %parallel_loop3A_348 : vector<16xi32>
        %parallel_loop3A_350 = tpu.vector_load_idx %arg8[%parallel_loop3A_349, %parallel_loop3A_297] : memref<128x64xf32, #tpu.memory_space<vmem>>[vector<16xi32>, vector<16xi32>], vector<16xf32>,
        %parallel_loop3A_351 = arith.addi %parallel_loop3A_306, %parallel_loop3A_349 : vector<16xi32>
        %parallel_loop3A_352 = arith.addf %parallel_loop3A_350, %parallel_loop3A_316 : vector<16xf32>
        tpu.vector_store_idx %arg10[%parallel_loop3A_300, %parallel_loop3A_351], %parallel_loop3A_352 : memref<8x1024xf32, #tpu.memory_space<vmem>>[vector<16xi32>, vector<16xi32>], vector<16xf32>,
        %parallel_loop3A_353 = arith.constant 96 : i32
        %parallel_loop3A_354 = vector.broadcast %parallel_loop3A_353 : i32 to vector<16xi32>
        %parallel_loop3A_355 = arith.addi %iota3A, %parallel_loop3A_354 : vector<16xi32>
        %parallel_loop3A_356 = tpu.vector_load_idx %arg8[%parallel_loop3A_355, %parallel_loop3A_297] : memref<128x64xf32, #tpu.memory_space<vmem>>[vector<16xi32>, vector<16xi32>], vector<16xf32>,
        %parallel_loop3A_357 = arith.addi %parallel_loop3A_306, %parallel_loop3A_355 : vector<16xi32>
        %parallel_loop3A_358 = arith.addf %parallel_loop3A_356, %parallel_loop3A_316 : vector<16xf32>
        tpu.vector_store_idx %arg10[%parallel_loop3A_300, %parallel_loop3A_357], %parallel_loop3A_358 : memref<8x1024xf32, #tpu.memory_space<vmem>>[vector<16xi32>, vector<16xi32>], vector<16xf32>,
        %parallel_loop3A_359 = arith.constant 112 : i32
        %parallel_loop3A_360 = vector.broadcast %parallel_loop3A_359 : i32 to vector<16xi32>
        %parallel_loop3A_361 = arith.addi %iota3A, %parallel_loop3A_360 : vector<16xi32>
        %parallel_loop3A_362 = tpu.vector_load_idx %arg8[%parallel_loop3A_361, %parallel_loop3A_297] : memref<128x64xf32, #tpu.memory_space<vmem>>[vector<16xi32>, vector<16xi32>], vector<16xf32>,
        %parallel_loop3A_363 = arith.addi %parallel_loop3A_306, %parallel_loop3A_361 : vector<16xi32>
        %parallel_loop3A_364 = arith.addf %parallel_loop3A_362, %parallel_loop3A_316 : vector<16xf32>
        tpu.vector_store_idx %arg10[%parallel_loop3A_300, %parallel_loop3A_363], %parallel_loop3A_364 : memref<8x1024xf32, #tpu.memory_space<vmem>>[vector<16xi32>, vector<16xi32>], vector<16xf32>,
        %parallel_loop3A_365 = arith.constant 48 : i32
        %parallel_loop3A_366 = vector.broadcast %parallel_loop3A_365 : i32 to vector<16xi32>
        %parallel_loop3A_367 = arith.addi %parallel_loop3A_154, %parallel_loop3A_366 : vector<16xi32>
        %parallel_loop3A_368 = arith.constant 3 : i32
        %parallel_loop3A_369 = vector.broadcast %parallel_loop3A_368 : i32 to vector<16xi32>
        %parallel_loop3A_370 = arith.shrui %parallel_loop3A_367, %parallel_loop3A_369 : vector<16xi32>
        %parallel_loop3A_371 = arith.constant 7 : i32
        %parallel_loop3A_372 = vector.broadcast %parallel_loop3A_371 : i32 to vector<16xi32>
        %parallel_loop3A_373 = arith.andi %parallel_loop3A_367, %parallel_loop3A_372 : vector<16xi32>
        %parallel_loop3A_374 = arith.constant 7 : i32
        %parallel_loop3A_375 = vector.broadcast %parallel_loop3A_374 : i32 to vector<16xi32>
        %parallel_loop3A_376 = arith.shli %parallel_loop3A_373, %parallel_loop3A_375 : vector<16xi32>
        %parallel_loop3A_377 = arith.constant 0 : i32
        %parallel_loop3A_378 = vector.broadcast %parallel_loop3A_377 : i32 to vector<16xi32>
        %parallel_loop3A_379 = arith.cmpi slt, %parallel_loop3A_154, %parallel_loop3A_378 : vector<16xi32>
        %parallel_loop3A_380 = arith.constant 16 : i32
        %parallel_loop3A_381 = vector.broadcast %parallel_loop3A_380 : i32 to vector<16xi32>
        %parallel_loop3A_382 = arith.addi %parallel_loop3A_154, %parallel_loop3A_381 : vector<16xi32>
        %parallel_loop3A_383 = arith.select %parallel_loop3A_379, %parallel_loop3A_382, %parallel_loop3A_154 : vector<16xi1>, vector<16xi32>
        %parallel_loop3A_384 = vector.shape_cast %parallel_loop3A_383 : vector<16xi32> to vector<16x1xi32>
        %parallel_loop3A_385 = vector.shape_cast %parallel_loop3A_384 : vector<16x1xi32> to vector<16xi32>
        %parallel_loop3A_386 = tpu.dynamic_gather %get3A_92[%parallel_loop3A_385] in [0] : vector<16xf32>, vector<16xi32> -> vector<16xf32>
        %parallel_loop3A_387 = arith.constant 0 : i32
        %parallel_loop3A_388 = vector.broadcast %parallel_loop3A_387 : i32 to vector<16xi32>
        %parallel_loop3A_389 = arith.addi %iota3A, %parallel_loop3A_388 : vector<16xi32>
        %parallel_loop3A_390 = tpu.vector_load_idx %arg8[%parallel_loop3A_389, %parallel_loop3A_367] : memref<128x64xf32, #tpu.memory_space<vmem>>[vector<16xi32>, vector<16xi32>], vector<16xf32>,
        %parallel_loop3A_391 = arith.addi %parallel_loop3A_376, %parallel_loop3A_389 : vector<16xi32>
        %parallel_loop3A_392 = arith.addf %parallel_loop3A_390, %parallel_loop3A_386 : vector<16xf32>
        tpu.vector_store_idx %arg10[%parallel_loop3A_370, %parallel_loop3A_391], %parallel_loop3A_392 : memref<8x1024xf32, #tpu.memory_space<vmem>>[vector<16xi32>, vector<16xi32>], vector<16xf32>,
        %parallel_loop3A_393 = arith.constant 16 : i32
        %parallel_loop3A_394 = vector.broadcast %parallel_loop3A_393 : i32 to vector<16xi32>
        %parallel_loop3A_395 = arith.addi %iota3A, %parallel_loop3A_394 : vector<16xi32>
        %parallel_loop3A_396 = tpu.vector_load_idx %arg8[%parallel_loop3A_395, %parallel_loop3A_367] : memref<128x64xf32, #tpu.memory_space<vmem>>[vector<16xi32>, vector<16xi32>], vector<16xf32>,
        %parallel_loop3A_397 = arith.addi %parallel_loop3A_376, %parallel_loop3A_395 : vector<16xi32>
        %parallel_loop3A_398 = arith.addf %parallel_loop3A_396, %parallel_loop3A_386 : vector<16xf32>
        tpu.vector_store_idx %arg10[%parallel_loop3A_370, %parallel_loop3A_397], %parallel_loop3A_398 : memref<8x1024xf32, #tpu.memory_space<vmem>>[vector<16xi32>, vector<16xi32>], vector<16xf32>,
        %parallel_loop3A_399 = arith.constant 32 : i32
        %parallel_loop3A_400 = vector.broadcast %parallel_loop3A_399 : i32 to vector<16xi32>
        %parallel_loop3A_401 = arith.addi %iota3A, %parallel_loop3A_400 : vector<16xi32>
        %parallel_loop3A_402 = tpu.vector_load_idx %arg8[%parallel_loop3A_401, %parallel_loop3A_367] : memref<128x64xf32, #tpu.memory_space<vmem>>[vector<16xi32>, vector<16xi32>], vector<16xf32>,
        %parallel_loop3A_403 = arith.addi %parallel_loop3A_376, %parallel_loop3A_401 : vector<16xi32>
        %parallel_loop3A_404 = arith.addf %parallel_loop3A_402, %parallel_loop3A_386 : vector<16xf32>
        tpu.vector_store_idx %arg10[%parallel_loop3A_370, %parallel_loop3A_403], %parallel_loop3A_404 : memref<8x1024xf32, #tpu.memory_space<vmem>>[vector<16xi32>, vector<16xi32>], vector<16xf32>,
        %parallel_loop3A_405 = arith.constant 48 : i32
        %parallel_loop3A_406 = vector.broadcast %parallel_loop3A_405 : i32 to vector<16xi32>
        %parallel_loop3A_407 = arith.addi %iota3A, %parallel_loop3A_406 : vector<16xi32>
        %parallel_loop3A_408 = tpu.vector_load_idx %arg8[%parallel_loop3A_407, %parallel_loop3A_367] : memref<128x64xf32, #tpu.memory_space<vmem>>[vector<16xi32>, vector<16xi32>], vector<16xf32>,
        %parallel_loop3A_409 = arith.addi %parallel_loop3A_376, %parallel_loop3A_407 : vector<16xi32>
        %parallel_loop3A_410 = arith.addf %parallel_loop3A_408, %parallel_loop3A_386 : vector<16xf32>
        tpu.vector_store_idx %arg10[%parallel_loop3A_370, %parallel_loop3A_409], %parallel_loop3A_410 : memref<8x1024xf32, #tpu.memory_space<vmem>>[vector<16xi32>, vector<16xi32>], vector<16xf32>,
        %parallel_loop3A_411 = arith.constant 64 : i32
        %parallel_loop3A_412 = vector.broadcast %parallel_loop3A_411 : i32 to vector<16xi32>
        %parallel_loop3A_413 = arith.addi %iota3A, %parallel_loop3A_412 : vector<16xi32>
        %parallel_loop3A_414 = tpu.vector_load_idx %arg8[%parallel_loop3A_413, %parallel_loop3A_367] : memref<128x64xf32, #tpu.memory_space<vmem>>[vector<16xi32>, vector<16xi32>], vector<16xf32>,
        %parallel_loop3A_415 = arith.addi %parallel_loop3A_376, %parallel_loop3A_413 : vector<16xi32>
        %parallel_loop3A_416 = arith.addf %parallel_loop3A_414, %parallel_loop3A_386 : vector<16xf32>
        tpu.vector_store_idx %arg10[%parallel_loop3A_370, %parallel_loop3A_415], %parallel_loop3A_416 : memref<8x1024xf32, #tpu.memory_space<vmem>>[vector<16xi32>, vector<16xi32>], vector<16xf32>,
        %parallel_loop3A_417 = arith.constant 80 : i32
        %parallel_loop3A_418 = vector.broadcast %parallel_loop3A_417 : i32 to vector<16xi32>
        %parallel_loop3A_419 = arith.addi %iota3A, %parallel_loop3A_418 : vector<16xi32>
        %parallel_loop3A_420 = tpu.vector_load_idx %arg8[%parallel_loop3A_419, %parallel_loop3A_367] : memref<128x64xf32, #tpu.memory_space<vmem>>[vector<16xi32>, vector<16xi32>], vector<16xf32>,
        %parallel_loop3A_421 = arith.addi %parallel_loop3A_376, %parallel_loop3A_419 : vector<16xi32>
        %parallel_loop3A_422 = arith.addf %parallel_loop3A_420, %parallel_loop3A_386 : vector<16xf32>
        tpu.vector_store_idx %arg10[%parallel_loop3A_370, %parallel_loop3A_421], %parallel_loop3A_422 : memref<8x1024xf32, #tpu.memory_space<vmem>>[vector<16xi32>, vector<16xi32>], vector<16xf32>,
        %parallel_loop3A_423 = arith.constant 96 : i32
        %parallel_loop3A_424 = vector.broadcast %parallel_loop3A_423 : i32 to vector<16xi32>
        %parallel_loop3A_425 = arith.addi %iota3A, %parallel_loop3A_424 : vector<16xi32>
        %parallel_loop3A_426 = tpu.vector_load_idx %arg8[%parallel_loop3A_425, %parallel_loop3A_367] : memref<128x64xf32, #tpu.memory_space<vmem>>[vector<16xi32>, vector<16xi32>], vector<16xf32>,
        %parallel_loop3A_427 = arith.addi %parallel_loop3A_376, %parallel_loop3A_425 : vector<16xi32>
        %parallel_loop3A_428 = arith.addf %parallel_loop3A_426, %parallel_loop3A_386 : vector<16xf32>
        tpu.vector_store_idx %arg10[%parallel_loop3A_370, %parallel_loop3A_427], %parallel_loop3A_428 : memref<8x1024xf32, #tpu.memory_space<vmem>>[vector<16xi32>, vector<16xi32>], vector<16xf32>,
        %parallel_loop3A_429 = arith.constant 112 : i32
        %parallel_loop3A_430 = vector.broadcast %parallel_loop3A_429 : i32 to vector<16xi32>
        %parallel_loop3A_431 = arith.addi %iota3A, %parallel_loop3A_430 : vector<16xi32>
        %parallel_loop3A_432 = tpu.vector_load_idx %arg8[%parallel_loop3A_431, %parallel_loop3A_367] : memref<128x64xf32, #tpu.memory_space<vmem>>[vector<16xi32>, vector<16xi32>], vector<16xf32>,
        %parallel_loop3A_433 = arith.addi %parallel_loop3A_376, %parallel_loop3A_431 : vector<16xi32>
        %parallel_loop3A_434 = arith.addf %parallel_loop3A_432, %parallel_loop3A_386 : vector<16xf32>
        tpu.vector_store_idx %arg10[%parallel_loop3A_370, %parallel_loop3A_433], %parallel_loop3A_434 : memref<8x1024xf32, #tpu.memory_space<vmem>>[vector<16xi32>, vector<16xi32>], vector<16xf32>,
      } {sc.loop_unroll_factor = 2 : i64, sc.parallel_access}
      %dma_start3A_95 = arith.constant 0 : i32
      %dma_start3A_96 = arith.constant 0 : i32
      %dma_start3A_97 = tpu.memref_slice %arg5[%add3A_35, %dma_start3A_95, %add3A, %dma_start3A_96] : memref<200x8x32x1024xf32, #tpu.memory_space<hbm>> -> memref<1x8x1x1024xf32, #tpu.memory_space<hbm>>
      %dma_start3A_98 = tpu.memref_squeeze %dma_start3A_97 : memref<1x8x1x1024xf32, #tpu.memory_space<hbm>> -> memref<8x1024xf32, #tpu.memory_space<hbm>>
      %dma_start3A_99 = arith.constant 0 : i32
      %dma_start3A_100 = arith.constant 0 : i32
      %dma_start3A_101 = tpu.memref_slice %arg5[%add3A_35, %dma_start3A_99, %add3A, %dma_start3A_100] : memref<200x8x32x1024xf32, #tpu.memory_space<hbm>> -> memref<1x8x1x1024xf32, #tpu.memory_space<hbm>>
      %dma_start3A_102 = tpu.memref_squeeze %dma_start3A_101 : memref<1x8x1x1024xf32, #tpu.memory_space<hbm>> -> memref<8x1024xf32, #tpu.memory_space<hbm>>
      tpu.enqueue_dma source(%arg10 : memref<8x1024xf32, #tpu.memory_space<vmem>>) target(%dma_start3A_102 : memref<8x1024xf32, #tpu.memory_space<hbm>>) target_semaphore(%arg14 : memref<!tpu.dma_semaphore, #tpu.memory_space<semaphore_mem>>)
      %add3A_103 = arith.constant 2 : i32
      %add3A_104 = arith.addi %add3A_35, %add3A_103 : i32
      %lt3A_105 = arith.constant 200 : i32
      %lt3A_106 = arith.cmpi slt, %add3A_104, %lt3A_105 : i32
      %convert_element_type3A_107 = arith.extui %lt3A_106 : i1 to i32
      %cond3A_108 = arith.constant 0 : i32
      %cond3A_109 = arith.cmpi ne, %convert_element_type3A_107, %cond3A_108 : i32
      scf.if %cond3A_109 {
        %add3A_149 = arith.constant 2 : i32
        %add3A_150 = arith.addi %add3A_35, %add3A_149 : i32
        %jit3A_151 = arith.constant 8 : i32
        %div3A_152 = arith.divsi %add3A_150, %jit3A_151 : i32
        %sign3A_153 = arith.constant 0 : i32
        %sign3A_154 = arith.cmpi sgt, %add3A_150, %sign3A_153 : i32
        %sign3A_155 = arith.extui %sign3A_154 : i1 to i32
        %sign3A_156 = arith.constant 0 : i32
        %sign3A_157 = arith.cmpi slt, %add3A_150, %sign3A_156 : i32
        %sign3A_158 = arith.extui %sign3A_157 : i1 to i32
        %sign3A_159 = arith.subi %sign3A_155, %sign3A_158 : i32
        %sign3A_160 = arith.constant 0 : i32
        %sign3A_161 = arith.cmpi sgt, %jit3A_151, %sign3A_160 : i32
        %sign3A_162 = arith.extui %sign3A_161 : i1 to i32
        %sign3A_163 = arith.constant 0 : i32
        %sign3A_164 = arith.cmpi slt, %jit3A_151, %sign3A_163 : i32
        %sign3A_165 = arith.extui %sign3A_164 : i1 to i32
        %sign3A_166 = arith.subi %sign3A_162, %sign3A_165 : i32
        %ne3A_167 = arith.cmpi ne, %sign3A_159, %sign3A_166 : i32
        %rem3A_168 = arith.remsi %add3A_150, %jit3A_151 : i32
        %ne3A_169 = arith.constant 0 : i32
        %ne3A_170 = arith.cmpi ne, %rem3A_168, %ne3A_169 : i32
        %and3A_171 = arith.andi %ne3A_167, %ne3A_170 : i1
        %sub3A_172 = arith.constant 1 : i32
        %sub3A_173 = arith.subi %div3A_152, %sub3A_172 : i32
        %select_n3A_174 = arith.select %and3A_171, %sub3A_173, %div3A_152 : i32
        %jit3A_175 = arith.constant 8 : i32
        %eq3A_176 = arith.constant 0 : i32
        %eq3A_177 = arith.cmpi eq, %jit3A_175, %eq3A_176 : i32
        %jit3A_178 = arith.constant 1 : i32
        %select_n3A_179 = arith.select %eq3A_177, %jit3A_178, %jit3A_175 : i32
        %rem3A_180 = arith.remsi %add3A_150, %select_n3A_179 : i32
        %ne3A_181 = arith.constant 0 : i32
        %ne3A_182 = arith.cmpi ne, %rem3A_180, %ne3A_181 : i32
        %lt3A_183 = arith.constant 0 : i32
        %lt3A_184 = arith.cmpi slt, %rem3A_180, %lt3A_183 : i32
        %lt3A_185 = arith.constant 0 : i32
        %lt3A_186 = arith.cmpi slt, %select_n3A_179, %lt3A_185 : i32
        %ne3A_187 = arith.xori %lt3A_184, %lt3A_186 : i1
        %and3A_188 = arith.andi %ne3A_187, %ne3A_182 : i1
        %add3A_189 = arith.addi %rem3A_180, %select_n3A_179 : i32
        %select_n3A_190 = arith.select %and3A_188, %add3A_189, %rem3A_180 : i32
        %dma_start3A_191 = arith.constant 0 : i32
        %dma_start3A_192 = tpu.memref_slice %arg6[%select_n3A_174, %select_n3A_190, %dma_start3A_191] : memref<25x8x128xi32, #tpu.memory_space<vmem>> -> memref<1x1x128xi32, #tpu.memory_space<vmem>>
        %dma_start3A_193 = tpu.memref_squeeze %dma_start3A_192 : memref<1x1x128xi32, #tpu.memory_space<vmem>> -> memref<128xi32, #tpu.memory_space<vmem>>
        %dma_start3A_194 = arith.constant 0 : i32
        %dma_start3A_195 = arith.constant 0 : i32
        %dma_start3A_196 = tpu.memref_slice %arg3[%dma_start3A_194, %dma_start3A_195] : memref<100000x64xf32, #tpu.memory_space<hbm>> -> memref<100000x64xf32, #tpu.memory_space<hbm>>
        tpu.enqueue_indirect_dma source(%dma_start3A_196 : memref<100000x64xf32, #tpu.memory_space<hbm>>) target(%arg8 : memref<128x64xf32, #tpu.memory_space<vmem>>) offsets(%dma_start3A_193 : memref<128xi32, #tpu.memory_space<vmem>>) semaphore(%arg12 : memref<!tpu.dma_semaphore, #tpu.memory_space<semaphore_mem>>)
      } else {
      }
      %dma_wait3A_110 = arith.constant 0 : i32
      %dma_wait3A_111 = arith.constant 0 : i32
      %dma_wait3A_112 = tpu.memref_slice %arg3[%dma_wait3A_110, %dma_wait3A_111] : memref<100000x64xf32, #tpu.memory_space<hbm>> -> memref<128x64xf32, #tpu.memory_space<hbm>>
      %dma_wait3A_113 = arith.constant 0 : i32
      %dma_wait3A_114 = arith.constant 0 : i32
      %dma_wait3A_115 = tpu.memref_slice %arg3[%dma_wait3A_113, %dma_wait3A_114] : memref<100000x64xf32, #tpu.memory_space<hbm>> -> memref<128x64xf32, #tpu.memory_space<hbm>>
      tpu.wait_dma2 semaphore(%arg13 : memref<!tpu.dma_semaphore, #tpu.memory_space<semaphore_mem>>) src(%dma_wait3A_115 : memref<128x64xf32, #tpu.memory_space<hbm>>) dst(%arg9 : memref<128x64xf32, #tpu.memory_space<vmem>>)
      %ge3A_116 = arith.constant 2 : i32
      %ge3A_117 = arith.cmpi sge, %add3A_35, %ge3A_116 : i32
      %convert_element_type3A_118 = arith.extui %ge3A_117 : i1 to i32
      %cond3A_119 = arith.constant 0 : i32
      %cond3A_120 = arith.cmpi ne, %convert_element_type3A_118, %cond3A_119 : i32
      scf.if %cond3A_120 {
        %dma_wait3A_149 = arith.constant 0 : i32
        %dma_wait3A_150 = arith.constant 0 : i32
        %dma_wait3A_151 = arith.constant 0 : i32
        %dma_wait3A_152 = arith.constant 0 : i32
        %dma_wait3A_153 = tpu.memref_slice %arg5[%dma_wait3A_149, %dma_wait3A_151, %dma_wait3A_150, %dma_wait3A_152] : memref<200x8x32x1024xf32, #tpu.memory_space<hbm>> -> memref<1x8x1x1024xf32, #tpu.memory_space<hbm>>
        %dma_wait3A_154 = tpu.memref_squeeze %dma_wait3A_153 : memref<1x8x1x1024xf32, #tpu.memory_space<hbm>> -> memref<8x1024xf32, #tpu.memory_space<hbm>>
        %dma_wait3A_155 = arith.constant 0 : i32
        %dma_wait3A_156 = arith.constant 0 : i32
        %dma_wait3A_157 = tpu.memref_slice %arg5[%dma_wait3A_149, %dma_wait3A_155, %dma_wait3A_150, %dma_wait3A_156] : memref<200x8x32x1024xf32, #tpu.memory_space<hbm>> -> memref<1x8x1x1024xf32, #tpu.memory_space<hbm>>
        %dma_wait3A_158 = tpu.memref_squeeze %dma_wait3A_157 : memref<1x8x1x1024xf32, #tpu.memory_space<hbm>> -> memref<8x1024xf32, #tpu.memory_space<hbm>>
        tpu.wait_dma2 semaphore(%arg15 : memref<!tpu.dma_semaphore, #tpu.memory_space<semaphore_mem>>) src(%dma_wait3A_158 : memref<8x1024xf32, #tpu.memory_space<hbm>>) dst(%arg11 : memref<8x1024xf32, #tpu.memory_space<vmem>>)
      } else {
      }
      %add3A_121 = arith.constant 1 : i32
      %add3A_122 = arith.addi %add3A_35, %add3A_121 : i32
      %iota3A_123 = tpu.iota {dimensions = array<i32: 0>} : vector<16xi32>
      %get3A_124 = arith.index_cast %add3A_122 : i32 to index
      %get3A_125 = arith.constant 0 : index
      %get3A_126 = tpu.vector_load %arg7[%get3A_124, %get3A_125] {strides = array<i32>} : memref<200x64xf32, #tpu.memory_space<vmem>>, vector<16xf32>,
      %get3A_127 = arith.index_cast %add3A_122 : i32 to index
      %get3A_128 = arith.constant 16 : index
      %get3A_129 = tpu.vector_load %arg7[%get3A_127, %get3A_128] {strides = array<i32>} : memref<200x64xf32, #tpu.memory_space<vmem>>, vector<16xf32>,
      %get3A_130 = arith.index_cast %add3A_122 : i32 to index
      %get3A_131 = arith.constant 32 : index
      %get3A_132 = tpu.vector_load %arg7[%get3A_130, %get3A_131] {strides = array<i32>} : memref<200x64xf32, #tpu.memory_space<vmem>>, vector<16xf32>,
      %get3A_133 = arith.index_cast %add3A_122 : i32 to index
      %get3A_134 = arith.constant 48 : index
      %get3A_135 = tpu.vector_load %arg7[%get3A_133, %get3A_134] {strides = array<i32>} : memref<200x64xf32, #tpu.memory_space<vmem>>, vector<16xf32>,
      %parallel_loop3A_136 = arith.constant 0 : i32
      %parallel_loop3A_137 = arith.constant 16 : i32
      %parallel_loop3A_138 = arith.constant 1 : i32
      scf.for %parallel_loop3A_149 = %parallel_loop3A_136 to %parallel_loop3A_137 step %parallel_loop3A_138  : i32 {
        %parallel_loop3A_150 = vector.broadcast %parallel_loop3A_149 : i32 to vector<16xi32>
        %parallel_loop3A_151 = arith.addi %iota3A_123, %parallel_loop3A_150 : vector<16xi32>
        %parallel_loop3A_152 = arith.constant 15 : i32
        %parallel_loop3A_153 = vector.broadcast %parallel_loop3A_152 : i32 to vector<16xi32>
        %parallel_loop3A_154 = arith.andi %parallel_loop3A_151, %parallel_loop3A_153 : vector<16xi32>
        %parallel_loop3A_155 = arith.constant 0 : i32
        %parallel_loop3A_156 = vector.broadcast %parallel_loop3A_155 : i32 to vector<16xi32>
        %parallel_loop3A_157 = arith.addi %parallel_loop3A_154, %parallel_loop3A_156 : vector<16xi32>
        %parallel_loop3A_158 = arith.constant 3 : i32
        %parallel_loop3A_159 = vector.broadcast %parallel_loop3A_158 : i32 to vector<16xi32>
        %parallel_loop3A_160 = arith.shrui %parallel_loop3A_157, %parallel_loop3A_159 : vector<16xi32>
        %parallel_loop3A_161 = arith.constant 7 : i32
        %parallel_loop3A_162 = vector.broadcast %parallel_loop3A_161 : i32 to vector<16xi32>
        %parallel_loop3A_163 = arith.andi %parallel_loop3A_157, %parallel_loop3A_162 : vector<16xi32>
        %parallel_loop3A_164 = arith.constant 7 : i32
        %parallel_loop3A_165 = vector.broadcast %parallel_loop3A_164 : i32 to vector<16xi32>
        %parallel_loop3A_166 = arith.shli %parallel_loop3A_163, %parallel_loop3A_165 : vector<16xi32>
        %parallel_loop3A_167 = arith.constant 0 : i32
        %parallel_loop3A_168 = vector.broadcast %parallel_loop3A_167 : i32 to vector<16xi32>
        %parallel_loop3A_169 = arith.cmpi slt, %parallel_loop3A_154, %parallel_loop3A_168 : vector<16xi32>
        %parallel_loop3A_170 = arith.constant 16 : i32
        %parallel_loop3A_171 = vector.broadcast %parallel_loop3A_170 : i32 to vector<16xi32>
        %parallel_loop3A_172 = arith.addi %parallel_loop3A_154, %parallel_loop3A_171 : vector<16xi32>
        %parallel_loop3A_173 = arith.select %parallel_loop3A_169, %parallel_loop3A_172, %parallel_loop3A_154 : vector<16xi1>, vector<16xi32>
        %parallel_loop3A_174 = vector.shape_cast %parallel_loop3A_173 : vector<16xi32> to vector<16x1xi32>
        %parallel_loop3A_175 = vector.shape_cast %parallel_loop3A_174 : vector<16x1xi32> to vector<16xi32>
        %parallel_loop3A_176 = tpu.dynamic_gather %get3A_126[%parallel_loop3A_175] in [0] : vector<16xf32>, vector<16xi32> -> vector<16xf32>
        %parallel_loop3A_177 = arith.constant 0 : i32
        %parallel_loop3A_178 = vector.broadcast %parallel_loop3A_177 : i32 to vector<16xi32>
        %parallel_loop3A_179 = arith.addi %iota3A_123, %parallel_loop3A_178 : vector<16xi32>
        %parallel_loop3A_180 = tpu.vector_load_idx %arg9[%parallel_loop3A_179, %parallel_loop3A_157] : memref<128x64xf32, #tpu.memory_space<vmem>>[vector<16xi32>, vector<16xi32>], vector<16xf32>,
        %parallel_loop3A_181 = arith.addi %parallel_loop3A_166, %parallel_loop3A_179 : vector<16xi32>
        %parallel_loop3A_182 = arith.addf %parallel_loop3A_180, %parallel_loop3A_176 : vector<16xf32>
        tpu.vector_store_idx %arg11[%parallel_loop3A_160, %parallel_loop3A_181], %parallel_loop3A_182 : memref<8x1024xf32, #tpu.memory_space<vmem>>[vector<16xi32>, vector<16xi32>], vector<16xf32>,
        %parallel_loop3A_183 = arith.constant 16 : i32
        %parallel_loop3A_184 = vector.broadcast %parallel_loop3A_183 : i32 to vector<16xi32>
        %parallel_loop3A_185 = arith.addi %iota3A_123, %parallel_loop3A_184 : vector<16xi32>
        %parallel_loop3A_186 = tpu.vector_load_idx %arg9[%parallel_loop3A_185, %parallel_loop3A_157] : memref<128x64xf32, #tpu.memory_space<vmem>>[vector<16xi32>, vector<16xi32>], vector<16xf32>,
        %parallel_loop3A_187 = arith.addi %parallel_loop3A_166, %parallel_loop3A_185 : vector<16xi32>
        %parallel_loop3A_188 = arith.addf %parallel_loop3A_186, %parallel_loop3A_176 : vector<16xf32>
        tpu.vector_store_idx %arg11[%parallel_loop3A_160, %parallel_loop3A_187], %parallel_loop3A_188 : memref<8x1024xf32, #tpu.memory_space<vmem>>[vector<16xi32>, vector<16xi32>], vector<16xf32>,
        %parallel_loop3A_189 = arith.constant 32 : i32
        %parallel_loop3A_190 = vector.broadcast %parallel_loop3A_189 : i32 to vector<16xi32>
        %parallel_loop3A_191 = arith.addi %iota3A_123, %parallel_loop3A_190 : vector<16xi32>
        %parallel_loop3A_192 = tpu.vector_load_idx %arg9[%parallel_loop3A_191, %parallel_loop3A_157] : memref<128x64xf32, #tpu.memory_space<vmem>>[vector<16xi32>, vector<16xi32>], vector<16xf32>,
        %parallel_loop3A_193 = arith.addi %parallel_loop3A_166, %parallel_loop3A_191 : vector<16xi32>
        %parallel_loop3A_194 = arith.addf %parallel_loop3A_192, %parallel_loop3A_176 : vector<16xf32>
        tpu.vector_store_idx %arg11[%parallel_loop3A_160, %parallel_loop3A_193], %parallel_loop3A_194 : memref<8x1024xf32, #tpu.memory_space<vmem>>[vector<16xi32>, vector<16xi32>], vector<16xf32>,
        %parallel_loop3A_195 = arith.constant 48 : i32
        %parallel_loop3A_196 = vector.broadcast %parallel_loop3A_195 : i32 to vector<16xi32>
        %parallel_loop3A_197 = arith.addi %iota3A_123, %parallel_loop3A_196 : vector<16xi32>
        %parallel_loop3A_198 = tpu.vector_load_idx %arg9[%parallel_loop3A_197, %parallel_loop3A_157] : memref<128x64xf32, #tpu.memory_space<vmem>>[vector<16xi32>, vector<16xi32>], vector<16xf32>,
        %parallel_loop3A_199 = arith.addi %parallel_loop3A_166, %parallel_loop3A_197 : vector<16xi32>
        %parallel_loop3A_200 = arith.addf %parallel_loop3A_198, %parallel_loop3A_176 : vector<16xf32>
        tpu.vector_store_idx %arg11[%parallel_loop3A_160, %parallel_loop3A_199], %parallel_loop3A_200 : memref<8x1024xf32, #tpu.memory_space<vmem>>[vector<16xi32>, vector<16xi32>], vector<16xf32>,
        %parallel_loop3A_201 = arith.constant 64 : i32
        %parallel_loop3A_202 = vector.broadcast %parallel_loop3A_201 : i32 to vector<16xi32>
        %parallel_loop3A_203 = arith.addi %iota3A_123, %parallel_loop3A_202 : vector<16xi32>
        %parallel_loop3A_204 = tpu.vector_load_idx %arg9[%parallel_loop3A_203, %parallel_loop3A_157] : memref<128x64xf32, #tpu.memory_space<vmem>>[vector<16xi32>, vector<16xi32>], vector<16xf32>,
        %parallel_loop3A_205 = arith.addi %parallel_loop3A_166, %parallel_loop3A_203 : vector<16xi32>
        %parallel_loop3A_206 = arith.addf %parallel_loop3A_204, %parallel_loop3A_176 : vector<16xf32>
        tpu.vector_store_idx %arg11[%parallel_loop3A_160, %parallel_loop3A_205], %parallel_loop3A_206 : memref<8x1024xf32, #tpu.memory_space<vmem>>[vector<16xi32>, vector<16xi32>], vector<16xf32>,
        %parallel_loop3A_207 = arith.constant 80 : i32
        %parallel_loop3A_208 = vector.broadcast %parallel_loop3A_207 : i32 to vector<16xi32>
        %parallel_loop3A_209 = arith.addi %iota3A_123, %parallel_loop3A_208 : vector<16xi32>
        %parallel_loop3A_210 = tpu.vector_load_idx %arg9[%parallel_loop3A_209, %parallel_loop3A_157] : memref<128x64xf32, #tpu.memory_space<vmem>>[vector<16xi32>, vector<16xi32>], vector<16xf32>,
        %parallel_loop3A_211 = arith.addi %parallel_loop3A_166, %parallel_loop3A_209 : vector<16xi32>
        %parallel_loop3A_212 = arith.addf %parallel_loop3A_210, %parallel_loop3A_176 : vector<16xf32>
        tpu.vector_store_idx %arg11[%parallel_loop3A_160, %parallel_loop3A_211], %parallel_loop3A_212 : memref<8x1024xf32, #tpu.memory_space<vmem>>[vector<16xi32>, vector<16xi32>], vector<16xf32>,
        %parallel_loop3A_213 = arith.constant 96 : i32
        %parallel_loop3A_214 = vector.broadcast %parallel_loop3A_213 : i32 to vector<16xi32>
        %parallel_loop3A_215 = arith.addi %iota3A_123, %parallel_loop3A_214 : vector<16xi32>
        %parallel_loop3A_216 = tpu.vector_load_idx %arg9[%parallel_loop3A_215, %parallel_loop3A_157] : memref<128x64xf32, #tpu.memory_space<vmem>>[vector<16xi32>, vector<16xi32>], vector<16xf32>,
        %parallel_loop3A_217 = arith.addi %parallel_loop3A_166, %parallel_loop3A_215 : vector<16xi32>
        %parallel_loop3A_218 = arith.addf %parallel_loop3A_216, %parallel_loop3A_176 : vector<16xf32>
        tpu.vector_store_idx %arg11[%parallel_loop3A_160, %parallel_loop3A_217], %parallel_loop3A_218 : memref<8x1024xf32, #tpu.memory_space<vmem>>[vector<16xi32>, vector<16xi32>], vector<16xf32>,
        %parallel_loop3A_219 = arith.constant 112 : i32
        %parallel_loop3A_220 = vector.broadcast %parallel_loop3A_219 : i32 to vector<16xi32>
        %parallel_loop3A_221 = arith.addi %iota3A_123, %parallel_loop3A_220 : vector<16xi32>
        %parallel_loop3A_222 = tpu.vector_load_idx %arg9[%parallel_loop3A_221, %parallel_loop3A_157] : memref<128x64xf32, #tpu.memory_space<vmem>>[vector<16xi32>, vector<16xi32>], vector<16xf32>,
        %parallel_loop3A_223 = arith.addi %parallel_loop3A_166, %parallel_loop3A_221 : vector<16xi32>
        %parallel_loop3A_224 = arith.addf %parallel_loop3A_222, %parallel_loop3A_176 : vector<16xf32>
        tpu.vector_store_idx %arg11[%parallel_loop3A_160, %parallel_loop3A_223], %parallel_loop3A_224 : memref<8x1024xf32, #tpu.memory_space<vmem>>[vector<16xi32>, vector<16xi32>], vector<16xf32>,
        %parallel_loop3A_225 = arith.constant 16 : i32
        %parallel_loop3A_226 = vector.broadcast %parallel_loop3A_225 : i32 to vector<16xi32>
        %parallel_loop3A_227 = arith.addi %parallel_loop3A_154, %parallel_loop3A_226 : vector<16xi32>
        %parallel_loop3A_228 = arith.constant 3 : i32
        %parallel_loop3A_229 = vector.broadcast %parallel_loop3A_228 : i32 to vector<16xi32>
        %parallel_loop3A_230 = arith.shrui %parallel_loop3A_227, %parallel_loop3A_229 : vector<16xi32>
        %parallel_loop3A_231 = arith.constant 7 : i32
        %parallel_loop3A_232 = vector.broadcast %parallel_loop3A_231 : i32 to vector<16xi32>
        %parallel_loop3A_233 = arith.andi %parallel_loop3A_227, %parallel_loop3A_232 : vector<16xi32>
        %parallel_loop3A_234 = arith.constant 7 : i32
        %parallel_loop3A_235 = vector.broadcast %parallel_loop3A_234 : i32 to vector<16xi32>
        %parallel_loop3A_236 = arith.shli %parallel_loop3A_233, %parallel_loop3A_235 : vector<16xi32>
        %parallel_loop3A_237 = arith.constant 0 : i32
        %parallel_loop3A_238 = vector.broadcast %parallel_loop3A_237 : i32 to vector<16xi32>
        %parallel_loop3A_239 = arith.cmpi slt, %parallel_loop3A_154, %parallel_loop3A_238 : vector<16xi32>
        %parallel_loop3A_240 = arith.constant 16 : i32
        %parallel_loop3A_241 = vector.broadcast %parallel_loop3A_240 : i32 to vector<16xi32>
        %parallel_loop3A_242 = arith.addi %parallel_loop3A_154, %parallel_loop3A_241 : vector<16xi32>
        %parallel_loop3A_243 = arith.select %parallel_loop3A_239, %parallel_loop3A_242, %parallel_loop3A_154 : vector<16xi1>, vector<16xi32>
        %parallel_loop3A_244 = vector.shape_cast %parallel_loop3A_243 : vector<16xi32> to vector<16x1xi32>
        %parallel_loop3A_245 = vector.shape_cast %parallel_loop3A_244 : vector<16x1xi32> to vector<16xi32>
        %parallel_loop3A_246 = tpu.dynamic_gather %get3A_129[%parallel_loop3A_245] in [0] : vector<16xf32>, vector<16xi32> -> vector<16xf32>
        %parallel_loop3A_247 = arith.constant 0 : i32
        %parallel_loop3A_248 = vector.broadcast %parallel_loop3A_247 : i32 to vector<16xi32>
        %parallel_loop3A_249 = arith.addi %iota3A_123, %parallel_loop3A_248 : vector<16xi32>
        %parallel_loop3A_250 = tpu.vector_load_idx %arg9[%parallel_loop3A_249, %parallel_loop3A_227] : memref<128x64xf32, #tpu.memory_space<vmem>>[vector<16xi32>, vector<16xi32>], vector<16xf32>,
        %parallel_loop3A_251 = arith.addi %parallel_loop3A_236, %parallel_loop3A_249 : vector<16xi32>
        %parallel_loop3A_252 = arith.addf %parallel_loop3A_250, %parallel_loop3A_246 : vector<16xf32>
        tpu.vector_store_idx %arg11[%parallel_loop3A_230, %parallel_loop3A_251], %parallel_loop3A_252 : memref<8x1024xf32, #tpu.memory_space<vmem>>[vector<16xi32>, vector<16xi32>], vector<16xf32>,
        %parallel_loop3A_253 = arith.constant 16 : i32
        %parallel_loop3A_254 = vector.broadcast %parallel_loop3A_253 : i32 to vector<16xi32>
        %parallel_loop3A_255 = arith.addi %iota3A_123, %parallel_loop3A_254 : vector<16xi32>
        %parallel_loop3A_256 = tpu.vector_load_idx %arg9[%parallel_loop3A_255, %parallel_loop3A_227] : memref<128x64xf32, #tpu.memory_space<vmem>>[vector<16xi32>, vector<16xi32>], vector<16xf32>,
        %parallel_loop3A_257 = arith.addi %parallel_loop3A_236, %parallel_loop3A_255 : vector<16xi32>
        %parallel_loop3A_258 = arith.addf %parallel_loop3A_256, %parallel_loop3A_246 : vector<16xf32>
        tpu.vector_store_idx %arg11[%parallel_loop3A_230, %parallel_loop3A_257], %parallel_loop3A_258 : memref<8x1024xf32, #tpu.memory_space<vmem>>[vector<16xi32>, vector<16xi32>], vector<16xf32>,
        %parallel_loop3A_259 = arith.constant 32 : i32
        %parallel_loop3A_260 = vector.broadcast %parallel_loop3A_259 : i32 to vector<16xi32>
        %parallel_loop3A_261 = arith.addi %iota3A_123, %parallel_loop3A_260 : vector<16xi32>
        %parallel_loop3A_262 = tpu.vector_load_idx %arg9[%parallel_loop3A_261, %parallel_loop3A_227] : memref<128x64xf32, #tpu.memory_space<vmem>>[vector<16xi32>, vector<16xi32>], vector<16xf32>,
        %parallel_loop3A_263 = arith.addi %parallel_loop3A_236, %parallel_loop3A_261 : vector<16xi32>
        %parallel_loop3A_264 = arith.addf %parallel_loop3A_262, %parallel_loop3A_246 : vector<16xf32>
        tpu.vector_store_idx %arg11[%parallel_loop3A_230, %parallel_loop3A_263], %parallel_loop3A_264 : memref<8x1024xf32, #tpu.memory_space<vmem>>[vector<16xi32>, vector<16xi32>], vector<16xf32>,
        %parallel_loop3A_265 = arith.constant 48 : i32
        %parallel_loop3A_266 = vector.broadcast %parallel_loop3A_265 : i32 to vector<16xi32>
        %parallel_loop3A_267 = arith.addi %iota3A_123, %parallel_loop3A_266 : vector<16xi32>
        %parallel_loop3A_268 = tpu.vector_load_idx %arg9[%parallel_loop3A_267, %parallel_loop3A_227] : memref<128x64xf32, #tpu.memory_space<vmem>>[vector<16xi32>, vector<16xi32>], vector<16xf32>,
        %parallel_loop3A_269 = arith.addi %parallel_loop3A_236, %parallel_loop3A_267 : vector<16xi32>
        %parallel_loop3A_270 = arith.addf %parallel_loop3A_268, %parallel_loop3A_246 : vector<16xf32>
        tpu.vector_store_idx %arg11[%parallel_loop3A_230, %parallel_loop3A_269], %parallel_loop3A_270 : memref<8x1024xf32, #tpu.memory_space<vmem>>[vector<16xi32>, vector<16xi32>], vector<16xf32>,
        %parallel_loop3A_271 = arith.constant 64 : i32
        %parallel_loop3A_272 = vector.broadcast %parallel_loop3A_271 : i32 to vector<16xi32>
        %parallel_loop3A_273 = arith.addi %iota3A_123, %parallel_loop3A_272 : vector<16xi32>
        %parallel_loop3A_274 = tpu.vector_load_idx %arg9[%parallel_loop3A_273, %parallel_loop3A_227] : memref<128x64xf32, #tpu.memory_space<vmem>>[vector<16xi32>, vector<16xi32>], vector<16xf32>,
        %parallel_loop3A_275 = arith.addi %parallel_loop3A_236, %parallel_loop3A_273 : vector<16xi32>
        %parallel_loop3A_276 = arith.addf %parallel_loop3A_274, %parallel_loop3A_246 : vector<16xf32>
        tpu.vector_store_idx %arg11[%parallel_loop3A_230, %parallel_loop3A_275], %parallel_loop3A_276 : memref<8x1024xf32, #tpu.memory_space<vmem>>[vector<16xi32>, vector<16xi32>], vector<16xf32>,
        %parallel_loop3A_277 = arith.constant 80 : i32
        %parallel_loop3A_278 = vector.broadcast %parallel_loop3A_277 : i32 to vector<16xi32>
        %parallel_loop3A_279 = arith.addi %iota3A_123, %parallel_loop3A_278 : vector<16xi32>
        %parallel_loop3A_280 = tpu.vector_load_idx %arg9[%parallel_loop3A_279, %parallel_loop3A_227] : memref<128x64xf32, #tpu.memory_space<vmem>>[vector<16xi32>, vector<16xi32>], vector<16xf32>,
        %parallel_loop3A_281 = arith.addi %parallel_loop3A_236, %parallel_loop3A_279 : vector<16xi32>
        %parallel_loop3A_282 = arith.addf %parallel_loop3A_280, %parallel_loop3A_246 : vector<16xf32>
        tpu.vector_store_idx %arg11[%parallel_loop3A_230, %parallel_loop3A_281], %parallel_loop3A_282 : memref<8x1024xf32, #tpu.memory_space<vmem>>[vector<16xi32>, vector<16xi32>], vector<16xf32>,
        %parallel_loop3A_283 = arith.constant 96 : i32
        %parallel_loop3A_284 = vector.broadcast %parallel_loop3A_283 : i32 to vector<16xi32>
        %parallel_loop3A_285 = arith.addi %iota3A_123, %parallel_loop3A_284 : vector<16xi32>
        %parallel_loop3A_286 = tpu.vector_load_idx %arg9[%parallel_loop3A_285, %parallel_loop3A_227] : memref<128x64xf32, #tpu.memory_space<vmem>>[vector<16xi32>, vector<16xi32>], vector<16xf32>,
        %parallel_loop3A_287 = arith.addi %parallel_loop3A_236, %parallel_loop3A_285 : vector<16xi32>
        %parallel_loop3A_288 = arith.addf %parallel_loop3A_286, %parallel_loop3A_246 : vector<16xf32>
        tpu.vector_store_idx %arg11[%parallel_loop3A_230, %parallel_loop3A_287], %parallel_loop3A_288 : memref<8x1024xf32, #tpu.memory_space<vmem>>[vector<16xi32>, vector<16xi32>], vector<16xf32>,
        %parallel_loop3A_289 = arith.constant 112 : i32
        %parallel_loop3A_290 = vector.broadcast %parallel_loop3A_289 : i32 to vector<16xi32>
        %parallel_loop3A_291 = arith.addi %iota3A_123, %parallel_loop3A_290 : vector<16xi32>
        %parallel_loop3A_292 = tpu.vector_load_idx %arg9[%parallel_loop3A_291, %parallel_loop3A_227] : memref<128x64xf32, #tpu.memory_space<vmem>>[vector<16xi32>, vector<16xi32>], vector<16xf32>,
        %parallel_loop3A_293 = arith.addi %parallel_loop3A_236, %parallel_loop3A_291 : vector<16xi32>
        %parallel_loop3A_294 = arith.addf %parallel_loop3A_292, %parallel_loop3A_246 : vector<16xf32>
        tpu.vector_store_idx %arg11[%parallel_loop3A_230, %parallel_loop3A_293], %parallel_loop3A_294 : memref<8x1024xf32, #tpu.memory_space<vmem>>[vector<16xi32>, vector<16xi32>], vector<16xf32>,
        %parallel_loop3A_295 = arith.constant 32 : i32
        %parallel_loop3A_296 = vector.broadcast %parallel_loop3A_295 : i32 to vector<16xi32>
        %parallel_loop3A_297 = arith.addi %parallel_loop3A_154, %parallel_loop3A_296 : vector<16xi32>
        %parallel_loop3A_298 = arith.constant 3 : i32
        %parallel_loop3A_299 = vector.broadcast %parallel_loop3A_298 : i32 to vector<16xi32>
        %parallel_loop3A_300 = arith.shrui %parallel_loop3A_297, %parallel_loop3A_299 : vector<16xi32>
        %parallel_loop3A_301 = arith.constant 7 : i32
        %parallel_loop3A_302 = vector.broadcast %parallel_loop3A_301 : i32 to vector<16xi32>
        %parallel_loop3A_303 = arith.andi %parallel_loop3A_297, %parallel_loop3A_302 : vector<16xi32>
        %parallel_loop3A_304 = arith.constant 7 : i32
        %parallel_loop3A_305 = vector.broadcast %parallel_loop3A_304 : i32 to vector<16xi32>
        %parallel_loop3A_306 = arith.shli %parallel_loop3A_303, %parallel_loop3A_305 : vector<16xi32>
        %parallel_loop3A_307 = arith.constant 0 : i32
        %parallel_loop3A_308 = vector.broadcast %parallel_loop3A_307 : i32 to vector<16xi32>
        %parallel_loop3A_309 = arith.cmpi slt, %parallel_loop3A_154, %parallel_loop3A_308 : vector<16xi32>
        %parallel_loop3A_310 = arith.constant 16 : i32
        %parallel_loop3A_311 = vector.broadcast %parallel_loop3A_310 : i32 to vector<16xi32>
        %parallel_loop3A_312 = arith.addi %parallel_loop3A_154, %parallel_loop3A_311 : vector<16xi32>
        %parallel_loop3A_313 = arith.select %parallel_loop3A_309, %parallel_loop3A_312, %parallel_loop3A_154 : vector<16xi1>, vector<16xi32>
        %parallel_loop3A_314 = vector.shape_cast %parallel_loop3A_313 : vector<16xi32> to vector<16x1xi32>
        %parallel_loop3A_315 = vector.shape_cast %parallel_loop3A_314 : vector<16x1xi32> to vector<16xi32>
        %parallel_loop3A_316 = tpu.dynamic_gather %get3A_132[%parallel_loop3A_315] in [0] : vector<16xf32>, vector<16xi32> -> vector<16xf32>
        %parallel_loop3A_317 = arith.constant 0 : i32
        %parallel_loop3A_318 = vector.broadcast %parallel_loop3A_317 : i32 to vector<16xi32>
        %parallel_loop3A_319 = arith.addi %iota3A_123, %parallel_loop3A_318 : vector<16xi32>
        %parallel_loop3A_320 = tpu.vector_load_idx %arg9[%parallel_loop3A_319, %parallel_loop3A_297] : memref<128x64xf32, #tpu.memory_space<vmem>>[vector<16xi32>, vector<16xi32>], vector<16xf32>,
        %parallel_loop3A_321 = arith.addi %parallel_loop3A_306, %parallel_loop3A_319 : vector<16xi32>
        %parallel_loop3A_322 = arith.addf %parallel_loop3A_320, %parallel_loop3A_316 : vector<16xf32>
        tpu.vector_store_idx %arg11[%parallel_loop3A_300, %parallel_loop3A_321], %parallel_loop3A_322 : memref<8x1024xf32, #tpu.memory_space<vmem>>[vector<16xi32>, vector<16xi32>], vector<16xf32>,
        %parallel_loop3A_323 = arith.constant 16 : i32
        %parallel_loop3A_324 = vector.broadcast %parallel_loop3A_323 : i32 to vector<16xi32>
        %parallel_loop3A_325 = arith.addi %iota3A_123, %parallel_loop3A_324 : vector<16xi32>
        %parallel_loop3A_326 = tpu.vector_load_idx %arg9[%parallel_loop3A_325, %parallel_loop3A_297] : memref<128x64xf32, #tpu.memory_space<vmem>>[vector<16xi32>, vector<16xi32>], vector<16xf32>,
        %parallel_loop3A_327 = arith.addi %parallel_loop3A_306, %parallel_loop3A_325 : vector<16xi32>
        %parallel_loop3A_328 = arith.addf %parallel_loop3A_326, %parallel_loop3A_316 : vector<16xf32>
        tpu.vector_store_idx %arg11[%parallel_loop3A_300, %parallel_loop3A_327], %parallel_loop3A_328 : memref<8x1024xf32, #tpu.memory_space<vmem>>[vector<16xi32>, vector<16xi32>], vector<16xf32>,
        %parallel_loop3A_329 = arith.constant 32 : i32
        %parallel_loop3A_330 = vector.broadcast %parallel_loop3A_329 : i32 to vector<16xi32>
        %parallel_loop3A_331 = arith.addi %iota3A_123, %parallel_loop3A_330 : vector<16xi32>
        %parallel_loop3A_332 = tpu.vector_load_idx %arg9[%parallel_loop3A_331, %parallel_loop3A_297] : memref<128x64xf32, #tpu.memory_space<vmem>>[vector<16xi32>, vector<16xi32>], vector<16xf32>,
        %parallel_loop3A_333 = arith.addi %parallel_loop3A_306, %parallel_loop3A_331 : vector<16xi32>
        %parallel_loop3A_334 = arith.addf %parallel_loop3A_332, %parallel_loop3A_316 : vector<16xf32>
        tpu.vector_store_idx %arg11[%parallel_loop3A_300, %parallel_loop3A_333], %parallel_loop3A_334 : memref<8x1024xf32, #tpu.memory_space<vmem>>[vector<16xi32>, vector<16xi32>], vector<16xf32>,
        %parallel_loop3A_335 = arith.constant 48 : i32
        %parallel_loop3A_336 = vector.broadcast %parallel_loop3A_335 : i32 to vector<16xi32>
        %parallel_loop3A_337 = arith.addi %iota3A_123, %parallel_loop3A_336 : vector<16xi32>
        %parallel_loop3A_338 = tpu.vector_load_idx %arg9[%parallel_loop3A_337, %parallel_loop3A_297] : memref<128x64xf32, #tpu.memory_space<vmem>>[vector<16xi32>, vector<16xi32>], vector<16xf32>,
        %parallel_loop3A_339 = arith.addi %parallel_loop3A_306, %parallel_loop3A_337 : vector<16xi32>
        %parallel_loop3A_340 = arith.addf %parallel_loop3A_338, %parallel_loop3A_316 : vector<16xf32>
        tpu.vector_store_idx %arg11[%parallel_loop3A_300, %parallel_loop3A_339], %parallel_loop3A_340 : memref<8x1024xf32, #tpu.memory_space<vmem>>[vector<16xi32>, vector<16xi32>], vector<16xf32>,
        %parallel_loop3A_341 = arith.constant 64 : i32
        %parallel_loop3A_342 = vector.broadcast %parallel_loop3A_341 : i32 to vector<16xi32>
        %parallel_loop3A_343 = arith.addi %iota3A_123, %parallel_loop3A_342 : vector<16xi32>
        %parallel_loop3A_344 = tpu.vector_load_idx %arg9[%parallel_loop3A_343, %parallel_loop3A_297] : memref<128x64xf32, #tpu.memory_space<vmem>>[vector<16xi32>, vector<16xi32>], vector<16xf32>,
        %parallel_loop3A_345 = arith.addi %parallel_loop3A_306, %parallel_loop3A_343 : vector<16xi32>
        %parallel_loop3A_346 = arith.addf %parallel_loop3A_344, %parallel_loop3A_316 : vector<16xf32>
        tpu.vector_store_idx %arg11[%parallel_loop3A_300, %parallel_loop3A_345], %parallel_loop3A_346 : memref<8x1024xf32, #tpu.memory_space<vmem>>[vector<16xi32>, vector<16xi32>], vector<16xf32>,
        %parallel_loop3A_347 = arith.constant 80 : i32
        %parallel_loop3A_348 = vector.broadcast %parallel_loop3A_347 : i32 to vector<16xi32>
        %parallel_loop3A_349 = arith.addi %iota3A_123, %parallel_loop3A_348 : vector<16xi32>
        %parallel_loop3A_350 = tpu.vector_load_idx %arg9[%parallel_loop3A_349, %parallel_loop3A_297] : memref<128x64xf32, #tpu.memory_space<vmem>>[vector<16xi32>, vector<16xi32>], vector<16xf32>,
        %parallel_loop3A_351 = arith.addi %parallel_loop3A_306, %parallel_loop3A_349 : vector<16xi32>
        %parallel_loop3A_352 = arith.addf %parallel_loop3A_350, %parallel_loop3A_316 : vector<16xf32>
        tpu.vector_store_idx %arg11[%parallel_loop3A_300, %parallel_loop3A_351], %parallel_loop3A_352 : memref<8x1024xf32, #tpu.memory_space<vmem>>[vector<16xi32>, vector<16xi32>], vector<16xf32>,
        %parallel_loop3A_353 = arith.constant 96 : i32
        %parallel_loop3A_354 = vector.broadcast %parallel_loop3A_353 : i32 to vector<16xi32>
        %parallel_loop3A_355 = arith.addi %iota3A_123, %parallel_loop3A_354 : vector<16xi32>
        %parallel_loop3A_356 = tpu.vector_load_idx %arg9[%parallel_loop3A_355, %parallel_loop3A_297] : memref<128x64xf32, #tpu.memory_space<vmem>>[vector<16xi32>, vector<16xi32>], vector<16xf32>,
        %parallel_loop3A_357 = arith.addi %parallel_loop3A_306, %parallel_loop3A_355 : vector<16xi32>
        %parallel_loop3A_358 = arith.addf %parallel_loop3A_356, %parallel_loop3A_316 : vector<16xf32>
        tpu.vector_store_idx %arg11[%parallel_loop3A_300, %parallel_loop3A_357], %parallel_loop3A_358 : memref<8x1024xf32, #tpu.memory_space<vmem>>[vector<16xi32>, vector<16xi32>], vector<16xf32>,
        %parallel_loop3A_359 = arith.constant 112 : i32
        %parallel_loop3A_360 = vector.broadcast %parallel_loop3A_359 : i32 to vector<16xi32>
        %parallel_loop3A_361 = arith.addi %iota3A_123, %parallel_loop3A_360 : vector<16xi32>
        %parallel_loop3A_362 = tpu.vector_load_idx %arg9[%parallel_loop3A_361, %parallel_loop3A_297] : memref<128x64xf32, #tpu.memory_space<vmem>>[vector<16xi32>, vector<16xi32>], vector<16xf32>,
        %parallel_loop3A_363 = arith.addi %parallel_loop3A_306, %parallel_loop3A_361 : vector<16xi32>
        %parallel_loop3A_364 = arith.addf %parallel_loop3A_362, %parallel_loop3A_316 : vector<16xf32>
        tpu.vector_store_idx %arg11[%parallel_loop3A_300, %parallel_loop3A_363], %parallel_loop3A_364 : memref<8x1024xf32, #tpu.memory_space<vmem>>[vector<16xi32>, vector<16xi32>], vector<16xf32>,
        %parallel_loop3A_365 = arith.constant 48 : i32
        %parallel_loop3A_366 = vector.broadcast %parallel_loop3A_365 : i32 to vector<16xi32>
        %parallel_loop3A_367 = arith.addi %parallel_loop3A_154, %parallel_loop3A_366 : vector<16xi32>
        %parallel_loop3A_368 = arith.constant 3 : i32
        %parallel_loop3A_369 = vector.broadcast %parallel_loop3A_368 : i32 to vector<16xi32>
        %parallel_loop3A_370 = arith.shrui %parallel_loop3A_367, %parallel_loop3A_369 : vector<16xi32>
        %parallel_loop3A_371 = arith.constant 7 : i32
        %parallel_loop3A_372 = vector.broadcast %parallel_loop3A_371 : i32 to vector<16xi32>
        %parallel_loop3A_373 = arith.andi %parallel_loop3A_367, %parallel_loop3A_372 : vector<16xi32>
        %parallel_loop3A_374 = arith.constant 7 : i32
        %parallel_loop3A_375 = vector.broadcast %parallel_loop3A_374 : i32 to vector<16xi32>
        %parallel_loop3A_376 = arith.shli %parallel_loop3A_373, %parallel_loop3A_375 : vector<16xi32>
        %parallel_loop3A_377 = arith.constant 0 : i32
        %parallel_loop3A_378 = vector.broadcast %parallel_loop3A_377 : i32 to vector<16xi32>
        %parallel_loop3A_379 = arith.cmpi slt, %parallel_loop3A_154, %parallel_loop3A_378 : vector<16xi32>
        %parallel_loop3A_380 = arith.constant 16 : i32
        %parallel_loop3A_381 = vector.broadcast %parallel_loop3A_380 : i32 to vector<16xi32>
        %parallel_loop3A_382 = arith.addi %parallel_loop3A_154, %parallel_loop3A_381 : vector<16xi32>
        %parallel_loop3A_383 = arith.select %parallel_loop3A_379, %parallel_loop3A_382, %parallel_loop3A_154 : vector<16xi1>, vector<16xi32>
        %parallel_loop3A_384 = vector.shape_cast %parallel_loop3A_383 : vector<16xi32> to vector<16x1xi32>
        %parallel_loop3A_385 = vector.shape_cast %parallel_loop3A_384 : vector<16x1xi32> to vector<16xi32>
        %parallel_loop3A_386 = tpu.dynamic_gather %get3A_135[%parallel_loop3A_385] in [0] : vector<16xf32>, vector<16xi32> -> vector<16xf32>
        %parallel_loop3A_387 = arith.constant 0 : i32
        %parallel_loop3A_388 = vector.broadcast %parallel_loop3A_387 : i32 to vector<16xi32>
        %parallel_loop3A_389 = arith.addi %iota3A_123, %parallel_loop3A_388 : vector<16xi32>
        %parallel_loop3A_390 = tpu.vector_load_idx %arg9[%parallel_loop3A_389, %parallel_loop3A_367] : memref<128x64xf32, #tpu.memory_space<vmem>>[vector<16xi32>, vector<16xi32>], vector<16xf32>,
        %parallel_loop3A_391 = arith.addi %parallel_loop3A_376, %parallel_loop3A_389 : vector<16xi32>
        %parallel_loop3A_392 = arith.addf %parallel_loop3A_390, %parallel_loop3A_386 : vector<16xf32>
        tpu.vector_store_idx %arg11[%parallel_loop3A_370, %parallel_loop3A_391], %parallel_loop3A_392 : memref<8x1024xf32, #tpu.memory_space<vmem>>[vector<16xi32>, vector<16xi32>], vector<16xf32>,
        %parallel_loop3A_393 = arith.constant 16 : i32
        %parallel_loop3A_394 = vector.broadcast %parallel_loop3A_393 : i32 to vector<16xi32>
        %parallel_loop3A_395 = arith.addi %iota3A_123, %parallel_loop3A_394 : vector<16xi32>
        %parallel_loop3A_396 = tpu.vector_load_idx %arg9[%parallel_loop3A_395, %parallel_loop3A_367] : memref<128x64xf32, #tpu.memory_space<vmem>>[vector<16xi32>, vector<16xi32>], vector<16xf32>,
        %parallel_loop3A_397 = arith.addi %parallel_loop3A_376, %parallel_loop3A_395 : vector<16xi32>
        %parallel_loop3A_398 = arith.addf %parallel_loop3A_396, %parallel_loop3A_386 : vector<16xf32>
        tpu.vector_store_idx %arg11[%parallel_loop3A_370, %parallel_loop3A_397], %parallel_loop3A_398 : memref<8x1024xf32, #tpu.memory_space<vmem>>[vector<16xi32>, vector<16xi32>], vector<16xf32>,
        %parallel_loop3A_399 = arith.constant 32 : i32
        %parallel_loop3A_400 = vector.broadcast %parallel_loop3A_399 : i32 to vector<16xi32>
        %parallel_loop3A_401 = arith.addi %iota3A_123, %parallel_loop3A_400 : vector<16xi32>
        %parallel_loop3A_402 = tpu.vector_load_idx %arg9[%parallel_loop3A_401, %parallel_loop3A_367] : memref<128x64xf32, #tpu.memory_space<vmem>>[vector<16xi32>, vector<16xi32>], vector<16xf32>,
        %parallel_loop3A_403 = arith.addi %parallel_loop3A_376, %parallel_loop3A_401 : vector<16xi32>
        %parallel_loop3A_404 = arith.addf %parallel_loop3A_402, %parallel_loop3A_386 : vector<16xf32>
        tpu.vector_store_idx %arg11[%parallel_loop3A_370, %parallel_loop3A_403], %parallel_loop3A_404 : memref<8x1024xf32, #tpu.memory_space<vmem>>[vector<16xi32>, vector<16xi32>], vector<16xf32>,
        %parallel_loop3A_405 = arith.constant 48 : i32
        %parallel_loop3A_406 = vector.broadcast %parallel_loop3A_405 : i32 to vector<16xi32>
        %parallel_loop3A_407 = arith.addi %iota3A_123, %parallel_loop3A_406 : vector<16xi32>
        %parallel_loop3A_408 = tpu.vector_load_idx %arg9[%parallel_loop3A_407, %parallel_loop3A_367] : memref<128x64xf32, #tpu.memory_space<vmem>>[vector<16xi32>, vector<16xi32>], vector<16xf32>,
        %parallel_loop3A_409 = arith.addi %parallel_loop3A_376, %parallel_loop3A_407 : vector<16xi32>
        %parallel_loop3A_410 = arith.addf %parallel_loop3A_408, %parallel_loop3A_386 : vector<16xf32>
        tpu.vector_store_idx %arg11[%parallel_loop3A_370, %parallel_loop3A_409], %parallel_loop3A_410 : memref<8x1024xf32, #tpu.memory_space<vmem>>[vector<16xi32>, vector<16xi32>], vector<16xf32>,
        %parallel_loop3A_411 = arith.constant 64 : i32
        %parallel_loop3A_412 = vector.broadcast %parallel_loop3A_411 : i32 to vector<16xi32>
        %parallel_loop3A_413 = arith.addi %iota3A_123, %parallel_loop3A_412 : vector<16xi32>
        %parallel_loop3A_414 = tpu.vector_load_idx %arg9[%parallel_loop3A_413, %parallel_loop3A_367] : memref<128x64xf32, #tpu.memory_space<vmem>>[vector<16xi32>, vector<16xi32>], vector<16xf32>,
        %parallel_loop3A_415 = arith.addi %parallel_loop3A_376, %parallel_loop3A_413 : vector<16xi32>
        %parallel_loop3A_416 = arith.addf %parallel_loop3A_414, %parallel_loop3A_386 : vector<16xf32>
        tpu.vector_store_idx %arg11[%parallel_loop3A_370, %parallel_loop3A_415], %parallel_loop3A_416 : memref<8x1024xf32, #tpu.memory_space<vmem>>[vector<16xi32>, vector<16xi32>], vector<16xf32>,
        %parallel_loop3A_417 = arith.constant 80 : i32
        %parallel_loop3A_418 = vector.broadcast %parallel_loop3A_417 : i32 to vector<16xi32>
        %parallel_loop3A_419 = arith.addi %iota3A_123, %parallel_loop3A_418 : vector<16xi32>
        %parallel_loop3A_420 = tpu.vector_load_idx %arg9[%parallel_loop3A_419, %parallel_loop3A_367] : memref<128x64xf32, #tpu.memory_space<vmem>>[vector<16xi32>, vector<16xi32>], vector<16xf32>,
        %parallel_loop3A_421 = arith.addi %parallel_loop3A_376, %parallel_loop3A_419 : vector<16xi32>
        %parallel_loop3A_422 = arith.addf %parallel_loop3A_420, %parallel_loop3A_386 : vector<16xf32>
        tpu.vector_store_idx %arg11[%parallel_loop3A_370, %parallel_loop3A_421], %parallel_loop3A_422 : memref<8x1024xf32, #tpu.memory_space<vmem>>[vector<16xi32>, vector<16xi32>], vector<16xf32>,
        %parallel_loop3A_423 = arith.constant 96 : i32
        %parallel_loop3A_424 = vector.broadcast %parallel_loop3A_423 : i32 to vector<16xi32>
        %parallel_loop3A_425 = arith.addi %iota3A_123, %parallel_loop3A_424 : vector<16xi32>
        %parallel_loop3A_426 = tpu.vector_load_idx %arg9[%parallel_loop3A_425, %parallel_loop3A_367] : memref<128x64xf32, #tpu.memory_space<vmem>>[vector<16xi32>, vector<16xi32>], vector<16xf32>,
        %parallel_loop3A_427 = arith.addi %parallel_loop3A_376, %parallel_loop3A_425 : vector<16xi32>
        %parallel_loop3A_428 = arith.addf %parallel_loop3A_426, %parallel_loop3A_386 : vector<16xf32>
        tpu.vector_store_idx %arg11[%parallel_loop3A_370, %parallel_loop3A_427], %parallel_loop3A_428 : memref<8x1024xf32, #tpu.memory_space<vmem>>[vector<16xi32>, vector<16xi32>], vector<16xf32>,
        %parallel_loop3A_429 = arith.constant 112 : i32
        %parallel_loop3A_430 = vector.broadcast %parallel_loop3A_429 : i32 to vector<16xi32>
        %parallel_loop3A_431 = arith.addi %iota3A_123, %parallel_loop3A_430 : vector<16xi32>
        %parallel_loop3A_432 = tpu.vector_load_idx %arg9[%parallel_loop3A_431, %parallel_loop3A_367] : memref<128x64xf32, #tpu.memory_space<vmem>>[vector<16xi32>, vector<16xi32>], vector<16xf32>,
        %parallel_loop3A_433 = arith.addi %parallel_loop3A_376, %parallel_loop3A_431 : vector<16xi32>
        %parallel_loop3A_434 = arith.addf %parallel_loop3A_432, %parallel_loop3A_386 : vector<16xf32>
        tpu.vector_store_idx %arg11[%parallel_loop3A_370, %parallel_loop3A_433], %parallel_loop3A_434 : memref<8x1024xf32, #tpu.memory_space<vmem>>[vector<16xi32>, vector<16xi32>], vector<16xf32>,
      } {sc.loop_unroll_factor = 2 : i64, sc.parallel_access}
      %add3A_139 = arith.constant 1 : i32
      %add3A_140 = arith.addi %add3A_35, %add3A_139 : i32
      %dma_start3A_141 = arith.constant 0 : i32
      %dma_start3A_142 = arith.constant 0 : i32
      %dma_start3A_143 = tpu.memref_slice %arg5[%add3A_140, %dma_start3A_141, %add3A, %dma_start3A_142] : memref<200x8x32x1024xf32, #tpu.memory_space<hbm>> -> memref<1x8x1x1024xf32, #tpu.memory_space<hbm>>
      %dma_start3A_144 = tpu.memref_squeeze %dma_start3A_143 : memref<1x8x1x1024xf32, #tpu.memory_space<hbm>> -> memref<8x1024xf32, #tpu.memory_space<hbm>>
      %dma_start3A_145 = arith.constant 0 : i32
      %dma_start3A_146 = arith.constant 0 : i32
      %dma_start3A_147 = tpu.memref_slice %arg5[%add3A_140, %dma_start3A_145, %add3A, %dma_start3A_146] : memref<200x8x32x1024xf32, #tpu.memory_space<hbm>> -> memref<1x8x1x1024xf32, #tpu.memory_space<hbm>>
      %dma_start3A_148 = tpu.memref_squeeze %dma_start3A_147 : memref<1x8x1x1024xf32, #tpu.memory_space<hbm>> -> memref<8x1024xf32, #tpu.memory_space<hbm>>
      tpu.enqueue_dma source(%arg11 : memref<8x1024xf32, #tpu.memory_space<vmem>>) target(%dma_start3A_148 : memref<8x1024xf32, #tpu.memory_space<hbm>>) target_semaphore(%arg15 : memref<!tpu.dma_semaphore, #tpu.memory_space<semaphore_mem>>)
    }
    %scan3A_11 = arith.constant 100 : i32
    %dma_wait3A = arith.constant 0 : i32
    %dma_wait3A_12 = arith.constant 0 : i32
    %dma_wait3A_13 = arith.constant 0 : i32
    %dma_wait3A_14 = arith.constant 0 : i32
    %dma_wait3A_15 = tpu.memref_slice %arg5[%dma_wait3A, %dma_wait3A_13, %dma_wait3A_12, %dma_wait3A_14] : memref<200x8x32x1024xf32, #tpu.memory_space<hbm>> -> memref<1x8x1x1024xf32, #tpu.memory_space<hbm>>
    %dma_wait3A_16 = tpu.memref_squeeze %dma_wait3A_15 : memref<1x8x1x1024xf32, #tpu.memory_space<hbm>> -> memref<8x1024xf32, #tpu.memory_space<hbm>>
    %dma_wait3A_17 = arith.constant 0 : i32
    %dma_wait3A_18 = arith.constant 0 : i32
    %dma_wait3A_19 = tpu.memref_slice %arg5[%dma_wait3A, %dma_wait3A_17, %dma_wait3A_12, %dma_wait3A_18] : memref<200x8x32x1024xf32, #tpu.memory_space<hbm>> -> memref<1x8x1x1024xf32, #tpu.memory_space<hbm>>
    %dma_wait3A_20 = tpu.memref_squeeze %dma_wait3A_19 : memref<1x8x1x1024xf32, #tpu.memory_space<hbm>> -> memref<8x1024xf32, #tpu.memory_space<hbm>>
    tpu.wait_dma2 semaphore(%arg14 : memref<!tpu.dma_semaphore, #tpu.memory_space<semaphore_mem>>) src(%dma_wait3A_20 : memref<8x1024xf32, #tpu.memory_space<hbm>>) dst(%arg10 : memref<8x1024xf32, #tpu.memory_space<vmem>>)
    %dma_wait3A_21 = arith.constant 0 : i32
    %dma_wait3A_22 = arith.constant 0 : i32
    %dma_wait3A_23 = arith.constant 0 : i32
    %dma_wait3A_24 = arith.constant 0 : i32
    %dma_wait3A_25 = tpu.memref_slice %arg5[%dma_wait3A_21, %dma_wait3A_23, %dma_wait3A_22, %dma_wait3A_24] : memref<200x8x32x1024xf32, #tpu.memory_space<hbm>> -> memref<1x8x1x1024xf32, #tpu.memory_space<hbm>>
    %dma_wait3A_26 = tpu.memref_squeeze %dma_wait3A_25 : memref<1x8x1x1024xf32, #tpu.memory_space<hbm>> -> memref<8x1024xf32, #tpu.memory_space<hbm>>
    %dma_wait3A_27 = arith.constant 0 : i32
    %dma_wait3A_28 = arith.constant 0 : i32
    %dma_wait3A_29 = tpu.memref_slice %arg5[%dma_wait3A_21, %dma_wait3A_27, %dma_wait3A_22, %dma_wait3A_28] : memref<200x8x32x1024xf32, #tpu.memory_space<hbm>> -> memref<1x8x1x1024xf32, #tpu.memory_space<hbm>>
    %dma_wait3A_30 = tpu.memref_squeeze %dma_wait3A_29 : memref<1x8x1x1024xf32, #tpu.memory_space<hbm>> -> memref<8x1024xf32, #tpu.memory_space<hbm>>
    tpu.wait_dma2 semaphore(%arg15 : memref<!tpu.dma_semaphore, #tpu.memory_space<semaphore_mem>>) src(%dma_wait3A_30 : memref<8x1024xf32, #tpu.memory_space<hbm>>) dst(%arg11 : memref<8x1024xf32, #tpu.memory_space<vmem>>)
    return
  }
}

</mosaic_0001>

<sc_bundles>
// kernel: _run.3.cloned.1.call-start
scs
__scs_entry_jumppad:
0x0: {  	(pc) =	sbr.rel $0x88, $3  }
0x1: {  	(tag) =	ssettag $0x0;
	lr =	simm.s32 $0x1  }
0x2: {  	[smem:$0x3F9E] =	sst lr;
	_ =	strace $0xD0000000  }
0x3: {  	_ = 	snop  }
0x4: {  	_ = 	snop  }
0x5: {  	_ = 	snop  }
0x6: {  	_ = 	snop  }
0x7: {  	_ = 	snop  }
__scs_overlays_trampoline_lowered:
0x8: {  	[smem:$0x3FAD] =	sst s0  }
0x9: {  	[smem:$0x3FAE] =	sst s1  }
0xa: {  	[smem:$0x3FAF] =	sst s2  }
0xb: {  	[smem:$0x3FB0] =	sst s3  }
0xc: {  	[smem:$0x3FB1] =	sst s4  }
0xd: {  	[smem:$0x3FB2] =	sst s5  }
0xe: {  	[smem:$0x3FB3] =	sst s6  }
0xf: {  	[smem:$0x3FB4] =	sst s7  }
0x10: {  	[smem:$0x3FB5] =	sst s8  }
0x11: {  	[smem:$0x3FB6] =	sst s9;
	s0 =	simm.s32 @!p0 $0x0  }
0x12: {  	s1 =	sld [smem:$0x3F9C];
	s0 =	simm.s32 @p0 $0x1  }
0x13: {  	[smem:$0x3FB7] =	sst s0;
	s0 =	simm.s32 @!p1 $0x0  }
0x14: {  	s2 =	sld [smem:$0x3F9B];
	s0 =	simm.s32 @p1 $0x1  }
0x15: {  	[smem:$0x3FB8] =	sst s0;
	s0 =	simm.s32 @!p2 $0x0  }
0x16: {  	s3 =	sld [smem:$0x3FDB];
	s0 =	simm.s32 @p2 $0x1  }
0x17: {  	s4 =	simm.s32 $0x1BF5;
	[smem:$0x3FBA] =	sst s0  }
0x18: {  	s0 =	sld [smem:$0x3F9D];
	_ =	swait.ge [sflag:s4], $0x0  }
0x19: {  	s7 =	sld [smem:$0x3F9E]  }
0x1a: {  	s8 =	sadd.s32 $0xFFFFE003, lr  }
0x1b: {  	s9 =	sadd.s32 $0xFFFFFEF7, lr;
	s5 =	simm.s32 $0xFFFFFFFF;
	p2 =	slt.u32 s8, $0xFFFFF086  }
0x1c: {  	p1 =	slt.u32 s9, $0xF7A;
	s5 =	simm.s32 @!p2 $0x0  }
0x1d: {  	s5 =	simm.s32 @p1 $0x1;
	p0 =	seq.s32 s7, s2  }
0x1e: {  	s7 =	smul.u32 @!p0 $0xF7A, s2;
	p2 =	seq.s32 @!p0 s5, $0x0  }
0x1f: {  	s9 =	smul.u32 $0xF7A, s1;
	s8 =	simm.s32 @!p0 $0x1BF5;
	p2 =	por !p2, p0  }
0x20: {  	[sflag:s8] =	ssyncset.s32 @!p0 $0xFFFFF086;
	s6 =	sadd.s32 @!p0 s3, s7;
	s7 =	simm.s32 @!p0 $0x108  }
0x21: {  	s3 =	sadd.s32 s3, s9;
	s6 =	sadd.s32 @!p0 $0x88, s6;
	s7 =	simm.s32 @p2 $0x1082  }
0x22: {  	[simem:s7], [sflag:s8] =	dma.local @!p0 [hbm:s6], $0xF7A  }
0x23: {  	s9 =	sor.u32 $0xD0000000, s2;
	s6 =	simm.s32 $0x108;
	_ =	swait.ge @!p0 [sflag:s8], $0x0  }
0x24: {  	s3 =	sadd.s32 $0x88, s3;
	s6 =	simm.s32 @!p1 $0x1082;
	[sflag:s4] =	ssyncset.s32 $0xFFFFF086  }
0x25: {  	[simem:s6], [sflag:s4] =	dma.local [hbm:s3], $0xF7A  }
0x26: {  	[smem:$0x3F9E] =	sst s1;
	(tag) =	ssettag s2;
	_ =	strace s9  }
0x27: {  	s1 =	sld [smem:$0x3FAE]  }
0x28: {  	s2 =	sld [smem:$0x3FAF]  }
0x29: {  	s4 =	sld [smem:$0x3FB1]  }
0x2a: {  	p0 =	seq.s32 s5, $0x0;
	s5 =	sld [smem:$0x3FB2]  }
0x2b: {  	s6 =	sld [smem:$0x3FB3]  }
0x2c: {  	s7 =	sld [smem:$0x3FB4]  }
0x2d: {  	s3 =	simm.s32 $0x108;
	s8 =	sld [smem:$0x3FB5]  }
0x2e: {  	s3 =	simm.s32 @!p0 $0x1082;
	s9 =	sld [smem:$0x3FB6]  }
0x2f: {  	lr =	sadd.s32 s0, s3;
	s0 =	sld [smem:$0x3FAD]  }
0x30: {  	s3 =	sld [smem:$0x3FB0]  }
0x31: {  	[smem:$0x3FB9] =	sst s10  }
0x32: {  	s10 =	sld [smem:$0x3FB7];
	_ =	sdelay $0x3  }
0x33: {  	p0 =	seq.s32 s10, $0x1;
	s10 =	sld [smem:$0x3FB9];
	_ =	sdelay $0x3  }
0x34: {  	[smem:$0x3FB9] =	sst s10  }
0x35: {  	s10 =	sld [smem:$0x3FB8];
	_ =	sdelay $0x3  }
0x36: {  	p1 =	seq.s32 s10, $0x1;
	s10 =	sld [smem:$0x3FB9];
	_ =	sdelay $0x3  }
0x37: {  	[smem:$0x3FB9] =	sst s10  }
0x38: {  	s10 =	sld [smem:$0x3FBA]  }
0x39: {  	_ = 	snop;
	(pc) =	sbr.ind lr, $3  }
0x3a: {  	_ = 	snop  }
0x3b: {  	_ = 	snop  }
0x3c: {  	p2 =	seq.s32 s10, $0x1;
	s10 =	sld [smem:$0x3FB9]  }
0x3d: {  	_ =	shalt  }
0x3e: {  	_ =	shalt  }
0x3f: {  	_ =	shalt  }
0x40: {  	_ =	shalt  }
0x41: {  	_ =	shalt  }
0x42: {  	_ =	shalt  }
0x43: {  	_ =	shalt  }
0x44: {  	_ =	shalt  }
0x45: {  	_ =	shalt  }
0x46: {  	_ =	shalt  }
0x47: {  	_ =	shalt  }
0x48: {  	_ =	shalt  }
0x49: {  	_ =	shalt  }
0x4a: {  	_ =	shalt  }
0x4b: {  	_ =	shalt  }
0x4c: {  	_ =	shalt  }
0x4d: {  	_ =	shalt  }
0x4e: {  	_ =	shalt  }
0x4f: {  	_ =	shalt  }
0x50: {  	_ =	shalt  }
0x51: {  	_ =	shalt  }
0x52: {  	_ =	shalt  }
0x53: {  	_ =	shalt  }
0x54: {  	_ =	shalt  }
0x55: {  	_ =	shalt  }
0x56: {  	_ =	shalt  }
0x57: {  	_ =	shalt  }
0x58: {  	_ =	shalt  }
0x59: {  	_ =	shalt  }
0x5a: {  	_ =	shalt  }
0x5b: {  	_ =	shalt  }
0x5c: {  	_ =	shalt  }
0x5d: {  	_ =	shalt  }
0x5e: {  	_ =	shalt  }
0x5f: {  	_ =	shalt  }
0x60: {  	_ =	shalt  }
0x61: {  	_ =	shalt  }
0x62: {  	_ =	shalt  }
0x63: {  	_ =	shalt  }
0x64: {  	_ =	shalt  }
0x65: {  	_ =	shalt  }
0x66: {  	_ =	shalt  }
0x67: {  	_ =	shalt  }
0x68: {  	_ =	shalt  }
0x69: {  	_ =	shalt  }
0x6a: {  	_ =	shalt  }
0x6b: {  	_ =	shalt  }
0x6c: {  	_ =	shalt  }
0x6d: {  	_ =	shalt  }
0x6e: {  	_ =	shalt  }
0x6f: {  	_ =	shalt  }
0x70: {  	_ =	shalt  }
0x71: {  	_ =	shalt  }
0x72: {  	_ =	shalt  }
0x73: {  	_ =	shalt  }
0x74: {  	_ =	shalt  }
0x75: {  	_ =	shalt  }
0x76: {  	_ =	shalt  }
0x77: {  	_ =	shalt  }
0x78: {  	_ =	shalt  }
0x79: {  	_ =	shalt  }
0x7a: {  	_ =	shalt  }
0x7b: {  	_ =	shalt  }
0x7c: {  	_ =	shalt  }
0x7d: {  	_ =	shalt  }
0x7e: {  	_ =	shalt  }
0x7f: {  	_ =	shalt  }
0x80: {  	_ =	shalt  }
0x81: {  	_ =	shalt  }
0x82: {  	_ =	shalt  }
0x83: {  	_ =	shalt  }
0x84: {  	_ =	shalt  }
0x85: {  	_ =	shalt  }
0x86: {  	_ =	shalt  }
0x87: {  	_ =	shalt  }
.Lfunc_end0:
.L_simem_size_0:
called_computation_lowered:
.L_overlay_start_0:
0x88: {  	s2 =	sld [smem:$0x3FD9]  }
0x89: {  	s3 =	sld [smem:$0x3FFE];
	_ =	sdelay $0x1  }
0x8a: {  	s1 =	srdreg.scid  }
0x8b: {  	s0 =	sand.u32 $0x1, s1  }
0x8c: {  	s17 =	sshll.u32 s0, $0xA;
	s2 =	sadd.s32 s3, s2  }
0x8d: {  	s2 =	sadd.s32 s2, s17  }
0x8e: {  	[smem:$0x3FC5] =	sst s2  }
0x8f: {  	_ = 	snop  }
0x90: {  	s2 =	sld [smem:$0x3FC9];
	(tm) =	ssettm $0x1  }
0x91: {  	s18 =	sld [smem:$0x3FFB];
	_ =	sdelay $0x3  }
0x92: {  	_ =	strace s18  }
0x93: {  	s3 =	sld [smem:$0x3FFC];
	_ =	sdelay $0x3  }
0x94: {  	_ =	strace s3  }
0x95: {  	s3 =	sld [smem:$0x3FFD];
	_ =	sdelay $0x3  }
0x96: {  	_ =	strace s3  }
0x97: {  	_ =	strace $0x8FFFFFFF  }
0x98: {  	s19 =	sld [smem:$0x3FDB];
	_ =	sdelay $0x1  }
0x99: {  	s4 =	simm.s32 $_scs_section_size  }
0x9a: {  	s5 =	simm.s32 $_size__tile_overlayer_lowered;
	s6 =	simm.s32 $_tile_overlayer_lowered  }
0x9b: {  	s22 =	simm.s32 $0x1BFF;
	s21 =	sshll.u32 s6, $0x1;
	s3 =	sadd.s32 s4, s19  }
0x9c: {  	s7 =	simm.s32 $0x0;
	s20 =	sshll.u32 s5, $0x1;
	s5 =	sadd.s32 s21, s3  }
0x9d: {  	[timem:s7], [sflag:s22] =	dma.local [hbm:s5], s20  }
0x9e: {  	_ =	swait.ge [sflag:s22], s20  }
0x9f: {  	s4 =	ssub.s32 $0x0, s20;
	[sflag:s22] =	ssyncset.done $0x0  }
0xa0: {  	[sflag:s22] =	ssyncadd.s32 s4;
	_ =	sdelay $0x1  }
0xa1: {  	s23 =	simm.s32 $0x1B8B  }
0xa2: {  	_ =	swait.ge [sflag:s23], $0x1  }
0xa3: {  	[sflag:s23] =	ssyncset.done $0x0  }
0xa4: {  	s25 =	simm.s32 $0x1B8E;
	s24 =	sld [smem:$0x3FFE];
	[sflag:s23] =	ssyncadd.s32 $0xFFFFFFFF  }
0xa5: {  	s26 =	simm.s32 $execute0_lowered;
	[smem:$0x3FD2] =	sst s25  }
0xa6: {  	s5 =	sshll.u32 s26, $0x1;
	_ =	strace $0x80000046;
	[dreg:$0x1] =	wrdreg $0xFFFFFFFF  }
0xa7: {  	s28 =	simm.s32 $_size_execute0_lowered;
	s3 =	sadd.s32 s3, s5;
	[dreg:$0x0] =	wrdreg $0x0  }
0xa8: {  	s5 =	sshll.u32 s28, $0x1;
	[dreg:$0x2] =	wrdreg s3  }
0xa9: {  	[dreg:$0x3] =	wrdreg s5  }
0xaa: {  	[dreg:$0x4] =	wrdreg $0xC0  }
0xab: {  	_ =	task [dreg:s7], $0x5FFFF  }
0xac: {  	[dreg:$0x1] =	wrdreg $0xFFFFFFFF  }
0xad: {  	[dreg:$0x0] =	wrdreg $0x60  }
0xae: {  	[dreg:$0x2] =	wrdreg s2  }
0xaf: {  	[dreg:$0x3] =	wrdreg s24  }
0xb0: {  	[dreg:$0x4] =	wrdreg $0x9  }
0xb1: {  	_ =	task.clear_ibuf [dreg:s7], $0x5FFFF;
	_ =	strace $0x90000046  }
0xb2: {  	s29 =	simm.s32 $0x9;
	_ =	strace $0x80000048  }
0xb3: {  	_ =	swait.ge [sflag:s29], $0x1  }
0xb4: {  	[sflag:s29] =	ssyncadd.s32 $0xFFFFFFFF  }
0xb5: {  	_ =	strace $0x90000048  }
0xb6: {  	_ =	sfence  }
0xb7: {  	s30 =	sld [smem:$0x0];
	_ =	sdelay $0x2  }
0xb8: {  	s31 =	sshll.u32 s1, $0xD;
	s1 =	sshrl.u32 s1, $0x2  }
0xb9: {  	s3 =	sand.u32 $0x4000, s31;
	s1 =	sadd.s32 s1, s30  }
0xba: {  	s0 =	sor.u32 s3, s0;
	s1 =	sshll.u32 s1, $0x11  }
0xbb: {  	s0 =	sor.u32 s1, s0  }
0xbc: {  	s0 =	sadd.s32 $0x8F2B, s0  }
0xbd: {  	[sflag:s0] =	ssyncadd.remote.s32 $0x1  }
0xbe: {  	_ =	sfence.sel $0xFFFF  }
0xbf: {  	[dreg:$0x0] =	wrdreg $0xFFFFFFFF;
	(pc) =	sbr.abs _section_cstart, $3  }
0xc0: {  	[dreg:$0x1] =	wrdreg $0xFFFFFFFF  }
0xc1: {  	_ =	task.clear_ibuf [dreg:s7], $0x2FFFF;
	_ =	strace $0x9FFFFFFF  }
0xc2: {  	(tm) =	ssettm $0x7FFFFFFF  }
0xc3: {  	_ =	shalt  }
tec
execute0_lowered:
.L_overlay_start_1:
0x0: {  	(tag) =	ssettag $0x1  }
0x1: {  	s7 =	rddreg [dreg:$0x0]  }
0x2: {  	s6 =	rddreg [dreg:$0x1];
	s2 =	simm.s32 $0x0;
	v25 =	vlaneseq.u32  }
0x3: {  	[smem:$0x7FF] =	sst s2;
	v0 =	vand.u32 $0x7, v25  }
0x4: {  	s0 =	rddreg [dreg:$0x2];
	v41 =	vor.u32 $0x40, v25;
	_ =	strace $0x80000047;
	[tilespmem:$0x1FF00] =	vst v0  }
0x5: {  	v45 =	vor.u32 $0x60, v25;
	[tilespmem:$0x1FF90] =	vst v41  }
0x6: {  	v49 =	vor.u32 $0x30, v25;
	[tilespmem:$0x1FFA0] =	vst v45  }
0x7: {  	v43 =	vor.u32 $0x50, v25;
	[tilespmem:$0x1FFB0] =	vst v49  }
0x8: {  	v46 =	vor.u32 $0x70, v25;
	[tilespmem:$0x1FFC0] =	vst v43  }
0x9: {  	v3 =	vor.u32 $0x20, v25;
	[tilespmem:$0x1FFD0] =	vst v46  }
0xa: {  	s3 =	srdreg.scid;
	s1 =	stileid.u32;
	v1 =	vmul.u32 $0x40, v25;
	v2 =	vor.u32 $0x10, v25;
	[tilespmem:$0x1FFE0] =	vst v3  }
0xb: {  	s11 =	simm.s32 $0x400;
	s12 =	simm.s32 $0x8000;
	s13 =	simm.s32 $0x80;
	[tilespmem:$0x1FFF0] =	vst v2  }
0xc: {  	s14 =	simm.s32 $0x9600;
	s15 =	simm.s32 $0xB600;
	s16 =	simm.s32 $0x1;
	v0 =	vor.u32 $0x400, v1;
	[tilespmem:$0x1FF70] =	vst v1  }
0xd: {  	s17 =	simm.s32 $0xD600;
	s18 =	simm.s32 $0x2;
	s19 =	simm.s32 $0x4;
	[tilespmem:$0x1FF10] =	vst v0;
	v0 =	vor.u32 $0x800, v1  }
0xe: {  	s20 =	simm.s32 $0xF600;
	s21 =	simm.s32 $0x3;
	s4 =	sand.u32 $0x1, s3;
	[tilespmem:$0x1FF20] =	vst v0;
	v0 =	vor.u32 $0xC00, v1  }
0xf: {  	s22 =	simm.s32 $0x0;
	s5 =	sshll.u32 s1, $0xB;
	s8 =	sshll.u32 s4, $0xA;
	[tilespmem:$0x1FF30] =	vst v0;
	v0 =	vor.u32 $0x1000, v1  }
0x10: {  	s3 =	sadd.s32 $0xC00, s6;
	s9 =	ssub.s32 $0x2, s4;
	s4 =	sor.u32 s8, s5;
	[tilespmem:$0x1FF40] =	vst v0;
	v0 =	vor.u32 $0x1400, v1  }
0x11: {  	s5 =	sadd.s32 $0x400, s6;
	s31 =	sshrl.u32 s9, $0x1;
	s6 =	sadd.s32 $0xC4200, s6;
	[tilespmem:$0x1FF50] =	vst v0;
	v0 =	vor.u32 $0x1800, v1  }
0x12: {  	s10 =	sshrl.u32 s4, $0x3;
	s8 =	ssub.s32 s9, s31;
	s9 =	simm.s32 $0x6400;
	[tilespmem:$0x1FF60] =	vst v0;
	v0 =	vor.u32 $0x1C00, v1  }
0x13: {  	s7 =	sadd.s32 s7, s10;
	s8 =	smax.u32 s8, $0x1;
	s10 =	simm.s32 $0x5;
	[tilespmem:$0x1FF80] =	vst v0  }
.LBB2_1:
0x14: {  	[tilespmem:s9], [sflag:$0x5] =	stream.linear.gather [hbm4b:s5+s2], $0x3200, $0x38;
	[tilespmem:$0x11600] =	vst v63  }
0x15: {  	_ =	swait.ge [sflag:s10], $0x3200  }
0x16: {  	[sflag:s10] =	ssyncset.done $0x0  }
0x17: {  	[sflag:s10] =	ssyncadd.s32 $0xFFFFCE00  }
0x18: {  	[tilespmem:s2], [sflag:$0x5] =	stream.strided.gather [hbm4b:s7+s11], $0x6400, s12, s11, $0x38;
	[tilespmem:$0x11600] =	vst v63  }
0x19: {  	_ =	swait.ge [sflag:s10], $0x6400  }
0x1a: {  	[sflag:s10] =	ssyncset.done $0x0  }
0x1b: {  	s23 =	simm.s32 $0x0;
	[sflag:s10] =	ssyncadd.s32 $0xFFFF9C00  }
0x1c: {  	[tilespmem:s14], [sflag:$0x1] =	stream.indirect.gather [hbm4b:s3+s13], $0x40, s2, s13, $0xb8;
	[tilespmem:$0x11600] =	vst v63  }
.LBB2_2:
0x1d: {  	s24 =	sshllo.u32 s23, $0x1  }
0x1e: {  	s26 =	sshll.u32 s23, $0x8;
	s25 =	sshll.u32 s24, $0x7  }
0x1f: {  	s26 =	sand.u32 $0x7C00, s26;
	s25 =	sand.u32 $0x380, s25  }
0x20: {  	s25 =	sor.u32 s25, s26  }
0x21: {  	[tilespmem:s15], [sflag:$0x2] =	stream.indirect.gather [hbm4b:s3+s13], $0x40, s25, s13, $0xb8;
	[tilespmem:$0x11600] =	vst v63  }
0x22: {  	_ =	swait.ge [sflag:s16], $0x2000  }
0x23: {  	p0 =	seq.s32 s23, $0x0;
	[sflag:s16] =	ssyncset.done $0x0  }
0x24: {  	s26 =	simm.s32 @!p0 $0x3;
	[sflag:s16] =	ssyncadd.s32 $0xFFFFE000  }
0x25: {  	_ =	swait.ge @!p0 [sflag:s26], $0x2000  }
0x26: {  	v1 =	vld [tilespmem:$0x1FF70];
	_ =	sdelay $0x1  }
0x27: {  	s29 =	simm.s32 $0x0  }
0x28: {  	s30 =	simm.s32 $0x1;
	v40 =	vadd.s32 s29, v25  }
0x29: {  	v56 =	vadd.s32 s30, v25;
	v17 =	vand.u32 $0xF, v40  }
0x2a: {  	v37 =	vand.u32 $0xF, v56;
	v0 =	vor.u32 v1, v17  }
0x2b: {  	s31 =	sshll.u32 s23, $0x7;
	v7 =	vmov v2;
	[sflag:s26] =	ssyncset.done @!p0 $0x0;
	v2 =	vld [tilespmem:$0x1FF00];
	v4 =	vor.u32 v1, v37  }
0x2c: {  	v9 =	vmov v3;
	s25 =	sand.u32 $0x3FFFFF80, s31;
	v3 =	vld [tilespmem:$0x1FF10];
	[sflag:s26] =	ssyncadd.s32 @!p0 $0xFFFFE000  }
0x2d: {  	v6 =	vshll.u32 v40, $0x7;
	v29 =	vld [tilespmem:s25+$0x6400]  }
0x2e: {  	v10 =	vor.u32 v25, v6;
	v5 =	vld [tilespmem:s25+$0x6430]  }
0x2f: {  	v12 =	vand.u32 $0x400, v6;
	v61 =	vand.u32 $0x388, v10;
	v10 =	vshll.u32 v56, $0x7;
	v0 =	vld.idx.msk [tilespmem:v0+s14+$0x0], $0xffff  }
0x30: {  	v14 =	vor.u32 v25, v10;
	v16 =	vand.u32 $0x400, v10;
	v12 =	vor.u32 v2, v12;
	v4 =	vld.idx.msk [tilespmem:v4+s14+$0x0], $0xffff  }
0x31: {  	v57 =	vand.u32 $0x388, v14;
	v14 =	vor.u32 v2, v16;
	v18 =	vor.u32 v61, v12  }
0x32: {  	v19 =	vor.u32 v3, v17;
	v20 =	vor.u32 v57, v14;
	v16 =	vperm.xlane v29, v17  }
0x33: {  	v22 =	vor.u32 v3, v37;
	v21 =	vperm.xlane v29, v37  }
0x34: {  	v0 =	vadd.f32 v0, v16  }
0x35: {  	v23 =	vld [tilespmem:s25+$0x6410];
	[tilespmem:$0x1FE20] =	vst v5;
	v4 =	vadd.f32 v4, v21  }
0x36: {  	v38 =	vld [tilespmem:s25+$0x6420];
	[tilespmem:v18+s17+$0x0] =	vst.idx.msk $0xffff, v0  }
0x37: {  	[tilespmem:v20+s17+$0x0] =	vst.idx.msk $0xffff, v4;
	v18 =	vld.idx.msk [tilespmem:v19+s14+$0x0], $0xffff  }
0x38: {  	v34 =	vor.u32 v7, v6;
	v35 =	vld.idx.msk [tilespmem:v22+s14+$0x0], $0xffff  }
0x39: {  	v50 =	vand.u32 $0x398, v34;
	v4 =	vor.u32 v7, v10;
	v5 =	vld [tilespmem:$0x1FF20]  }
0x3a: {  	v19 =	vor.u32 v50, v12;
	v53 =	vand.u32 $0x398, v4  }
0x3b: {  	v20 =	vor.u32 v53, v14;
	_ =	sdelay $0x1  }
0x3c: {  	v18 =	vadd.f32 v18, v16  }
0x3d: {  	v4 =	vor.u32 v5, v17;
	v0 =	vadd.f32 v35, v21  }
0x3e: {  	v22 =	vor.u32 v5, v37;
	[tilespmem:v19+s17+$0x0] =	vst.idx.msk $0xffff, v18  }
0x3f: {  	[tilespmem:v20+s17+$0x0] =	vst.idx.msk $0xffff, v0  }
0x40: {  	v31 =	vmov v7;
	v7 =	vld [tilespmem:$0x1FF30];
	_ =	sdelay $0x1  }
0x41: {  	v18 =	vor.u32 v9, v6;
	v4 =	vld.idx.msk [tilespmem:v4+s14+$0x0], $0xffff  }
0x42: {  	v26 =	vand.u32 $0x3A8, v18;
	v18 =	vor.u32 v9, v10;
	v0 =	vld.idx.msk [tilespmem:v22+s14+$0x0], $0xffff  }
0x43: {  	v19 =	vor.u32 v26, v12;
	v24 =	vand.u32 $0x3A8, v18  }
0x44: {  	v20 =	vor.u32 v24, v14;
	v18 =	vor.u32 v7, v17  }
0x45: {  	v22 =	vor.u32 v7, v37  }
0x46: {  	[tilespmem:$0x1FD30] =	vst v26;
	v4 =	vadd.f32 v4, v16  }
0x47: {  	[tilespmem:$0x1FD40] =	vst v24;
	v0 =	vadd.f32 v0, v21  }
0x48: {  	[tilespmem:v19+s17+$0x0] =	vst.idx.msk $0xffff, v4  }
0x49: {  	[tilespmem:v20+s17+$0x0] =	vst.idx.msk $0xffff, v0;
	v18 =	vld.idx.msk [tilespmem:v18+s14+$0x0], $0xffff  }
0x4a: {  	v4 =	vor.u32 v49, v6;
	v0 =	vld.idx.msk [tilespmem:v22+s14+$0x0], $0xffff  }
0x4b: {  	v47 =	vmov v9;
	v32 =	vand.u32 $0x3B8, v4;
	v4 =	vor.u32 v49, v10;
	v9 =	vld [tilespmem:$0x1FF40]  }
0x4c: {  	v19 =	vor.u32 v32, v12;
	v30 =	vand.u32 $0x3B8, v4  }
0x4d: {  	v20 =	vor.u32 v30, v14;
	_ =	sdelay $0x1  }
0x4e: {  	[tilespmem:$0x1FD80] =	vst v32;
	v18 =	vadd.f32 v18, v16  }
0x4f: {  	[tilespmem:$0x1FD90] =	vst v30;
	v4 =	vor.u32 v9, v17;
	v0 =	vadd.f32 v0, v21  }
0x50: {  	v22 =	vor.u32 v9, v37;
	[tilespmem:v19+s17+$0x0] =	vst.idx.msk $0xffff, v18  }
0x51: {  	[tilespmem:v20+s17+$0x0] =	vst.idx.msk $0xffff, v0  }
0x52: {  	v52 =	vld [tilespmem:$0x1FF50];
	_ =	sdelay $0x1  }
0x53: {  	v18 =	vor.u32 v41, v6;
	v4 =	vld.idx.msk [tilespmem:v4+s14+$0x0], $0xffff  }
0x54: {  	v33 =	vand.u32 $0x3C8, v18;
	v18 =	vor.u32 v41, v10;
	v0 =	vld.idx.msk [tilespmem:v22+s14+$0x0], $0xffff  }
0x55: {  	v19 =	vor.u32 v33, v12;
	v34 =	vand.u32 $0x3C8, v18  }
0x56: {  	v20 =	vor.u32 v34, v14;
	v18 =	vor.u32 v52, v17;
	_ =	sdelay $0x1  }
0x57: {  	[tilespmem:$0x1FDC0] =	vst v33;
	v22 =	vor.u32 v52, v37;
	v4 =	vadd.f32 v4, v16  }
0x58: {  	[tilespmem:$0x1FDD0] =	vst v34;
	v0 =	vadd.f32 v0, v21  }
0x59: {  	[tilespmem:v19+s17+$0x0] =	vst.idx.msk $0xffff, v4  }
0x5a: {  	[tilespmem:v20+s17+$0x0] =	vst.idx.msk $0xffff, v0;
	v18 =	vld.idx.msk [tilespmem:v18+s14+$0x0], $0xffff  }
0x5b: {  	v4 =	vor.u32 v43, v6;
	v13 =	vld [tilespmem:$0x1FF60]  }
0x5c: {  	v8 =	vand.u32 $0x3D8, v4;
	v0 =	vld.idx.msk [tilespmem:v22+s14+$0x0], $0xffff;
	v4 =	vor.u32 v43, v10  }
0x5d: {  	v19 =	vor.u32 v8, v12;
	v58 =	vand.u32 $0x3D8, v4  }
0x5e: {  	v20 =	vor.u32 v58, v14;
	_ =	sdelay $0x1  }
0x5f: {  	[tilespmem:$0x1FE00] =	vst v8;
	v4 =	vor.u32 v13, v17;
	v18 =	vadd.f32 v18, v16  }
0x60: {  	[tilespmem:$0x1FE10] =	vst v58;
	v22 =	vor.u32 v13, v37;
	v0 =	vadd.f32 v0, v21  }
0x61: {  	[tilespmem:v19+s17+$0x0] =	vst.idx.msk $0xffff, v18  }
0x62: {  	[tilespmem:v20+s17+$0x0] =	vst.idx.msk $0xffff, v0  }
0x63: {  	v62 =	vld [tilespmem:$0x1FF80]  }
0x64: {  	v18 =	vor.u32 v45, v6;
	v4 =	vld.idx.msk [tilespmem:v4+s14+$0x0], $0xffff  }
0x65: {  	v60 =	vand.u32 $0x3E8, v18;
	v18 =	vor.u32 v45, v10;
	v0 =	vld.idx.msk [tilespmem:v22+s14+$0x0], $0xffff  }
0x66: {  	v19 =	vor.u32 v60, v12;
	v11 =	vand.u32 $0x3E8, v18  }
0x67: {  	v20 =	vor.u32 v11, v14  }
0x68: {  	v18 =	vor.u32 v62, v17  }
0x69: {  	[tilespmem:$0x1FEF0] =	vst v60;
	v22 =	vor.u32 v62, v37;
	v4 =	vadd.f32 v4, v16  }
0x6a: {  	[tilespmem:$0x1FC60] =	vst v11;
	v0 =	vadd.f32 v0, v21  }
0x6b: {  	[tilespmem:v19+s17+$0x0] =	vst.idx.msk $0xffff, v4  }
0x6c: {  	v6 =	vor.u32 v46, v6;
	[tilespmem:v20+s17+$0x0] =	vst.idx.msk $0xffff, v0  }
0x6d: {  	v11 =	vand.u32 $0x3F8, v6;
	v4 =	vld.idx.msk [tilespmem:v18+s14+$0x0], $0xffff;
	[tilespmem:$0x1FE50] =	vst v40  }
0x6e: {  	v36 =	vor.u32 $0x10, v40;
	v10 =	vor.u32 v46, v10;
	v6 =	vor.u32 v11, v12;
	v12 =	vld.idx.msk [tilespmem:v22+s14+$0x0], $0xffff  }
0x6f: {  	v51 =	vand.u32 $0x3F8, v10;
	v19 =	vand.u32 $0x1F, v36;
	v18 =	vor.u32 $0x10, v56  }
0x70: {  	v14 =	vor.u32 v51, v14;
	v10 =	vor.u32 v1, v19;
	v22 =	vand.u32 $0x1F, v18  }
0x71: {  	v20 =	vor.u32 v1, v22  }
0x72: {  	v4 =	vadd.f32 v4, v16  }
0x73: {  	v12 =	vadd.f32 v12, v21  }
0x74: {  	v0 =	vshll.u32 v36, $0x7;
	[tilespmem:v6+s17+$0x0] =	vst.idx.msk $0xffff, v4  }
0x75: {  	v0 =	vand.u32 $0xC00, v0;
	v4 =	vshll.u32 v18, $0x7;
	v10 =	vld.idx.msk [tilespmem:v10+s14+$0x0], $0xffff;
	[tilespmem:v14+s17+$0x0] =	vst.idx.msk $0xffff, v12  }
0x76: {  	v6 =	vor.u32 v2, v0;
	v39 =	vand.u32 $0xC00, v4;
	v12 =	vld.idx.msk [tilespmem:v20+s14+$0x0], $0xffff  }
0x77: {  	v14 =	vor.u32 v61, v6;
	v21 =	vor.u32 v2, v39  }
0x78: {  	v16 =	vor.u32 v3, v19;
	v0 =	vperm.xlane v23, v17;
	v18 =	vor.u32 v57, v21  }
0x79: {  	v4 =	vperm.xlane v23, v37;
	v20 =	vor.u32 v3, v22  }
0x7a: {  	v10 =	vadd.f32 v10, v0  }
0x7b: {  	[tilespmem:$0x1FDA0] =	vst v23;
	v12 =	vadd.f32 v12, v4  }
0x7c: {  	[tilespmem:v14+s17+$0x0] =	vst.idx.msk $0xffff, v10  }
0x7d: {  	v10 =	vld.idx.msk [tilespmem:v16+s14+$0x0], $0xffff;
	[tilespmem:v18+s17+$0x0] =	vst.idx.msk $0xffff, v12  }
0x7e: {  	v12 =	vld.idx.msk [tilespmem:v20+s14+$0x0], $0xffff  }
0x7f: {  	v14 =	vor.u32 v50, v6  }
0x80: {  	v16 =	vor.u32 v5, v19;
	v18 =	vor.u32 v53, v21  }
0x81: {  	v20 =	vor.u32 v5, v22  }
0x82: {  	v10 =	vadd.f32 v10, v0  }
0x83: {  	s29 =	simm.s32 $0x2;
	v12 =	vadd.f32 v12, v4  }
0x84: {  	v59 =	vadd.s32 s29, v25;
	[tilespmem:v14+s17+$0x0] =	vst.idx.msk $0xffff, v10  }
0x85: {  	v39 =	vand.u32 $0xF, v59;
	v14 =	vld.idx.msk [tilespmem:v16+s14+$0x0], $0xffff;
	[tilespmem:v18+s17+$0x0] =	vst.idx.msk $0xffff, v12  }
0x86: {  	v12 =	vor.u32 v1, v39;
	v16 =	vld.idx.msk [tilespmem:v20+s14+$0x0], $0xffff  }
0x87: {  	v18 =	vor.u32 v26, v6  }
0x88: {  	v23 =	vor.u32 v24, v21  }
0x89: {  	v20 =	vor.u32 v7, v19  }
0x8a: {  	v24 =	vor.u32 v7, v22;
	v14 =	vadd.f32 v14, v0  }
0x8b: {  	v10 =	vshll.u32 v59, $0x7;
	v28 =	vld.idx.msk [tilespmem:v12+s14+$0x0], $0xffff;
	v12 =	vadd.f32 v16, v4  }
0x8c: {  	s30 =	simm.s32 $0x3;
	v26 =	vor.u32 v25, v10;
	v27 =	vand.u32 $0x400, v10;
	[tilespmem:v18+s17+$0x0] =	vst.idx.msk $0xffff, v14  }
0x8d: {  	v44 =	vadd.s32 s30, v25;
	v63 =	vand.u32 $0x388, v26;
	v14 =	vor.u32 v2, v27;
	[tilespmem:v23+s17+$0x0] =	vst.idx.msk $0xffff, v12  }
0x8e: {  	v55 =	vand.u32 $0xF, v44;
	v16 =	vld.idx.msk [tilespmem:v20+s14+$0x0], $0xffff;
	v18 =	vor.u32 v63, v14;
	[tilespmem:$0x1FEB0] =	vst v29  }
0x8f: {  	v12 =	vperm.xlane v29, v39;
	v23 =	vor.u32 v1, v55;
	v20 =	vld.idx.msk [tilespmem:v24+s14+$0x0], $0xffff  }
0x90: {  	v26 =	vor.u32 v32, v6;
	v24 =	vor.u32 v3, v39  }
0x91: {  	v15 =	vmovc v29;
	v29 =	vor.u32 v30, v21;
	v27 =	vadd.f32 v28, v12;
	v28 =	vor.u32 v9, v19  }
0x92: {  	v36 =	vmov v31;
	v30 =	vor.u32 v9, v22  }
0x93: {  	v31 =	vor.u32 v31, v10;
	v16 =	vadd.f32 v16, v0;
	[tilespmem:v18+s17+$0x0] =	vst.idx.msk $0xffff, v27;
	v18 =	vshll.u32 v44, $0x7  }
0x94: {  	v23 =	vld.idx.msk [tilespmem:v23+s14+$0x0], $0xffff;
	v42 =	vand.u32 $0x400, v18;
	v27 =	vadd.f32 v20, v4;
	v20 =	vor.u32 v25, v18  }
0x95: {  	v24 =	vld.idx.msk [tilespmem:v24+s14+$0x0], $0xffff;
	[tilespmem:v26+s17+$0x0] =	vst.idx.msk $0xffff, v16;
	v54 =	vand.u32 $0x388, v20;
	v20 =	vor.u32 v2, v42  }
0x96: {  	v42 =	vand.u32 $0x398, v31;
	v26 =	vld.idx.msk [tilespmem:v28+s14+$0x0], $0xffff;
	[tilespmem:v29+s17+$0x0] =	vst.idx.msk $0xffff, v27;
	v27 =	vor.u32 v54, v20  }
0x97: {  	v16 =	vperm.xlane v15, v55;
	v28 =	vor.u32 v42, v14;
	v29 =	vld.idx.msk [tilespmem:v30+s14+$0x0], $0xffff;
	v30 =	vor.u32 v3, v55  }
0x98: {  	v32 =	vor.u32 v33, v6;
	v31 =	vor.u32 v5, v39  }
0x99: {  	v48 =	vor.u32 v52, v19;
	v34 =	vor.u32 v34, v21;
	v23 =	vadd.f32 v23, v16  }
0x9a: {  	v35 =	vor.u32 v52, v22;
	v24 =	vadd.f32 v24, v12  }
0x9b: {  	v26 =	vadd.f32 v26, v0;
	[tilespmem:v27+s17+$0x0] =	vst.idx.msk $0xffff, v23  }
0x9c: {  	[tilespmem:v28+s17+$0x0] =	vst.idx.msk $0xffff, v24;
	v27 =	vor.u32 v36, v18;
	v23 =	vld.idx.msk [tilespmem:v30+s14+$0x0], $0xffff;
	v24 =	vadd.f32 v29, v4  }
0x9d: {  	v28 =	vor.u32 v47, v10;
	[tilespmem:v32+s17+$0x0] =	vst.idx.msk $0xffff, v26;
	v26 =	vld.idx.msk [tilespmem:v31+s14+$0x0], $0xffff;
	v36 =	vand.u32 $0x398, v27  }
0x9e: {  	v27 =	vld.idx.msk [tilespmem:v48+s14+$0x0], $0xffff;
	v48 =	vand.u32 $0x3A8, v28;
	[tilespmem:v34+s17+$0x0] =	vst.idx.msk $0xffff, v24;
	v24 =	vor.u32 v36, v20  }
0x9f: {  	v29 =	vor.u32 v48, v14;
	v28 =	vld.idx.msk [tilespmem:v35+s14+$0x0], $0xffff  }
0xa0: {  	v32 =	vor.u32 v8, v6  }
0xa1: {  	v30 =	vor.u32 v5, v55;
	v34 =	vor.u32 v58, v21;
	v23 =	vadd.f32 v23, v16  }
0xa2: {  	v26 =	vadd.f32 v26, v12  }
0xa3: {  	v31 =	vor.u32 v7, v39;
	[tilespmem:v24+s17+$0x0] =	vst.idx.msk $0xffff, v23;
	v23 =	vadd.f32 v27, v0  }
0xa4: {  	v33 =	vor.u32 v13, v19;
	[tilespmem:v29+s17+$0x0] =	vst.idx.msk $0xffff, v26;
	v26 =	vadd.f32 v28, v4  }
0xa5: {  	v58 =	vor.u32 v13, v22;
	[tilespmem:v32+s17+$0x0] =	vst.idx.msk $0xffff, v23  }
0xa6: {  	v24 =	vld.idx.msk [tilespmem:v30+s14+$0x0], $0xffff;
	[tilespmem:v34+s17+$0x0] =	vst.idx.msk $0xffff, v26  }
0xa7: {  	v27 =	vor.u32 v47, v18;
	v8 =	vld [tilespmem:$0x1FC60]  }
0xa8: {  	v28 =	vor.u32 v49, v10;
	v29 =	vld.idx.msk [tilespmem:v31+s14+$0x0], $0xffff;
	v47 =	vand.u32 $0x3A8, v27  }
0xa9: {  	v28 =	vand.u32 $0x3B8, v28;
	v23 =	vld.idx.msk [tilespmem:v33+s14+$0x0], $0xffff;
	v26 =	vor.u32 v47, v20  }
0xaa: {  	v27 =	vld.idx.msk [tilespmem:v58+s14+$0x0], $0xffff;
	[tilespmem:$0x1FC50] =	vst v28;
	v28 =	vor.u32 v28, v14  }
0xab: {  	v31 =	vor.u32 v60, v6  }
0xac: {  	v30 =	vor.u32 v7, v55;
	v24 =	vadd.f32 v24, v16;
	v60 =	vor.u32 v8, v21  }
0xad: {  	v32 =	vor.u32 v62, v19;
	v19 =	vadd.f32 v29, v12  }
0xae: {  	v22 =	vor.u32 v62, v22;
	[tilespmem:v26+s17+$0x0] =	vst.idx.msk $0xffff, v24;
	v23 =	vadd.f32 v23, v0  }
0xaf: {  	[tilespmem:v28+s17+$0x0] =	vst.idx.msk $0xffff, v19;
	v26 =	vadd.f32 v27, v4  }
0xb0: {  	v29 =	vor.u32 v9, v39;
	v19 =	vor.u32 v49, v18;
	[tilespmem:v31+s17+$0x0] =	vst.idx.msk $0xffff, v23  }
0xb1: {  	v34 =	vor.u32 v41, v10;
	v24 =	vld.idx.msk [tilespmem:v30+s14+$0x0], $0xffff;
	v30 =	vand.u32 $0x3B8, v19;
	[tilespmem:v60+s17+$0x0] =	vst.idx.msk $0xffff, v26  }
0xb2: {  	v35 =	vor.u32 $0x20, v17;
	v6 =	vor.u32 v11, v6;
	v34 =	vand.u32 $0x3C8, v34;
	v23 =	vld.idx.msk [tilespmem:v32+s14+$0x0], $0xffff;
	[tilespmem:$0x1FC70] =	vst v30  }
0xb3: {  	v27 =	vand.u32 $0x7, v40;
	v28 =	vand.u32 $0x28, v35;
	v26 =	vor.u32 v30, v20;
	v22 =	vld.idx.msk [tilespmem:v22+s14+$0x0], $0xffff  }
0xb4: {  	v19 =	vor.u32 v27, v28;
	v27 =	vor.u32 v9, v55;
	v30 =	vor.u32 $0x20, v37  }
0xb5: {  	v40 =	vor.u32 v51, v21;
	v31 =	vand.u32 $0x7, v56;
	v29 =	vld.idx.msk [tilespmem:v29+s14+$0x0], $0xffff;
	[tilespmem:$0x1FC80] =	vst v56;
	v56 =	vand.u32 $0x28, v30  }
0xb6: {  	v28 =	vor.u32 v1, v19;
	v24 =	vadd.f32 v24, v16;
	v21 =	vor.u32 v31, v56  }
0xb7: {  	[tilespmem:$0x1FC90] =	vst v34;
	v34 =	vor.u32 v34, v14;
	v0 =	vadd.f32 v23, v0;
	v32 =	vor.u32 v1, v21  }
0xb8: {  	v23 =	vor.u32 v52, v39;
	[tilespmem:v26+s17+$0x0] =	vst.idx.msk $0xffff, v24;
	v4 =	vadd.f32 v22, v4  }
0xb9: {  	[tilespmem:v6+s17+$0x0] =	vst.idx.msk $0xffff, v0;
	v24 =	vld.idx.msk [tilespmem:v27+s14+$0x0], $0xffff;
	v27 =	vshll.u32 v35, $0x7;
	v22 =	vor.u32 v41, v18  }
0xba: {  	v60 =	vmovc v51;
	v26 =	vadd.f32 v29, v12;
	v51 =	vand.u32 $0x1400, v27;
	v6 =	vand.u32 $0x3C8, v22;
	[tilespmem:v40+s17+$0x0] =	vst.idx.msk $0xffff, v4  }
0xbb: {  	v58 =	vperm.xlane v38, v17;
	v22 =	vld.idx.msk [tilespmem:v28+s14+$0x0], $0xffff;
	v51 =	vor.u32 v2, v51;
	v4 =	vshll.u32 v30, $0x7;
	[tilespmem:$0x1FCA0] =	vst v6  }
0xbc: {  	v27 =	vor.u32 v6, v20;
	v56 =	vand.u32 $0x1400, v4;
	v28 =	vld.idx.msk [tilespmem:v32+s14+$0x0], $0xffff;
	[tilespmem:v34+s17+$0x0] =	vst.idx.msk $0xffff, v26  }
0xbd: {  	v29 =	vor.u32 v52, v55;
	v26 =	vor.u32 v61, v51;
	v6 =	vor.u32 v2, v56;
	[tilespmem:$0x1FCB0] =	vst v61  }
0xbe: {  	v31 =	vor.u32 v43, v10;
	v30 =	vor.u32 v3, v19;
	v0 =	vor.u32 v57, v6;
	v23 =	vld.idx.msk [tilespmem:v23+s14+$0x0], $0xffff  }
0xbf: {  	v40 =	vand.u32 $0x3D8, v31;
	v4 =	vperm.xlane v38, v37;
	v24 =	vadd.f32 v24, v16;
	[tilespmem:$0x1FCC0] =	vst v57  }
0xc0: {  	v33 =	vor.u32 v40, v14;
	[tilespmem:$0x1FCD0] =	vst v40;
	v22 =	vadd.f32 v22, v58  }
0xc1: {  	v31 =	vor.u32 v3, v21;
	[tilespmem:v27+s17+$0x0] =	vst.idx.msk $0xffff, v24;
	v27 =	vadd.f32 v28, v4  }
0xc2: {  	v24 =	vld.idx.msk [tilespmem:v29+s14+$0x0], $0xffff;
	v28 =	vor.u32 v43, v18;
	[tilespmem:v26+s17+$0x0] =	vst.idx.msk $0xffff, v22  }
0xc3: {  	v29 =	vor.u32 v13, v39;
	v26 =	vand.u32 $0x3D8, v28;
	v22 =	vadd.f32 v23, v12;
	[tilespmem:v0+s17+$0x0] =	vst.idx.msk $0xffff, v27  }
0xc4: {  	v23 =	vld.idx.msk [tilespmem:v30+s14+$0x0], $0xffff;
	[tilespmem:$0x1FCE0] =	vst v26  }
0xc5: {  	v26 =	vor.u32 v26, v20;
	[tilespmem:v33+s17+$0x0] =	vst.idx.msk $0xffff, v22  }
0xc6: {  	v27 =	vld.idx.msk [tilespmem:v31+s14+$0x0], $0xffff;
	[tilespmem:$0x1FCF0] =	vst v50  }
0xc7: {  	v28 =	vor.u32 v13, v55;
	v22 =	vor.u32 v50, v51;
	[tilespmem:$0x1FD00] =	vst v53  }
0xc8: {  	v56 =	vor.u32 v45, v10;
	v24 =	vadd.f32 v24, v16;
	v31 =	vor.u32 v53, v6;
	v29 =	vld.idx.msk [tilespmem:v29+s14+$0x0], $0xffff  }
0xc9: {  	v32 =	vand.u32 $0x3E8, v56;
	v30 =	vor.u32 v5, v19  }
0xca: {  	v23 =	vadd.f32 v23, v58;
	[tilespmem:v26+s17+$0x0] =	vst.idx.msk $0xffff, v24;
	v24 =	vor.u32 v32, v14  }
0xcb: {  	[tilespmem:$0x1FD10] =	vst v32;
	v27 =	vadd.f32 v27, v4  }
0xcc: {  	v26 =	vld.idx.msk [tilespmem:v28+s14+$0x0], $0xffff;
	v28 =	vor.u32 v45, v18;
	[tilespmem:v22+s17+$0x0] =	vst.idx.msk $0xffff, v23  }
0xcd: {  	v23 =	vand.u32 $0x3E8, v28;
	[tilespmem:v31+s17+$0x0] =	vst.idx.msk $0xffff, v27;
	v27 =	vadd.f32 v29, v12  }
0xce: {  	v22 =	vld.idx.msk [tilespmem:v30+s14+$0x0], $0xffff;
	[tilespmem:$0x1FD20] =	vst v23  }
0xcf: {  	[tilespmem:v24+s17+$0x0] =	vst.idx.msk $0xffff, v27  }
0xd0: {  	v57 =	vor.u32 v5, v21;
	v35 =	vld [tilespmem:$0x1FD30]  }
0xd1: {  	v61 =	vor.u32 v62, v39  }
0xd2: {  	v40 =	vld [tilespmem:$0x1FD40]  }
0xd3: {  	v23 =	vor.u32 v23, v20  }
0xd4: {  	v29 =	vor.u32 v62, v55  }
0xd5: {  	v10 =	vor.u32 v46, v10;
	v28 =	vld.idx.msk [tilespmem:v57+s14+$0x0], $0xffff;
	v27 =	vor.u32 v35, v51  }
0xd6: {  	v10 =	vand.u32 $0x3F8, v10;
	v30 =	vld.idx.msk [tilespmem:v61+s14+$0x0], $0xffff;
	v26 =	vadd.f32 v26, v16  }
0xd7: {  	[tilespmem:$0x1FD50] =	vst v10;
	v50 =	vor.u32 v40, v6  }
0xd8: {  	v14 =	vor.u32 v10, v14;
	v22 =	vadd.f32 v22, v58;
	[tilespmem:v23+s17+$0x0] =	vst.idx.msk $0xffff, v26  }
0xd9: {  	v18 =	vor.u32 v46, v18;
	v26 =	vld.idx.msk [tilespmem:v29+s14+$0x0], $0xffff;
	[tilespmem:$0x1FD60] =	vst v44  }
0xda: {  	v53 =	vand.u32 $0x3F8, v18;
	v28 =	vadd.f32 v28, v4;
	[tilespmem:v27+s17+$0x0] =	vst.idx.msk $0xffff, v22  }
0xdb: {  	v31 =	vor.u32 v7, v19;
	v12 =	vadd.f32 v30, v12;
	[tilespmem:$0x1FD70] =	vst v53  }
0xdc: {  	[tilespmem:v50+s17+$0x0] =	vst.idx.msk $0xffff, v28  }
0xdd: {  	[tilespmem:v14+s17+$0x0] =	vst.idx.msk $0xffff, v12  }
0xde: {  	v24 =	vor.u32 $0x10, v59;
	v56 =	vld [tilespmem:$0x1FD80]  }
0xdf: {  	v34 =	vand.u32 $0x1F, v24;
	v23 =	vor.u32 v7, v21;
	v29 =	vor.u32 $0x10, v44  }
0xe0: {  	v20 =	vor.u32 v53, v20;
	v18 =	vor.u32 v1, v34;
	v53 =	vand.u32 $0x1F, v29;
	v22 =	vld.idx.msk [tilespmem:v31+s14+$0x0], $0xffff  }
0xe1: {  	v27 =	vor.u32 v1, v53;
	v57 =	vld [tilespmem:$0x1FD90]  }
0xe2: {  	v24 =	vshll.u32 v24, $0x7  }
0xe3: {  	v16 =	vadd.f32 v26, v16;
	v12 =	vand.u32 $0xC00, v24;
	v61 =	vld [tilespmem:$0x1FDA0];
	v24 =	vor.u32 v56, v51  }
0xe4: {  	v23 =	vld.idx.msk [tilespmem:v23+s14+$0x0], $0xffff  }
0xe5: {  	v18 =	vld.idx.msk [tilespmem:v18+s14+$0x0], $0xffff;
	v14 =	vor.u32 v2, v12;
	[tilespmem:v20+s17+$0x0] =	vst.idx.msk $0xffff, v16;
	v16 =	vshll.u32 v29, $0x7  }
0xe6: {  	v16 =	vand.u32 $0xC00, v16;
	v22 =	vadd.f32 v22, v58;
	v27 =	vld.idx.msk [tilespmem:v27+s14+$0x0], $0xffff;
	v28 =	vor.u32 v57, v6  }
0xe7: {  	v30 =	vor.u32 v63, v14;
	v20 =	vor.u32 v2, v16  }
0xe8: {  	v12 =	vperm.xlane v61, v39;
	[tilespmem:v24+s17+$0x0] =	vst.idx.msk $0xffff, v22;
	v24 =	vor.u32 v54, v20  }
0xe9: {  	v23 =	vadd.f32 v23, v4;
	v16 =	vperm.xlane v61, v55  }
0xea: {  	v26 =	vor.u32 v9, v19;
	v18 =	vadd.f32 v18, v12;
	[tilespmem:$0x1FDB0] =	vst v54  }
0xeb: {  	v27 =	vadd.f32 v27, v16;
	[tilespmem:v28+s17+$0x0] =	vst.idx.msk $0xffff, v23  }
0xec: {  	v29 =	vor.u32 v9, v21;
	v33 =	vld [tilespmem:$0x1FDC0];
	[tilespmem:v30+s17+$0x0] =	vst.idx.msk $0xffff, v18  }
0xed: {  	[tilespmem:v24+s17+$0x0] =	vst.idx.msk $0xffff, v27  }
0xee: {  	v35 =	vld [tilespmem:$0x1FDD0]  }
0xef: {  	v22 =	vor.u32 v3, v34;
	v26 =	vld.idx.msk [tilespmem:v26+s14+$0x0], $0xffff  }
0xf0: {  	v31 =	vor.u32 v3, v53  }
0xf1: {  	v23 =	vld.idx.msk [tilespmem:v29+s14+$0x0], $0xffff;
	v28 =	vor.u32 v33, v51;
	_ =	sdelay $0x1  }
0xf2: {  	v24 =	vor.u32 v35, v6  }
0xf3: {  	v22 =	vld.idx.msk [tilespmem:v22+s14+$0x0], $0xffff;
	v26 =	vadd.f32 v26, v58  }
0xf4: {  	v27 =	vor.u32 v52, v21;
	v29 =	vld.idx.msk [tilespmem:v31+s14+$0x0], $0xffff;
	[tilespmem:$0x1FDE0] =	vst v42  }
0xf5: {  	v30 =	vor.u32 v42, v14;
	v23 =	vadd.f32 v23, v4;
	[tilespmem:v28+s17+$0x0] =	vst.idx.msk $0xffff, v26  }
0xf6: {  	v18 =	vor.u32 v52, v19;
	v26 =	vor.u32 v36, v20;
	[tilespmem:$0x1FDF0] =	vst v36  }
0xf7: {  	[tilespmem:v24+s17+$0x0] =	vst.idx.msk $0xffff, v23  }
0xf8: {  	v22 =	vadd.f32 v22, v12;
	v44 =	vld [tilespmem:$0x1FE00]  }
0xf9: {  	v24 =	vld.idx.msk [tilespmem:v27+s14+$0x0], $0xffff;
	v27 =	vadd.f32 v29, v16  }
0xfa: {  	[tilespmem:v30+s17+$0x0] =	vst.idx.msk $0xffff, v22  }
0xfb: {  	v28 =	vor.u32 v5, v34;
	v18 =	vld.idx.msk [tilespmem:v18+s14+$0x0], $0xffff;
	[tilespmem:v26+s17+$0x0] =	vst.idx.msk $0xffff, v27  }
0xfc: {  	v23 =	vor.u32 v5, v53;
	v54 =	vld [tilespmem:$0x1FE20]  }
0xfd: {  	s31 =	simm.s32 $0x4;
	v29 =	vor.u32 v44, v51  }
0xfe: {  	v10 =	vadd.s32 s31, v25  }
0xff: {  	v26 =	vshll.u32 v10, $0x7  }
0x100: {  	v40 =	vmov v8;
	v30 =	vld.idx.msk [tilespmem:v28+s14+$0x0], $0xffff;
	v22 =	vadd.f32 v18, v58;
	v8 =	vor.u32 v46, v26  }
0x101: {  	v0 =	vperm.xlane v54, v17;
	v17 =	vld.idx.msk [tilespmem:v23+s14+$0x0], $0xffff;
	[tilespmem:$0x1FE30] =	vst v8  }
0x102: {  	v50 =	vld [tilespmem:$0x1FE10];
	[tilespmem:v29+s17+$0x0] =	vst.idx.msk $0xffff, v22  }
0x103: {  	v8 =	vld [tilespmem:$0x1FE50];
	_ =	sdelay $0x4  }
0x104: {  	v22 =	vor.u32 $0x30, v8;
	v8 =	vor.u32 v45, v26  }
0x105: {  	[tilespmem:$0x1FE60] =	vst v8;
	v8 =	vor.u32 v43, v26  }
0x106: {  	[tilespmem:$0x1FE70] =	vst v8;
	v8 =	vld [tilespmem:$0x1FFE0];
	_ =	sdelay $0x3  }
0x107: {  	v28 =	vor.u32 v50, v6  }
0x108: {  	v42 =	vor.u32 v8, v26;
	v8 =	vld [tilespmem:$0x1FFF0];
	_ =	sdelay $0x1  }
0x109: {  	v24 =	vadd.f32 v24, v4;
	v29 =	vor.u32 v48, v14  }
0x10a: {  	[tilespmem:$0x1FE40] =	vst v48  }
0x10b: {  	v36 =	vor.u32 v41, v26;
	v35 =	vor.u32 v49, v26;
	[tilespmem:v28+s17+$0x0] =	vst.idx.msk $0xffff, v24;
	v24 =	vand.u32 $0x400, v26  }
0x10c: {  	v49 =	vor.u32 v8, v26;
	v8 =	vor.u32 v25, v26;
	v26 =	vadd.f32 v30, v12  }
0x10d: {  	v23 =	vmovc v55;
	v55 =	vperm.xlane v38, v39;
	v45 =	vadd.f32 v17, v16;
	v17 =	vor.u32 v13, v19  }
0x10e: {  	v30 =	vor.u32 v62, v19;
	v19 =	vand.u32 $0x388, v8;
	v8 =	vor.u32 v13, v21;
	[tilespmem:v29+s17+$0x0] =	vst.idx.msk $0xffff, v26  }
0x10f: {  	v15 =	vmovc v11;
	v11 =	vmov v59;
	v59 =	vmov v58;
	v58 =	vand.u32 $0xF, v10;
	[tilespmem:$0x1FE80] =	vst v38  }
0x110: {  	v56 =	vor.u32 v13, v58;
	v26 =	vor.u32 v2, v24;
	v24 =	vor.u32 v1, v58;
	[tilespmem:$0x1FE90] =	vst v55  }
0x111: {  	v61 =	vor.u32 v7, v34;
	[tilespmem:$0x1FEA0] =	vst v56  }
0x112: {  	v13 =	vand.u32 $0x3F, v22;
	v28 =	vld.idx.msk [tilespmem:v17+s14+$0x0], $0xffff  }
0x113: {  	v55 =	vor.u32 v52, v13;
	v31 =	vld.idx.msk [tilespmem:v8+s14+$0x0], $0xffff;
	[tilespmem:$0x1FEC0] =	vst v47  }
0x114: {  	v54 =	vld [tilespmem:$0x1FEB0];
	v56 =	vor.u32 v9, v13;
	[tilespmem:$0x1FED0] =	vst v55  }
0x115: {  	v43 =	vor.u32 v5, v58;
	v5 =	vmovc v4;
	v4 =	vmov v6;
	v6 =	vmov v51;
	v51 =	vld.idx.msk [tilespmem:v24+s14+$0x0], $0xffff;
	[tilespmem:$0x1FEE0] =	vst v56  }
0x116: {  	v44 =	vld.idx.msk [tilespmem:v61+s14+$0x0], $0xffff  }
0x117: {  	v61 =	vld [tilespmem:$0x1FEF0];
	_ =	sdelay $0x1  }
0x118: {  	v46 =	vor.u32 v7, v53;
	v32 =	vor.u32 v52, v58;
	v41 =	vor.u32 v7, v58  }
0x119: {  	v57 =	vmovc v39;
	v50 =	vor.u32 v3, v58;
	v33 =	vor.u32 v40, v4;
	v29 =	vor.u32 v62, v21  }
0x11a: {  	v48 =	vmovc v34;
	v38 =	vor.u32 v9, v58;
	v17 =	vor.u32 v3, v13;
	v47 =	vor.u32 v47, v20  }
0x11b: {  	s28 =	simm.s32 $0x5;
	s26 =	simm.s32 $0x6;
	s25 =	sshll.u32 s23, $0x1;
	v62 =	vmovc v0;
	v24 =	vor.u32 v1, v13;
	v21 =	vperm.xlane v54, v58;
	v34 =	vor.u32 v61, v6  }
.LBB2_3:
0x11c: {  	v2 =	vmov v58;
	v58 =	vld [tilespmem:$0x1FC50]  }
0x11d: {  	[tilespmem:$0x1FC40] =	vst v10;
	v10 =	vld [tilespmem:$0x1FF70]  }
0x11e: {  	v61 =	vmov v57;
	v57 =	vld [tilespmem:$0x1FF50]  }
0x11f: {  	v9 =	vld [tilespmem:$0x1FF40];
	[tilespmem:$0x1FBF0] =	vst v15  }
0x120: {  	v56 =	vld [tilespmem:$0x1FC70];
	[tilespmem:$0x1FC00] =	vst v60  }
0x121: {  	v40 =	vadd.f32 v28, v59;
	v4 =	vor.u32 v60, v4;
	v60 =	vld [tilespmem:$0x1FD60];
	[tilespmem:v47+s17+$0x0] =	vst.idx.msk $0xffff, v45  }
0x122: {  	[tilespmem:$0x1FBD0] =	vst v2;
	v2 =	vld [tilespmem:$0x1FF00];
	v31 =	vadd.f32 v31, v5  }
0x123: {  	v39 =	vor.u32 v19, v26;
	v46 =	vld.idx.msk [tilespmem:v46+s14+$0x0], $0xffff;
	[tilespmem:v34+s17+$0x0] =	vst.idx.msk $0xffff, v40  }
0x124: {  	v3 =	vlaneseq.u32;
	v30 =	vld.idx.msk [tilespmem:v30+s14+$0x0], $0xffff;
	[tilespmem:v33+s17+$0x0] =	vst.idx.msk $0xffff, v31  }
0x125: {  	v52 =	vadd.s32 s28, v3;
	v47 =	vmovc v63;
	v40 =	vadd.f32 v51, v21;
	v63 =	vor.u32 v58, v14;
	v51 =	vld.idx.msk [tilespmem:v29+s14+$0x0], $0xffff  }
0x126: {  	v1 =	vlaneseq.u32;
	v0 =	vmov v19;
	v19 =	vand.u32 $0xF, v52;
	[tilespmem:$0x1FC50] =	vst v58;
	v58 =	vld [tilespmem:$0x1FC80]  }
0x127: {  	v6 =	vor.u32 v15, v6;
	v7 =	vld [tilespmem:$0x1FCA0];
	v54 =	vor.u32 v10, v19;
	[tilespmem:$0x1FC70] =	vst v56;
	v29 =	vshll.u32 v52, $0x7  }
0x128: {  	v15 =	vld [tilespmem:$0x1FCE0];
	v45 =	vor.u32 v9, v48;
	v31 =	vadd.f32 v44, v12;
	[tilespmem:v39+s17+$0x0] =	vst.idx.msk $0xffff, v40;
	v40 =	vand.u32 $0x400, v29  }
0x129: {  	v44 =	vor.u32 v56, v20;
	v56 =	vor.u32 v9, v53;
	v50 =	vld.idx.msk [tilespmem:v50+s14+$0x0], $0xffff;
	v34 =	vor.u32 v2, v40  }
0x12a: {  	[tilespmem:v63+s17+$0x0] =	vst.idx.msk $0xffff, v31;
	v63 =	vor.u32 v1, v29;
	v40 =	vadd.f32 v51, v5;
	v51 =	vld [tilespmem:$0x1FEB0]  }
0x12b: {  	v18 =	vmovc v60;
	v60 =	vmovc v52;
	v31 =	vor.u32 $0x30, v58;
	v52 =	vand.u32 $0x388, v63;
	v63 =	vadd.f32 v30, v59;
	v59 =	vld [tilespmem:$0x1FC90]  }
0x12c: {  	v46 =	vadd.f32 v46, v16;
	v54 =	vld.idx.msk [tilespmem:v54+s14+$0x0], $0xffff;
	v33 =	vand.u32 $0x3F, v31  }
0x12d: {  	v3 =	vld [tilespmem:$0x1FF10];
	v25 =	vor.u32 v10, v33  }
0x12e: {  	v49 =	vand.u32 $0x398, v49;
	[tilespmem:v44+s17+$0x0] =	vst.idx.msk $0xffff, v46;
	v45 =	vld.idx.msk [tilespmem:v45+s14+$0x0], $0xffff;
	v46 =	vor.u32 v52, v34  }
0x12f: {  	v39 =	vor.u32 v49, v26;
	v56 =	vld.idx.msk [tilespmem:v56+s14+$0x0], $0xffff;
	v30 =	vperm.xlane v51, v19  }
0x130: {  	v22 =	vshll.u32 v22, $0x7;
	v5 =	vld [tilespmem:$0x1FCC0];
	[tilespmem:v6+s17+$0x0] =	vst.idx.msk $0xffff, v63;
	v58 =	vor.u32 v59, v14  }
0x131: {  	v6 =	vand.u32 $0x1C00, v22;
	[tilespmem:v4+s17+$0x0] =	vst.idx.msk $0xffff, v40;
	v40 =	vld [tilespmem:$0x1FE90];
	v54 =	vadd.f32 v54, v30  }
0x132: {  	v44 =	vadd.f32 v50, v21;
	v22 =	vor.u32 v2, v6;
	v51 =	vor.u32 v3, v19;
	v6 =	vld.idx.msk [tilespmem:v25+s14+$0x0], $0xffff  }
0x133: {  	v25 =	vadd.f32 v45, v12;
	[tilespmem:v46+s17+$0x0] =	vst.idx.msk $0xffff, v54;
	v54 =	vld [tilespmem:$0x1FCB0]  }
0x134: {  	v50 =	vld.idx.msk [tilespmem:v24+s14+$0x0], $0xffff;
	[tilespmem:v39+s17+$0x0] =	vst.idx.msk $0xffff, v44  }
0x135: {  	v24 =	vshll.u32 v31, $0x7;
	[tilespmem:v58+s17+$0x0] =	vst.idx.msk $0xffff, v25;
	v58 =	vld [tilespmem:$0x1FE20]  }
0x136: {  	v55 =	vor.u32 v57, v48;
	[tilespmem:$0x1FCA0] =	vst v7;
	v4 =	vor.u32 v7, v20;
	v7 =	vld [tilespmem:$0x1FF30];
	v24 =	vand.u32 $0x1C00, v24  }
0x137: {  	v39 =	vor.u32 v57, v53;
	v31 =	vor.u32 v2, v24;
	v45 =	vld.idx.msk [tilespmem:v51+s14+$0x0], $0xffff  }
0x138: {  	v25 =	vor.u32 v5, v31;
	v5 =	vld [tilespmem:$0x1FF20];
	v44 =	vor.u32 v54, v22  }
0x139: {  	v63 =	vadd.f32 v56, v16;
	v54 =	vld [tilespmem:$0x1FFF0]  }
0x13a: {  	v43 =	vld.idx.msk [tilespmem:v43+s14+$0x0], $0xffff;
	v24 =	vperm.xlane v58, v37  }
0x13b: {  	[tilespmem:v4+s17+$0x0] =	vst.idx.msk $0xffff, v63;
	v4 =	vadd.f32 v50, v62;
	v51 =	vld.idx.msk [tilespmem:v55+s14+$0x0], $0xffff  }
0x13c: {  	[tilespmem:$0x1FBE0] =	vst v0;
	v0 =	vand.u32 $0x3A8, v42;
	v39 =	vld.idx.msk [tilespmem:v39+s14+$0x0], $0xffff;
	v6 =	vadd.f32 v6, v24  }
0x13d: {  	v1 =	vmov v62;
	v62 =	vmov v19;
	v19 =	vor.u32 v0, v26;
	[tilespmem:v44+s17+$0x0] =	vst.idx.msk $0xffff, v4;
	v4 =	vld [tilespmem:$0x1FDB0]  }
0x13e: {  	v37 =	vmov v13;
	v56 =	vor.u32 v54, v29;
	v44 =	vor.u32 v7, v13;
	[tilespmem:v25+s17+$0x0] =	vst.idx.msk $0xffff, v6;
	v13 =	vld [tilespmem:$0x1FF60]  }
0x13f: {  	[tilespmem:$0x1FCE0] =	vst v15;
	v6 =	vadd.f32 v45, v30;
	v45 =	vor.u32 v15, v20;
	v15 =	vmovc v52;
	v46 =	vand.u32 $0x398, v56;
	v56 =	vld [tilespmem:$0x1FCD0]  }
0x140: {  	v8 =	vmov v47;
	v47 =	vor.u32 v3, v33;
	[tilespmem:$0x1FDB0] =	vst v15;
	v15 =	vld [tilespmem:$0x1FCF0];
	v42 =	vor.u32 v46, v34  }
0x141: {  	v17 =	vld.idx.msk [tilespmem:v17+s14+$0x0], $0xffff  }
0x142: {  	v43 =	vadd.f32 v43, v21  }
0x143: {  	[tilespmem:$0x1FD60] =	vst v60;
	v60 =	vmov v40;
	v40 =	vld [tilespmem:$0x1FFE0];
	v63 =	vor.u32 v5, v62  }
0x144: {  	v27 =	vmov v23;
	v58 =	vld [tilespmem:$0x1FD00];
	[tilespmem:v19+s17+$0x0] =	vst.idx.msk $0xffff, v43;
	v23 =	vmov v4;
	v4 =	vor.u32 v56, v14  }
0x145: {  	v47 =	vld.idx.msk [tilespmem:v47+s14+$0x0], $0xffff;
	v25 =	vor.u32 v13, v48;
	[tilespmem:v42+s17+$0x0] =	vst.idx.msk $0xffff, v6;
	v42 =	vor.u32 v15, v22  }
0x146: {  	v50 =	vld.idx.msk [tilespmem:v41+s14+$0x0], $0xffff;
	v17 =	vadd.f32 v17, v1  }
0x147: {  	[tilespmem:$0x1FC10] =	vst v61;
	v6 =	vadd.f32 v51, v12;
	v51 =	vor.u32 $0x20, v61;
	v61 =	vld [tilespmem:$0x1FF80]  }
0x148: {  	v19 =	vld.idx.msk [tilespmem:v63+s14+$0x0], $0xffff;
	v63 =	vor.u32 v40, v29  }
0x149: {  	v41 =	vand.u32 $0x3A8, v63;
	v63 =	vld [tilespmem:$0x1FDF0];
	[tilespmem:v4+s17+$0x0] =	vst.idx.msk $0xffff, v6  }
0x14a: {  	v6 =	vld.idx.msk [tilespmem:v25+s14+$0x0], $0xffff;
	[tilespmem:v42+s17+$0x0] =	vst.idx.msk $0xffff, v17;
	v17 =	vmov v46  }
0x14b: {  	[tilespmem:$0x1FDF0] =	vst v17;
	v17 =	vld [tilespmem:$0x1FE70];
	_ =	sdelay $0x1  }
0x14c: {  	v39 =	vadd.f32 v39, v16;
	v54 =	vor.u32 v13, v53  }
0x14d: {  	v43 =	vor.u32 v58, v31  }
0x14e: {  	v28 =	vmov v48;
	v52 =	vld [tilespmem:$0x1FDE0];
	[tilespmem:v45+s17+$0x0] =	vst.idx.msk $0xffff, v39;
	v4 =	vor.u32 v5, v33;
	v25 =	vmov v49  }
0x14f: {  	v45 =	vor.u32 v61, v28;
	[tilespmem:$0x1FDE0] =	vst v25;
	v25 =	vor.u32 v41, v34;
	v28 =	vand.u32 $0x3D8, v17;
	v17 =	vld [tilespmem:$0x1FD30]  }
0x150: {  	v40 =	vand.u32 $0x3B8, v35;
	v35 =	vadd.f32 v47, v24  }
0x151: {  	v39 =	vld.idx.msk [tilespmem:v54+s14+$0x0], $0xffff  }
0x152: {  	[tilespmem:v43+s17+$0x0] =	vst.idx.msk $0xffff, v35;
	v35 =	vadd.f32 v19, v30;
	v19 =	vld [tilespmem:$0x1FD20]  }
0x153: {  	v55 =	vor.u32 v5, v37;
	v4 =	vld.idx.msk [tilespmem:v4+s14+$0x0], $0xffff  }
0x154: {  	[tilespmem:v25+s17+$0x0] =	vst.idx.msk $0xffff, v35;
	v25 =	vor.u32 v17, v22;
	v17 =	vld [tilespmem:$0x1FD40]  }
0x155: {  	v58 =	vmov v63;
	v63 =	vld [tilespmem:$0x1FD10];
	_ =	sdelay $0x1  }
0x156: {  	v47 =	vor.u32 v40, v26  }
0x157: {  	v54 =	vld.idx.msk [tilespmem:v55+s14+$0x0], $0xffff  }
0x158: {  	v49 =	vor.u32 v7, v62;
	v55 =	vor.u32 v19, v20;
	v43 =	vor.u32 v17, v31;
	v17 =	vld [tilespmem:$0x1FFB0]  }
0x159: {  	v50 =	vadd.f32 v50, v21;
	v42 =	vor.u32 v63, v14;
	_ =	sdelay $0x1  }
0x15a: {  	[tilespmem:v47+s17+$0x0] =	vst.idx.msk $0xffff, v50;
	v39 =	vadd.f32 v39, v16  }
0x15b: {  	v38 =	vld.idx.msk [tilespmem:v38+s14+$0x0], $0xffff;
	v6 =	vadd.f32 v6, v12  }
0x15c: {  	v48 =	vor.u32 v61, v53;
	v35 =	vld.idx.msk [tilespmem:v49+s14+$0x0], $0xffff;
	[tilespmem:v55+s17+$0x0] =	vst.idx.msk $0xffff, v39;
	v17 =	vor.u32 v17, v29  }
0x15d: {  	v39 =	vadd.f32 v54, v1;
	[tilespmem:v42+s17+$0x0] =	vst.idx.msk $0xffff, v6;
	v6 =	vor.u32 v7, v33;
	v17 =	vand.u32 $0x3B8, v17  }
0x15e: {  	v42 =	vld.idx.msk [tilespmem:v45+s14+$0x0], $0xffff;
	v46 =	vor.u32 v17, v34  }
0x15f: {  	v4 =	vadd.f32 v4, v24;
	[tilespmem:v25+s17+$0x0] =	vst.idx.msk $0xffff, v39;
	v25 =	vld [tilespmem:$0x1FD50]  }
0x160: {  	[tilespmem:$0x1FC20] =	vst v11  }
0x161: {  	v47 =	vld.idx.msk [tilespmem:v48+s14+$0x0], $0xffff;
	[tilespmem:v43+s17+$0x0] =	vst.idx.msk $0xffff, v4;
	v4 =	vadd.f32 v35, v30  }
0x162: {  	[tilespmem:$0x1FC80] =	vst v18;
	v6 =	vld.idx.msk [tilespmem:v6+s14+$0x0], $0xffff  }
0x163: {  	v11 =	vand.u32 $0x7, v11;
	[tilespmem:v46+s17+$0x0] =	vst.idx.msk $0xffff, v4;
	v4 =	vadd.f32 v42, v12;
	v12 =	vld [tilespmem:$0x1FD80]  }
0x164: {  	v15 =	vmovc v52;
	v52 =	vand.u32 $0x28, v51;
	[tilespmem:$0x1FD50] =	vst v25;
	v14 =	vor.u32 v25, v14;
	v25 =	vand.u32 $0x7, v18;
	v18 =	vld [tilespmem:$0x1FD70]  }
0x165: {  	v36 =	vand.u32 $0x3C8, v36;
	[tilespmem:$0x1FD20] =	vst v19;
	v19 =	vor.u32 v11, v52;
	v52 =	vor.u32 $0x20, v27  }
0x166: {  	v55 =	vand.u32 $0x28, v52;
	v45 =	vor.u32 v36, v26;
	v44 =	vld.idx.msk [tilespmem:v44+s14+$0x0], $0xffff  }
0x167: {  	v39 =	vor.u32 v25, v55;
	v55 =	vld [tilespmem:$0x1FF90]  }
0x168: {  	v49 =	vor.u32 v9, v62;
	v48 =	vor.u32 v12, v22;
	v12 =	vld [tilespmem:$0x1FD90]  }
0x169: {  	v25 =	vadd.f32 v38, v21;
	[tilespmem:$0x1FD70] =	vst v18;
	v20 =	vor.u32 v18, v20;
	v18 =	vld [tilespmem:$0x1FE40]  }
0x16a: {  	v50 =	vor.u32 v10, v19;
	v43 =	vld [tilespmem:$0x1FEE0]  }
0x16b: {  	v38 =	vor.u32 v10, v39;
	[tilespmem:v45+s17+$0x0] =	vst.idx.msk $0xffff, v25  }
0x16c: {  	v16 =	vadd.f32 v47, v16;
	v32 =	vld.idx.msk [tilespmem:v32+s14+$0x0], $0xffff  }
0x16d: {  	[tilespmem:$0x1FCB0] =	vst v8;
	v54 =	vadd.f32 v6, v24;
	v42 =	vshll.u32 v51, $0x7;
	v25 =	vld.idx.msk [tilespmem:v49+s14+$0x0], $0xffff;
	v51 =	vor.u32 v12, v31  }
0x16e: {  	[tilespmem:v14+s17+$0x0] =	vst.idx.msk $0xffff, v4;
	v14 =	vor.u32 v9, v33;
	v53 =	vmov v18;
	v18 =	vld [tilespmem:$0x1FEC0];
	v12 =	vor.u32 v55, v29  }
0x16f: {  	v6 =	vmov v0;
	v46 =	vld.idx.msk [tilespmem:v50+s14+$0x0], $0xffff;
	[tilespmem:v20+s17+$0x0] =	vst.idx.msk $0xffff, v16;
	v16 =	vadd.f32 v44, v1;
	v12 =	vand.u32 $0x3C8, v12  }
0x170: {  	[tilespmem:$0x1FE40] =	vst v6;
	v4 =	vand.u32 $0x1400, v42;
	v38 =	vld.idx.msk [tilespmem:v38+s14+$0x0], $0xffff;
	v20 =	vor.u32 v12, v34  }
0x171: {  	v6 =	vor.u32 v2, v4;
	[tilespmem:v48+s17+$0x0] =	vst.idx.msk $0xffff, v16;
	v48 =	vld [tilespmem:$0x1FFC0]  }
0x172: {  	v16 =	vor.u32 v8, v6;
	v8 =	vld.idx.msk [tilespmem:v43+s14+$0x0], $0xffff;
	[tilespmem:v51+s17+$0x0] =	vst.idx.msk $0xffff, v54  }
0x173: {  	v25 =	vadd.f32 v25, v30;
	v51 =	vmov v18;
	v18 =	vmov v41;
	v14 =	vld.idx.msk [tilespmem:v14+s14+$0x0], $0xffff  }
0x174: {  	[tilespmem:$0x1FEC0] =	vst v18;
	v18 =	vld [tilespmem:$0x1FEA0]  }
0x175: {  	[tilespmem:v20+s17+$0x0] =	vst.idx.msk $0xffff, v25;
	v25 =	vld [tilespmem:$0x1FDC0]  }
0x176: {  	v35 =	vor.u32 v28, v26  }
0x177: {  	v52 =	vshll.u32 v52, $0x7;
	v54 =	vld [tilespmem:$0x1FE80]  }
0x178: {  	v42 =	vand.u32 $0x1400, v52;
	v52 =	vadd.f32 v8, v1;
	v8 =	vld [tilespmem:$0x1FC50]  }
0x179: {  	v32 =	vadd.f32 v32, v21;
	v4 =	vor.u32 v2, v42;
	v42 =	vor.u32 v3, v19  }
0x17a: {  	[tilespmem:$0x1FCF0] =	vst v15;
	v47 =	vor.u32 v57, v62;
	v49 =	vld [tilespmem:$0x1FDD0];
	v50 =	vor.u32 v48, v29;
	v25 =	vor.u32 v25, v22  }
0x17b: {  	[tilespmem:v35+s17+$0x0] =	vst.idx.msk $0xffff, v32;
	v35 =	vor.u32 v15, v6;
	v15 =	vld [tilespmem:$0x1FED0];
	v20 =	vadd.f32 v46, v60  }
0x17c: {  	[tilespmem:$0x1FC30] =	vst v27;
	v0 =	vperm.xlane v54, v27;
	v27 =	vld.idx.msk [tilespmem:v18+s14+$0x0], $0xffff  }
0x17d: {  	[tilespmem:v16+s17+$0x0] =	vst.idx.msk $0xffff, v20;
	v16 =	vand.u32 $0x3D8, v50;
	v50 =	vmov v8;
	v8 =	vld [tilespmem:$0x1FE60]  }
0x17e: {  	v41 =	vld.idx.msk [tilespmem:v42+s14+$0x0], $0xffff  }
0x17f: {  	v43 =	vor.u32 v23, v4;
	[tilespmem:v25+s17+$0x0] =	vst.idx.msk $0xffff, v52;
	v52 =	vld [tilespmem:$0x1FBD0]  }
0x180: {  	v44 =	vor.u32 v3, v39;
	v32 =	vld.idx.msk [tilespmem:v47+s14+$0x0], $0xffff;
	v47 =	vadd.f32 v38, v0;
	v38 =	vor.u32 v49, v31;
	_ =	sdelay $0x1  }
0x181: {  	[tilespmem:$0x1FCC0] =	vst v23;
	v20 =	vor.u32 v57, v33;
	v23 =	vor.u32 v16, v34;
	v8 =	vand.u32 $0x3E8, v8  }
0x182: {  	v11 =	vld [tilespmem:$0x1FC40];
	v14 =	vadd.f32 v14, v24;
	v18 =	vmov v40;
	v40 =	vor.u32 v8, v26  }
0x183: {  	v49 =	vmov v59;
	v59 =	vld [tilespmem:$0x1FFA0];
	[tilespmem:v43+s17+$0x0] =	vst.idx.msk $0xffff, v47;
	v25 =	vor.u32 v61, v52  }
0x184: {  	v42 =	vld.idx.msk [tilespmem:v44+s14+$0x0], $0xffff;
	[tilespmem:v38+s17+$0x0] =	vst.idx.msk $0xffff, v14;
	v14 =	vadd.f32 v32, v30  }
0x185: {  	v44 =	vld.idx.msk [tilespmem:v15+s14+$0x0], $0xffff;
	v27 =	vadd.f32 v27, v21  }
0x186: {  	v20 =	vld.idx.msk [tilespmem:v20+s14+$0x0], $0xffff;
	[tilespmem:v23+s17+$0x0] =	vst.idx.msk $0xffff, v14  }
0x187: {  	v14 =	vadd.f32 v41, v60;
	v23 =	vld [tilespmem:$0x1FE00];
	[tilespmem:v40+s17+$0x0] =	vst.idx.msk $0xffff, v27  }
0x188: {  	v43 =	vor.u32 v13, v62;
	v25 =	vld.idx.msk [tilespmem:v25+s14+$0x0], $0xffff  }
0x189: {  	v38 =	vor.u32 v58, v4;
	v15 =	vmov v36;
	[tilespmem:v35+s17+$0x0] =	vst.idx.msk $0xffff, v14;
	v35 =	vor.u32 $0x10, v11;
	v11 =	vld [tilespmem:$0x1FE30]  }
0x18a: {  	[tilespmem:$0x1FC90] =	vst v15;
	v15 =	vld [tilespmem:$0x1FE10];
	_ =	sdelay $0x1  }
0x18b: {  	v32 =	vor.u32 v5, v19;
	v36 =	vadd.f32 v42, v0  }
0x18c: {  	v45 =	vor.u32 v5, v39;
	v27 =	vld.idx.msk [tilespmem:v43+s14+$0x0], $0xffff  }
0x18d: {  	v23 =	vor.u32 v23, v22;
	[tilespmem:v38+s17+$0x0] =	vst.idx.msk $0xffff, v36;
	v36 =	vadd.f32 v44, v1;
	v44 =	vand.u32 $0x3F8, v11;
	v11 =	vld [tilespmem:$0x1FC70]  }
0x18e: {  	[tilespmem:$0x1FD00] =	vst v58;
	v58 =	vor.u32 v59, v29;
	v40 =	vor.u32 v15, v31  }
0x18f: {  	v42 =	vand.u32 $0x3E8, v58;
	v15 =	vmov v28;
	v14 =	vor.u32 v13, v33  }
0x190: {  	v46 =	vor.u32 v13, v37;
	[tilespmem:$0x1FC50] =	vst v18;
	v18 =	vor.u32 v42, v34;
	v32 =	vld.idx.msk [tilespmem:v32+s14+$0x0], $0xffff  }
0x191: {  	v20 =	vadd.f32 v20, v24;
	v38 =	vld.idx.msk [tilespmem:v45+s14+$0x0], $0xffff;
	[tilespmem:$0x1FCD0] =	vst v15;
	v26 =	vor.u32 v44, v26  }
0x192: {  	[tilespmem:v23+s17+$0x0] =	vst.idx.msk $0xffff, v36;
	v23 =	vor.u32 v53, v6;
	v15 =	vmov v11;
	v11 =	vld [tilespmem:$0x1FD60]  }
0x193: {  	[tilespmem:v40+s17+$0x0] =	vst.idx.msk $0xffff, v20;
	v20 =	vadd.f32 v27, v30;
	v40 =	vld [tilespmem:$0x1FBE0]  }
0x194: {  	[tilespmem:$0x1FD30] =	vst v53;
	v41 =	vor.u32 v61, v62;
	v14 =	vld.idx.msk [tilespmem:v14+s14+$0x0], $0xffff;
	v21 =	vadd.f32 v25, v21  }
0x195: {  	[tilespmem:v18+s17+$0x0] =	vst.idx.msk $0xffff, v20;
	v20 =	vld [tilespmem:$0x1FEF0];
	v18 =	vadd.f32 v32, v60  }
0x196: {  	v36 =	vld.idx.msk [tilespmem:v46+s14+$0x0], $0xffff;
	[tilespmem:v26+s17+$0x0] =	vst.idx.msk $0xffff, v21  }
0x197: {  	v28 =	vmov v17;
	[tilespmem:v23+s17+$0x0] =	vst.idx.msk $0xffff, v18;
	v23 =	vor.u32 $0x10, v11;
	v11 =	vld [tilespmem:$0x1FCA0]  }
0x198: {  	v47 =	vmovc v56;
	v56 =	vand.u32 $0x1F, v35;
	v27 =	vor.u32 v7, v19;
	v53 =	vor.u32 v51, v4;
	[tilespmem:$0x1FC70] =	vst v28;
	v28 =	vld [tilespmem:$0x1FDA0]  }
0x199: {  	v25 =	vor.u32 v10, v56;
	v17 =	vld.idx.msk [tilespmem:v41+s14+$0x0], $0xffff  }
0x19a: {  	v58 =	vor.u32 v7, v39;
	v20 =	vor.u32 v20, v22;
	v26 =	vld [tilespmem:$0x1FC60]  }
0x19b: {  	v43 =	vor.u32 v61, v37;
	v21 =	vadd.f32 v38, v0;
	v38 =	vld [tilespmem:$0x1FFD0]  }
0x19c: {  	[tilespmem:$0x1FD40] =	vst v51;
	v37 =	vmov v11;
	v11 =	vld [tilespmem:$0x1FCE0]  }
0x19d: {  	v35 =	vshll.u32 v35, $0x7;
	v27 =	vld.idx.msk [tilespmem:v27+s14+$0x0], $0xffff;
	[tilespmem:v53+s17+$0x0] =	vst.idx.msk $0xffff, v21;
	v21 =	vadd.f32 v36, v1  }
0x19e: {  	[tilespmem:$0x1FDC0] =	vst v49;
	v41 =	vadd.f32 v14, v24;
	v14 =	vand.u32 $0xC00, v35;
	v25 =	vld.idx.msk [tilespmem:v25+s14+$0x0], $0xffff  }
0x19f: {  	v14 =	vor.u32 v2, v14;
	v58 =	vld.idx.msk [tilespmem:v58+s14+$0x0], $0xffff;
	[tilespmem:v20+s17+$0x0] =	vst.idx.msk $0xffff, v21  }
0x1a0: {  	[tilespmem:$0x1FD80] =	vst v50;
	v20 =	vmov v12;
	v46 =	vor.u32 v26, v31;
	v26 =	vor.u32 v38, v29;
	v21 =	vld.idx.msk [tilespmem:v43+s14+$0x0], $0xffff  }
0x1a1: {  	[tilespmem:$0x1FCA0] =	vst v20;
	v20 =	vor.u32 v50, v6;
	v50 =	vmovc v52;
	v26 =	vand.u32 $0x3F8, v26;
	v43 =	vmov v11;
	v11 =	vld [tilespmem:$0x1FBF0]  }
0x1a2: {  	[tilespmem:$0x1FE00] =	vst v47;
	v18 =	vor.u32 v61, v33;
	v29 =	vor.u32 v26, v34;
	v34 =	vperm.xlane v54, v50  }
0x1a3: {  	v17 =	vadd.f32 v17, v30;
	v30 =	vor.u32 v9, v19;
	[tilespmem:$0x1FD90] =	vst v15;
	v53 =	vand.u32 $0x1F, v23  }
0x1a4: {  	v51 =	vor.u32 v40, v14;
	v45 =	vor.u32 v10, v53;
	v54 =	vmov v44;
	v44 =	vld [tilespmem:$0x1FD70];
	[tilespmem:$0x1FE90] =	vst v34  }
0x1a5: {  	v33 =	vadd.f32 v58, v0;
	v58 =	vld [tilespmem:$0x1FDB0];
	[tilespmem:v46+s17+$0x0] =	vst.idx.msk $0xffff, v41;
	v46 =	vor.u32 v15, v4  }
0x1a6: {  	v12 =	vperm.xlane v28, v52;
	v52 =	vor.u32 v9, v39;
	[tilespmem:$0x1FDD0] =	vst v37;
	v22 =	vor.u32 v11, v22;
	v11 =	vld [tilespmem:$0x1FC00]  }
0x1a7: {  	v15 =	vmov v16;
	v18 =	vld.idx.msk [tilespmem:v18+s14+$0x0], $0xffff;
	[tilespmem:v29+s17+$0x0] =	vst.idx.msk $0xffff, v17;
	v17 =	vadd.f32 v27, v60  }
0x1a8: {  	v25 =	vadd.f32 v25, v12;
	v41 =	vld [tilespmem:$0x1FD20];
	[tilespmem:$0x1FCE0] =	vst v15  }
0x1a9: {  	v34 =	vor.u32 v13, v39;
	v21 =	vadd.f32 v21, v1;
	v27 =	vld.idx.msk [tilespmem:v45+s14+$0x0], $0xffff;
	[tilespmem:v20+s17+$0x0] =	vst.idx.msk $0xffff, v17  }
0x1aa: {  	v16 =	vshll.u32 v23, $0x7;
	v15 =	vmovc v2;
	v2 =	vmovc v10;
	v10 =	vmov v63;
	v17 =	vld.idx.msk [tilespmem:v30+s14+$0x0], $0xffff;
	[tilespmem:v46+s17+$0x0] =	vst.idx.msk $0xffff, v33;
	v46 =	vlaneseq.u32  }
0x1ab: {  	v16 =	vand.u32 $0xC00, v16;
	[tilespmem:$0x1FEF0] =	vst v10;
	v30 =	vld.idx.msk [tilespmem:v52+s14+$0x0], $0xffff;
	v52 =	vadd.s32 s26, v46;
	v29 =	vor.u32 v11, v31  }
0x1ac: {  	v63 =	vld [tilespmem:$0x1FE20];
	v20 =	vor.u32 v15, v16;
	v16 =	vperm.xlane v28, v62;
	[tilespmem:v51+s17+$0x0] =	vst.idx.msk $0xffff, v25;
	v33 =	vshll.u32 v52, $0x7  }
0x1ad: {  	[tilespmem:$0x1FE10] =	vst v43;
	v18 =	vadd.f32 v18, v24;
	v32 =	vor.u32 v38, v33;
	v38 =	vor.u32 v48, v33;
	v48 =	vld [tilespmem:$0x1FFB0]  }
0x1ae: {  	v35 =	vor.u32 v59, v33;
	v31 =	vor.u32 v3, v56;
	[tilespmem:v22+s17+$0x0] =	vst.idx.msk $0xffff, v21;
	v22 =	vld [tilespmem:$0x1FC10]  }
0x1af: {  	v45 =	vld [tilespmem:$0x1FDF0];
	v25 =	vor.u32 v58, v20;
	v24 =	vor.u32 v3, v53;
	v58 =	vand.u32 $0xF, v52;
	[tilespmem:$0x1FE60] =	vst v35  }
0x1b0: {  	v36 =	vor.u32 v13, v58;
	[tilespmem:v29+s17+$0x0] =	vst.idx.msk $0xffff, v18;
	v29 =	vor.u32 v37, v4;
	v37 =	vld [tilespmem:$0x1FDE0]  }
0x1b1: {  	v51 =	vld [tilespmem:$0x1FFF0];
	v27 =	vadd.f32 v27, v16;
	[tilespmem:$0x1FEA0] =	vst v36;
	v11 =	vmov v57;
	v21 =	vor.u32 v49, v6  }
0x1b2: {  	v23 =	vmovc v62;
	[tilespmem:$0x1FE70] =	vst v38;
	v36 =	vor.u32 v55, v33;
	v57 =	vmov v50;
	v50 =	vld [tilespmem:$0x1FD50];
	v28 =	vor.u32 v11, v19  }
0x1b3: {  	v38 =	vor.u32 v9, v58;
	v35 =	vor.u32 v48, v33;
	v62 =	vperm.xlane v63, v22;
	v22 =	vld.idx.msk [tilespmem:v31+s14+$0x0], $0xffff  }
0x1b4: {  	v49 =	vld [tilespmem:$0x1FFE0];
	[tilespmem:$0x1FD50] =	vst v54;
	v31 =	vor.u32 v11, v39;
	v18 =	vmov v8;
	v8 =	vadd.f32 v17, v60  }
0x1b5: {  	v55 =	vld [tilespmem:$0x1FEB0];
	v54 =	vor.u32 v7, v56;
	[tilespmem:v25+s17+$0x0] =	vst.idx.msk $0xffff, v27;
	v17 =	vor.u32 v37, v14  }
0x1b6: {  	v25 =	vadd.f32 v30, v0;
	v30 =	vor.u32 v5, v56;
	v24 =	vld.idx.msk [tilespmem:v24+s14+$0x0], $0xffff;
	[tilespmem:v21+s17+$0x0] =	vst.idx.msk $0xffff, v8  }
0x1b7: {  	[tilespmem:$0x1FE30] =	vst v32;
	v32 =	vor.u32 v11, v58;
	v63 =	vmov v50;
	v50 =	vor.u32 v3, v58;
	v8 =	vld.idx.msk [tilespmem:v28+s14+$0x0], $0xffff  }
0x1b8: {  	[tilespmem:v29+s17+$0x0] =	vst.idx.msk $0xffff, v25;
	v21 =	vadd.f32 v22, v12;
	v22 =	vor.u32 v45, v20;
	v45 =	vld [tilespmem:$0x1FE40]  }
0x1b9: {  	[tilespmem:$0x1FD10] =	vst v18;
	v28 =	vor.u32 v5, v53;
	v18 =	vmov v42;
	v42 =	vor.u32 v49, v33;
	v25 =	vld.idx.msk [tilespmem:v31+s14+$0x0], $0xffff  }
0x1ba: {  	v49 =	vor.u32 v51, v33;
	[tilespmem:v17+s17+$0x0] =	vst.idx.msk $0xffff, v21;
	v17 =	vor.u32 v47, v6;
	v47 =	vld [tilespmem:$0x1FC20]  }
0x1bb: {  	v31 =	vor.u32 v43, v4;
	v24 =	vadd.f32 v24, v16;
	v29 =	vld.idx.msk [tilespmem:v30+s14+$0x0], $0xffff;
	v30 =	vor.u32 v13, v19  }
0x1bc: {  	v59 =	vmovc v60;
	[tilespmem:$0x1FD20] =	vst v18;
	v37 =	vmov v41;
	v41 =	vor.u32 v7, v58;
	v43 =	vor.u32 v5, v58  }
0x1bd: {  	v48 =	vmovc v56;
	v51 =	vld [tilespmem:$0x1FEC0];
	v5 =	vmov v0;
	v8 =	vadd.f32 v8, v60;
	v60 =	vmov v44;
	[tilespmem:v22+s17+$0x0] =	vst.idx.msk $0xffff, v24  }
0x1be: {  	v24 =	vor.u32 v2, v58;
	v44 =	vor.u32 v45, v14;
	v45 =	vld.idx.msk [tilespmem:v28+s14+$0x0], $0xffff;
	v25 =	vadd.f32 v25, v5  }
0x1bf: {  	v21 =	vperm.xlane v55, v58;
	v55 =	vor.u32 v46, v33;
	[tilespmem:v17+s17+$0x0] =	vst.idx.msk $0xffff, v8;
	v22 =	vor.u32 $0x30, v47  }
0x1c0: {  	v56 =	vand.u32 $0x400, v33;
	[tilespmem:v31+s17+$0x0] =	vst.idx.msk $0xffff, v25;
	v28 =	vld.idx.msk [tilespmem:v30+s14+$0x0], $0xffff;
	v13 =	vand.u32 $0x3F, v22;
	v25 =	vadd.f32 v29, v12  }
0x1c1: {  	p1 =	slt.u32 s26, $0xE;
	[tilespmem:$0x1FC60] =	vst v37;
	v30 =	vor.u32 v61, v19;
	v29 =	vor.u32 v61, v39;
	v61 =	vld [tilespmem:$0x1FC40];
	v33 =	vor.u32 v11, v13  }
.Ltmp0:
0x1c2: {  	v46 =	vor.u32 v7, v53;
	v31 =	vld.idx.msk [tilespmem:v34+s14+$0x0], $0xffff;
	v34 =	vor.u32 v9, v13;
	[tilespmem:$0x1FED0] =	vst v33;
	(pc) =	sbr.rel @p1 .LBB2_3-.Ltmp0, $4  }
0x1c3: {  	v47 =	vor.u32 v51, v20;
	v51 =	vld.idx.msk [tilespmem:v24+s14+$0x0], $0xffff;
	v45 =	vadd.f32 v45, v16;
	v19 =	vand.u32 $0x388, v55;
	[tilespmem:$0x1FEE0] =	vst v34  }
0x1c4: {  	v17 =	vor.u32 v3, v13;
	v3 =	vmov v26;
	[tilespmem:v44+s17+$0x0] =	vst.idx.msk $0xffff, v25;
	v34 =	vor.u32 v10, v6  }
0x1c5: {  	[tilespmem:$0x1FD70] =	vst v3;
	v44 =	vmovc v2;
	v2 =	vmovc v15;
	v15 =	vmov v63;
	v63 =	vmov v40;
	v33 =	vor.u32 v37, v4;
	v37 =	vld [tilespmem:$0x1FC30]  }
0x1c6: {  	s28 =	sadd.s32 $0x1, s26;
	s26 =	sadd.s32 $0x2, s26;
	v10 =	vmovc v52;
	v24 =	vor.u32 v44, v13;
	v44 =	vld.idx.msk [tilespmem:v54+s14+$0x0], $0xffff;
	v26 =	vor.u32 v2, v56;
	v11 =	vmov v61  }
0x1c7: {  	v7 =	vld [tilespmem:$0x1FF70];
	_ =	sdelay $0x1  }
0x1c8: {  	v0 =	vlaneseq.u32  }
0x1c9: {  	v1 =	vadd.s32 s28, v0  }
0x1ca: {  	v18 =	vand.u32 $0xF, v1  }
0x1cb: {  	v25 =	vor.u32 v7, v18  }
0x1cc: {  	v3 =	vld [tilespmem:$0x1FF00]  }
0x1cd: {  	v39 =	vshll.u32 v1, $0x7  }
0x1ce: {  	v54 =	vor.u32 v0, v39;
	v0 =	vld [tilespmem:$0x1FEB0]  }
0x1cf: {  	[tilespmem:$0x1FB80] =	vst v1  }
0x1d0: {  	v55 =	vand.u32 $0x400, v39;
	v8 =	vld.idx.msk [tilespmem:v25+s14+$0x0], $0xffff  }
0x1d1: {  	v52 =	vor.u32 v19, v26;
	v1 =	vand.u32 $0x388, v54;
	v54 =	vor.u32 v3, v55  }
0x1d2: {  	v55 =	vor.u32 v1, v54  }
0x1d3: {  	v56 =	vperm.xlane v0, v18;
	[tilespmem:$0x1FB30] =	vst v62;
	v62 =	vld [tilespmem:$0x1FF10]  }
0x1d4: {  	v51 =	vadd.f32 v51, v21  }
0x1d5: {  	[tilespmem:$0x1FAD0] =	vst v1;
	v27 =	vadd.f32 v8, v56  }
0x1d6: {  	[tilespmem:v52+s17+$0x0] =	vst.idx.msk $0xffff, v51  }
0x1d7: {  	v0 =	vand.u32 $0x398, v49;
	v50 =	vld.idx.msk [tilespmem:v50+s14+$0x0], $0xffff;
	[tilespmem:v55+s17+$0x0] =	vst.idx.msk $0xffff, v27  }
0x1d8: {  	v49 =	vor.u32 v0, v26;
	v61 =	vor.u32 v62, v18;
	[tilespmem:$0x1FBA0] =	vst v0;
	v0 =	vld [tilespmem:$0x1FFF0];
	_ =	sdelay $0x4  }
0x1d9: {  	v25 =	vld.idx.msk [tilespmem:v61+s14+$0x0], $0xffff;
	v40 =	vor.u32 v0, v39  }
0x1da: {  	v8 =	vand.u32 $0x398, v40  }
0x1db: {  	v51 =	vor.u32 v8, v54  }
0x1dc: {  	[tilespmem:$0x1FB00] =	vst v5;
	v5 =	vld [tilespmem:$0x1FF20]  }
0x1dd: {  	v50 =	vadd.f32 v50, v21  }
0x1de: {  	[tilespmem:$0x1FAE0] =	vst v8;
	v25 =	vadd.f32 v25, v56  }
0x1df: {  	[tilespmem:v49+s17+$0x0] =	vst.idx.msk $0xffff, v50  }
0x1e0: {  	[tilespmem:v51+s17+$0x0] =	vst.idx.msk $0xffff, v25  }
0x1e1: {  	v52 =	vor.u32 v5, v18;
	v0 =	vld [tilespmem:$0x1FFE0];
	_ =	sdelay $0x2  }
0x1e2: {  	v51 =	vld [tilespmem:$0x1FF30]  }
0x1e3: {  	v43 =	vld.idx.msk [tilespmem:v43+s14+$0x0], $0xffff  }
0x1e4: {  	v61 =	vand.u32 $0x3A8, v42;
	v25 =	vld.idx.msk [tilespmem:v52+s14+$0x0], $0xffff;
	v52 =	vor.u32 v0, v39  }
0x1e5: {  	v42 =	vor.u32 v61, v26;
	v52 =	vand.u32 $0x3A8, v52  }
0x1e6: {  	v49 =	vor.u32 v52, v54  }
0x1e7: {  	v55 =	vor.u32 v51, v18  }
0x1e8: {  	v43 =	vadd.f32 v43, v21  }
0x1e9: {  	[tilespmem:$0x1FBB0] =	vst v61;
	v25 =	vadd.f32 v25, v56  }
0x1ea: {  	[tilespmem:v42+s17+$0x0] =	vst.idx.msk $0xffff, v43  }
0x1eb: {  	v41 =	vld.idx.msk [tilespmem:v41+s14+$0x0], $0xffff;
	[tilespmem:v49+s17+$0x0] =	vst.idx.msk $0xffff, v25  }
0x1ec: {  	v0 =	vand.u32 $0x3B8, v35;
	v25 =	vld.idx.msk [tilespmem:v55+s14+$0x0], $0xffff  }
0x1ed: {  	v40 =	vor.u32 v0, v26;
	v50 =	vmov v0;
	[tilespmem:$0x1FB10] =	vst v0;
	v0 =	vld [tilespmem:$0x1FFB0];
	_ =	sdelay $0x4  }
0x1ee: {  	v35 =	vor.u32 v0, v39  }
0x1ef: {  	v0 =	vand.u32 $0x3B8, v35  }
0x1f0: {  	v42 =	vor.u32 v0, v54  }
0x1f1: {  	v9 =	vld [tilespmem:$0x1FF40]  }
0x1f2: {  	v41 =	vadd.f32 v41, v21  }
0x1f3: {  	v25 =	vadd.f32 v25, v56;
	[tilespmem:$0x1FA80] =	vst v0  }
0x1f4: {  	[tilespmem:v40+s17+$0x0] =	vst.idx.msk $0xffff, v41  }
0x1f5: {  	[tilespmem:v42+s17+$0x0] =	vst.idx.msk $0xffff, v25  }
0x1f6: {  	v49 =	vor.u32 v9, v18;
	v0 =	vld [tilespmem:$0x1FF90];
	_ =	sdelay $0x3  }
0x1f7: {  	v38 =	vld.idx.msk [tilespmem:v38+s14+$0x0], $0xffff  }
0x1f8: {  	v55 =	vand.u32 $0x3C8, v36;
	v25 =	vld.idx.msk [tilespmem:v49+s14+$0x0], $0xffff;
	v35 =	vor.u32 v0, v39  }
0x1f9: {  	v36 =	vor.u32 v55, v26;
	v0 =	vand.u32 $0x3C8, v35  }
0x1fa: {  	v40 =	vor.u32 v0, v54  }
0x1fb: {  	[tilespmem:$0x1FB20] =	vst v55  }
0x1fc: {  	[tilespmem:$0x1FAF0] =	vst v59;
	v38 =	vadd.f32 v38, v21  }
0x1fd: {  	v25 =	vadd.f32 v25, v56;
	[tilespmem:$0x1FA90] =	vst v0  }
0x1fe: {  	v59 =	vld [tilespmem:$0x1FF50];
	[tilespmem:v36+s17+$0x0] =	vst.idx.msk $0xffff, v38  }
0x1ff: {  	[tilespmem:v40+s17+$0x0] =	vst.idx.msk $0xffff, v25  }
0x200: {  	v0 =	vld [tilespmem:$0x1FE70];
	_ =	sdelay $0x4  }
0x201: {  	v32 =	vld.idx.msk [tilespmem:v32+s14+$0x0], $0xffff;
	v0 =	vand.u32 $0x3D8, v0  }
0x202: {  	[tilespmem:$0x1FAA0] =	vst v0;
	v40 =	vor.u32 v0, v26;
	v0 =	vld [tilespmem:$0x1FFC0]  }
0x203: {  	v49 =	vor.u32 v59, v18;
	_ =	sdelay $0x3  }
0x204: {  	v41 =	vor.u32 v0, v39  }
0x205: {  	v32 =	vadd.f32 v32, v21;
	v25 =	vld.idx.msk [tilespmem:v49+s14+$0x0], $0xffff;
	[tilespmem:$0x1FB70] =	vst v13;
	v0 =	vand.u32 $0x3D8, v41  }
0x206: {  	[tilespmem:$0x1FB40] =	vst v0  }
0x207: {  	v13 =	vld [tilespmem:$0x1FF60];
	[tilespmem:v40+s17+$0x0] =	vst.idx.msk $0xffff, v32  }
0x208: {  	v36 =	vor.u32 v0, v54;
	v0 =	vld [tilespmem:$0x1FEA0];
	_ =	sdelay $0x5  }
0x209: {  	v25 =	vadd.f32 v25, v56;
	_ =	sdelay $0x1  }
0x20a: {  	[tilespmem:v36+s17+$0x0] =	vst.idx.msk $0xffff, v25;
	v27 =	vld.idx.msk [tilespmem:v0+s14+$0x0], $0xffff  }
0x20b: {  	v0 =	vld [tilespmem:$0x1FE60];
	_ =	sdelay $0x4  }
0x20c: {  	v0 =	vand.u32 $0x3E8, v0  }
0x20d: {  	v42 =	vor.u32 v13, v18;
	[tilespmem:$0x1FAB0] =	vst v0;
	v25 =	vor.u32 v0, v26;
	v0 =	vld [tilespmem:$0x1FFA0];
	_ =	sdelay $0x3  }
0x20e: {  	[tilespmem:$0x1FB50] =	vst v23  }
0x20f: {  	v23 =	vld.idx.msk [tilespmem:v42+s14+$0x0], $0xffff;
	v43 =	vor.u32 v0, v39  }
0x210: {  	v0 =	vand.u32 $0x3E8, v43  }
0x211: {  	v35 =	vor.u32 v0, v54  }
0x212: {  	v2 =	vld [tilespmem:$0x1FF80]  }
0x213: {  	v27 =	vadd.f32 v27, v21;
	[tilespmem:$0x1FB90] =	vst v18  }
0x214: {  	v23 =	vadd.f32 v23, v56;
	[tilespmem:$0x1FAC0] =	vst v0  }
0x215: {  	[tilespmem:v25+s17+$0x0] =	vst.idx.msk $0xffff, v27  }
0x216: {  	[tilespmem:v35+s17+$0x0] =	vst.idx.msk $0xffff, v23  }
0x217: {  	v32 =	vor.u32 v2, v58;
	v0 =	vld [tilespmem:$0x1FE30];
	_ =	sdelay $0x4  }
0x218: {  	v25 =	vld.idx.msk [tilespmem:v32+s14+$0x0], $0xffff;
	v0 =	vand.u32 $0x3F8, v0  }
0x219: {  	v49 =	vor.u32 v2, v18;
	v23 =	vor.u32 v0, v26;
	[tilespmem:$0x1FB60] =	vst v0;
	v0 =	vld [tilespmem:$0x1FFD0];
	_ =	sdelay $0x4  }
0x21a: {  	v26 =	vld.idx.msk [tilespmem:v49+s14+$0x0], $0xffff;
	v41 =	vor.u32 v0, v39  }
0x21b: {  	v0 =	vand.u32 $0x3F8, v41  }
0x21c: {  	v49 =	vld [tilespmem:$0x1FB80];
	v38 =	vor.u32 v0, v54  }
0x21d: {  	v40 =	vmov v18;
	v18 =	vor.u32 $0x10, v10  }
0x21e: {  	v32 =	vand.u32 $0x1F, v18;
	v43 =	vadd.f32 v25, v21  }
0x21f: {  	v42 =	vor.u32 v7, v32;
	[tilespmem:$0x1FC20] =	vst v11;
	v26 =	vadd.f32 v26, v56  }
0x220: {  	[tilespmem:v23+s17+$0x0] =	vst.idx.msk $0xffff, v43  }
0x221: {  	v36 =	vor.u32 $0x10, v49;
	[tilespmem:v38+s17+$0x0] =	vst.idx.msk $0xffff, v26  }
0x222: {  	v54 =	vmov v0;
	v35 =	vand.u32 $0x1F, v36;
	v0 =	vld [tilespmem:$0x1FDA0]  }
0x223: {  	v18 =	vshll.u32 v18, $0x7;
	v25 =	vor.u32 v7, v35  }
0x224: {  	v18 =	vand.u32 $0xC00, v18;
	v42 =	vld.idx.msk [tilespmem:v42+s14+$0x0], $0xffff  }
0x225: {  	v27 =	vor.u32 v3, v18  }
0x226: {  	v43 =	vshll.u32 v36, $0x7;
	v36 =	vor.u32 v19, v27  }
0x227: {  	v23 =	vperm.xlane v0, v58  }
0x228: {  	v18 =	vand.u32 $0xC00, v43;
	v25 =	vld.idx.msk [tilespmem:v25+s14+$0x0], $0xffff  }
0x229: {  	v26 =	vor.u32 v3, v18;
	v39 =	vadd.f32 v42, v23  }
0x22a: {  	v38 =	vor.u32 v1, v26;
	[tilespmem:v47+s17+$0x0] =	vst.idx.msk $0xffff, v45  }
0x22b: {  	v21 =	vperm.xlane v0, v40;
	[tilespmem:v36+s17+$0x0] =	vst.idx.msk $0xffff, v39  }
0x22c: {  	v0 =	vld [tilespmem:$0x1FC50]  }
0x22d: {  	v25 =	vadd.f32 v25, v21  }
0x22e: {  	v18 =	vor.u32 v62, v32  }
0x22f: {  	v36 =	vld.idx.msk [tilespmem:v46+s14+$0x0], $0xffff;
	[tilespmem:v38+s17+$0x0] =	vst.idx.msk $0xffff, v25  }
0x230: {  	v56 =	vor.u32 v62, v35;
	v46 =	vld [tilespmem:$0x1FBA0]  }
0x231: {  	v39 =	vor.u32 v0, v14;
	v0 =	vld [tilespmem:$0x1FC70];
	_ =	sdelay $0x1  }
0x232: {  	v18 =	vld.idx.msk [tilespmem:v18+s14+$0x0], $0xffff;
	_ =	sdelay $0x1  }
0x233: {  	v40 =	vld.idx.msk [tilespmem:v56+s14+$0x0], $0xffff;
	v42 =	vor.u32 v46, v27  }
0x234: {  	v56 =	vor.u32 v5, v32;
	v38 =	vor.u32 v0, v20  }
0x235: {  	v43 =	vadd.f32 v44, v12;
	v45 =	vor.u32 v8, v26  }
0x236: {  	v18 =	vadd.f32 v18, v23  }
0x237: {  	v36 =	vadd.f32 v36, v16;
	[tilespmem:v39+s17+$0x0] =	vst.idx.msk $0xffff, v43  }
0x238: {  	v25 =	vor.u32 v9, v48;
	v47 =	vadd.f32 v40, v21;
	[tilespmem:v42+s17+$0x0] =	vst.idx.msk $0xffff, v18  }
0x239: {  	v41 =	vor.u32 v9, v53;
	[tilespmem:v38+s17+$0x0] =	vst.idx.msk $0xffff, v36;
	v38 =	vld.idx.msk [tilespmem:v56+s14+$0x0], $0xffff  }
0x23a: {  	v39 =	vor.u32 v5, v35;
	v56 =	vld [tilespmem:$0x1FC90];
	[tilespmem:v45+s17+$0x0] =	vst.idx.msk $0xffff, v47  }
0x23b: {  	v0 =	vld [tilespmem:$0x1FCA0];
	_ =	sdelay $0x1  }
0x23c: {  	v25 =	vld.idx.msk [tilespmem:v25+s14+$0x0], $0xffff  }
0x23d: {  	v43 =	vor.u32 v61, v27;
	v18 =	vld.idx.msk [tilespmem:v41+s14+$0x0], $0xffff  }
0x23e: {  	v39 =	vld.idx.msk [tilespmem:v39+s14+$0x0], $0xffff;
	v40 =	vor.u32 v56, v14  }
0x23f: {  	v61 =	vor.u32 v51, v32;
	v41 =	vor.u32 v0, v20  }
0x240: {  	v45 =	vor.u32 v52, v26;
	v47 =	vadd.f32 v38, v23  }
0x241: {  	v25 =	vadd.f32 v25, v12;
	[tilespmem:$0x1FBC0] =	vst v52  }
0x242: {  	v36 =	vor.u32 v59, v48;
	v18 =	vadd.f32 v18, v16;
	[tilespmem:v43+s17+$0x0] =	vst.idx.msk $0xffff, v47  }
0x243: {  	v42 =	vor.u32 v59, v53;
	v47 =	vadd.f32 v39, v21;
	[tilespmem:v40+s17+$0x0] =	vst.idx.msk $0xffff, v25  }
0x244: {  	v8 =	vmov v52;
	v52 =	vor.u32 v51, v35;
	v39 =	vld.idx.msk [tilespmem:v61+s14+$0x0], $0xffff;
	[tilespmem:v41+s17+$0x0] =	vst.idx.msk $0xffff, v18  }
0x245: {  	v61 =	vld [tilespmem:$0x1FCD0];
	[tilespmem:v45+s17+$0x0] =	vst.idx.msk $0xffff, v47  }
0x246: {  	v0 =	vld [tilespmem:$0x1FCE0]  }
0x247: {  	v18 =	vld.idx.msk [tilespmem:v36+s14+$0x0], $0xffff  }
0x248: {  	v25 =	vld.idx.msk [tilespmem:v42+s14+$0x0], $0xffff  }
0x249: {  	v38 =	vld.idx.msk [tilespmem:v52+s14+$0x0], $0xffff;
	v52 =	vor.u32 v50, v27  }
0x24a: {  	v40 =	vor.u32 v61, v14  }
0x24b: {  	v47 =	vld [tilespmem:$0x1FA80];
	v41 =	vor.u32 v0, v20  }
0x24c: {  	v50 =	vadd.f32 v39, v23  }
0x24d: {  	v18 =	vadd.f32 v18, v12  }
0x24e: {  	v25 =	vadd.f32 v25, v16;
	[tilespmem:v52+s17+$0x0] =	vst.idx.msk $0xffff, v50  }
0x24f: {  	[tilespmem:v40+s17+$0x0] =	vst.idx.msk $0xffff, v18  }
0x250: {  	v45 =	vor.u32 v47, v26;
	[tilespmem:v41+s17+$0x0] =	vst.idx.msk $0xffff, v25  }
0x251: {  	v0 =	vld [tilespmem:$0x1FD10]  }
0x252: {  	v44 =	vor.u32 v9, v32  }
0x253: {  	v36 =	vor.u32 v13, v48;
	v52 =	vadd.f32 v38, v21  }
0x254: {  	v42 =	vor.u32 v13, v53  }
0x255: {  	[tilespmem:v45+s17+$0x0] =	vst.idx.msk $0xffff, v52  }
0x256: {  	v40 =	vor.u32 v0, v14;
	v0 =	vld [tilespmem:$0x1FD20]  }
0x257: {  	v38 =	vld.idx.msk [tilespmem:v44+s14+$0x0], $0xffff  }
0x258: {  	v39 =	vor.u32 v9, v35;
	v25 =	vld.idx.msk [tilespmem:v36+s14+$0x0], $0xffff  }
0x259: {  	v50 =	vmov v10;
	v10 =	vor.u32 v2, v48;
	v48 =	vor.u32 v55, v27;
	v18 =	vld.idx.msk [tilespmem:v42+s14+$0x0], $0xffff;
	_ =	sdelay $0x1  }
0x25a: {  	v55 =	vld [tilespmem:$0x1FA90];
	v36 =	vor.u32 v0, v20  }
0x25b: {  	v43 =	vor.u32 v2, v53;
	v53 =	vadd.f32 v38, v23  }
0x25c: {  	v25 =	vadd.f32 v25, v12  }
0x25d: {  	v39 =	vld.idx.msk [tilespmem:v39+s14+$0x0], $0xffff;
	v18 =	vadd.f32 v18, v16;
	[tilespmem:v48+s17+$0x0] =	vst.idx.msk $0xffff, v53  }
0x25e: {  	[tilespmem:v40+s17+$0x0] =	vst.idx.msk $0xffff, v25  }
0x25f: {  	v44 =	vor.u32 v55, v26;
	[tilespmem:v36+s17+$0x0] =	vst.idx.msk $0xffff, v18  }
0x260: {  	v0 =	vld [tilespmem:$0x1FD50];
	_ =	sdelay $0x1  }
0x261: {  	v45 =	vld.idx.msk [tilespmem:v10+s14+$0x0], $0xffff;
	v10 =	vadd.f32 v39, v21;
	_ =	sdelay $0x1  }
0x262: {  	v1 =	vld [tilespmem:$0x1FB50];
	[tilespmem:v44+s17+$0x0] =	vst.idx.msk $0xffff, v10  }
0x263: {  	v14 =	vor.u32 v0, v14;
	v0 =	vld [tilespmem:$0x1FD60];
	_ =	sdelay $0x4  }
0x264: {  	v10 =	vand.u32 $0x7, v0;
	v0 =	vld [tilespmem:$0x1FD70]  }
0x265: {  	v42 =	vor.u32 v59, v32;
	v40 =	vor.u32 $0x20, v57  }
0x266: {  	v48 =	vand.u32 $0x7, v11;
	v52 =	vand.u32 $0x28, v40  }
0x267: {  	v38 =	vor.u32 v59, v35;
	v18 =	vor.u32 v48, v52;
	v52 =	vld [tilespmem:$0x1FAA0];
	_ =	sdelay $0x1  }
0x268: {  	v20 =	vor.u32 v0, v20;
	v0 =	vld [tilespmem:$0x1FB40]  }
0x269: {  	v25 =	vld.idx.msk [tilespmem:v42+s14+$0x0], $0xffff  }
0x26a: {  	v41 =	vld.idx.msk [tilespmem:v43+s14+$0x0], $0xffff  }
0x26b: {  	v38 =	vld.idx.msk [tilespmem:v38+s14+$0x0], $0xffff;
	v43 =	vor.u32 v52, v27  }
0x26c: {  	v12 =	vadd.f32 v45, v12  }
0x26d: {  	v48 =	vor.u32 v0, v26  }
0x26e: {  	[tilespmem:v14+s17+$0x0] =	vst.idx.msk $0xffff, v12;
	v12 =	vadd.f32 v25, v23  }
0x26f: {  	v14 =	vadd.f32 v41, v16  }
0x270: {  	v38 =	vadd.f32 v38, v21;
	[tilespmem:v43+s17+$0x0] =	vst.idx.msk $0xffff, v12  }
0x271: {  	[tilespmem:v20+s17+$0x0] =	vst.idx.msk $0xffff, v14  }
0x272: {  	v39 =	vor.u32 $0x20, v1;
	[tilespmem:v48+s17+$0x0] =	vst.idx.msk $0xffff, v38  }
0x273: {  	v53 =	vand.u32 $0x28, v39;
	v0 =	vld [tilespmem:$0x1FDB0]  }
0x274: {  	v42 =	vor.u32 v7, v18;
	v10 =	vor.u32 v10, v53;
	v16 =	vshll.u32 v40, $0x7  }
0x275: {  	v53 =	vor.u32 v13, v35;
	v12 =	vand.u32 $0x1400, v16;
	v14 =	vshll.u32 v39, $0x7  }
0x276: {  	v16 =	vor.u32 v3, v12;
	v12 =	vand.u32 $0x1400, v14  }
0x277: {  	v14 =	vor.u32 v3, v12  }
0x278: {  	v45 =	vor.u32 v0, v14;
	v0 =	vld [tilespmem:$0x1FE80]  }
0x279: {  	v36 =	vor.u32 v13, v32;
	v40 =	vld.idx.msk [tilespmem:v42+s14+$0x0], $0xffff  }
0x27a: {  	v57 =	vor.u32 v7, v10;
	v25 =	vld.idx.msk [tilespmem:v53+s14+$0x0], $0xffff  }
0x27b: {  	v53 =	vld [tilespmem:$0x1FAB0]  }
0x27c: {  	v48 =	vld [tilespmem:$0x1FE90]  }
0x27d: {  	v12 =	vperm.xlane v0, v1;
	v1 =	vld [tilespmem:$0x1FAC0]  }
0x27e: {  	v20 =	vld.idx.msk [tilespmem:v36+s14+$0x0], $0xffff  }
0x27f: {  	v36 =	vld.idx.msk [tilespmem:v57+s14+$0x0], $0xffff;
	v38 =	vor.u32 v63, v16  }
0x280: {  	v57 =	vor.u32 v53, v27;
	_ =	sdelay $0x1  }
0x281: {  	v40 =	vadd.f32 v40, v48;
	v43 =	vor.u32 v1, v26  }
0x282: {  	v20 =	vadd.f32 v20, v23  }
0x283: {  	[tilespmem:v38+s17+$0x0] =	vst.idx.msk $0xffff, v40;
	v36 =	vadd.f32 v36, v12  }
0x284: {  	[tilespmem:v57+s17+$0x0] =	vst.idx.msk $0xffff, v20;
	v57 =	vadd.f32 v25, v21  }
0x285: {  	[tilespmem:v45+s17+$0x0] =	vst.idx.msk $0xffff, v36  }
0x286: {  	[tilespmem:v43+s17+$0x0] =	vst.idx.msk $0xffff, v57  }
0x287: {  	v11 =	vld [tilespmem:$0x1FB60];
	_ =	sdelay $0x2  }
0x288: {  	v32 =	vor.u32 v2, v32  }
0x289: {  	v35 =	vor.u32 v2, v35  }
0x28a: {  	v27 =	vor.u32 v11, v27;
	v11 =	vld [tilespmem:$0x1FDE0];
	_ =	sdelay $0x1  }
0x28b: {  	v42 =	vor.u32 v62, v18  }
0x28c: {  	v38 =	vor.u32 v62, v10;
	v36 =	vld.idx.msk [tilespmem:v32+s14+$0x0], $0xffff  }
0x28d: {  	v25 =	vor.u32 $0x20, v58;
	v35 =	vld.idx.msk [tilespmem:v35+s14+$0x0], $0xffff  }
0x28e: {  	v44 =	vand.u32 $0x7, v50;
	v45 =	vand.u32 $0x28, v25;
	v40 =	vor.u32 v11, v16;
	v11 =	vld [tilespmem:$0x1FDF0]  }
0x28f: {  	v20 =	vor.u32 v44, v45;
	v45 =	vld [tilespmem:$0x1FB90]  }
0x290: {  	v39 =	vld.idx.msk [tilespmem:v42+s14+$0x0], $0xffff  }
0x291: {  	v38 =	vld.idx.msk [tilespmem:v38+s14+$0x0], $0xffff;
	v26 =	vor.u32 v54, v26;
	_ =	sdelay $0x1  }
0x292: {  	v42 =	vor.u32 v7, v20;
	v23 =	vadd.f32 v36, v23;
	v36 =	vor.u32 v11, v14  }
0x293: {  	v41 =	vor.u32 $0x20, v45;
	v21 =	vadd.f32 v35, v21  }
0x294: {  	v39 =	vadd.f32 v39, v48;
	v57 =	vand.u32 $0x7, v49;
	v49 =	vand.u32 $0x28, v41;
	[tilespmem:v27+s17+$0x0] =	vst.idx.msk $0xffff, v23  }
0x295: {  	v35 =	vadd.f32 v38, v12;
	[tilespmem:v26+s17+$0x0] =	vst.idx.msk $0xffff, v21  }
0x296: {  	v43 =	vor.u32 v5, v18;
	v32 =	vor.u32 v57, v49;
	v57 =	vshll.u32 v41, $0x7;
	[tilespmem:v40+s17+$0x0] =	vst.idx.msk $0xffff, v39  }
0x297: {  	v44 =	vor.u32 v7, v32;
	v49 =	vmov v54;
	v54 =	vshll.u32 v25, $0x7;
	v38 =	vld.idx.msk [tilespmem:v42+s14+$0x0], $0xffff;
	[tilespmem:v36+s17+$0x0] =	vst.idx.msk $0xffff, v35  }
0x298: {  	v25 =	vor.u32 v5, v10;
	v23 =	vand.u32 $0x1400, v54;
	v54 =	vand.u32 $0x1400, v57;
	v11 =	vld [tilespmem:$0x1FE40]  }
0x299: {  	v21 =	vor.u32 v3, v54;
	v54 =	vld [tilespmem:$0x1FAD0]  }
0x29a: {  	v26 =	vperm.xlane v0, v58;
	v27 =	vor.u32 v3, v23;
	v23 =	vperm.xlane v0, v45;
	v0 =	vld [tilespmem:$0x1FEC0]  }
0x29b: {  	v40 =	vld.idx.msk [tilespmem:v43+s14+$0x0], $0xffff  }
0x29c: {  	v35 =	vld.idx.msk [tilespmem:v44+s14+$0x0], $0xffff;
	v36 =	vor.u32 v19, v27  }
0x29d: {  	v25 =	vld.idx.msk [tilespmem:v25+s14+$0x0], $0xffff;
	v39 =	vor.u32 v11, v16  }
0x29e: {  	v43 =	vor.u32 v54, v21  }
0x29f: {  	v38 =	vadd.f32 v38, v26;
	v45 =	vor.u32 v0, v14  }
0x2a0: {  	v40 =	vadd.f32 v40, v48  }
0x2a1: {  	v41 =	vor.u32 v62, v20;
	[tilespmem:v36+s17+$0x0] =	vst.idx.msk $0xffff, v38;
	v35 =	vadd.f32 v35, v23  }
0x2a2: {  	v57 =	vor.u32 v62, v32;
	v25 =	vadd.f32 v25, v12;
	[tilespmem:v39+s17+$0x0] =	vst.idx.msk $0xffff, v40  }
0x2a3: {  	[tilespmem:v43+s17+$0x0] =	vst.idx.msk $0xffff, v35  }
0x2a4: {  	v42 =	vor.u32 v51, v18;
	[tilespmem:v45+s17+$0x0] =	vst.idx.msk $0xffff, v25  }
0x2a5: {  	v0 =	vld [tilespmem:$0x1FC50]  }
0x2a6: {  	v38 =	vld.idx.msk [tilespmem:v41+s14+$0x0], $0xffff  }
0x2a7: {  	v39 =	vld.idx.msk [tilespmem:v57+s14+$0x0], $0xffff  }
0x2a8: {  	v36 =	vor.u32 v51, v10;
	v57 =	vor.u32 v46, v27;
	v46 =	vld [tilespmem:$0x1FAE0]  }
0x2a9: {  	v35 =	vld.idx.msk [tilespmem:v42+s14+$0x0], $0xffff  }
0x2aa: {  	v25 =	vor.u32 v0, v16;
	v0 =	vld [tilespmem:$0x1FC70];
	_ =	sdelay $0x2  }
0x2ab: {  	v36 =	vld.idx.msk [tilespmem:v36+s14+$0x0], $0xffff;
	v43 =	vor.u32 v46, v21  }
0x2ac: {  	v38 =	vadd.f32 v38, v26  }
0x2ad: {  	v35 =	vadd.f32 v35, v48;
	v45 =	vor.u32 v0, v14  }
0x2ae: {  	[tilespmem:v57+s17+$0x0] =	vst.idx.msk $0xffff, v38;
	v57 =	vadd.f32 v39, v23  }
0x2af: {  	v41 =	vor.u32 v5, v20;
	[tilespmem:v25+s17+$0x0] =	vst.idx.msk $0xffff, v35  }
0x2b0: {  	v42 =	vor.u32 v9, v18;
	[tilespmem:v43+s17+$0x0] =	vst.idx.msk $0xffff, v57;
	v57 =	vadd.f32 v36, v12  }
0x2b1: {  	v0 =	vld [tilespmem:$0x1FBB0]  }
0x2b2: {  	[tilespmem:v45+s17+$0x0] =	vst.idx.msk $0xffff, v57  }
0x2b3: {  	v11 =	vld [tilespmem:$0x1FAF0]  }
0x2b4: {  	v25 =	vld.idx.msk [tilespmem:v41+s14+$0x0], $0xffff  }
0x2b5: {  	v44 =	vor.u32 v5, v32;
	v36 =	vld.idx.msk [tilespmem:v42+s14+$0x0], $0xffff  }
0x2b6: {  	v40 =	vor.u32 v0, v27  }
0x2b7: {  	v35 =	vor.u32 v56, v16  }
0x2b8: {  	v28 =	vadd.f32 v28, v11  }
0x2b9: {  	v25 =	vadd.f32 v25, v26  }
0x2ba: {  	v38 =	vld.idx.msk [tilespmem:v44+s14+$0x0], $0xffff;
	v36 =	vadd.f32 v36, v48;
	[tilespmem:v34+s17+$0x0] =	vst.idx.msk $0xffff, v28  }
0x2bb: {  	v0 =	vld [tilespmem:$0x1FCA0];
	[tilespmem:v40+s17+$0x0] =	vst.idx.msk $0xffff, v25  }
0x2bc: {  	v39 =	vor.u32 v9, v10;
	[tilespmem:v35+s17+$0x0] =	vst.idx.msk $0xffff, v36  }
0x2bd: {  	v56 =	vor.u32 v8, v21;
	v8 =	vld [tilespmem:$0x1FB00]  }
0x2be: {  	v41 =	vor.u32 v51, v20  }
0x2bf: {  	v57 =	vor.u32 v51, v32  }
0x2c0: {  	v38 =	vadd.f32 v38, v23  }
0x2c1: {  	v39 =	vld.idx.msk [tilespmem:v39+s14+$0x0], $0xffff  }
0x2c2: {  	v45 =	vld.idx.msk [tilespmem:v30+s14+$0x0], $0xffff;
	[tilespmem:v56+s17+$0x0] =	vst.idx.msk $0xffff, v38;
	v40 =	vadd.f32 v31, v8  }
0x2c3: {  	v31 =	vld.idx.msk [tilespmem:v41+s14+$0x0], $0xffff;
	[tilespmem:$0x1FBF0] =	vst v15  }
0x2c4: {  	v28 =	vld.idx.msk [tilespmem:v57+s14+$0x0], $0xffff;
	[tilespmem:v33+s17+$0x0] =	vst.idx.msk $0xffff, v40  }
0x2c5: {  	v57 =	vld [tilespmem:$0x1FB10];
	_ =	sdelay $0x2  }
0x2c6: {  	v6 =	vor.u32 v15, v6;
	v42 =	vor.u32 v59, v18  }
0x2c7: {  	v34 =	vor.u32 v0, v14  }
0x2c8: {  	v44 =	vor.u32 v57, v27  }
0x2c9: {  	v25 =	vadd.f32 v45, v11  }
0x2ca: {  	v43 =	vadd.f32 v39, v12  }
0x2cb: {  	v36 =	vld.idx.msk [tilespmem:v42+s14+$0x0], $0xffff;
	[tilespmem:v6+s17+$0x0] =	vst.idx.msk $0xffff, v25;
	v31 =	vadd.f32 v31, v26  }
0x2cc: {  	[tilespmem:v34+s17+$0x0] =	vst.idx.msk $0xffff, v43  }
0x2cd: {  	v30 =	vor.u32 v61, v16;
	v29 =	vld.idx.msk [tilespmem:v29+s14+$0x0], $0xffff;
	[tilespmem:v44+s17+$0x0] =	vst.idx.msk $0xffff, v31  }
0x2ce: {  	v35 =	vor.u32 v59, v10;
	v45 =	vor.u32 v47, v21;
	v0 =	vld [tilespmem:$0x1FCE0];
	_ =	sdelay $0x1  }
0x2cf: {  	v4 =	vor.u32 v60, v4;
	v6 =	vadd.f32 v36, v48  }
0x2d0: {  	v43 =	vadd.f32 v28, v23  }
0x2d1: {  	v34 =	vor.u32 v9, v20;
	[tilespmem:v30+s17+$0x0] =	vst.idx.msk $0xffff, v6  }
0x2d2: {  	v35 =	vld.idx.msk [tilespmem:v35+s14+$0x0], $0xffff;
	[tilespmem:v45+s17+$0x0] =	vst.idx.msk $0xffff, v43;
	v44 =	vor.u32 v0, v14;
	v0 =	vadd.f32 v29, v8  }
0x2d3: {  	v38 =	vor.u32 v13, v18;
	v41 =	vld [tilespmem:$0x1FB20]  }
0x2d4: {  	v61 =	vor.u32 v9, v32;
	v8 =	vld [tilespmem:$0x1FC80];
	[tilespmem:v4+s17+$0x0] =	vst.idx.msk $0xffff, v0  }
0x2d5: {  	v0 =	vld [tilespmem:$0x1FD10]  }
0x2d6: {  	v6 =	vld.idx.msk [tilespmem:v34+s14+$0x0], $0xffff;
	_ =	sdelay $0x1  }
0x2d7: {  	v56 =	vmov v60;
	v25 =	vld.idx.msk [tilespmem:v38+s14+$0x0], $0xffff;
	v60 =	vor.u32 v41, v27  }
0x2d8: {  	v33 =	vld.idx.msk [tilespmem:v61+s14+$0x0], $0xffff  }
0x2d9: {  	v45 =	vadd.f32 v35, v12;
	v61 =	vor.u32 v0, v16  }
0x2da: {  	v43 =	vor.u32 v55, v21;
	v6 =	vadd.f32 v6, v26  }
0x2db: {  	[tilespmem:v44+s17+$0x0] =	vst.idx.msk $0xffff, v45  }
0x2dc: {  	v25 =	vadd.f32 v25, v48;
	[tilespmem:v60+s17+$0x0] =	vst.idx.msk $0xffff, v6  }
0x2dd: {  	v33 =	vadd.f32 v33, v23;
	v30 =	vor.u32 $0x30, v8;
	v8 =	vld [tilespmem:$0x1FCB0]  }
0x2de: {  	v24 =	vld.idx.msk [tilespmem:v24+s14+$0x0], $0xffff;
	[tilespmem:v61+s17+$0x0] =	vst.idx.msk $0xffff, v25  }
0x2df: {  	v29 =	vor.u32 v13, v10;
	v0 =	vshll.u32 v22, $0x7;
	v61 =	vld [tilespmem:$0x1FD20];
	[tilespmem:v43+s17+$0x0] =	vst.idx.msk $0xffff, v33  }
0x2e0: {  	v0 =	vand.u32 $0x1C00, v0;
	v11 =	vld [tilespmem:$0x1FB30]  }
0x2e1: {  	v44 =	vor.u32 v59, v32;
	v0 =	vor.u32 v3, v0  }
0x2e2: {  	v45 =	vor.u32 v8, v0;
	_ =	sdelay $0x1  }
0x2e3: {  	v29 =	vld.idx.msk [tilespmem:v29+s14+$0x0], $0xffff  }
0x2e4: {  	v40 =	vor.u32 v59, v20;
	v4 =	vand.u32 $0x3F, v30;
	v24 =	vadd.f32 v24, v11  }
0x2e5: {  	v42 =	vor.u32 v7, v4;
	v31 =	vld.idx.msk [tilespmem:v44+s14+$0x0], $0xffff;
	v60 =	vor.u32 v61, v14  }
0x2e6: {  	v8 =	vld [tilespmem:$0x1FCC0];
	[tilespmem:v45+s17+$0x0] =	vst.idx.msk $0xffff, v24  }
0x2e7: {  	v39 =	vld [tilespmem:$0x1FE20]  }
0x2e8: {  	v29 =	vadd.f32 v29, v12;
	v44 =	vld [tilespmem:$0x1FB40]  }
0x2e9: {  	v6 =	vshll.u32 v30, $0x7;
	v25 =	vld.idx.msk [tilespmem:v40+s14+$0x0], $0xffff  }
0x2ea: {  	v6 =	vand.u32 $0x1C00, v6;
	v22 =	vld.idx.msk [tilespmem:v42+s14+$0x0], $0xffff;
	[tilespmem:v60+s17+$0x0] =	vst.idx.msk $0xffff, v29  }
0x2eb: {  	v18 =	vor.u32 v2, v18;
	v6 =	vor.u32 v3, v6;
	v33 =	vor.u32 v52, v27;
	v60 =	vld [tilespmem:$0x1FD50]  }
0x2ec: {  	v35 =	vor.u32 v8, v6  }
0x2ed: {  	v28 =	vor.u32 v2, v10;
	v10 =	vperm.xlane v39, v37;
	v43 =	vor.u32 v44, v21  }
0x2ee: {  	v25 =	vadd.f32 v25, v26  }
0x2ef: {  	v36 =	vor.u32 v13, v20;
	v22 =	vadd.f32 v22, v10  }
0x2f0: {  	v18 =	vld.idx.msk [tilespmem:v18+s14+$0x0], $0xffff;
	[tilespmem:v33+s17+$0x0] =	vst.idx.msk $0xffff, v25;
	v30 =	vor.u32 v60, v16;
	v16 =	vadd.f32 v31, v23  }
0x2f1: {  	[tilespmem:v35+s17+$0x0] =	vst.idx.msk $0xffff, v22  }
0x2f2: {  	v8 =	vld [tilespmem:$0x1FC20];
	[tilespmem:v43+s17+$0x0] =	vst.idx.msk $0xffff, v16  }
0x2f3: {  	v43 =	vld [tilespmem:$0x1FD70];
	_ =	sdelay $0x1  }
0x2f4: {  	v45 =	vadd.f32 v18, v48;
	v48 =	vld.idx.msk [tilespmem:v36+s14+$0x0], $0xffff  }
0x2f5: {  	v38 =	vld.idx.msk [tilespmem:v28+s14+$0x0], $0xffff;
	v37 =	vor.u32 v13, v32  }
0x2f6: {  	v35 =	vor.u32 v53, v27  }
0x2f7: {  	v28 =	vor.u32 $0x30, v8;
	v8 =	vld [tilespmem:$0x1FD60];
	[tilespmem:v30+s17+$0x0] =	vst.idx.msk $0xffff, v45;
	v14 =	vor.u32 v43, v14  }
0x2f8: {  	v42 =	vld [tilespmem:$0x1FD00]  }
0x2f9: {  	v34 =	vor.u32 v2, v20;
	v20 =	vadd.f32 v48, v26  }
0x2fa: {  	v12 =	vadd.f32 v38, v12;
	v22 =	vld.idx.msk [tilespmem:v37+s14+$0x0], $0xffff  }
0x2fb: {  	v40 =	vld [tilespmem:$0x1FCF0];
	[tilespmem:v35+s17+$0x0] =	vst.idx.msk $0xffff, v20  }
0x2fc: {  	v17 =	vld.idx.msk [tilespmem:v17+s14+$0x0], $0xffff;
	v45 =	vor.u32 v1, v21;
	[tilespmem:v14+s17+$0x0] =	vst.idx.msk $0xffff, v12  }
0x2fd: {  	v36 =	vor.u32 v42, v6;
	v42 =	vmov v1;
	v1 =	vld [tilespmem:$0x1FBD0];
	_ =	sdelay $0x1  }
0x2fe: {  	v29 =	vor.u32 v62, v4;
	v22 =	vadd.f32 v22, v23  }
0x2ff: {  	v48 =	vor.u32 v2, v32;
	v12 =	vshll.u32 v28, $0x7  }
0x300: {  	v38 =	vadd.f32 v17, v11;
	v12 =	vand.u32 $0x1C00, v12;
	[tilespmem:v45+s17+$0x0] =	vst.idx.msk $0xffff, v22  }
0x301: {  	v18 =	vand.u32 $0x3F, v28;
	v17 =	vor.u32 v3, v12;
	v12 =	vperm.xlane v39, v1;
	v1 =	vld [tilespmem:$0x1FDB0]  }
0x302: {  	v33 =	vor.u32 v7, v18;
	v24 =	vor.u32 $0x30, v8  }
0x303: {  	v29 =	vld.idx.msk [tilespmem:v29+s14+$0x0], $0xffff;
	v16 =	vand.u32 $0x3F, v24;
	v14 =	vshll.u32 v24, $0x7  }
0x304: {  	v30 =	vor.u32 v7, v16;
	v14 =	vand.u32 $0x1C00, v14;
	v28 =	vld.idx.msk [tilespmem:v48+s14+$0x0], $0xffff  }
0x305: {  	v25 =	vor.u32 v40, v0;
	v20 =	vor.u32 v3, v14;
	v48 =	vld [tilespmem:$0x1FB60]  }
0x306: {  	v22 =	vor.u32 v1, v20;
	v1 =	vld [tilespmem:$0x1FB50]  }
0x307: {  	v37 =	vld.idx.msk [tilespmem:v33+s14+$0x0], $0xffff  }
0x308: {  	v34 =	vld.idx.msk [tilespmem:v34+s14+$0x0], $0xffff  }
0x309: {  	v40 =	vor.u32 v63, v17;
	v30 =	vld.idx.msk [tilespmem:v30+s14+$0x0], $0xffff  }
0x30a: {  	v8 =	vmov v11;
	v11 =	vld [tilespmem:$0x1FB70];
	v27 =	vor.u32 v48, v27;
	[tilespmem:v25+s17+$0x0] =	vst.idx.msk $0xffff, v38  }
0x30b: {  	v29 =	vadd.f32 v29, v10;
	v14 =	vperm.xlane v39, v1;
	v1 =	vld [tilespmem:$0x1FB80]  }
0x30c: {  	v32 =	vadd.f32 v37, v12  }
0x30d: {  	v21 =	vor.u32 v49, v21;
	v26 =	vadd.f32 v34, v26;
	[tilespmem:v36+s17+$0x0] =	vst.idx.msk $0xffff, v29  }
0x30e: {  	v31 =	vor.u32 $0x30, v50;
	[tilespmem:v40+s17+$0x0] =	vst.idx.msk $0xffff, v32;
	v36 =	vadd.f32 v30, v14  }
0x30f: {  	v24 =	vand.u32 $0x3F, v31;
	v45 =	vor.u32 v5, v11;
	[tilespmem:v27+s17+$0x0] =	vst.idx.msk $0xffff, v26  }
0x310: {  	v63 =	vor.u32 v7, v24;
	v34 =	vadd.f32 v28, v23;
	[tilespmem:v22+s17+$0x0] =	vst.idx.msk $0xffff, v36;
	v50 =	vor.u32 $0x30, v1  }
0x311: {  	v15 =	vld [tilespmem:$0x1FD30];
	v25 =	vand.u32 $0x3F, v50  }
0x312: {  	[tilespmem:v21+s17+$0x0] =	vst.idx.msk $0xffff, v34;
	v40 =	vor.u32 v7, v25  }
0x313: {  	v1 =	vld [tilespmem:$0x1FB90]  }
0x314: {  	v36 =	vld.idx.msk [tilespmem:v45+s14+$0x0], $0xffff;
	v45 =	vshll.u32 v31, $0x7  }
0x315: {  	v28 =	vld.idx.msk [tilespmem:v63+s14+$0x0], $0xffff;
	v23 =	vand.u32 $0x1C00, v45  }
0x316: {  	v22 =	vor.u32 v3, v23;
	v27 =	vor.u32 v15, v0  }
0x317: {  	v30 =	vld.idx.msk [tilespmem:v40+s14+$0x0], $0xffff;
	v40 =	vor.u32 v19, v22  }
0x318: {  	v21 =	vperm.xlane v39, v58;
	v19 =	vperm.xlane v39, v1;
	v1 =	vld [tilespmem:$0x1FD40]  }
0x319: {  	v26 =	vadd.f32 v36, v8  }
0x31a: {  	v29 =	vor.u32 v5, v4;
	v50 =	vshll.u32 v50, $0x7;
	v28 =	vadd.f32 v28, v21  }
0x31b: {  	v23 =	vand.u32 $0x1C00, v50;
	[tilespmem:v27+s17+$0x0] =	vst.idx.msk $0xffff, v26  }
0x31c: {  	v63 =	vor.u32 v62, v16;
	v23 =	vor.u32 v3, v23;
	[tilespmem:v40+s17+$0x0] =	vst.idx.msk $0xffff, v28  }
0x31d: {  	v35 =	vor.u32 v54, v23;
	v54 =	vor.u32 v1, v6;
	v1 =	vld [tilespmem:$0x1FDE0];
	_ =	sdelay $0x1  }
0x31e: {  	v29 =	vld.idx.msk [tilespmem:v29+s14+$0x0], $0xffff;
	_ =	sdelay $0x1  }
0x31f: {  	v26 =	vld.idx.msk [tilespmem:v63+s14+$0x0], $0xffff  }
0x320: {  	v63 =	vor.u32 v1, v17;
	v1 =	vld [tilespmem:$0x1FDF0]  }
0x321: {  	v31 =	vor.u32 v62, v18;
	v30 =	vadd.f32 v30, v19  }
0x322: {  	v29 =	vadd.f32 v29, v10  }
0x323: {  	[tilespmem:v35+s17+$0x0] =	vst.idx.msk $0xffff, v30  }
0x324: {  	[tilespmem:v54+s17+$0x0] =	vst.idx.msk $0xffff, v29  }
0x325: {  	v40 =	vor.u32 v1, v20;
	v1 =	vld [tilespmem:$0x1FBA0]  }
0x326: {  	v50 =	vor.u32 v51, v11;
	v31 =	vld.idx.msk [tilespmem:v31+s14+$0x0], $0xffff  }
0x327: {  	v45 =	vor.u32 v62, v24;
	_ =	sdelay $0x1  }
0x328: {  	v58 =	vor.u32 v62, v25  }
0x329: {  	v54 =	vor.u32 v1, v22;
	v1 =	vld [tilespmem:$0x1FD80]  }
0x32a: {  	v30 =	vld.idx.msk [tilespmem:v50+s14+$0x0], $0xffff;
	v50 =	vadd.f32 v31, v12  }
0x32b: {  	v33 =	vld.idx.msk [tilespmem:v45+s14+$0x0], $0xffff;
	v45 =	vor.u32 v5, v18;
	v26 =	vadd.f32 v26, v14  }
0x32c: {  	[tilespmem:v63+s17+$0x0] =	vst.idx.msk $0xffff, v50  }
0x32d: {  	v31 =	vld.idx.msk [tilespmem:v58+s14+$0x0], $0xffff;
	[tilespmem:v40+s17+$0x0] =	vst.idx.msk $0xffff, v26  }
0x32e: {  	v58 =	vor.u32 v1, v0;
	v1 =	vld [tilespmem:$0x1FD90];
	_ =	sdelay $0x1  }
0x32f: {  	v39 =	vld.idx.msk [tilespmem:v45+s14+$0x0], $0xffff;
	v45 =	vadd.f32 v33, v21;
	_ =	sdelay $0x1  }
0x330: {  	v63 =	vor.u32 v46, v23;
	[tilespmem:v54+s17+$0x0] =	vst.idx.msk $0xffff, v45  }
0x331: {  	v46 =	vor.u32 v1, v6;
	v1 =	vld [tilespmem:$0x1FE40]  }
0x332: {  	v30 =	vadd.f32 v30, v8  }
0x333: {  	v62 =	vor.u32 v51, v4;
	v31 =	vadd.f32 v31, v19  }
0x334: {  	[tilespmem:v58+s17+$0x0] =	vst.idx.msk $0xffff, v30  }
0x335: {  	[tilespmem:v63+s17+$0x0] =	vst.idx.msk $0xffff, v31  }
0x336: {  	v54 =	vor.u32 v1, v17;
	v1 =	vld [tilespmem:$0x1FEC0];
	_ =	sdelay $0x1  }
0x337: {  	v27 =	vld.idx.msk [tilespmem:v62+s14+$0x0], $0xffff;
	_ =	sdelay $0x2  }
0x338: {  	v58 =	vor.u32 v1, v20;
	v1 =	vld [tilespmem:$0x1FBB0];
	_ =	sdelay $0x1  }
0x339: {  	v27 =	vadd.f32 v27, v10;
	_ =	sdelay $0x1  }
0x33a: {  	[tilespmem:v46+s17+$0x0] =	vst.idx.msk $0xffff, v27  }
0x33b: {  	v35 =	vor.u32 v5, v16;
	v63 =	vor.u32 v1, v22;
	v1 =	vld [tilespmem:$0x1FEE0]  }
0x33c: {  	v62 =	vor.u32 v5, v24;
	_ =	sdelay $0x3  }
0x33d: {  	v40 =	vor.u32 v5, v25;
	v50 =	vld.idx.msk [tilespmem:v35+s14+$0x0], $0xffff  }
0x33e: {  	v26 =	vadd.f32 v39, v12;
	v30 =	vld.idx.msk [tilespmem:v62+s14+$0x0], $0xffff;
	_ =	sdelay $0x1  }
0x33f: {  	v5 =	vmov v8;
	[tilespmem:v54+s17+$0x0] =	vst.idx.msk $0xffff, v26;
	v8 =	vld.idx.msk [tilespmem:v1+s14+$0x0], $0xffff  }
0x340: {  	v1 =	vld [tilespmem:$0x1FBC0]  }
0x341: {  	v29 =	vld.idx.msk [tilespmem:v40+s14+$0x0], $0xffff;
	v40 =	vadd.f32 v50, v14  }
0x342: {  	v30 =	vadd.f32 v30, v21  }
0x343: {  	v28 =	vor.u32 v51, v18;
	v3 =	vld [tilespmem:$0x1FDC0];
	[tilespmem:v58+s17+$0x0] =	vst.idx.msk $0xffff, v40  }
0x344: {  	[tilespmem:v63+s17+$0x0] =	vst.idx.msk $0xffff, v30  }
0x345: {  	v46 =	vor.u32 v1, v23;
	v1 =	vld [tilespmem:$0x1FC50];
	_ =	sdelay $0x2  }
0x346: {  	v29 =	vadd.f32 v29, v19;
	v58 =	vld.idx.msk [tilespmem:v28+s14+$0x0], $0xffff  }
0x347: {  	v50 =	vor.u32 v3, v0  }
0x348: {  	v36 =	vor.u32 v1, v17;
	[tilespmem:v46+s17+$0x0] =	vst.idx.msk $0xffff, v29  }
0x349: {  	v1 =	vld [tilespmem:$0x1FC70]  }
0x34a: {  	v62 =	vor.u32 v51, v16;
	v8 =	vadd.f32 v8, v5  }
0x34b: {  	v27 =	vadd.f32 v58, v12  }
0x34c: {  	[tilespmem:v50+s17+$0x0] =	vst.idx.msk $0xffff, v8  }
0x34d: {  	[tilespmem:v36+s17+$0x0] =	vst.idx.msk $0xffff, v27  }
0x34e: {  	v45 =	vor.u32 v51, v24;
	v37 =	vor.u32 v1, v20;
	v1 =	vld [tilespmem:$0x1FED0]  }
0x34f: {  	v54 =	vor.u32 v51, v25;
	v62 =	vld.idx.msk [tilespmem:v62+s14+$0x0], $0xffff;
	_ =	sdelay $0x3  }
0x350: {  	v26 =	vld.idx.msk [tilespmem:v45+s14+$0x0], $0xffff  }
0x351: {  	v28 =	vadd.f32 v62, v14;
	v8 =	vld.idx.msk [tilespmem:v54+s14+$0x0], $0xffff  }
0x352: {  	v39 =	vor.u32 v57, v22  }
0x353: {  	v45 =	vor.u32 v47, v23;
	[tilespmem:v37+s17+$0x0] =	vst.idx.msk $0xffff, v28;
	v47 =	vld.idx.msk [tilespmem:v1+s14+$0x0], $0xffff  }
0x354: {  	v1 =	vld [tilespmem:$0x1FDD0]  }
0x355: {  	v26 =	vadd.f32 v26, v21  }
0x356: {  	v8 =	vadd.f32 v8, v19  }
0x357: {  	[tilespmem:v39+s17+$0x0] =	vst.idx.msk $0xffff, v26  }
0x358: {  	v63 =	vor.u32 v9, v4;
	v26 =	vld [tilespmem:$0x1FE00];
	[tilespmem:v45+s17+$0x0] =	vst.idx.msk $0xffff, v8  }
0x359: {  	v51 =	vor.u32 v1, v6;
	v1 =	vld [tilespmem:$0x1FC90];
	_ =	sdelay $0x1  }
0x35a: {  	v38 =	vor.u32 v9, v18  }
0x35b: {  	v40 =	vor.u32 v9, v16  }
0x35c: {  	v46 =	vld.idx.msk [tilespmem:v63+s14+$0x0], $0xffff  }
0x35d: {  	v58 =	vor.u32 v1, v17;
	v1 =	vld [tilespmem:$0x1FCA0];
	_ =	sdelay $0x1  }
0x35e: {  	v32 =	vld.idx.msk [tilespmem:v38+s14+$0x0], $0xffff  }
0x35f: {  	v50 =	vor.u32 v9, v24;
	v57 =	vld.idx.msk [tilespmem:v40+s14+$0x0], $0xffff;
	v26 =	vor.u32 v26, v0;
	_ =	sdelay $0x1  }
0x360: {  	v27 =	vadd.f32 v46, v10;
	v63 =	vor.u32 v1, v20  }
0x361: {  	v30 =	vadd.f32 v47, v5  }
0x362: {  	v54 =	vor.u32 v9, v25;
	v39 =	vadd.f32 v32, v12;
	[tilespmem:v51+s17+$0x0] =	vst.idx.msk $0xffff, v27  }
0x363: {  	v40 =	vor.u32 v41, v22;
	v28 =	vld.idx.msk [tilespmem:v50+s14+$0x0], $0xffff;
	v41 =	vadd.f32 v57, v14;
	[tilespmem:v26+s17+$0x0] =	vst.idx.msk $0xffff, v30  }
0x364: {  	[tilespmem:v58+s17+$0x0] =	vst.idx.msk $0xffff, v39  }
0x365: {  	[tilespmem:v63+s17+$0x0] =	vst.idx.msk $0xffff, v41  }
0x366: {  	v1 =	vld [tilespmem:$0x1FE10];
	_ =	sdelay $0x1  }
0x367: {  	v38 =	vld.idx.msk [tilespmem:v54+s14+$0x0], $0xffff;
	v28 =	vadd.f32 v28, v21;
	_ =	sdelay $0x1  }
0x368: {  	v46 =	vor.u32 v55, v23;
	v8 =	vor.u32 v59, v4;
	[tilespmem:v40+s17+$0x0] =	vst.idx.msk $0xffff, v28  }
0x369: {  	v51 =	vor.u32 v1, v6;
	v1 =	vld [tilespmem:$0x1FCD0]  }
0x36a: {  	v62 =	vor.u32 v59, v18  }
0x36b: {  	v45 =	vor.u32 v59, v24;
	v29 =	vadd.f32 v38, v19  }
0x36c: {  	v37 =	vor.u32 v59, v16  }
0x36d: {  	v8 =	vld.idx.msk [tilespmem:v8+s14+$0x0], $0xffff;
	[tilespmem:v46+s17+$0x0] =	vst.idx.msk $0xffff, v29  }
0x36e: {  	v54 =	vor.u32 v1, v17;
	v1 =	vld [tilespmem:$0x1FCE0]  }
0x36f: {  	v26 =	vld.idx.msk [tilespmem:v62+s14+$0x0], $0xffff  }
0x370: {  	v30 =	vld.idx.msk [tilespmem:v45+s14+$0x0], $0xffff  }
0x371: {  	v47 =	vor.u32 v59, v25;
	v27 =	vld.idx.msk [tilespmem:v37+s14+$0x0], $0xffff  }
0x372: {  	v59 =	vor.u32 v52, v22  }
0x373: {  	v8 =	vadd.f32 v8, v10;
	v57 =	vor.u32 v1, v20  }
0x374: {  	v26 =	vadd.f32 v26, v12  }
0x375: {  	v30 =	vadd.f32 v30, v21;
	[tilespmem:v51+s17+$0x0] =	vst.idx.msk $0xffff, v8  }
0x376: {  	v27 =	vadd.f32 v27, v14;
	v31 =	vld.idx.msk [tilespmem:v47+s14+$0x0], $0xffff;
	[tilespmem:v54+s17+$0x0] =	vst.idx.msk $0xffff, v26  }
0x377: {  	v35 =	vld [tilespmem:$0x1FEF0];
	[tilespmem:v59+s17+$0x0] =	vst.idx.msk $0xffff, v30  }
0x378: {  	v50 =	vor.u32 v13, v11;
	v40 =	vor.u32 v44, v23;
	[tilespmem:v57+s17+$0x0] =	vst.idx.msk $0xffff, v27  }
0x379: {  	v1 =	vld [tilespmem:$0x1FC60]  }
0x37a: {  	v62 =	vor.u32 v13, v16  }
0x37b: {  	v55 =	vor.u32 v13, v4;
	v46 =	vadd.f32 v31, v19  }
0x37c: {  	v58 =	vor.u32 v13, v18  }
0x37d: {  	v8 =	vld.idx.msk [tilespmem:v50+s14+$0x0], $0xffff;
	[tilespmem:v40+s17+$0x0] =	vst.idx.msk $0xffff, v46  }
0x37e: {  	v50 =	vor.u32 v1, v6;
	v1 =	vld [tilespmem:$0x1FD10]  }
0x37f: {  	v51 =	vld.idx.msk [tilespmem:v62+s14+$0x0], $0xffff  }
0x380: {  	v44 =	vld.idx.msk [tilespmem:v55+s14+$0x0], $0xffff;
	v35 =	vor.u32 v35, v0  }
0x381: {  	v54 =	vor.u32 v61, v20;
	v45 =	vld.idx.msk [tilespmem:v58+s14+$0x0], $0xffff  }
0x382: {  	v63 =	vor.u32 v13, v24  }
0x383: {  	v41 =	vor.u32 v13, v25;
	v8 =	vadd.f32 v8, v5;
	v52 =	vor.u32 v1, v17  }
0x384: {  	v59 =	vadd.f32 v51, v14  }
0x385: {  	v27 =	vadd.f32 v44, v10;
	[tilespmem:v35+s17+$0x0] =	vst.idx.msk $0xffff, v8  }
0x386: {  	v29 =	vadd.f32 v45, v12;
	[tilespmem:v54+s17+$0x0] =	vst.idx.msk $0xffff, v59  }
0x387: {  	v47 =	vor.u32 v2, v11;
	v26 =	vld.idx.msk [tilespmem:v63+s14+$0x0], $0xffff;
	[tilespmem:v50+s17+$0x0] =	vst.idx.msk $0xffff, v27  }
0x388: {  	v4 =	vor.u32 v2, v4;
	v30 =	vld.idx.msk [tilespmem:v41+s14+$0x0], $0xffff;
	[tilespmem:v52+s17+$0x0] =	vst.idx.msk $0xffff, v29  }
0x389: {  	v8 =	vor.u32 v2, v18;
	v1 =	vld [tilespmem:$0x1FBF0]  }
0x38a: {  	v16 =	vor.u32 v2, v16;
	v55 =	vor.u32 v53, v22  }
0x38b: {  	v24 =	vor.u32 v2, v24;
	v57 =	vor.u32 v42, v23  }
0x38c: {  	v25 =	vor.u32 v2, v25;
	v58 =	vld.idx.msk [tilespmem:v47+s14+$0x0], $0xffff  }
0x38d: {  	v26 =	vadd.f32 v26, v21;
	v4 =	vld.idx.msk [tilespmem:v4+s14+$0x0], $0xffff  }
0x38e: {  	v61 =	vadd.f32 v30, v19;
	v8 =	vld.idx.msk [tilespmem:v8+s14+$0x0], $0xffff;
	v0 =	vor.u32 v1, v0  }
0x38f: {  	v6 =	vor.u32 v56, v6;
	v16 =	vld.idx.msk [tilespmem:v16+s14+$0x0], $0xffff;
	[tilespmem:v55+s17+$0x0] =	vst.idx.msk $0xffff, v26  }
0x390: {  	v17 =	vor.u32 v60, v17;
	[tilespmem:v57+s17+$0x0] =	vst.idx.msk $0xffff, v61;
	v62 =	vld.idx.msk [tilespmem:v24+s14+$0x0], $0xffff  }
0x391: {  	v20 =	vor.u32 v43, v20;
	v63 =	vadd.f32 v58, v5;
	v25 =	vld.idx.msk [tilespmem:v25+s14+$0x0], $0xffff  }
0x392: {  	v4 =	vadd.f32 v4, v10;
	v10 =	vor.u32 v48, v22  }
0x393: {  	[tilespmem:v0+s17+$0x0] =	vst.idx.msk $0xffff, v63;
	v0 =	vadd.f32 v8, v12;
	v8 =	vor.u32 v49, v23  }
0x394: {  	[tilespmem:v6+s17+$0x0] =	vst.idx.msk $0xffff, v4;
	v4 =	vadd.f32 v16, v14  }
0x395: {  	[tilespmem:v17+s17+$0x0] =	vst.idx.msk $0xffff, v0;
	v0 =	vadd.f32 v62, v21  }
0x396: {  	[tilespmem:v20+s17+$0x0] =	vst.idx.msk $0xffff, v4;
	v4 =	vadd.f32 v25, v19  }
0x397: {  	[tilespmem:v10+s17+$0x0] =	vst.idx.msk $0xffff, v0  }
0x398: {  	[tilespmem:v8+s17+$0x0] =	vst.idx.msk $0xffff, v4  }
0x399: {  	v1 =	vld [tilespmem:$0x1FFF0]  }
0x39a: {  	p1 =	sne.s32 s23, $0x63;
	v3 =	vld [tilespmem:$0x1FFE0]  }
.Ltmp1:
0x39b: {  	s26 =	sshll.u32 s23, $0x13;
	v57 =	vld [tilespmem:$0x1FFB0];
	(pc) =	sbr.rel @p1 .LBB2_6-.Ltmp1, $4  }
0x39c: {  	s26 =	sor.u32 s4, s26;
	v11 =	vld [tilespmem:$0x1FF90]  }
0x39d: {  	s26 =	sshrl.u32 s26, $0x3;
	v8 =	vld [tilespmem:$0x1FFC0]  }
0x39e: {  	s26 =	sadd.s32 s6, s26;
	v15 =	vld [tilespmem:$0x1FFA0]  }
0x39f: {  	[hbm4b:s26+s11] =	stream.strided.scatter [tilespmem:s17], [sflag:$0x3], $0x2000, s12, s11, $0x38;
	v49 =	vld [tilespmem:$0x1FFD0]  }
.Ltmp2:
0x3a0: {  	(pc) =	sbr.rel .LBB2_7-.Ltmp2, $4  }
0x3a1: {  	_ = 	snop  }
0x3a2: {  	_ =	swait.ge [sflag:s18], $0x2000  }
0x3a3: {  	[sflag:s18] =	ssyncset.done $0x0  }
0x3a4: {  	[sflag:s18] =	ssyncadd.s32 $0xFFFFE000  }
.LBB2_6:
0x3a5: {  	s25 =	sshll.u32 s25, $0x7  }
0x3a6: {  	s25 =	sadd.s32 $0x100, s25  }
.Ltmp3:
0x3a7: {  	s25 =	sand.u32 $0xFF00, s25;
	(pc) =	sbr.rel @p0 .LBB2_8-.Ltmp3, $4  }
0x3a8: {  	[tilespmem:s14], [sflag:$0x1] =	stream.indirect.gather [hbm4b:s3+s13], $0x40, s25, s13, $0xb8;
	[tilespmem:$0x11600] =	vst v63  }
0x3a9: {  	_ =	swait.ge [sflag:s18], $0x2000  }
0x3aa: {  	[sflag:s18] =	ssyncset.done $0x0  }
0x3ab: {  	[sflag:s18] =	ssyncadd.s32 $0xFFFFE000  }
.LBB2_7:
0x3ac: {  	_ =	swait.ge [sflag:s19], $0x2000  }
0x3ad: {  	[sflag:s19] =	ssyncset.done $0x0  }
0x3ae: {  	[sflag:s19] =	ssyncadd.s32 $0xFFFFE000  }
.LBB2_8:
0x3af: {  	v55 =	vld [tilespmem:$0x1FF70];
	_ =	sdelay $0x1  }
0x3b0: {  	s25 =	simm.s32 $0x0;
	v5 =	vlaneseq.u32  }
0x3b1: {  	s26 =	simm.s32 $0x1;
	v23 =	vadd.s32 s25, v5  }
0x3b2: {  	v43 =	vadd.s32 s26, v5;
	v17 =	vand.u32 $0xF, v23  }
0x3b3: {  	v46 =	vand.u32 $0xF, v43;
	v0 =	vor.u32 v55, v17  }
0x3b4: {  	s28 =	sshll.u32 s24, $0x6;
	v26 =	vld [tilespmem:$0x1FF00];
	v6 =	vshll.u32 v23, $0x7;
	v4 =	vor.u32 v55, v46  }
0x3b5: {  	v37 =	vld [tilespmem:$0x1FF10];
	s25 =	sand.u32 $0x3FFFFFC0, s28;
	v10 =	vor.u32 v5, v6  }
0x3b6: {  	v30 =	vld [tilespmem:s25+$0x6400];
	v53 =	vand.u32 $0x388, v10;
	v10 =	vshll.u32 v43, $0x7  }
0x3b7: {  	[tilespmem:$0x1F7D0] =	vst v23;
	v14 =	vor.u32 v5, v10;
	v5 =	vld [tilespmem:s25+$0x6430]  }
0x3b8: {  	v12 =	vand.u32 $0x400, v6;
	v0 =	vld.idx.msk [tilespmem:v0+s15+$0x0], $0xffff  }
0x3b9: {  	v12 =	vor.u32 v26, v12;
	v16 =	vand.u32 $0x400, v10;
	v4 =	vld.idx.msk [tilespmem:v4+s15+$0x0], $0xffff  }
0x3ba: {  	v18 =	vor.u32 v53, v12;
	v56 =	vand.u32 $0x388, v14;
	v14 =	vor.u32 v26, v16  }
0x3bb: {  	v19 =	vor.u32 v37, v17;
	v16 =	vperm.xlane v30, v17;
	v20 =	vor.u32 v56, v14  }
0x3bc: {  	v22 =	vor.u32 v37, v46;
	v21 =	vperm.xlane v30, v46  }
0x3bd: {  	v0 =	vadd.f32 v0, v16  }
0x3be: {  	v58 =	vld [tilespmem:s25+$0x6410];
	[tilespmem:$0x1F9C0] =	vst v5;
	v4 =	vadd.f32 v4, v21  }
0x3bf: {  	v45 =	vld [tilespmem:s25+$0x6420];
	[tilespmem:v18+s20+$0x0] =	vst.idx.msk $0xffff, v0  }
0x3c0: {  	v0 =	vor.u32 v1, v6;
	[tilespmem:v20+s20+$0x0] =	vst.idx.msk $0xffff, v4;
	v18 =	vld.idx.msk [tilespmem:v19+s15+$0x0], $0xffff  }
0x3c1: {  	v61 =	vand.u32 $0x398, v0;
	v0 =	vld.idx.msk [tilespmem:v22+s15+$0x0], $0xffff  }
0x3c2: {  	v4 =	vor.u32 v1, v10;
	v13 =	vld [tilespmem:$0x1FF20]  }
0x3c3: {  	v51 =	vand.u32 $0x398, v4;
	v19 =	vor.u32 v61, v12  }
0x3c4: {  	v20 =	vor.u32 v51, v14;
	_ =	sdelay $0x1  }
0x3c5: {  	v18 =	vadd.f32 v18, v16  }
0x3c6: {  	v4 =	vor.u32 v13, v17;
	v0 =	vadd.f32 v0, v21  }
0x3c7: {  	v22 =	vor.u32 v13, v46;
	[tilespmem:v19+s20+$0x0] =	vst.idx.msk $0xffff, v18  }
0x3c8: {  	[tilespmem:v20+s20+$0x0] =	vst.idx.msk $0xffff, v0  }
0x3c9: {  	v5 =	vld [tilespmem:$0x1FF30];
	_ =	sdelay $0x1  }
0x3ca: {  	v18 =	vor.u32 v3, v6;
	v4 =	vld.idx.msk [tilespmem:v4+s15+$0x0], $0xffff  }
0x3cb: {  	v42 =	vand.u32 $0x3A8, v18;
	v18 =	vor.u32 v3, v10;
	v0 =	vld.idx.msk [tilespmem:v22+s15+$0x0], $0xffff  }
0x3cc: {  	v19 =	vor.u32 v42, v12;
	v50 =	vand.u32 $0x3A8, v18  }
0x3cd: {  	v20 =	vor.u32 v50, v14;
	v18 =	vor.u32 v5, v17  }
0x3ce: {  	v22 =	vor.u32 v5, v46  }
0x3cf: {  	v4 =	vadd.f32 v4, v16  }
0x3d0: {  	v0 =	vadd.f32 v0, v21  }
0x3d1: {  	[tilespmem:v19+s20+$0x0] =	vst.idx.msk $0xffff, v4  }
0x3d2: {  	[tilespmem:v20+s20+$0x0] =	vst.idx.msk $0xffff, v0;
	v18 =	vld.idx.msk [tilespmem:v18+s15+$0x0], $0xffff  }
0x3d3: {  	v4 =	vor.u32 v57, v6;
	v0 =	vld.idx.msk [tilespmem:v22+s15+$0x0], $0xffff  }
0x3d4: {  	v32 =	vand.u32 $0x3B8, v4;
	v4 =	vor.u32 v57, v10;
	v9 =	vld [tilespmem:$0x1FF40]  }
0x3d5: {  	v19 =	vor.u32 v32, v12;
	v31 =	vand.u32 $0x3B8, v4  }
0x3d6: {  	v20 =	vor.u32 v31, v14;
	_ =	sdelay $0x1  }
0x3d7: {  	[tilespmem:$0x1F900] =	vst v32;
	v18 =	vadd.f32 v18, v16  }
0x3d8: {  	[tilespmem:$0x1F910] =	vst v31;
	v4 =	vor.u32 v9, v17;
	v0 =	vadd.f32 v0, v21  }
0x3d9: {  	v22 =	vor.u32 v9, v46;
	[tilespmem:v19+s20+$0x0] =	vst.idx.msk $0xffff, v18  }
0x3da: {  	v18 =	vor.u32 v11, v6;
	[tilespmem:v20+s20+$0x0] =	vst.idx.msk $0xffff, v0  }
0x3db: {  	v34 =	vand.u32 $0x3C8, v18;
	v18 =	vor.u32 v11, v10;
	v11 =	vld [tilespmem:$0x1FF50];
	_ =	sdelay $0x1  }
0x3dc: {  	v4 =	vld.idx.msk [tilespmem:v4+s15+$0x0], $0xffff  }
0x3dd: {  	v0 =	vld.idx.msk [tilespmem:v22+s15+$0x0], $0xffff  }
0x3de: {  	v19 =	vor.u32 v34, v12;
	v35 =	vand.u32 $0x3C8, v18  }
0x3df: {  	v20 =	vor.u32 v35, v14;
	v18 =	vor.u32 v11, v17  }
0x3e0: {  	v22 =	vor.u32 v11, v46  }
0x3e1: {  	[tilespmem:$0x1F960] =	vst v34;
	v4 =	vadd.f32 v4, v16  }
0x3e2: {  	[tilespmem:$0x1F970] =	vst v35;
	v0 =	vadd.f32 v0, v21  }
0x3e3: {  	[tilespmem:v19+s20+$0x0] =	vst.idx.msk $0xffff, v4  }
0x3e4: {  	[tilespmem:v20+s20+$0x0] =	vst.idx.msk $0xffff, v0;
	v18 =	vld.idx.msk [tilespmem:v18+s15+$0x0], $0xffff  }
0x3e5: {  	v4 =	vor.u32 v8, v6;
	v0 =	vld.idx.msk [tilespmem:v22+s15+$0x0], $0xffff  }
0x3e6: {  	v39 =	vmov v3;
	v3 =	vand.u32 $0x3D8, v4;
	v4 =	vor.u32 v8, v10;
	v7 =	vld [tilespmem:$0x1FF60]  }
0x3e7: {  	v19 =	vor.u32 v3, v12;
	v2 =	vand.u32 $0x3D8, v4  }
0x3e8: {  	v20 =	vor.u32 v2, v14;
	_ =	sdelay $0x1  }
0x3e9: {  	[tilespmem:$0x1F9A0] =	vst v3;
	v18 =	vadd.f32 v18, v16  }
0x3ea: {  	[tilespmem:$0x1F9B0] =	vst v2;
	v4 =	vor.u32 v7, v17;
	v0 =	vadd.f32 v0, v21  }
0x3eb: {  	v22 =	vor.u32 v7, v46;
	[tilespmem:v19+s20+$0x0] =	vst.idx.msk $0xffff, v18  }
0x3ec: {  	v18 =	vor.u32 v15, v6;
	[tilespmem:v20+s20+$0x0] =	vst.idx.msk $0xffff, v0  }
0x3ed: {  	v40 =	vand.u32 $0x3E8, v18;
	v18 =	vor.u32 v15, v10;
	v15 =	vld [tilespmem:$0x1FF80];
	_ =	sdelay $0x1  }
0x3ee: {  	v4 =	vld.idx.msk [tilespmem:v4+s15+$0x0], $0xffff  }
0x3ef: {  	v0 =	vld.idx.msk [tilespmem:v22+s15+$0x0], $0xffff  }
0x3f0: {  	v19 =	vor.u32 v40, v12;
	v36 =	vand.u32 $0x3E8, v18  }
0x3f1: {  	v20 =	vor.u32 v36, v14;
	v18 =	vor.u32 v15, v17  }
0x3f2: {  	v22 =	vor.u32 v15, v46  }
0x3f3: {  	[tilespmem:$0x1FA70] =	vst v40;
	v4 =	vadd.f32 v4, v16  }
0x3f4: {  	[tilespmem:$0x1FA50] =	vst v36;
	v0 =	vadd.f32 v0, v21  }
0x3f5: {  	v6 =	vor.u32 v49, v6;
	[tilespmem:v19+s20+$0x0] =	vst.idx.msk $0xffff, v4  }
0x3f6: {  	v63 =	vand.u32 $0x3F8, v6;
	[tilespmem:v20+s20+$0x0] =	vst.idx.msk $0xffff, v0;
	v4 =	vld.idx.msk [tilespmem:v18+s15+$0x0], $0xffff  }
0x3f7: {  	v10 =	vor.u32 v49, v10;
	v6 =	vor.u32 v63, v12;
	v0 =	vor.u32 $0x10, v23;
	v12 =	vld.idx.msk [tilespmem:v22+s15+$0x0], $0xffff  }
0x3f8: {  	v44 =	vand.u32 $0x3F8, v10;
	v19 =	vand.u32 $0x1F, v0;
	v18 =	vor.u32 $0x10, v43  }
0x3f9: {  	v14 =	vor.u32 v44, v14;
	v10 =	vor.u32 v55, v19;
	v22 =	vand.u32 $0x1F, v18  }
0x3fa: {  	v20 =	vor.u32 v55, v22  }
0x3fb: {  	v4 =	vadd.f32 v4, v16  }
0x3fc: {  	v12 =	vadd.f32 v12, v21  }
0x3fd: {  	v0 =	vshll.u32 v0, $0x7;
	[tilespmem:v6+s20+$0x0] =	vst.idx.msk $0xffff, v4  }
0x3fe: {  	v0 =	vand.u32 $0xC00, v0;
	[tilespmem:v14+s20+$0x0] =	vst.idx.msk $0xffff, v12;
	v4 =	vshll.u32 v18, $0x7;
	v10 =	vld.idx.msk [tilespmem:v10+s15+$0x0], $0xffff  }
0x3ff: {  	v6 =	vor.u32 v26, v0;
	v12 =	vld.idx.msk [tilespmem:v20+s15+$0x0], $0xffff;
	v0 =	vand.u32 $0xC00, v4  }
0x400: {  	v14 =	vor.u32 v53, v6;
	v21 =	vor.u32 v26, v0  }
0x401: {  	v16 =	vor.u32 v37, v19;
	v0 =	vperm.xlane v58, v17;
	v18 =	vor.u32 v56, v21  }
0x402: {  	v4 =	vperm.xlane v58, v46;
	v20 =	vor.u32 v37, v22  }
0x403: {  	v10 =	vadd.f32 v10, v0  }
0x404: {  	v12 =	vadd.f32 v12, v4  }
0x405: {  	[tilespmem:v14+s20+$0x0] =	vst.idx.msk $0xffff, v10  }
0x406: {  	[tilespmem:v18+s20+$0x0] =	vst.idx.msk $0xffff, v12;
	v10 =	vld.idx.msk [tilespmem:v16+s15+$0x0], $0xffff  }
0x407: {  	v12 =	vld.idx.msk [tilespmem:v20+s15+$0x0], $0xffff  }
0x408: {  	v14 =	vor.u32 v61, v6  }
0x409: {  	v18 =	vor.u32 v51, v21;
	v16 =	vor.u32 v13, v19  }
0x40a: {  	v20 =	vor.u32 v13, v22  }
0x40b: {  	v10 =	vadd.f32 v10, v0  }
0x40c: {  	s29 =	simm.s32 $0x2;
	v29 =	vlaneseq.u32;
	v12 =	vadd.f32 v12, v4  }
0x40d: {  	v59 =	vadd.s32 s29, v29;
	[tilespmem:v14+s20+$0x0] =	vst.idx.msk $0xffff, v10  }
0x40e: {  	v48 =	vand.u32 $0xF, v59;
	[tilespmem:v18+s20+$0x0] =	vst.idx.msk $0xffff, v12;
	v14 =	vld.idx.msk [tilespmem:v16+s15+$0x0], $0xffff  }
0x40f: {  	v12 =	vor.u32 v55, v48;
	v16 =	vld.idx.msk [tilespmem:v20+s15+$0x0], $0xffff  }
0x410: {  	v18 =	vor.u32 v42, v6  }
0x411: {  	v23 =	vor.u32 v50, v21  }
0x412: {  	v20 =	vor.u32 v5, v19  }
0x413: {  	v24 =	vor.u32 v5, v22;
	v14 =	vadd.f32 v14, v0  }
0x414: {  	v10 =	vshll.u32 v59, $0x7;
	v28 =	vld.idx.msk [tilespmem:v12+s15+$0x0], $0xffff;
	v12 =	vadd.f32 v16, v4  }
0x415: {  	s30 =	simm.s32 $0x3;
	v25 =	vor.u32 v29, v10;
	v27 =	vand.u32 $0x400, v10;
	[tilespmem:v18+s20+$0x0] =	vst.idx.msk $0xffff, v14  }
0x416: {  	v41 =	vadd.s32 s30, v29;
	v54 =	vand.u32 $0x388, v25;
	v14 =	vor.u32 v26, v27;
	[tilespmem:v23+s20+$0x0] =	vst.idx.msk $0xffff, v12  }
0x417: {  	v52 =	vand.u32 $0xF, v41;
	v16 =	vld.idx.msk [tilespmem:v20+s15+$0x0], $0xffff;
	v18 =	vor.u32 v54, v14;
	[tilespmem:$0x1FA20] =	vst v30  }
0x418: {  	v12 =	vperm.xlane v30, v48;
	v23 =	vor.u32 v55, v52;
	v20 =	vld.idx.msk [tilespmem:v24+s15+$0x0], $0xffff  }
0x419: {  	v25 =	vor.u32 v32, v6;
	v24 =	vor.u32 v37, v48  }
0x41a: {  	v29 =	vor.u32 v31, v21;
	v27 =	vadd.f32 v28, v12;
	v28 =	vor.u32 v9, v19  }
0x41b: {  	v38 =	vlaneseq.u32;
	v33 =	vmov v30;
	v30 =	vor.u32 v9, v22  }
0x41c: {  	v31 =	vor.u32 v1, v10;
	v16 =	vadd.f32 v16, v0;
	[tilespmem:v18+s20+$0x0] =	vst.idx.msk $0xffff, v27;
	v18 =	vshll.u32 v41, $0x7  }
0x41d: {  	v23 =	vld.idx.msk [tilespmem:v23+s15+$0x0], $0xffff;
	v27 =	vadd.f32 v20, v4;
	v20 =	vor.u32 v38, v18;
	v47 =	vand.u32 $0x400, v18  }
0x41e: {  	v24 =	vld.idx.msk [tilespmem:v24+s15+$0x0], $0xffff;
	[tilespmem:v25+s20+$0x0] =	vst.idx.msk $0xffff, v16;
	v38 =	vand.u32 $0x388, v20;
	v20 =	vor.u32 v26, v47  }
0x41f: {  	v62 =	vand.u32 $0x398, v31;
	v25 =	vld.idx.msk [tilespmem:v28+s15+$0x0], $0xffff;
	[tilespmem:v29+s20+$0x0] =	vst.idx.msk $0xffff, v27;
	v27 =	vor.u32 v38, v20  }
0x420: {  	v16 =	vperm.xlane v33, v52;
	v28 =	vor.u32 v62, v14;
	v29 =	vld.idx.msk [tilespmem:v30+s15+$0x0], $0xffff;
	v30 =	vor.u32 v37, v52  }
0x421: {  	v31 =	vor.u32 v13, v48;
	v32 =	vor.u32 v34, v6  }
0x422: {  	v60 =	vor.u32 v35, v21;
	v33 =	vor.u32 v11, v19;
	v23 =	vadd.f32 v23, v16  }
0x423: {  	v35 =	vor.u32 v11, v22;
	v24 =	vadd.f32 v24, v12  }
0x424: {  	v25 =	vadd.f32 v25, v0;
	[tilespmem:v27+s20+$0x0] =	vst.idx.msk $0xffff, v23  }
0x425: {  	[tilespmem:v28+s20+$0x0] =	vst.idx.msk $0xffff, v24;
	v27 =	vor.u32 v1, v18;
	v23 =	vld.idx.msk [tilespmem:v30+s15+$0x0], $0xffff;
	v24 =	vadd.f32 v29, v4  }
0x426: {  	v47 =	vmov v39;
	v28 =	vor.u32 v39, v10;
	v39 =	vand.u32 $0x398, v27;
	[tilespmem:v32+s20+$0x0] =	vst.idx.msk $0xffff, v25;
	v25 =	vld.idx.msk [tilespmem:v31+s15+$0x0], $0xffff  }
0x427: {  	v27 =	vld.idx.msk [tilespmem:v33+s15+$0x0], $0xffff;
	[tilespmem:v60+s20+$0x0] =	vst.idx.msk $0xffff, v24;
	v60 =	vand.u32 $0x3A8, v28;
	v24 =	vor.u32 v39, v20  }
0x428: {  	v30 =	vor.u32 v13, v52;
	v28 =	vld.idx.msk [tilespmem:v35+s15+$0x0], $0xffff;
	v29 =	vor.u32 v60, v14  }
0x429: {  	v31 =	vor.u32 v5, v48;
	v32 =	vor.u32 v3, v6  }
0x42a: {  	v34 =	vor.u32 v2, v21;
	v33 =	vor.u32 v7, v19;
	v23 =	vadd.f32 v23, v16  }
0x42b: {  	v35 =	vor.u32 v7, v22;
	v25 =	vadd.f32 v25, v12  }
0x42c: {  	[tilespmem:v24+s20+$0x0] =	vst.idx.msk $0xffff, v23;
	v23 =	vadd.f32 v27, v0  }
0x42d: {  	v27 =	vor.u32 v47, v18;
	[tilespmem:v29+s20+$0x0] =	vst.idx.msk $0xffff, v25;
	v24 =	vld.idx.msk [tilespmem:v30+s15+$0x0], $0xffff;
	v25 =	vadd.f32 v28, v4  }
0x42e: {  	v28 =	vor.u32 v57, v10;
	v47 =	vand.u32 $0x3A8, v27;
	v29 =	vld.idx.msk [tilespmem:v31+s15+$0x0], $0xffff;
	[tilespmem:v32+s20+$0x0] =	vst.idx.msk $0xffff, v23  }
0x42f: {  	v28 =	vand.u32 $0x3B8, v28;
	v23 =	vld.idx.msk [tilespmem:v33+s15+$0x0], $0xffff;
	[tilespmem:v34+s20+$0x0] =	vst.idx.msk $0xffff, v25;
	v25 =	vor.u32 v47, v20  }
0x430: {  	v27 =	vld.idx.msk [tilespmem:v35+s15+$0x0], $0xffff;
	[tilespmem:$0x1F7C0] =	vst v28;
	v28 =	vor.u32 v28, v14;
	_ =	sdelay $0x1  }
0x431: {  	v30 =	vor.u32 v5, v52;
	v31 =	vor.u32 v40, v6;
	v24 =	vadd.f32 v24, v16  }
0x432: {  	v32 =	vor.u32 v15, v19;
	v33 =	vor.u32 v36, v21;
	v19 =	vadd.f32 v29, v12  }
0x433: {  	v36 =	vld [tilespmem:$0x1FF90];
	[tilespmem:v25+s20+$0x0] =	vst.idx.msk $0xffff, v24  }
0x434: {  	v22 =	vor.u32 v15, v22;
	v23 =	vadd.f32 v23, v0;
	[tilespmem:v28+s20+$0x0] =	vst.idx.msk $0xffff, v19  }
0x435: {  	v29 =	vor.u32 v9, v48;
	v25 =	vadd.f32 v27, v4;
	v40 =	vld [tilespmem:$0x1F7D0]  }
0x436: {  	v19 =	vor.u32 v57, v18;
	[tilespmem:v31+s20+$0x0] =	vst.idx.msk $0xffff, v23  }
0x437: {  	v35 =	vor.u32 $0x20, v17;
	v24 =	vld.idx.msk [tilespmem:v30+s15+$0x0], $0xffff;
	v30 =	vand.u32 $0x3B8, v19;
	[tilespmem:v33+s20+$0x0] =	vst.idx.msk $0xffff, v25  }
0x438: {  	v6 =	vor.u32 v63, v6;
	v34 =	vor.u32 v36, v10;
	v28 =	vand.u32 $0x28, v35;
	v23 =	vld.idx.msk [tilespmem:v32+s15+$0x0], $0xffff;
	[tilespmem:$0x1F7E0] =	vst v30  }
0x439: {  	v31 =	vand.u32 $0x7, v43;
	v25 =	vor.u32 v30, v20;
	v30 =	vor.u32 $0x20, v46;
	v22 =	vld.idx.msk [tilespmem:v22+s15+$0x0], $0xffff  }
0x43a: {  	v1 =	vmovc v63;
	v34 =	vand.u32 $0x3C8, v34;
	v29 =	vld.idx.msk [tilespmem:v29+s15+$0x0], $0xffff;
	[tilespmem:$0x1F7F0] =	vst v43;
	v43 =	vmovc v59;
	v63 =	vand.u32 $0x28, v30;
	v27 =	vand.u32 $0x7, v40  }
0x43b: {  	v59 =	vmovc v44;
	v44 =	vor.u32 v44, v21;
	v19 =	vor.u32 v27, v28;
	v27 =	vor.u32 v9, v52  }
0x43c: {  	v24 =	vadd.f32 v24, v16;
	v21 =	vor.u32 v31, v63;
	v28 =	vor.u32 v55, v19  }
0x43d: {  	[tilespmem:$0x1F800] =	vst v34;
	v34 =	vor.u32 v34, v14;
	v32 =	vor.u32 v55, v21;
	v0 =	vadd.f32 v23, v0  }
0x43e: {  	v2 =	vperm.xlane v45, v17;
	[tilespmem:v25+s20+$0x0] =	vst.idx.msk $0xffff, v24;
	v4 =	vadd.f32 v22, v4  }
0x43f: {  	v23 =	vor.u32 v11, v48;
	v22 =	vor.u32 v36, v18;
	[tilespmem:v6+s20+$0x0] =	vst.idx.msk $0xffff, v0  }
0x440: {  	v25 =	vadd.f32 v29, v12;
	v6 =	vand.u32 $0x3C8, v22;
	[tilespmem:v44+s20+$0x0] =	vst.idx.msk $0xffff, v4;
	v24 =	vld.idx.msk [tilespmem:v27+s15+$0x0], $0xffff;
	v27 =	vshll.u32 v35, $0x7  }
0x441: {  	v4 =	vshll.u32 v30, $0x7;
	v22 =	vld.idx.msk [tilespmem:v28+s15+$0x0], $0xffff;
	v0 =	vand.u32 $0x1400, v27;
	[tilespmem:$0x1F810] =	vst v6;
	v27 =	vor.u32 v6, v20  }
0x442: {  	v28 =	vld.idx.msk [tilespmem:v32+s15+$0x0], $0xffff;
	v6 =	vor.u32 v26, v0;
	v0 =	vand.u32 $0x1400, v4;
	[tilespmem:v34+s20+$0x0] =	vst.idx.msk $0xffff, v25  }
0x443: {  	v31 =	vor.u32 v8, v10;
	[tilespmem:$0x1F820] =	vst v53;
	v25 =	vor.u32 v53, v6;
	v34 =	vor.u32 v26, v0  }
0x444: {  	v63 =	vand.u32 $0x3D8, v31;
	v29 =	vor.u32 v11, v52;
	v23 =	vld.idx.msk [tilespmem:v23+s15+$0x0], $0xffff;
	[tilespmem:$0x1F830] =	vst v56;
	v57 =	vor.u32 v56, v34  }
0x445: {  	v30 =	vor.u32 v37, v19;
	v0 =	vperm.xlane v45, v46;
	[tilespmem:$0x1F840] =	vst v46;
	v24 =	vadd.f32 v24, v16  }
0x446: {  	v33 =	vor.u32 v63, v14;
	[tilespmem:$0x1F850] =	vst v63;
	v22 =	vadd.f32 v22, v2  }
0x447: {  	[tilespmem:v27+s20+$0x0] =	vst.idx.msk $0xffff, v24;
	v27 =	vadd.f32 v28, v0  }
0x448: {  	v28 =	vor.u32 v8, v18;
	[tilespmem:v25+s20+$0x0] =	vst.idx.msk $0xffff, v22  }
0x449: {  	v24 =	vld.idx.msk [tilespmem:v29+s15+$0x0], $0xffff;
	v25 =	vand.u32 $0x3D8, v28;
	v22 =	vadd.f32 v23, v12;
	[tilespmem:v57+s20+$0x0] =	vst.idx.msk $0xffff, v27  }
0x44a: {  	v31 =	vor.u32 v37, v21;
	v23 =	vld.idx.msk [tilespmem:v30+s15+$0x0], $0xffff;
	[tilespmem:$0x1F860] =	vst v25  }
0x44b: {  	[tilespmem:v33+s20+$0x0] =	vst.idx.msk $0xffff, v22  }
0x44c: {  	v44 =	vmov v45;
	v29 =	vor.u32 v7, v48;
	v45 =	vld [tilespmem:$0x1FFA0];
	_ =	sdelay $0x1  }
0x44d: {  	v25 =	vor.u32 v25, v20  }
0x44e: {  	v27 =	vld.idx.msk [tilespmem:v31+s15+$0x0], $0xffff;
	[tilespmem:$0x1F870] =	vst v61  }
0x44f: {  	v28 =	vor.u32 v7, v52;
	v22 =	vor.u32 v61, v6;
	[tilespmem:$0x1F880] =	vst v51  }
0x450: {  	v31 =	vor.u32 v51, v34;
	v24 =	vadd.f32 v24, v16;
	v29 =	vld.idx.msk [tilespmem:v29+s15+$0x0], $0xffff;
	v46 =	vor.u32 v45, v10  }
0x451: {  	v30 =	vor.u32 v13, v19;
	v32 =	vand.u32 $0x3E8, v46  }
0x452: {  	v23 =	vadd.f32 v23, v2;
	[tilespmem:v25+s20+$0x0] =	vst.idx.msk $0xffff, v24;
	v24 =	vor.u32 v32, v14  }
0x453: {  	v51 =	vor.u32 v13, v21;
	v27 =	vadd.f32 v27, v0;
	[tilespmem:$0x1F890] =	vst v32  }
0x454: {  	v53 =	vor.u32 v15, v48;
	v25 =	vld.idx.msk [tilespmem:v28+s15+$0x0], $0xffff;
	v28 =	vor.u32 v45, v18;
	[tilespmem:v22+s20+$0x0] =	vst.idx.msk $0xffff, v23  }
0x455: {  	[tilespmem:v31+s20+$0x0] =	vst.idx.msk $0xffff, v27;
	v27 =	vadd.f32 v29, v12;
	v23 =	vand.u32 $0x3E8, v28  }
0x456: {  	v22 =	vld.idx.msk [tilespmem:v30+s15+$0x0], $0xffff;
	[tilespmem:$0x1F8A0] =	vst v23;
	v23 =	vor.u32 v23, v20  }
0x457: {  	v29 =	vor.u32 v15, v52;
	[tilespmem:v24+s20+$0x0] =	vst.idx.msk $0xffff, v27  }
0x458: {  	v10 =	vor.u32 v49, v10;
	v28 =	vld.idx.msk [tilespmem:v51+s15+$0x0], $0xffff;
	v27 =	vor.u32 v42, v6;
	[tilespmem:$0x1F8B0] =	vst v42  }
0x459: {  	v10 =	vand.u32 $0x3F8, v10;
	v25 =	vadd.f32 v25, v16;
	v30 =	vld.idx.msk [tilespmem:v53+s15+$0x0], $0xffff;
	[tilespmem:$0x1F8C0] =	vst v50  }
0x45a: {  	v56 =	vor.u32 v50, v34;
	[tilespmem:$0x1F8D0] =	vst v10  }
0x45b: {  	v14 =	vor.u32 v10, v14;
	v22 =	vadd.f32 v22, v2;
	[tilespmem:v23+s20+$0x0] =	vst.idx.msk $0xffff, v25  }
0x45c: {  	v18 =	vor.u32 v49, v18;
	v25 =	vld.idx.msk [tilespmem:v29+s15+$0x0], $0xffff;
	[tilespmem:$0x1F8E0] =	vst v41  }
0x45d: {  	v57 =	vand.u32 $0x3F8, v18;
	v28 =	vadd.f32 v28, v0;
	[tilespmem:v27+s20+$0x0] =	vst.idx.msk $0xffff, v22  }
0x45e: {  	[tilespmem:$0x1F8F0] =	vst v57;
	v12 =	vadd.f32 v30, v12  }
0x45f: {  	[tilespmem:v56+s20+$0x0] =	vst.idx.msk $0xffff, v28  }
0x460: {  	v31 =	vor.u32 v5, v19;
	[tilespmem:v14+s20+$0x0] =	vst.idx.msk $0xffff, v12  }
0x461: {  	v3 =	vld [tilespmem:$0x1F900];
	_ =	sdelay $0x1  }
0x462: {  	v20 =	vor.u32 v57, v20;
	v24 =	vor.u32 $0x10, v43  }
0x463: {  	v4 =	vand.u32 $0x1F, v24;
	v23 =	vor.u32 v5, v21;
	v29 =	vor.u32 $0x10, v41  }
0x464: {  	v24 =	vshll.u32 v24, $0x7;
	v18 =	vor.u32 v55, v4;
	v53 =	vand.u32 $0x1F, v29;
	v22 =	vld.idx.msk [tilespmem:v31+s15+$0x0], $0xffff  }
0x465: {  	v27 =	vor.u32 v55, v53;
	v12 =	vand.u32 $0xC00, v24;
	v24 =	vor.u32 v3, v6;
	v3 =	vld [tilespmem:$0x1F910];
	_ =	sdelay $0x1  }
0x466: {  	v16 =	vadd.f32 v25, v16  }
0x467: {  	v23 =	vld.idx.msk [tilespmem:v23+s15+$0x0], $0xffff;
	v25 =	vor.u32 v9, v19  }
0x468: {  	v18 =	vld.idx.msk [tilespmem:v18+s15+$0x0], $0xffff;
	v22 =	vadd.f32 v22, v2;
	[tilespmem:v20+s20+$0x0] =	vst.idx.msk $0xffff, v16  }
0x469: {  	v27 =	vld.idx.msk [tilespmem:v27+s15+$0x0], $0xffff;
	[tilespmem:$0x1F920] =	vst v54;
	v28 =	vor.u32 v3, v34  }
0x46a: {  	[tilespmem:v24+s20+$0x0] =	vst.idx.msk $0xffff, v22  }
0x46b: {  	v16 =	vshll.u32 v29, $0x7;
	[tilespmem:$0x1F930] =	vst v38  }
0x46c: {  	v14 =	vor.u32 v26, v12;
	v23 =	vadd.f32 v23, v0;
	v16 =	vand.u32 $0xC00, v16;
	v25 =	vld.idx.msk [tilespmem:v25+s15+$0x0], $0xffff;
	[tilespmem:$0x1F940] =	vst v52  }
0x46d: {  	v30 =	vor.u32 v54, v14;
	v20 =	vor.u32 v26, v16;
	[tilespmem:$0x1F950] =	vst v58  }
0x46e: {  	v12 =	vperm.xlane v58, v48;
	v24 =	vor.u32 v38, v20;
	[tilespmem:v28+s20+$0x0] =	vst.idx.msk $0xffff, v23  }
0x46f: {  	v16 =	vperm.xlane v58, v52;
	v3 =	vld [tilespmem:$0x1F960]  }
0x470: {  	v18 =	vadd.f32 v18, v12  }
0x471: {  	v27 =	vadd.f32 v27, v16  }
0x472: {  	v29 =	vor.u32 v9, v21;
	[tilespmem:v30+s20+$0x0] =	vst.idx.msk $0xffff, v18  }
0x473: {  	[tilespmem:v24+s20+$0x0] =	vst.idx.msk $0xffff, v27  }
0x474: {  	v28 =	vor.u32 v3, v6;
	v3 =	vld [tilespmem:$0x1F970]  }
0x475: {  	v22 =	vor.u32 v37, v4  }
0x476: {  	v31 =	vor.u32 v37, v53  }
0x477: {  	v23 =	vld.idx.msk [tilespmem:v29+s15+$0x0], $0xffff;
	_ =	sdelay $0x1  }
0x478: {  	v24 =	vor.u32 v3, v34  }
0x479: {  	v22 =	vld.idx.msk [tilespmem:v22+s15+$0x0], $0xffff;
	v25 =	vadd.f32 v25, v2  }
0x47a: {  	v18 =	vor.u32 v11, v19;
	v29 =	vld.idx.msk [tilespmem:v31+s15+$0x0], $0xffff;
	[tilespmem:$0x1F980] =	vst v62  }
0x47b: {  	v27 =	vor.u32 v11, v21;
	v23 =	vadd.f32 v23, v0;
	[tilespmem:v28+s20+$0x0] =	vst.idx.msk $0xffff, v25  }
0x47c: {  	v30 =	vor.u32 v62, v14;
	[tilespmem:$0x1F990] =	vst v39  }
0x47d: {  	v25 =	vor.u32 v39, v20;
	[tilespmem:v24+s20+$0x0] =	vst.idx.msk $0xffff, v23  }
0x47e: {  	v3 =	vld [tilespmem:$0x1F9A0]  }
0x47f: {  	v22 =	vadd.f32 v22, v12;
	v18 =	vld.idx.msk [tilespmem:v18+s15+$0x0], $0xffff  }
0x480: {  	v24 =	vld.idx.msk [tilespmem:v27+s15+$0x0], $0xffff;
	v27 =	vadd.f32 v29, v16  }
0x481: {  	[tilespmem:v30+s20+$0x0] =	vst.idx.msk $0xffff, v22  }
0x482: {  	[tilespmem:v25+s20+$0x0] =	vst.idx.msk $0xffff, v27  }
0x483: {  	v28 =	vor.u32 v13, v4;
	v29 =	vor.u32 v3, v6;
	v3 =	vld [tilespmem:$0x1F9B0]  }
0x484: {  	v23 =	vor.u32 v13, v53;
	v22 =	vadd.f32 v18, v2;
	v18 =	vmov v0;
	v0 =	vld [tilespmem:$0x1F9C0]  }
0x485: {  	s31 =	simm.s32 $0x4;
	v30 =	vlaneseq.u32  }
0x486: {  	v10 =	vadd.s32 s31, v30  }
0x487: {  	v25 =	vshll.u32 v10, $0x7  }
0x488: {  	v27 =	vld.idx.msk [tilespmem:v28+s15+$0x0], $0xffff;
	v28 =	vor.u32 v3, v34;
	v3 =	vor.u32 v49, v25  }
0x489: {  	v62 =	vperm.xlane v0, v17;
	v17 =	vld.idx.msk [tilespmem:v23+s15+$0x0], $0xffff;
	[tilespmem:$0x1F9D0] =	vst v3  }
0x48a: {  	[tilespmem:v29+s20+$0x0] =	vst.idx.msk $0xffff, v22  }
0x48b: {  	v23 =	vld [tilespmem:$0x1FFB0]  }
0x48c: {  	v58 =	vld [tilespmem:$0x1FFE0]  }
0x48d: {  	v29 =	vor.u32 v60, v14;
	[tilespmem:$0x1F9E0] =	vst v60;
	v60 =	vld [tilespmem:$0x1FFF0];
	_ =	sdelay $0x1  }
0x48e: {  	v24 =	vadd.f32 v24, v18;
	v3 =	vor.u32 v45, v25  }
0x48f: {  	v35 =	vor.u32 v8, v25;
	v36 =	vor.u32 v36, v25;
	[tilespmem:$0x1F9F0] =	vst v3  }
0x490: {  	v8 =	vor.u32 v30, v25;
	[tilespmem:v28+s20+$0x0] =	vst.idx.msk $0xffff, v24;
	v24 =	vand.u32 $0x400, v25;
	v32 =	vor.u32 v23, v25  }
0x491: {  	v42 =	vor.u32 v58, v25;
	v49 =	vor.u32 v60, v25;
	v25 =	vadd.f32 v27, v12  }
0x492: {  	v58 =	vand.u32 $0xF, v10  }
0x493: {  	v0 =	vor.u32 v11, v58;
	[tilespmem:v29+s20+$0x0] =	vst.idx.msk $0xffff, v25  }
0x494: {  	v45 =	vadd.f32 v17, v16;
	v17 =	vor.u32 v7, v19;
	[tilespmem:$0x1FA10] =	vst v0;
	v0 =	vld [tilespmem:$0x1FA20]  }
0x495: {  	v30 =	vor.u32 v15, v19;
	v19 =	vand.u32 $0x388, v8;
	v8 =	vor.u32 v7, v21;
	_ =	sdelay $0x2  }
0x496: {  	v61 =	vor.u32 v5, v4;
	v22 =	vor.u32 $0x30, v40;
	v23 =	vmov v4;
	[tilespmem:$0x1FA00] =	vst v44;
	v4 =	vld [tilespmem:$0x1FA70]  }
0x497: {  	v57 =	vmovc v2;
	v29 =	vor.u32 v15, v21;
	v28 =	vld.idx.msk [tilespmem:v17+s15+$0x0], $0xffff;
	v21 =	vperm.xlane v0, v58;
	v0 =	vand.u32 $0x3F, v22  }
0x498: {  	v25 =	vor.u32 v26, v24;
	v24 =	vor.u32 v55, v58;
	v31 =	vld.idx.msk [tilespmem:v8+s15+$0x0], $0xffff;
	v2 =	vor.u32 v11, v0  }
0x499: {  	[tilespmem:$0x1FA40] =	vst v2;
	v2 =	vld [tilespmem:$0x1FA50]  }
0x49a: {  	v46 =	vor.u32 v5, v53;
	v3 =	vperm.xlane v44, v48;
	v27 =	vor.u32 v7, v58  }
0x49b: {  	v63 =	vmovc v43;
	v38 =	vor.u32 v9, v58;
	v41 =	vor.u32 v5, v58;
	v43 =	vor.u32 v13, v58  }
0x49c: {  	v50 =	vor.u32 v37, v58;
	[tilespmem:$0x1FA30] =	vst v47;
	v47 =	vor.u32 v47, v20;
	v5 =	vor.u32 v9, v0  }
0x49d: {  	v17 =	vor.u32 v37, v0;
	v9 =	vmov v34;
	v34 =	vor.u32 v4, v6;
	v51 =	vld.idx.msk [tilespmem:v24+s15+$0x0], $0xffff;
	[tilespmem:$0x1FA60] =	vst v5  }
0x49e: {  	s26 =	simm.s32 $0x5;
	s25 =	simm.s32 $0x6;
	v13 =	vmov v0;
	v24 =	vor.u32 v55, v0;
	v44 =	vld.idx.msk [tilespmem:v61+s15+$0x0], $0xffff;
	v33 =	vor.u32 v2, v9  }
.LBB2_9:
0x49f: {  	v60 =	vld [tilespmem:$0x1F7C0]  }
0x4a0: {  	[tilespmem:$0x1F750] =	vst v27;
	v0 =	vmov v58;
	v27 =	vld [tilespmem:$0x1FF70]  }
0x4a1: {  	[tilespmem:$0x1F760] =	vst v0;
	v0 =	vld [tilespmem:$0x1F920]  }
0x4a2: {  	v11 =	vld [tilespmem:$0x1FF50]  }
0x4a3: {  	v61 =	vmov v48;
	v48 =	vld [tilespmem:$0x1FF40];
	[tilespmem:$0x1F770] =	vst v1  }
0x4a4: {  	v6 =	vor.u32 v1, v6;
	v1 =	vld [tilespmem:$0x1F7F0];
	[tilespmem:$0x1F780] =	vst v59  }
0x4a5: {  	v39 =	vor.u32 v19, v25;
	v4 =	vlaneseq.u32;
	v15 =	vld [tilespmem:$0x1FF00];
	[tilespmem:v47+s20+$0x0] =	vst.idx.msk $0xffff, v45  }
0x4a6: {  	v52 =	vadd.s32 s26, v4;
	v4 =	vor.u32 v59, v9;
	v59 =	vld [tilespmem:$0x1F800];
	v40 =	vadd.f32 v28, v57;
	v47 =	vmovc v0;
	v0 =	vmovc v19  }
0x4a7: {  	v31 =	vadd.f32 v31, v18;
	[tilespmem:$0x1F920] =	vst v0;
	v0 =	vld [tilespmem:$0x1F7E0]  }
0x4a8: {  	v46 =	vld.idx.msk [tilespmem:v46+s15+$0x0], $0xffff;
	v56 =	vadd.f32 v51, v21;
	v58 =	vor.u32 v60, v14;
	[tilespmem:v34+s20+$0x0] =	vst.idx.msk $0xffff, v40  }
0x4a9: {  	v30 =	vld.idx.msk [tilespmem:v30+s15+$0x0], $0xffff;
	[tilespmem:v33+s20+$0x0] =	vst.idx.msk $0xffff, v31  }
0x4aa: {  	v45 =	vor.u32 v48, v23;
	v19 =	vand.u32 $0xF, v52;
	[tilespmem:v39+s20+$0x0] =	vst.idx.msk $0xffff, v56;
	v51 =	vld.idx.msk [tilespmem:v29+s15+$0x0], $0xffff  }
0x4ab: {  	v31 =	vadd.f32 v44, v12;
	v54 =	vor.u32 v27, v19;
	v50 =	vld.idx.msk [tilespmem:v50+s15+$0x0], $0xffff  }
0x4ac: {  	v2 =	vlaneseq.u32;
	[tilespmem:$0x1F7E0] =	vst v0;
	v44 =	vor.u32 v0, v20;
	v0 =	vld [tilespmem:$0x1F8E0]  }
0x4ad: {  	v49 =	vand.u32 $0x398, v49;
	v22 =	vshll.u32 v22, $0x7;
	[tilespmem:v58+s20+$0x0] =	vst.idx.msk $0xffff, v31;
	v31 =	vor.u32 $0x30, v1;
	v1 =	vld [tilespmem:$0x1FA20]  }
0x4ae: {  	[tilespmem:$0x1F7B0] =	vst v10;
	v10 =	vld [tilespmem:$0x1FF10];
	v55 =	vor.u32 v11, v23;
	v39 =	vor.u32 v49, v25;
	v56 =	vor.u32 v48, v53  }
0x4af: {  	v29 =	vshll.u32 v52, $0x7;
	v46 =	vadd.f32 v46, v16;
	v33 =	vand.u32 $0x3F, v31;
	v45 =	vld.idx.msk [tilespmem:v45+s15+$0x0], $0xffff  }
0x4b0: {  	v28 =	vmovc v23;
	v37 =	vor.u32 v2, v29;
	v40 =	vand.u32 $0x400, v29;
	v54 =	vld.idx.msk [tilespmem:v54+s15+$0x0], $0xffff;
	v26 =	vor.u32 v27, v33  }
0x4b1: {  	v5 =	vld [tilespmem:$0x1FF20];
	v23 =	vmovc v0;
	v0 =	vmov v52;
	v52 =	vand.u32 $0x388, v37;
	[tilespmem:v44+s20+$0x0] =	vst.idx.msk $0xffff, v46;
	v37 =	vadd.f32 v30, v57  }
0x4b2: {  	v58 =	vor.u32 v59, v14;
	v30 =	vperm.xlane v1, v19;
	v1 =	vld [tilespmem:$0x1F830];
	[tilespmem:$0x1F8E0] =	vst v0;
	v0 =	vadd.f32 v51, v18  }
0x4b3: {  	v34 =	vor.u32 v15, v40;
	v40 =	vadd.f32 v50, v21;
	v56 =	vld.idx.msk [tilespmem:v56+s15+$0x0], $0xffff;
	[tilespmem:v6+s20+$0x0] =	vst.idx.msk $0xffff, v37  }
0x4b4: {  	v46 =	vor.u32 v52, v34;
	v6 =	vand.u32 $0x1C00, v22;
	v50 =	vld.idx.msk [tilespmem:v24+s15+$0x0], $0xffff;
	[tilespmem:v4+s20+$0x0] =	vst.idx.msk $0xffff, v0;
	v24 =	vshll.u32 v31, $0x7  }
0x4b5: {  	v22 =	vor.u32 v15, v6;
	v6 =	vld.idx.msk [tilespmem:v26+s15+$0x0], $0xffff;
	v26 =	vadd.f32 v45, v12;
	v24 =	vand.u32 $0x1C00, v24  }
0x4b6: {  	v2 =	vld [tilespmem:$0x1F810];
	[tilespmem:v39+s20+$0x0] =	vst.idx.msk $0xffff, v40;
	v31 =	vor.u32 v15, v24  }
0x4b7: {  	v0 =	vadd.f32 v54, v30;
	[tilespmem:v58+s20+$0x0] =	vst.idx.msk $0xffff, v26;
	v26 =	vor.u32 v1, v31;
	v1 =	vld [tilespmem:$0x1FFF0]  }
0x4b8: {  	v7 =	vld [tilespmem:$0x1FF30]  }
0x4b9: {  	[tilespmem:v46+s20+$0x0] =	vst.idx.msk $0xffff, v0;
	v0 =	vld [tilespmem:$0x1F820]  }
0x4ba: {  	v9 =	vld [tilespmem:$0x1F860];
	v51 =	vor.u32 v10, v19  }
0x4bb: {  	[tilespmem:$0x1F810] =	vst v2;
	v4 =	vor.u32 v2, v20;
	v2 =	vld [tilespmem:$0x1F9C0]  }
0x4bc: {  	v54 =	vor.u32 v1, v29;
	v1 =	vld [tilespmem:$0x1F840]  }
0x4bd: {  	v37 =	vld [tilespmem:$0x1F850]  }
0x4be: {  	v39 =	vor.u32 v11, v53;
	v40 =	vld [tilespmem:$0x1F980];
	v44 =	vor.u32 v0, v22;
	v0 =	vadd.f32 v56, v16  }
0x4bf: {  	v45 =	vld.idx.msk [tilespmem:v51+s15+$0x0], $0xffff  }
0x4c0: {  	[tilespmem:v4+s20+$0x0] =	vst.idx.msk $0xffff, v0;
	v0 =	vld [tilespmem:$0x1F940]  }
0x4c1: {  	v43 =	vld.idx.msk [tilespmem:v43+s15+$0x0], $0xffff;
	v56 =	vor.u32 v10, v33;
	v24 =	vperm.xlane v2, v1  }
0x4c2: {  	v51 =	vld.idx.msk [tilespmem:v55+s15+$0x0], $0xffff;
	v4 =	vadd.f32 v50, v62  }
0x4c3: {  	[tilespmem:$0x1F860] =	vst v9;
	v39 =	vld.idx.msk [tilespmem:v39+s15+$0x0], $0xffff;
	v6 =	vadd.f32 v6, v24  }
0x4c4: {  	v57 =	vmov v3;
	v46 =	vand.u32 $0x398, v54;
	[tilespmem:v44+s20+$0x0] =	vst.idx.msk $0xffff, v4;
	v4 =	vld [tilespmem:$0x1F930];
	v44 =	vor.u32 v7, v13  }
0x4c5: {  	v3 =	vmovc v13;
	v13 =	vld [tilespmem:$0x1FF60];
	v1 =	vmov v0;
	v0 =	vand.u32 $0x3A8, v42;
	v42 =	vor.u32 v46, v34;
	[tilespmem:v26+s20+$0x0] =	vst.idx.msk $0xffff, v6  }
0x4c6: {  	v8 =	vmovc v47;
	v6 =	vadd.f32 v45, v30;
	v45 =	vor.u32 v9, v20;
	v9 =	vmov v52;
	v47 =	vld.idx.msk [tilespmem:v56+s15+$0x0], $0xffff  }
0x4c7: {  	v2 =	vmov v62;
	v62 =	vmov v19;
	v19 =	vor.u32 v0, v25;
	[tilespmem:$0x1F930] =	vst v9;
	v9 =	vld [tilespmem:$0x1F870]  }
0x4c8: {  	v56 =	vld [tilespmem:$0x1F880];
	_ =	sdelay $0x1  }
0x4c9: {  	v43 =	vadd.f32 v43, v21;
	v58 =	vor.u32 v5, v62;
	v17 =	vld.idx.msk [tilespmem:v17+s15+$0x0], $0xffff  }
0x4ca: {  	v18 =	vmov v4;
	v4 =	vor.u32 v37, v14;
	[tilespmem:v42+s20+$0x0] =	vst.idx.msk $0xffff, v6  }
0x4cb: {  	v26 =	vor.u32 v13, v28;
	[tilespmem:v19+s20+$0x0] =	vst.idx.msk $0xffff, v43;
	v42 =	vor.u32 v9, v22;
	v9 =	vmov v40  }
0x4cc: {  	v39 =	vadd.f32 v39, v16;
	v54 =	vor.u32 v13, v53;
	v43 =	vor.u32 v56, v31;
	[tilespmem:$0x1F870] =	vst v9;
	v9 =	vld [tilespmem:$0x1FFE0]  }
0x4cd: {  	v6 =	vadd.f32 v51, v12  }
0x4ce: {  	v17 =	vadd.f32 v17, v2;
	v19 =	vld.idx.msk [tilespmem:v58+s15+$0x0], $0xffff;
	[tilespmem:v45+s20+$0x0] =	vst.idx.msk $0xffff, v39  }
0x4cf: {  	v50 =	vld.idx.msk [tilespmem:v41+s15+$0x0], $0xffff;
	[tilespmem:v4+s20+$0x0] =	vst.idx.msk $0xffff, v6;
	v40 =	vand.u32 $0x3B8, v32;
	v32 =	vadd.f32 v47, v24  }
0x4d0: {  	v55 =	vor.u32 v5, v3;
	v51 =	vor.u32 $0x20, v61;
	v6 =	vld.idx.msk [tilespmem:v26+s15+$0x0], $0xffff;
	[tilespmem:v42+s20+$0x0] =	vst.idx.msk $0xffff, v17  }
0x4d1: {  	v52 =	vand.u32 $0x28, v51;
	v39 =	vld.idx.msk [tilespmem:v54+s15+$0x0], $0xffff;
	[tilespmem:v43+s20+$0x0] =	vst.idx.msk $0xffff, v32;
	v58 =	vor.u32 v9, v29;
	v9 =	vmov v49  }
0x4d2: {  	v4 =	vor.u32 v5, v33;
	v17 =	vand.u32 $0x7, v63;
	v41 =	vand.u32 $0x3A8, v58;
	[tilespmem:$0x1F980] =	vst v9;
	v9 =	vld [tilespmem:$0x1F8A0]  }
0x4d3: {  	v32 =	vadd.f32 v19, v30;
	v19 =	vor.u32 v17, v52;
	v17 =	vld [tilespmem:$0x1F8B0];
	v26 =	vor.u32 v41, v34;
	_ =	sdelay $0x1  }
0x4d4: {  	v56 =	vld [tilespmem:$0x1F990]  }
0x4d5: {  	v54 =	vld.idx.msk [tilespmem:v55+s15+$0x0], $0xffff  }
0x4d6: {  	v4 =	vld.idx.msk [tilespmem:v4+s15+$0x0], $0xffff;
	[tilespmem:$0x1F8A0] =	vst v9  }
0x4d7: {  	v55 =	vor.u32 v9, v20;
	v9 =	vmov v46;
	[tilespmem:v26+s20+$0x0] =	vst.idx.msk $0xffff, v32;
	v26 =	vor.u32 v17, v22;
	v17 =	vld [tilespmem:$0x1F8C0]  }
0x4d8: {  	[tilespmem:$0x1F990] =	vst v9;
	v9 =	vld [tilespmem:$0x1FFB0];
	_ =	sdelay $0x2  }
0x4d9: {  	v58 =	vmov v56;
	v56 =	vld [tilespmem:$0x1F890];
	_ =	sdelay $0x1  }
0x4da: {  	[tilespmem:$0x1F7A0] =	vst v63;
	v63 =	vor.u32 v17, v31;
	v17 =	vor.u32 v9, v29;
	v9 =	vld [tilespmem:$0x1F8D0]  }
0x4db: {  	[tilespmem:$0x1F790] =	vst v61;
	v61 =	vld [tilespmem:$0x1FF80]  }
0x4dc: {  	v47 =	vor.u32 v40, v25  }
0x4dd: {  	v42 =	vor.u32 v56, v14  }
0x4de: {  	v49 =	vor.u32 v7, v62  }
0x4df: {  	v50 =	vadd.f32 v50, v21;
	[tilespmem:$0x1F8D0] =	vst v9;
	v14 =	vor.u32 v9, v14;
	v9 =	vld [tilespmem:$0x1F8F0]  }
0x4e0: {  	v45 =	vor.u32 v61, v28;
	v6 =	vadd.f32 v6, v12  }
0x4e1: {  	v52 =	vor.u32 v61, v53;
	[tilespmem:v47+s20+$0x0] =	vst.idx.msk $0xffff, v50  }
0x4e2: {  	v38 =	vld.idx.msk [tilespmem:v38+s15+$0x0], $0xffff;
	[tilespmem:v42+s20+$0x0] =	vst.idx.msk $0xffff, v6;
	v6 =	vor.u32 v7, v33  }
0x4e3: {  	v28 =	vand.u32 $0x3D8, v35;
	v39 =	vadd.f32 v39, v16;
	v35 =	vld.idx.msk [tilespmem:v49+s15+$0x0], $0xffff  }
0x4e4: {  	v4 =	vadd.f32 v4, v24;
	v17 =	vand.u32 $0x3B8, v17;
	[tilespmem:$0x1F8F0] =	vst v9;
	v20 =	vor.u32 v9, v20;
	v9 =	vld [tilespmem:$0x1FA10]  }
0x4e5: {  	v36 =	vand.u32 $0x3C8, v36;
	[tilespmem:v55+s20+$0x0] =	vst.idx.msk $0xffff, v39;
	v42 =	vld.idx.msk [tilespmem:v45+s15+$0x0], $0xffff;
	v46 =	vor.u32 v17, v34  }
0x4e6: {  	v32 =	vadd.f32 v54, v2;
	v47 =	vld.idx.msk [tilespmem:v52+s15+$0x0], $0xffff;
	v45 =	vor.u32 v36, v25;
	[tilespmem:v63+s20+$0x0] =	vst.idx.msk $0xffff, v4  }
0x4e7: {  	v52 =	vor.u32 $0x20, v1;
	v6 =	vld.idx.msk [tilespmem:v6+s15+$0x0], $0xffff  }
0x4e8: {  	v55 =	vand.u32 $0x28, v52;
	[tilespmem:v26+s20+$0x0] =	vst.idx.msk $0xffff, v32;
	v26 =	vand.u32 $0x7, v23;
	v4 =	vadd.f32 v35, v30  }
0x4e9: {  	v39 =	vor.u32 v26, v55;
	v26 =	vadd.f32 v38, v21  }
0x4ea: {  	[tilespmem:v46+s20+$0x0] =	vst.idx.msk $0xffff, v4;
	v4 =	vadd.f32 v42, v12;
	v12 =	vld [tilespmem:$0x1F900]  }
0x4eb: {  	v44 =	vld.idx.msk [tilespmem:v44+s15+$0x0], $0xffff;
	[tilespmem:v45+s20+$0x0] =	vst.idx.msk $0xffff, v26;
	v42 =	vshll.u32 v52, $0x7  }
0x4ec: {  	v52 =	vadd.f32 v6, v24;
	v6 =	vmov v0;
	v0 =	vand.u32 $0x1400, v42;
	v32 =	vld.idx.msk [tilespmem:v9+s15+$0x0], $0xffff  }
0x4ed: {  	v49 =	vor.u32 v48, v62;
	v9 =	vor.u32 v15, v0;
	v0 =	vld [tilespmem:$0x1FA60];
	_ =	sdelay $0x1  }
0x4ee: {  	v50 =	vor.u32 v27, v19;
	v43 =	vor.u32 v12, v22  }
0x4ef: {  	v16 =	vadd.f32 v47, v16;
	_ =	sdelay $0x1  }
0x4f0: {  	v51 =	vshll.u32 v51, $0x7;
	v26 =	vld.idx.msk [tilespmem:v49+s15+$0x0], $0xffff;
	[tilespmem:v20+s20+$0x0] =	vst.idx.msk $0xffff, v16;
	v16 =	vadd.f32 v44, v2  }
0x4f1: {  	[tilespmem:v14+s20+$0x0] =	vst.idx.msk $0xffff, v4;
	v4 =	vand.u32 $0x1400, v51  }
0x4f2: {  	v46 =	vld.idx.msk [tilespmem:v50+s15+$0x0], $0xffff;
	v49 =	vor.u32 v15, v4;
	[tilespmem:v43+s20+$0x0] =	vst.idx.msk $0xffff, v16  }
0x4f3: {  	[tilespmem:$0x1F820] =	vst v8;
	v16 =	vor.u32 v8, v49;
	v8 =	vld.idx.msk [tilespmem:v0+s15+$0x0], $0xffff  }
0x4f4: {  	v0 =	vld [tilespmem:$0x1FA00];
	_ =	sdelay $0x2  }
0x4f5: {  	[tilespmem:$0x1F7F0] =	vst v23  }
0x4f6: {  	[tilespmem:$0x1F840] =	vst v1;
	v23 =	vld [tilespmem:$0x1F9E0]  }
0x4f7: {  	v63 =	vor.u32 v27, v39;
	[tilespmem:$0x1F9E0] =	vst v6;
	v6 =	vperm.xlane v0, v1;
	v1 =	vld [tilespmem:$0x1FA30];
	_ =	sdelay $0x4  }
0x4f8: {  	v38 =	vld.idx.msk [tilespmem:v63+s15+$0x0], $0xffff;
	v51 =	vmov v1;
	v1 =	vmov v41  }
0x4f9: {  	[tilespmem:$0x1FA30] =	vst v1;
	v1 =	vld [tilespmem:$0x1F970];
	_ =	sdelay $0x4  }
0x4fa: {  	v47 =	vadd.f32 v38, v6;
	v38 =	vor.u32 v1, v31;
	v1 =	vld [tilespmem:$0x1F750];
	_ =	sdelay $0x1  }
0x4fb: {  	v35 =	vor.u32 v28, v25;
	_ =	sdelay $0x1  }
0x4fc: {  	v12 =	vld [tilespmem:$0x1F910]  }
0x4fd: {  	v55 =	vld [tilespmem:$0x1FF90];
	v32 =	vadd.f32 v32, v21;
	_ =	sdelay $0x1  }
0x4fe: {  	[tilespmem:v35+s20+$0x0] =	vst.idx.msk $0xffff, v32  }
0x4ff: {  	v54 =	vmov v27;
	v27 =	vld.idx.msk [tilespmem:v1+s15+$0x0], $0xffff  }
0x500: {  	v45 =	vor.u32 v12, v31;
	v1 =	vld [tilespmem:$0x1F9F0]  }
0x501: {  	v12 =	vor.u32 v55, v29  }
0x502: {  	v14 =	vor.u32 v48, v33;
	v12 =	vand.u32 $0x3C8, v12  }
0x503: {  	v20 =	vor.u32 v12, v34;
	_ =	sdelay $0x1  }
0x504: {  	[tilespmem:v45+s20+$0x0] =	vst.idx.msk $0xffff, v52;
	v52 =	vadd.f32 v8, v2;
	v8 =	vand.u32 $0x3E8, v1;
	v1 =	vmov v40  }
0x505: {  	v26 =	vadd.f32 v26, v30;
	[tilespmem:$0x1F7C0] =	vst v1;
	v1 =	vld [tilespmem:$0x1F870]  }
0x506: {  	v14 =	vld.idx.msk [tilespmem:v14+s15+$0x0], $0xffff  }
0x507: {  	[tilespmem:v20+s20+$0x0] =	vst.idx.msk $0xffff, v26;
	v26 =	vld [tilespmem:$0x1F960]  }
0x508: {  	v63 =	vor.u32 v11, v62;
	_ =	sdelay $0x1  }
0x509: {  	v42 =	vor.u32 v10, v19;
	v43 =	vor.u32 v18, v9;
	v35 =	vor.u32 v1, v49;
	v1 =	vld [tilespmem:$0x1FA40]  }
0x50a: {  	v44 =	vor.u32 v10, v39  }
0x50b: {  	v20 =	vadd.f32 v46, v57;
	v26 =	vor.u32 v26, v22  }
0x50c: {  	v32 =	vld.idx.msk [tilespmem:v63+s15+$0x0], $0xffff  }
0x50d: {  	v63 =	vld [tilespmem:$0x1FFC0];
	[tilespmem:v16+s20+$0x0] =	vst.idx.msk $0xffff, v20  }
0x50e: {  	[tilespmem:v43+s20+$0x0] =	vst.idx.msk $0xffff, v47;
	v41 =	vld.idx.msk [tilespmem:v42+s15+$0x0], $0xffff  }
0x50f: {  	v42 =	vld.idx.msk [tilespmem:v44+s15+$0x0], $0xffff  }
0x510: {  	[tilespmem:v26+s20+$0x0] =	vst.idx.msk $0xffff, v52;
	v52 =	vld [tilespmem:$0x1F760]  }
0x511: {  	v44 =	vld.idx.msk [tilespmem:v1+s15+$0x0], $0xffff;
	v1 =	vmov v36  }
0x512: {  	v40 =	vor.u32 v8, v25;
	[tilespmem:$0x1F800] =	vst v1;
	v1 =	vld [tilespmem:$0x1F9B0]  }
0x513: {  	v50 =	vor.u32 v63, v29  }
0x514: {  	v20 =	vor.u32 v11, v33;
	v16 =	vand.u32 $0x3D8, v50  }
0x515: {  	v53 =	vmov v23;
	v23 =	vor.u32 v16, v34;
	v27 =	vadd.f32 v27, v21  }
0x516: {  	v14 =	vadd.f32 v14, v24;
	v26 =	vor.u32 v61, v52  }
0x517: {  	[tilespmem:v40+s20+$0x0] =	vst.idx.msk $0xffff, v27;
	v40 =	vor.u32 v1, v31;
	v1 =	vld [tilespmem:$0x1F7B0]  }
0x518: {  	[tilespmem:v38+s20+$0x0] =	vst.idx.msk $0xffff, v14;
	v14 =	vadd.f32 v32, v30  }
0x519: {  	v20 =	vld.idx.msk [tilespmem:v20+s15+$0x0], $0xffff  }
0x51a: {  	[tilespmem:v23+s20+$0x0] =	vst.idx.msk $0xffff, v14;
	v14 =	vadd.f32 v41, v57;
	v23 =	vld [tilespmem:$0x1F9A0]  }
0x51b: {  	v26 =	vld.idx.msk [tilespmem:v26+s15+$0x0], $0xffff  }
0x51c: {  	[tilespmem:v35+s20+$0x0] =	vst.idx.msk $0xffff, v14;
	v35 =	vor.u32 $0x10, v1;
	v1 =	vld [tilespmem:$0x1F9D0]  }
0x51d: {  	v43 =	vor.u32 v13, v62;
	v50 =	vmov v60;
	v60 =	vmov v59;
	v59 =	vld [tilespmem:$0x1FFA0];
	_ =	sdelay $0x1  }
0x51e: {  	v32 =	vor.u32 v5, v19;
	v38 =	vor.u32 v58, v9  }
0x51f: {  	v45 =	vor.u32 v5, v39;
	v23 =	vor.u32 v23, v22  }
0x520: {  	[tilespmem:$0x1F880] =	vst v58;
	v46 =	vor.u32 v13, v3;
	v47 =	vmovc v37;
	v58 =	vadd.f32 v44, v2;
	v44 =	vand.u32 $0x3F8, v1  }
0x521: {  	v37 =	vor.u32 v59, v29;
	v27 =	vld.idx.msk [tilespmem:v43+s15+$0x0], $0xffff;
	v36 =	vadd.f32 v42, v6;
	v25 =	vor.u32 v44, v25  }
0x522: {  	[tilespmem:$0x1F830] =	vst v18;
	v42 =	vand.u32 $0x3E8, v37;
	v43 =	vor.u32 v61, v3;
	v3 =	vld [tilespmem:$0x1F7E0];
	v14 =	vor.u32 v13, v33  }
0x523: {  	v20 =	vadd.f32 v20, v24;
	v18 =	vor.u32 v42, v34;
	v32 =	vld.idx.msk [tilespmem:v32+s15+$0x0], $0xffff;
	[tilespmem:v38+s20+$0x0] =	vst.idx.msk $0xffff, v36  }
0x524: {  	v38 =	vld.idx.msk [tilespmem:v45+s15+$0x0], $0xffff;
	v21 =	vadd.f32 v26, v21;
	[tilespmem:v23+s20+$0x0] =	vst.idx.msk $0xffff, v58  }
0x525: {  	v41 =	vor.u32 v61, v62;
	v36 =	vld.idx.msk [tilespmem:v46+s15+$0x0], $0xffff;
	[tilespmem:v40+s20+$0x0] =	vst.idx.msk $0xffff, v20  }
0x526: {  	v20 =	vadd.f32 v27, v30;
	[tilespmem:v25+s20+$0x0] =	vst.idx.msk $0xffff, v21;
	v25 =	vld [tilespmem:$0x1FA50]  }
0x527: {  	[tilespmem:$0x1F8B0] =	vst v53;
	v23 =	vor.u32 v53, v49;
	v14 =	vld.idx.msk [tilespmem:v14+s15+$0x0], $0xffff;
	v1 =	vmov v28  }
0x528: {  	v53 =	vor.u32 v51, v9;
	[tilespmem:v18+s20+$0x0] =	vst.idx.msk $0xffff, v20;
	v20 =	vld [tilespmem:$0x1FA70]  }
0x529: {  	v58 =	vor.u32 v7, v39  }
0x52a: {  	v18 =	vadd.f32 v32, v57;
	v28 =	vmov v17;
	v17 =	vld.idx.msk [tilespmem:v41+s15+$0x0], $0xffff;
	[tilespmem:$0x1F850] =	vst v1;
	v1 =	vmov v3  }
0x52b: {  	[tilespmem:$0x1F910] =	vst v1;
	v45 =	vor.u32 v1, v9;
	v1 =	vld [tilespmem:$0x1F920];
	v21 =	vadd.f32 v38, v6;
	v46 =	vor.u32 v25, v31  }
0x52c: {  	v27 =	vor.u32 v7, v19;
	v4 =	vand.u32 $0x1F, v35;
	v38 =	vld [tilespmem:$0x1FFD0];
	[tilespmem:v23+s20+$0x0] =	vst.idx.msk $0xffff, v18  }
0x52d: {  	v35 =	vshll.u32 v35, $0x7;
	v26 =	vor.u32 v54, v4;
	v20 =	vor.u32 v20, v22;
	v3 =	vld [tilespmem:$0x1F8E0];
	[tilespmem:v53+s20+$0x0] =	vst.idx.msk $0xffff, v21  }
0x52e: {  	v18 =	vor.u32 v61, v33;
	v33 =	vld.idx.msk [tilespmem:v58+s15+$0x0], $0xffff;
	v58 =	vadd.f32 v14, v24;
	v14 =	vand.u32 $0xC00, v35  }
0x52f: {  	[tilespmem:$0x1F7E0] =	vst v28;
	v28 =	vld [tilespmem:$0x1F950];
	v14 =	vor.u32 v15, v14  }
0x530: {  	[tilespmem:v46+s20+$0x0] =	vst.idx.msk $0xffff, v58;
	v46 =	vor.u32 v1, v14;
	v1 =	vld [tilespmem:$0x1F860]  }
0x531: {  	v27 =	vld.idx.msk [tilespmem:v27+s15+$0x0], $0xffff;
	v21 =	vadd.f32 v36, v2;
	v25 =	vor.u32 v38, v29  }
0x532: {  	v23 =	vor.u32 $0x10, v3;
	v3 =	vld [tilespmem:$0x1F810];
	v25 =	vand.u32 $0x3F8, v25  }
0x533: {  	v26 =	vld.idx.msk [tilespmem:v26+s15+$0x0], $0xffff;
	[tilespmem:v20+s20+$0x0] =	vst.idx.msk $0xffff, v21;
	v29 =	vor.u32 v25, v34  }
0x534: {  	v20 =	vmov v12;
	v21 =	vld.idx.msk [tilespmem:v43+s15+$0x0], $0xffff  }
0x535: {  	[tilespmem:$0x1F810] =	vst v20;
	v20 =	vor.u32 v50, v49;
	v43 =	vmov v1;
	v1 =	vld [tilespmem:$0x1F770]  }
0x536: {  	v17 =	vadd.f32 v17, v30  }
0x537: {  	v30 =	vor.u32 v48, v19  }
0x538: {  	v12 =	vperm.xlane v28, v52;
	v18 =	vld.idx.msk [tilespmem:v18+s15+$0x0], $0xffff;
	[tilespmem:v29+s20+$0x0] =	vst.idx.msk $0xffff, v17;
	v17 =	vadd.f32 v27, v57;
	_ =	sdelay $0x1  }
0x539: {  	v26 =	vadd.f32 v26, v12;
	[tilespmem:v20+s20+$0x0] =	vst.idx.msk $0xffff, v17;
	v22 =	vor.u32 v1, v22;
	v1 =	vmov v16  }
0x53a: {  	v53 =	vand.u32 $0x1F, v23;
	[tilespmem:$0x1F860] =	vst v1;
	v1 =	vld [tilespmem:$0x1F780]  }
0x53b: {  	v35 =	vor.u32 v54, v53;
	v17 =	vld.idx.msk [tilespmem:v30+s15+$0x0], $0xffff;
	[tilespmem:v46+s20+$0x0] =	vst.idx.msk $0xffff, v26;
	v46 =	vlaneseq.u32  }
0x53c: {  	v37 =	vmovc v3;
	v3 =	vmovc v52;
	v58 =	vor.u32 v48, v39;
	v21 =	vadd.f32 v21, v2;
	v52 =	vadd.s32 s25, v46  }
0x53d: {  	v2 =	vld [tilespmem:$0x1F930];
	v16 =	vshll.u32 v23, $0x7;
	v23 =	vadd.f32 v33, v6;
	v33 =	vshll.u32 v52, $0x7  }
0x53e: {  	[tilespmem:$0x1F8C0] =	vst v51;
	v51 =	vmovc v48;
	v48 =	vmov v3;
	v3 =	vperm.xlane v0, v3;
	v0 =	vor.u32 v59, v33  }
0x53f: {  	[tilespmem:$0x1F9F0] =	vst v0;
	v0 =	vld [tilespmem:$0x1F980];
	v29 =	vor.u32 v1, v31  }
0x540: {  	v27 =	vld.idx.msk [tilespmem:v35+s15+$0x0], $0xffff;
	v18 =	vadd.f32 v18, v24;
	v16 =	vand.u32 $0xC00, v16;
	[tilespmem:v45+s20+$0x0] =	vst.idx.msk $0xffff, v23  }
0x541: {  	v20 =	vor.u32 v15, v16;
	v30 =	vld.idx.msk [tilespmem:v58+s15+$0x0], $0xffff  }
0x542: {  	v26 =	vor.u32 v2, v20;
	v2 =	vld [tilespmem:$0x1F9C0]  }
0x543: {  	[tilespmem:v22+s20+$0x0] =	vst.idx.msk $0xffff, v21;
	v22 =	vld [tilespmem:$0x1F790];
	v31 =	vor.u32 v10, v4  }
0x544: {  	[tilespmem:v29+s20+$0x0] =	vst.idx.msk $0xffff, v18;
	v18 =	vmov v8;
	v8 =	vadd.f32 v17, v57;
	v17 =	vor.u32 v0, v14;
	v0 =	vld [tilespmem:$0x1F8A0];
	_ =	sdelay $0x3  }
0x545: {  	[tilespmem:$0x1F940] =	vst v62;
	v16 =	vperm.xlane v28, v62;
	v58 =	vand.u32 $0xF, v52;
	v62 =	vperm.xlane v2, v22  }
0x546: {  	[tilespmem:$0x1F970] =	vst v37;
	v22 =	vld.idx.msk [tilespmem:v31+s15+$0x0], $0xffff;
	v29 =	vor.u32 v37, v9;
	v37 =	vmov v0;
	v0 =	vor.u32 v11, v58  }
0x547: {  	v21 =	vor.u32 v60, v49;
	[tilespmem:$0x1FA10] =	vst v0;
	v0 =	vld [tilespmem:$0x1F990];
	_ =	sdelay $0x4  }
0x548: {  	[tilespmem:v21+s20+$0x0] =	vst.idx.msk $0xffff, v8;
	v21 =	vadd.f32 v22, v12;
	v22 =	vor.u32 v0, v20;
	v0 =	vld [tilespmem:$0x1FFB0];
	_ =	sdelay $0x4  }
0x549: {  	v32 =	vor.u32 v0, v33;
	v0 =	vmov v42  }
0x54a: {  	[tilespmem:$0x1F8A0] =	vst v0;
	v0 =	vld [tilespmem:$0x1FFE0];
	_ =	sdelay $0x4  }
0x54b: {  	v42 =	vor.u32 v0, v33;
	v0 =	vld [tilespmem:$0x1F8D0];
	_ =	sdelay $0x3  }
0x54c: {  	v28 =	vor.u32 v11, v19  }
0x54d: {  	v35 =	vor.u32 v63, v33;
	v63 =	vmov v0;
	v0 =	vld [tilespmem:$0x1FFF0];
	_ =	sdelay $0x1  }
0x54e: {  	v27 =	vadd.f32 v27, v16  }
0x54f: {  	[tilespmem:$0x1F890] =	vst v18  }
0x550: {  	[tilespmem:v26+s20+$0x0] =	vst.idx.msk $0xffff, v27;
	v26 =	vadd.f32 v30, v6;
	v8 =	vld.idx.msk [tilespmem:v28+s15+$0x0], $0xffff;
	v18 =	vmov v6  }
0x551: {  	v6 =	vmov v49;
	[tilespmem:v17+s20+$0x0] =	vst.idx.msk $0xffff, v21;
	v17 =	vor.u32 v47, v49;
	v49 =	vor.u32 v0, v33;
	v0 =	vld [tilespmem:$0x1FA20];
	_ =	sdelay $0x4  }
0x552: {  	v21 =	vperm.xlane v0, v58;
	v0 =	vld [tilespmem:$0x1F8F0];
	_ =	sdelay $0x2  }
0x553: {  	v24 =	vor.u32 v10, v53  }
0x554: {  	v31 =	vor.u32 v11, v39  }
0x555: {  	v59 =	vmov v0;
	v0 =	vld [tilespmem:$0x1F9E0];
	_ =	sdelay $0x2  }
0x556: {  	v24 =	vld.idx.msk [tilespmem:v24+s15+$0x0], $0xffff;
	[tilespmem:v29+s20+$0x0] =	vst.idx.msk $0xffff, v26  }
0x557: {  	[tilespmem:$0x1F9B0] =	vst v43;
	v30 =	vor.u32 v5, v4;
	v28 =	vor.u32 v5, v53;
	v26 =	vld.idx.msk [tilespmem:v31+s15+$0x0], $0xffff  }
0x558: {  	v31 =	vor.u32 v43, v9;
	v43 =	vor.u32 v5, v58;
	v5 =	vmovc v44;
	v44 =	vor.u32 v0, v14;
	v0 =	vld [tilespmem:$0x1F7A0];
	_ =	sdelay $0x1  }
0x559: {  	[tilespmem:$0x1F900] =	vst v50  }
0x55a: {  	[tilespmem:$0x1F960] =	vst v60;
	v24 =	vadd.f32 v24, v16  }
0x55b: {  	[tilespmem:$0x1F9A0] =	vst v47;
	v29 =	vld.idx.msk [tilespmem:v30+s15+$0x0], $0xffff  }
0x55c: {  	v34 =	vor.u32 v13, v39;
	v30 =	vor.u32 v13, v19;
	[tilespmem:v22+s20+$0x0] =	vst.idx.msk $0xffff, v24;
	v22 =	vor.u32 $0x30, v0;
	v0 =	vld [tilespmem:$0x1FA30]  }
0x55d: {  	v36 =	vor.u32 v55, v33;
	v55 =	vor.u32 v46, v33;
	v46 =	vor.u32 v7, v53;
	v1 =	vmovc v56  }
0x55e: {  	v41 =	vor.u32 v7, v58;
	[tilespmem:$0x1FA70] =	vst v1;
	v2 =	vor.u32 v38, v33;
	v8 =	vadd.f32 v8, v57  }
0x55f: {  	v40 =	vmov v54;
	v50 =	vor.u32 v10, v58;
	[tilespmem:$0x1F9D0] =	vst v2;
	v26 =	vadd.f32 v26, v18;
	v45 =	vld.idx.msk [tilespmem:v28+s15+$0x0], $0xffff  }
0x560: {  	v23 =	vmov v4;
	v38 =	vor.u32 v51, v58;
	[tilespmem:v17+s20+$0x0] =	vst.idx.msk $0xffff, v8;
	v24 =	vor.u32 v54, v58  }
0x561: {  	v60 =	vand.u32 $0x400, v33;
	v28 =	vld.idx.msk [tilespmem:v30+s15+$0x0], $0xffff;
	[tilespmem:v31+s20+$0x0] =	vst.idx.msk $0xffff, v26;
	v47 =	vor.u32 v0, v20;
	v0 =	vmov v25  }
0x562: {  	p0 =	slt.u32 s25, $0xE;
	v27 =	vor.u32 v13, v58;
	v54 =	vor.u32 v7, v4;
	v26 =	vadd.f32 v29, v12;
	[tilespmem:$0x1F8F0] =	vst v0;
	v0 =	vld [tilespmem:$0x1F7B0]  }
.Ltmp4:
0x563: {  	[tilespmem:$0x1FA50] =	vst v37;
	v30 =	vor.u32 v61, v19;
	v19 =	vand.u32 $0x388, v55;
	v29 =	vor.u32 v61, v39;
	v31 =	vld.idx.msk [tilespmem:v34+s15+$0x0], $0xffff;
	(pc) =	sbr.rel @p0 .LBB2_9-.Ltmp4, $4  }
0x564: {  	v34 =	vor.u32 v1, v6;
	[tilespmem:$0x1F8D0] =	vst v5;
	v45 =	vadd.f32 v45, v16;
	v1 =	vmovc v63;
	v2 =	vand.u32 $0x3F, v22  }
0x565: {  	v5 =	vor.u32 v11, v2;
	v4 =	vor.u32 v51, v2;
	v51 =	vld.idx.msk [tilespmem:v24+s15+$0x0], $0xffff;
	[tilespmem:v44+s20+$0x0] =	vst.idx.msk $0xffff, v26  }
0x566: {  	v33 =	vor.u32 v37, v9;
	v17 =	vor.u32 v10, v2;
	v24 =	vor.u32 v40, v2;
	[tilespmem:$0x1FA40] =	vst v5  }
0x567: {  	s26 =	sadd.s32 $0x1, s25;
	s25 =	sadd.s32 $0x2, s25;
	v13 =	vmovc v2;
	v10 =	vmov v52;
	[tilespmem:$0x1FA60] =	vst v4;
	v44 =	vld.idx.msk [tilespmem:v54+s15+$0x0], $0xffff;
	v25 =	vor.u32 v15, v60;
	v63 =	vmov v0  }
0x568: {  	v60 =	vld [tilespmem:$0x1FF70];
	_ =	sdelay $0x1  }
0x569: {  	v0 =	vlaneseq.u32  }
0x56a: {  	v4 =	vadd.s32 s26, v0  }
0x56b: {  	v2 =	vand.u32 $0xF, v4  }
0x56c: {  	v5 =	vld [tilespmem:$0x1FF00];
	v26 =	vor.u32 v60, v2;
	_ =	sdelay $0x2  }
0x56d: {  	v39 =	vshll.u32 v4, $0x7  }
0x56e: {  	[tilespmem:$0x1F6C0] =	vst v4;
	v54 =	vor.u32 v0, v39;
	v55 =	vand.u32 $0x400, v39  }
0x56f: {  	v0 =	vand.u32 $0x388, v54;
	v54 =	vor.u32 v5, v55;
	v4 =	vld.idx.msk [tilespmem:v26+s15+$0x0], $0xffff  }
0x570: {  	v55 =	vor.u32 v0, v54;
	[tilespmem:$0x1F6F0] =	vst v0;
	v0 =	vld [tilespmem:$0x1FA20];
	_ =	sdelay $0x2  }
0x571: {  	v52 =	vor.u32 v19, v25;
	_ =	sdelay $0x1  }
0x572: {  	v8 =	vld [tilespmem:$0x1FF10];
	v56 =	vperm.xlane v0, v2  }
0x573: {  	v51 =	vadd.f32 v51, v21  }
0x574: {  	v40 =	vadd.f32 v4, v56  }
0x575: {  	[tilespmem:v52+s20+$0x0] =	vst.idx.msk $0xffff, v51  }
0x576: {  	[tilespmem:v55+s20+$0x0] =	vst.idx.msk $0xffff, v40  }
0x577: {  	v26 =	vor.u32 v8, v2;
	v0 =	vld [tilespmem:$0x1FFF0];
	_ =	sdelay $0x3  }
0x578: {  	v50 =	vld.idx.msk [tilespmem:v50+s15+$0x0], $0xffff  }
0x579: {  	v37 =	vand.u32 $0x398, v49;
	v26 =	vld.idx.msk [tilespmem:v26+s15+$0x0], $0xffff;
	v55 =	vor.u32 v0, v39  }
0x57a: {  	v49 =	vor.u32 v37, v25;
	v55 =	vand.u32 $0x398, v55  }
0x57b: {  	v51 =	vor.u32 v55, v54  }
0x57c: {  	v11 =	vld [tilespmem:$0x1FF20]  }
0x57d: {  	v50 =	vadd.f32 v50, v21  }
0x57e: {  	[tilespmem:$0x1F640] =	vst v37;
	v26 =	vadd.f32 v26, v56  }
0x57f: {  	[tilespmem:v49+s20+$0x0] =	vst.idx.msk $0xffff, v50  }
0x580: {  	v43 =	vld.idx.msk [tilespmem:v43+s15+$0x0], $0xffff;
	v0 =	vand.u32 $0x3A8, v42;
	[tilespmem:v51+s20+$0x0] =	vst.idx.msk $0xffff, v26  }
0x581: {  	v61 =	vor.u32 v11, v2;
	v42 =	vor.u32 v0, v25;
	[tilespmem:$0x1F710] =	vst v0;
	v0 =	vld [tilespmem:$0x1FFE0];
	_ =	sdelay $0x4  }
0x582: {  	v26 =	vld.idx.msk [tilespmem:v61+s15+$0x0], $0xffff;
	v7 =	vor.u32 v0, v39  }
0x583: {  	v0 =	vand.u32 $0x3A8, v7  }
0x584: {  	v49 =	vor.u32 v0, v54  }
0x585: {  	v51 =	vld [tilespmem:$0x1FF30]  }
0x586: {  	v43 =	vadd.f32 v43, v21  }
0x587: {  	v26 =	vadd.f32 v26, v56;
	[tilespmem:$0x1F720] =	vst v0  }
0x588: {  	[tilespmem:v42+s20+$0x0] =	vst.idx.msk $0xffff, v43  }
0x589: {  	v0 =	vand.u32 $0x3B8, v32;
	v41 =	vld.idx.msk [tilespmem:v41+s15+$0x0], $0xffff;
	[tilespmem:v49+s20+$0x0] =	vst.idx.msk $0xffff, v26  }
0x58a: {  	v15 =	vor.u32 v51, v2;
	v40 =	vor.u32 v0, v25;
	[tilespmem:$0x1F730] =	vst v0;
	v0 =	vld [tilespmem:$0x1FFB0];
	_ =	sdelay $0x4  }
0x58b: {  	v26 =	vld.idx.msk [tilespmem:v15+s15+$0x0], $0xffff;
	v50 =	vor.u32 v0, v39  }
0x58c: {  	v0 =	vand.u32 $0x3B8, v50  }
0x58d: {  	v42 =	vor.u32 v0, v54;
	_ =	sdelay $0x1  }
0x58e: {  	v49 =	vld [tilespmem:$0x1FF40];
	v41 =	vadd.f32 v41, v21  }
0x58f: {  	v26 =	vadd.f32 v26, v56;
	[tilespmem:$0x1F740] =	vst v0  }
0x590: {  	[tilespmem:v40+s20+$0x0] =	vst.idx.msk $0xffff, v41  }
0x591: {  	[tilespmem:v42+s20+$0x0] =	vst.idx.msk $0xffff, v26  }
0x592: {  	v0 =	vld [tilespmem:$0x1FF90]  }
0x593: {  	v52 =	vor.u32 v49, v2;
	v38 =	vld.idx.msk [tilespmem:v38+s15+$0x0], $0xffff  }
0x594: {  	v61 =	vand.u32 $0x3C8, v36  }
0x595: {  	v36 =	vor.u32 v61, v25;
	_ =	sdelay $0x1  }
0x596: {  	v7 =	vor.u32 v0, v39  }
0x597: {  	v26 =	vld.idx.msk [tilespmem:v52+s15+$0x0], $0xffff;
	[tilespmem:$0x1F670] =	vst v61;
	v38 =	vadd.f32 v38, v21;
	v0 =	vand.u32 $0x3C8, v7  }
0x598: {  	[tilespmem:$0x1F680] =	vst v0  }
0x599: {  	v50 =	vld [tilespmem:$0x1FF50];
	[tilespmem:v36+s20+$0x0] =	vst.idx.msk $0xffff, v38  }
0x59a: {  	v40 =	vor.u32 v0, v54;
	v0 =	vld [tilespmem:$0x1FA10];
	_ =	sdelay $0x5  }
0x59b: {  	v26 =	vadd.f32 v26, v56;
	_ =	sdelay $0x1  }
0x59c: {  	[tilespmem:v40+s20+$0x0] =	vst.idx.msk $0xffff, v26;
	v43 =	vld.idx.msk [tilespmem:v0+s15+$0x0], $0xffff;
	v0 =	vand.u32 $0x3D8, v35  }
0x59d: {  	v15 =	vor.u32 v50, v2;
	[tilespmem:$0x1F690] =	vst v0;
	v35 =	vor.u32 v0, v25;
	v0 =	vld [tilespmem:$0x1FFC0];
	_ =	sdelay $0x4  }
0x59e: {  	v26 =	vld.idx.msk [tilespmem:v15+s15+$0x0], $0xffff;
	v52 =	vor.u32 v0, v39  }
0x59f: {  	v0 =	vand.u32 $0x3D8, v52  }
0x5a0: {  	v36 =	vor.u32 v0, v54;
	_ =	sdelay $0x1  }
0x5a1: {  	v32 =	vadd.f32 v43, v21  }
0x5a2: {  	v26 =	vadd.f32 v26, v56;
	[tilespmem:$0x1F620] =	vst v0  }
0x5a3: {  	v15 =	vld [tilespmem:$0x1FF60];
	[tilespmem:v35+s20+$0x0] =	vst.idx.msk $0xffff, v32  }
0x5a4: {  	[tilespmem:v36+s20+$0x0] =	vst.idx.msk $0xffff, v26  }
0x5a5: {  	v0 =	vld [tilespmem:$0x1F9F0];
	_ =	sdelay $0x4  }
0x5a6: {  	v40 =	vmov v2;
	v7 =	vor.u32 v15, v2;
	v27 =	vld.idx.msk [tilespmem:v27+s15+$0x0], $0xffff;
	v2 =	vand.u32 $0x3E8, v0  }
0x5a7: {  	[tilespmem:$0x1F630] =	vst v2;
	v26 =	vor.u32 v2, v25;
	v2 =	vld [tilespmem:$0x1FFA0];
	_ =	sdelay $0x4  }
0x5a8: {  	v0 =	vld.idx.msk [tilespmem:v7+s15+$0x0], $0xffff;
	v43 =	vor.u32 v2, v39  }
0x5a9: {  	v4 =	vand.u32 $0x3E8, v43  }
0x5aa: {  	v41 =	vor.u32 v4, v54  }
0x5ab: {  	v7 =	vld [tilespmem:$0x1FF80]  }
0x5ac: {  	v27 =	vadd.f32 v27, v21;
	[tilespmem:$0x1F6E0] =	vst v40  }
0x5ad: {  	v0 =	vadd.f32 v0, v56;
	[tilespmem:$0x1F6A0] =	vst v4  }
0x5ae: {  	[tilespmem:v26+s20+$0x0] =	vst.idx.msk $0xffff, v27  }
0x5af: {  	[tilespmem:v41+s20+$0x0] =	vst.idx.msk $0xffff, v0  }
0x5b0: {  	v52 =	vor.u32 v7, v58;
	v0 =	vld [tilespmem:$0x1F9D0];
	_ =	sdelay $0x4  }
0x5b1: {  	v26 =	vld.idx.msk [tilespmem:v52+s15+$0x0], $0xffff;
	[tilespmem:$0x1F650] =	vst v57;
	v4 =	vand.u32 $0x3F8, v0  }
0x5b2: {  	v42 =	vor.u32 v7, v40;
	v0 =	vor.u32 v4, v25;
	v57 =	vmov v4;
	[tilespmem:$0x1F6B0] =	vst v4;
	v4 =	vld [tilespmem:$0x1FFD0];
	_ =	sdelay $0x3  }
0x5b3: {  	[tilespmem:$0x1F660] =	vst v18  }
0x5b4: {  	v25 =	vld.idx.msk [tilespmem:v42+s15+$0x0], $0xffff;
	v27 =	vor.u32 v4, v39  }
0x5b5: {  	v4 =	vand.u32 $0x3F8, v27  }
0x5b6: {  	v54 =	vor.u32 v4, v54  }
0x5b7: {  	v43 =	vor.u32 $0x10, v10;
	v52 =	vld [tilespmem:$0x1F6C0]  }
0x5b8: {  	v32 =	vand.u32 $0x1F, v43;
	v41 =	vadd.f32 v26, v21;
	[tilespmem:$0x1F7A0] =	vst v63  }
0x5b9: {  	v27 =	vor.u32 v60, v32;
	v42 =	vadd.f32 v25, v56;
	[tilespmem:$0x1F6D0] =	vst v4  }
0x5ba: {  	[tilespmem:v0+s20+$0x0] =	vst.idx.msk $0xffff, v41  }
0x5bb: {  	[tilespmem:v54+s20+$0x0] =	vst.idx.msk $0xffff, v42  }
0x5bc: {  	v36 =	vor.u32 $0x10, v52;
	v0 =	vld [tilespmem:$0x1F950]  }
0x5bd: {  	v18 =	vshll.u32 v43, $0x7;
	v35 =	vand.u32 $0x1F, v36  }
0x5be: {  	v18 =	vand.u32 $0xC00, v18;
	v26 =	vor.u32 v60, v35;
	v43 =	vld.idx.msk [tilespmem:v27+s15+$0x0], $0xffff  }
0x5bf: {  	v27 =	vor.u32 v5, v18  }
0x5c0: {  	v56 =	vshll.u32 v36, $0x7;
	v36 =	vor.u32 v19, v27;
	v54 =	vld [tilespmem:$0x1F6F0]  }
0x5c1: {  	v4 =	vperm.xlane v0, v58;
	_ =	sdelay $0x1  }
0x5c2: {  	v18 =	vand.u32 $0xC00, v56;
	v26 =	vld.idx.msk [tilespmem:v26+s15+$0x0], $0xffff;
	v39 =	vadd.f32 v43, v4  }
0x5c3: {  	v25 =	vor.u32 v5, v18;
	[tilespmem:v47+s20+$0x0] =	vst.idx.msk $0xffff, v45  }
0x5c4: {  	v38 =	vor.u32 v54, v25;
	[tilespmem:v36+s20+$0x0] =	vst.idx.msk $0xffff, v39  }
0x5c5: {  	v21 =	vperm.xlane v0, v40;
	v0 =	vld [tilespmem:$0x1F7C0]  }
0x5c6: {  	v18 =	vor.u32 v8, v32  }
0x5c7: {  	v26 =	vadd.f32 v26, v21;
	_ =	sdelay $0x1  }
0x5c8: {  	[tilespmem:v38+s20+$0x0] =	vst.idx.msk $0xffff, v26  }
0x5c9: {  	v39 =	vor.u32 v0, v14;
	v0 =	vld [tilespmem:$0x1F7E0]  }
0x5ca: {  	v18 =	vld.idx.msk [tilespmem:v18+s15+$0x0], $0xffff  }
0x5cb: {  	v40 =	vor.u32 v8, v35  }
0x5cc: {  	v42 =	vor.u32 v37, v27;
	v36 =	vld.idx.msk [tilespmem:v46+s15+$0x0], $0xffff;
	_ =	sdelay $0x1  }
0x5cd: {  	v38 =	vor.u32 v0, v20  }
0x5ce: {  	v18 =	vadd.f32 v18, v4  }
0x5cf: {  	v56 =	vmov v8;
	v8 =	vadd.f32 v44, v12;
	v40 =	vld.idx.msk [tilespmem:v40+s15+$0x0], $0xffff;
	[tilespmem:$0x1F700] =	vst v55  }
0x5d0: {  	v26 =	vor.u32 v49, v23;
	v36 =	vadd.f32 v36, v16;
	[tilespmem:v42+s20+$0x0] =	vst.idx.msk $0xffff, v18  }
0x5d1: {  	v41 =	vor.u32 v49, v53;
	v45 =	vor.u32 v55, v25;
	[tilespmem:v39+s20+$0x0] =	vst.idx.msk $0xffff, v8  }
0x5d2: {  	[tilespmem:v38+s20+$0x0] =	vst.idx.msk $0xffff, v36  }
0x5d3: {  	v0 =	vld [tilespmem:$0x1F800]  }
0x5d4: {  	v8 =	vadd.f32 v40, v21  }
0x5d5: {  	v44 =	vor.u32 v11, v32;
	v26 =	vld.idx.msk [tilespmem:v26+s15+$0x0], $0xffff  }
0x5d6: {  	v37 =	vmov v55;
	v55 =	vld.idx.msk [tilespmem:v41+s15+$0x0], $0xffff;
	[tilespmem:v45+s20+$0x0] =	vst.idx.msk $0xffff, v8  }
0x5d7: {  	v8 =	vld [tilespmem:$0x1F710]  }
0x5d8: {  	v40 =	vor.u32 v0, v14;
	v0 =	vld [tilespmem:$0x1F810]  }
0x5d9: {  	v47 =	vor.u32 v11, v35  }
0x5da: {  	v38 =	vld.idx.msk [tilespmem:v44+s15+$0x0], $0xffff  }
0x5db: {  	v18 =	vadd.f32 v55, v16;
	v55 =	vld [tilespmem:$0x1F720]  }
0x5dc: {  	v43 =	vor.u32 v8, v27  }
0x5dd: {  	v26 =	vadd.f32 v26, v12;
	v41 =	vor.u32 v0, v20  }
0x5de: {  	v39 =	vld.idx.msk [tilespmem:v47+s15+$0x0], $0xffff  }
0x5df: {  	[tilespmem:v40+s20+$0x0] =	vst.idx.msk $0xffff, v26;
	v26 =	vadd.f32 v38, v4  }
0x5e0: {  	v36 =	vor.u32 v50, v23;
	v45 =	vor.u32 v55, v25  }
0x5e1: {  	v46 =	vor.u32 v51, v35;
	[tilespmem:v43+s20+$0x0] =	vst.idx.msk $0xffff, v26  }
0x5e2: {  	[tilespmem:v41+s20+$0x0] =	vst.idx.msk $0xffff, v18  }
0x5e3: {  	v47 =	vadd.f32 v39, v21;
	v0 =	vld [tilespmem:$0x1F850];
	_ =	sdelay $0x1  }
0x5e4: {  	v44 =	vor.u32 v51, v32;
	v18 =	vld.idx.msk [tilespmem:v36+s15+$0x0], $0xffff;
	[tilespmem:v45+s20+$0x0] =	vst.idx.msk $0xffff, v47  }
0x5e5: {  	v42 =	vor.u32 v50, v53;
	v38 =	vld.idx.msk [tilespmem:v46+s15+$0x0], $0xffff  }
0x5e6: {  	v46 =	vld [tilespmem:$0x1F730]  }
0x5e7: {  	v40 =	vor.u32 v0, v14;
	v0 =	vld [tilespmem:$0x1F860];
	_ =	sdelay $0x1  }
0x5e8: {  	v39 =	vld.idx.msk [tilespmem:v44+s15+$0x0], $0xffff  }
0x5e9: {  	v26 =	vld.idx.msk [tilespmem:v42+s15+$0x0], $0xffff  }
0x5ea: {  	v43 =	vor.u32 v46, v27  }
0x5eb: {  	v47 =	vld [tilespmem:$0x1F740];
	v18 =	vadd.f32 v18, v12;
	v41 =	vor.u32 v0, v20;
	_ =	sdelay $0x1  }
0x5ec: {  	[tilespmem:v40+s20+$0x0] =	vst.idx.msk $0xffff, v18;
	v18 =	vadd.f32 v39, v4  }
0x5ed: {  	v36 =	vor.u32 v15, v23;
	v26 =	vadd.f32 v26, v16  }
0x5ee: {  	[tilespmem:v43+s20+$0x0] =	vst.idx.msk $0xffff, v18  }
0x5ef: {  	v45 =	vor.u32 v47, v25;
	[tilespmem:v41+s20+$0x0] =	vst.idx.msk $0xffff, v26  }
0x5f0: {  	v0 =	vld [tilespmem:$0x1F890];
	_ =	sdelay $0x1  }
0x5f1: {  	v44 =	vor.u32 v49, v32;
	v26 =	vld.idx.msk [tilespmem:v36+s15+$0x0], $0xffff;
	v36 =	vadd.f32 v38, v21  }
0x5f2: {  	v42 =	vor.u32 v15, v53  }
0x5f3: {  	[tilespmem:v45+s20+$0x0] =	vst.idx.msk $0xffff, v36  }
0x5f4: {  	v40 =	vor.u32 v0, v14;
	v0 =	vld [tilespmem:$0x1F8A0];
	_ =	sdelay $0x1  }
0x5f5: {  	v38 =	vld.idx.msk [tilespmem:v44+s15+$0x0], $0xffff  }
0x5f6: {  	v39 =	vor.u32 v49, v35;
	v18 =	vld.idx.msk [tilespmem:v42+s15+$0x0], $0xffff  }
0x5f7: {  	v2 =	vmov v10;
	v41 =	vor.u32 v61, v27  }
0x5f8: {  	[tilespmem:$0x1F7B0] =	vst v10;
	v10 =	vor.u32 v7, v23;
	v26 =	vadd.f32 v26, v12;
	v23 =	vor.u32 v0, v20;
	v0 =	vld [tilespmem:$0x1F680];
	_ =	sdelay $0x1  }
0x5f9: {  	[tilespmem:v40+s20+$0x0] =	vst.idx.msk $0xffff, v26;
	v26 =	vadd.f32 v38, v4  }
0x5fa: {  	v39 =	vld.idx.msk [tilespmem:v39+s15+$0x0], $0xffff;
	v18 =	vadd.f32 v18, v16  }
0x5fb: {  	[tilespmem:v41+s20+$0x0] =	vst.idx.msk $0xffff, v26  }
0x5fc: {  	v61 =	vor.u32 v0, v25;
	[tilespmem:v23+s20+$0x0] =	vst.idx.msk $0xffff, v18  }
0x5fd: {  	v0 =	vld [tilespmem:$0x1F8D0];
	_ =	sdelay $0x1  }
0x5fe: {  	v45 =	vadd.f32 v39, v21;
	v40 =	vor.u32 $0x20, v48  }
0x5ff: {  	v48 =	vand.u32 $0x7, v63;
	v26 =	vand.u32 $0x28, v40  }
0x600: {  	v53 =	vor.u32 v7, v53;
	v18 =	vor.u32 v48, v26;
	v48 =	vld [tilespmem:$0x1F940];
	[tilespmem:v61+s20+$0x0] =	vst.idx.msk $0xffff, v45  }
0x601: {  	v14 =	vor.u32 v0, v14;
	v0 =	vld [tilespmem:$0x1F8E0];
	_ =	sdelay $0x3  }
0x602: {  	v41 =	vld.idx.msk [tilespmem:v53+s15+$0x0], $0xffff  }
0x603: {  	v53 =	vand.u32 $0x7, v0;
	v0 =	vld [tilespmem:$0x1F690]  }
0x604: {  	v42 =	vor.u32 v50, v32  }
0x605: {  	v38 =	vor.u32 v50, v35;
	v39 =	vor.u32 $0x20, v48  }
0x606: {  	v23 =	vld.idx.msk [tilespmem:v10+s15+$0x0], $0xffff;
	v61 =	vand.u32 $0x28, v39  }
0x607: {  	v10 =	vor.u32 v53, v61;
	v53 =	vld [tilespmem:$0x1F620]  }
0x608: {  	v43 =	vor.u32 v0, v27;
	v0 =	vld [tilespmem:$0x1F8F0]  }
0x609: {  	v26 =	vld.idx.msk [tilespmem:v42+s15+$0x0], $0xffff  }
0x60a: {  	v38 =	vld.idx.msk [tilespmem:v38+s15+$0x0], $0xffff;
	_ =	sdelay $0x1  }
0x60b: {  	v45 =	vor.u32 v53, v25  }
0x60c: {  	v63 =	vadd.f32 v23, v12;
	v20 =	vor.u32 v0, v20  }
0x60d: {  	v61 =	vadd.f32 v26, v4  }
0x60e: {  	v38 =	vadd.f32 v38, v21;
	[tilespmem:v14+s20+$0x0] =	vst.idx.msk $0xffff, v63  }
0x60f: {  	v63 =	vadd.f32 v41, v16;
	[tilespmem:v43+s20+$0x0] =	vst.idx.msk $0xffff, v61  }
0x610: {  	v42 =	vor.u32 v60, v18;
	[tilespmem:v45+s20+$0x0] =	vst.idx.msk $0xffff, v38  }
0x611: {  	[tilespmem:v20+s20+$0x0] =	vst.idx.msk $0xffff, v63  }
0x612: {  	v0 =	vld [tilespmem:$0x1F920];
	_ =	sdelay $0x1  }
0x613: {  	v23 =	vshll.u32 v40, $0x7  }
0x614: {  	v40 =	vld.idx.msk [tilespmem:v42+s15+$0x0], $0xffff;
	v42 =	vand.u32 $0x1400, v23  }
0x615: {  	v36 =	vor.u32 v15, v32;
	v16 =	vor.u32 v5, v42  }
0x616: {  	v38 =	vor.u32 v0, v16;
	v0 =	vld [tilespmem:$0x1F930]  }
0x617: {  	v26 =	vor.u32 v15, v35;
	v43 =	vshll.u32 v39, $0x7;
	v63 =	vld [tilespmem:$0x1F630]  }
0x618: {  	v44 =	vor.u32 v60, v10;
	v45 =	vand.u32 $0x1400, v43  }
0x619: {  	v14 =	vor.u32 v5, v45;
	v45 =	vld [tilespmem:$0x1F6A0]  }
0x61a: {  	v20 =	vld.idx.msk [tilespmem:v36+s15+$0x0], $0xffff  }
0x61b: {  	v61 =	vor.u32 v0, v14;
	v0 =	vld [tilespmem:$0x1FA00]  }
0x61c: {  	v26 =	vld.idx.msk [tilespmem:v26+s15+$0x0], $0xffff;
	v39 =	vor.u32 v63, v27  }
0x61d: {  	v36 =	vld.idx.msk [tilespmem:v44+s15+$0x0], $0xffff  }
0x61e: {  	v43 =	vor.u32 v45, v25  }
0x61f: {  	v20 =	vadd.f32 v20, v4  }
0x620: {  	v40 =	vadd.f32 v40, v3;
	v12 =	vperm.xlane v0, v48  }
0x621: {  	[tilespmem:v39+s20+$0x0] =	vst.idx.msk $0xffff, v20;
	v20 =	vadd.f32 v26, v21  }
0x622: {  	[tilespmem:v38+s20+$0x0] =	vst.idx.msk $0xffff, v40;
	v36 =	vadd.f32 v36, v12  }
0x623: {  	v26 =	vor.u32 $0x20, v58;
	[tilespmem:v43+s20+$0x0] =	vst.idx.msk $0xffff, v20  }
0x624: {  	v44 =	vand.u32 $0x7, v2;
	v45 =	vand.u32 $0x28, v26;
	[tilespmem:v61+s20+$0x0] =	vst.idx.msk $0xffff, v36  }
0x625: {  	v32 =	vor.u32 v7, v32;
	v20 =	vor.u32 v44, v45;
	v45 =	vld [tilespmem:$0x1F6E0]  }
0x626: {  	v2 =	vld [tilespmem:$0x1F980];
	_ =	sdelay $0x1  }
0x627: {  	v42 =	vor.u32 v56, v18  }
0x628: {  	v35 =	vor.u32 v7, v35  }
0x629: {  	v52 =	vand.u32 $0x7, v52;
	v38 =	vor.u32 v56, v10;
	v61 =	vld.idx.msk [tilespmem:v32+s15+$0x0], $0xffff;
	v41 =	vor.u32 $0x20, v45  }
0x62a: {  	v27 =	vor.u32 v57, v27;
	v40 =	vor.u32 v2, v16;
	v2 =	vld [tilespmem:$0x1F6D0];
	v57 =	vand.u32 $0x28, v41  }
0x62b: {  	v32 =	vor.u32 v52, v57;
	v57 =	vld [tilespmem:$0x1F990]  }
0x62c: {  	v39 =	vld.idx.msk [tilespmem:v42+s15+$0x0], $0xffff  }
0x62d: {  	v35 =	vld.idx.msk [tilespmem:v35+s15+$0x0], $0xffff  }
0x62e: {  	v38 =	vld.idx.msk [tilespmem:v38+s15+$0x0], $0xffff  }
0x62f: {  	v42 =	vor.u32 v60, v20;
	v25 =	vor.u32 v2, v25  }
0x630: {  	v43 =	vor.u32 v11, v18;
	v61 =	vadd.f32 v61, v4;
	v36 =	vor.u32 v57, v14  }
0x631: {  	v39 =	vadd.f32 v39, v3  }
0x632: {  	v21 =	vadd.f32 v35, v21;
	[tilespmem:v27+s20+$0x0] =	vst.idx.msk $0xffff, v61  }
0x633: {  	v35 =	vadd.f32 v38, v12;
	v44 =	vor.u32 v60, v32;
	[tilespmem:v40+s20+$0x0] =	vst.idx.msk $0xffff, v39  }
0x634: {  	v52 =	vshll.u32 v26, $0x7;
	v61 =	vshll.u32 v41, $0x7;
	v38 =	vld.idx.msk [tilespmem:v42+s15+$0x0], $0xffff;
	[tilespmem:v25+s20+$0x0] =	vst.idx.msk $0xffff, v21  }
0x635: {  	v26 =	vor.u32 v11, v10;
	v23 =	vand.u32 $0x1400, v52;
	v52 =	vand.u32 $0x1400, v61;
	v40 =	vld.idx.msk [tilespmem:v43+s15+$0x0], $0xffff;
	[tilespmem:v36+s20+$0x0] =	vst.idx.msk $0xffff, v35  }
0x636: {  	v21 =	vor.u32 v5, v52;
	v2 =	vld [tilespmem:$0x1F9E0]  }
0x637: {  	v43 =	vor.u32 v54, v21;
	v54 =	vld [tilespmem:$0x1FA30]  }
0x638: {  	v27 =	vor.u32 v5, v23;
	v35 =	vld.idx.msk [tilespmem:v44+s15+$0x0], $0xffff  }
0x639: {  	v61 =	vor.u32 v19, v27  }
0x63a: {  	v25 =	vperm.xlane v0, v58;
	v26 =	vld.idx.msk [tilespmem:v26+s15+$0x0], $0xffff  }
0x63b: {  	v23 =	vperm.xlane v0, v45;
	v39 =	vor.u32 v2, v16  }
0x63c: {  	v38 =	vadd.f32 v38, v25;
	v45 =	vor.u32 v54, v14  }
0x63d: {  	v35 =	vadd.f32 v35, v23  }
0x63e: {  	v40 =	vadd.f32 v40, v3;
	[tilespmem:v61+s20+$0x0] =	vst.idx.msk $0xffff, v38  }
0x63f: {  	v26 =	vadd.f32 v26, v12;
	[tilespmem:v43+s20+$0x0] =	vst.idx.msk $0xffff, v35  }
0x640: {  	[tilespmem:v39+s20+$0x0] =	vst.idx.msk $0xffff, v40  }
0x641: {  	v41 =	vor.u32 v56, v20;
	v2 =	vld [tilespmem:$0x1F640];
	[tilespmem:v45+s20+$0x0] =	vst.idx.msk $0xffff, v26  }
0x642: {  	v0 =	vld [tilespmem:$0x1F7C0]  }
0x643: {  	v44 =	vor.u32 v56, v32  }
0x644: {  	v42 =	vor.u32 v51, v18  }
0x645: {  	v61 =	vor.u32 v51, v10  }
0x646: {  	v38 =	vld.idx.msk [tilespmem:v41+s15+$0x0], $0xffff  }
0x647: {  	v26 =	vor.u32 v0, v16;
	v0 =	vld [tilespmem:$0x1F7E0]  }
0x648: {  	v39 =	vld.idx.msk [tilespmem:v44+s15+$0x0], $0xffff;
	v52 =	vor.u32 v2, v27  }
0x649: {  	v35 =	vld.idx.msk [tilespmem:v42+s15+$0x0], $0xffff  }
0x64a: {  	v36 =	vld.idx.msk [tilespmem:v61+s15+$0x0], $0xffff;
	v61 =	vor.u32 v37, v21  }
0x64b: {  	v38 =	vadd.f32 v38, v25  }
0x64c: {  	v45 =	vor.u32 v0, v14  }
0x64d: {  	[tilespmem:v52+s20+$0x0] =	vst.idx.msk $0xffff, v38;
	v52 =	vadd.f32 v39, v23  }
0x64e: {  	v35 =	vadd.f32 v35, v3  }
0x64f: {  	v41 =	vor.u32 v11, v20;
	[tilespmem:v61+s20+$0x0] =	vst.idx.msk $0xffff, v52;
	v61 =	vadd.f32 v36, v12  }
0x650: {  	v42 =	vor.u32 v49, v18;
	[tilespmem:v26+s20+$0x0] =	vst.idx.msk $0xffff, v35  }
0x651: {  	[tilespmem:v45+s20+$0x0] =	vst.idx.msk $0xffff, v61  }
0x652: {  	v0 =	vld [tilespmem:$0x1F800]  }
0x653: {  	v4 =	vld [tilespmem:$0x1F650]  }
0x654: {  	v26 =	vld.idx.msk [tilespmem:v41+s15+$0x0], $0xffff  }
0x655: {  	v44 =	vor.u32 v11, v32;
	v52 =	vld.idx.msk [tilespmem:v42+s15+$0x0], $0xffff  }
0x656: {  	v40 =	vor.u32 v8, v27  }
0x657: {  	v61 =	vor.u32 v0, v16  }
0x658: {  	v28 =	vadd.f32 v28, v4  }
0x659: {  	v39 =	vor.u32 v49, v10;
	v26 =	vadd.f32 v26, v25  }
0x65a: {  	v38 =	vld.idx.msk [tilespmem:v44+s15+$0x0], $0xffff;
	v45 =	vadd.f32 v52, v3;
	[tilespmem:v34+s20+$0x0] =	vst.idx.msk $0xffff, v28  }
0x65b: {  	v37 =	vor.u32 v55, v21;
	v55 =	vld [tilespmem:$0x1F810];
	[tilespmem:v40+s20+$0x0] =	vst.idx.msk $0xffff, v26  }
0x65c: {  	[tilespmem:v61+s20+$0x0] =	vst.idx.msk $0xffff, v45  }
0x65d: {  	v0 =	vld [tilespmem:$0x1F660]  }
0x65e: {  	v8 =	vor.u32 v51, v20;
	v39 =	vld.idx.msk [tilespmem:v39+s15+$0x0], $0xffff;
	_ =	sdelay $0x1  }
0x65f: {  	v38 =	vadd.f32 v38, v23;
	v52 =	vor.u32 v55, v14;
	_ =	sdelay $0x1  }
0x660: {  	v26 =	vld.idx.msk [tilespmem:v30+s15+$0x0], $0xffff;
	[tilespmem:v37+s20+$0x0] =	vst.idx.msk $0xffff, v38;
	v40 =	vadd.f32 v31, v0  }
0x661: {  	v44 =	vor.u32 v51, v32;
	v61 =	vadd.f32 v39, v12;
	v31 =	vld.idx.msk [tilespmem:v8+s15+$0x0], $0xffff;
	[tilespmem:$0x1F770] =	vst v1  }
0x662: {  	v42 =	vor.u32 v50, v18;
	[tilespmem:v33+s20+$0x0] =	vst.idx.msk $0xffff, v40  }
0x663: {  	[tilespmem:v52+s20+$0x0] =	vst.idx.msk $0xffff, v61  }
0x664: {  	v61 =	vld [tilespmem:$0x1F850]  }
0x665: {  	v6 =	vor.u32 v1, v6  }
0x666: {  	v45 =	vor.u32 v50, v10;
	v28 =	vld.idx.msk [tilespmem:v44+s15+$0x0], $0xffff  }
0x667: {  	v8 =	vld.idx.msk [tilespmem:v42+s15+$0x0], $0xffff;
	v33 =	vor.u32 v46, v27  }
0x668: {  	v26 =	vadd.f32 v26, v4;
	v44 =	vor.u32 v47, v21  }
0x669: {  	v30 =	vor.u32 v61, v16  }
0x66a: {  	v29 =	vld.idx.msk [tilespmem:v29+s15+$0x0], $0xffff;
	[tilespmem:v6+s20+$0x0] =	vst.idx.msk $0xffff, v26;
	v31 =	vadd.f32 v31, v25  }
0x66b: {  	v35 =	vld.idx.msk [tilespmem:v45+s15+$0x0], $0xffff;
	[tilespmem:$0x1F780] =	vst v59;
	v26 =	vadd.f32 v28, v23  }
0x66c: {  	v46 =	vadd.f32 v8, v3;
	[tilespmem:v33+s20+$0x0] =	vst.idx.msk $0xffff, v31  }
0x66d: {  	v34 =	vor.u32 v49, v20;
	v4 =	vor.u32 v59, v9;
	v59 =	vld [tilespmem:$0x1F860];
	[tilespmem:v44+s20+$0x0] =	vst.idx.msk $0xffff, v26  }
0x66e: {  	[tilespmem:v30+s20+$0x0] =	vst.idx.msk $0xffff, v46  }
0x66f: {  	v52 =	vor.u32 v15, v18;
	v43 =	vld [tilespmem:$0x1F670];
	_ =	sdelay $0x2  }
0x670: {  	v45 =	vor.u32 v49, v32;
	v6 =	vld.idx.msk [tilespmem:v34+s15+$0x0], $0xffff;
	v47 =	vor.u32 v59, v14  }
0x671: {  	v0 =	vadd.f32 v29, v0  }
0x672: {  	v26 =	vld.idx.msk [tilespmem:v52+s15+$0x0], $0xffff;
	v41 =	vor.u32 v43, v27  }
0x673: {  	v9 =	vadd.f32 v35, v12;
	v52 =	vld [tilespmem:$0x1F7F0];
	[tilespmem:v4+s20+$0x0] =	vst.idx.msk $0xffff, v0  }
0x674: {  	v0 =	vld [tilespmem:$0x1F890]  }
0x675: {  	v33 =	vld.idx.msk [tilespmem:v45+s15+$0x0], $0xffff;
	v6 =	vadd.f32 v6, v25;
	[tilespmem:v47+s20+$0x0] =	vst.idx.msk $0xffff, v9  }
0x676: {  	v45 =	vld [tilespmem:$0x1F680]  }
0x677: {  	[tilespmem:v41+s20+$0x0] =	vst.idx.msk $0xffff, v6  }
0x678: {  	v40 =	vld [tilespmem:$0x1F820]  }
0x679: {  	v29 =	vor.u32 v15, v10;
	v30 =	vor.u32 $0x30, v52;
	v35 =	vor.u32 v0, v16  }
0x67a: {  	v4 =	vand.u32 $0x3F, v30;
	v0 =	vshll.u32 v22, $0x7  }
0x67b: {  	v24 =	vld.idx.msk [tilespmem:v24+s15+$0x0], $0xffff;
	v52 =	vor.u32 v60, v4;
	v0 =	vand.u32 $0x1C00, v0;
	v37 =	vor.u32 v45, v21  }
0x67c: {  	v26 =	vadd.f32 v26, v3;
	v0 =	vor.u32 v5, v0  }
0x67d: {  	v41 =	vor.u32 v40, v0  }
0x67e: {  	v33 =	vadd.f32 v33, v23;
	v29 =	vld.idx.msk [tilespmem:v29+s15+$0x0], $0xffff;
	[tilespmem:v35+s20+$0x0] =	vst.idx.msk $0xffff, v26  }
0x67f: {  	v47 =	vld [tilespmem:$0x1F8A0]  }
0x680: {  	v42 =	vor.u32 v50, v20;
	v24 =	vadd.f32 v24, v62;
	v22 =	vld.idx.msk [tilespmem:v52+s15+$0x0], $0xffff;
	[tilespmem:v37+s20+$0x0] =	vst.idx.msk $0xffff, v33  }
0x681: {  	v44 =	vld [tilespmem:$0x1F690]  }
0x682: {  	v39 =	vshll.u32 v30, $0x7;
	v46 =	vld [tilespmem:$0x1F830];
	[tilespmem:v41+s20+$0x0] =	vst.idx.msk $0xffff, v24  }
0x683: {  	v6 =	vand.u32 $0x1C00, v39;
	v39 =	vld [tilespmem:$0x1F9C0]  }
0x684: {  	v52 =	vld [tilespmem:$0x1F840]  }
0x685: {  	v38 =	vor.u32 v50, v32;
	v26 =	vld.idx.msk [tilespmem:v42+s15+$0x0], $0xffff  }
0x686: {  	v34 =	vor.u32 v47, v14  }
0x687: {  	v6 =	vor.u32 v5, v6;
	v33 =	vor.u32 v44, v27  }
0x688: {  	v35 =	vor.u32 v46, v6  }
0x689: {  	v28 =	vor.u32 v7, v10;
	v29 =	vadd.f32 v29, v12;
	v10 =	vperm.xlane v39, v52  }
0x68a: {  	v31 =	vld.idx.msk [tilespmem:v38+s15+$0x0], $0xffff;
	v26 =	vadd.f32 v26, v25  }
0x68b: {  	v18 =	vor.u32 v7, v18;
	[tilespmem:v34+s20+$0x0] =	vst.idx.msk $0xffff, v29;
	v22 =	vadd.f32 v22, v10  }
0x68c: {  	v24 =	vor.u32 v53, v21;
	v46 =	vld [tilespmem:$0x1F8D0];
	[tilespmem:v33+s20+$0x0] =	vst.idx.msk $0xffff, v26  }
0x68d: {  	[tilespmem:v35+s20+$0x0] =	vst.idx.msk $0xffff, v22  }
0x68e: {  	v1 =	vld [tilespmem:$0x1F7A0]  }
0x68f: {  	v36 =	vor.u32 v15, v20;
	v38 =	vadd.f32 v31, v23  }
0x690: {  	v18 =	vld.idx.msk [tilespmem:v18+s15+$0x0], $0xffff  }
0x691: {  	v26 =	vld.idx.msk [tilespmem:v28+s15+$0x0], $0xffff;
	[tilespmem:v24+s20+$0x0] =	vst.idx.msk $0xffff, v38  }
0x692: {  	v42 =	vmov v53;
	v9 =	vor.u32 v46, v16;
	v53 =	vld [tilespmem:$0x1F8F0]  }
0x693: {  	v28 =	vor.u32 $0x30, v1;
	v1 =	vld [tilespmem:$0x1F8E0]  }
0x694: {  	v8 =	vor.u32 v56, v4;
	v41 =	vld.idx.msk [tilespmem:v36+s15+$0x0], $0xffff  }
0x695: {  	v40 =	vadd.f32 v18, v3  }
0x696: {  	v35 =	vor.u32 v63, v27  }
0x697: {  	[tilespmem:v9+s20+$0x0] =	vst.idx.msk $0xffff, v40;
	v14 =	vor.u32 v53, v14  }
0x698: {  	v24 =	vor.u32 $0x30, v1;
	v1 =	vld [tilespmem:$0x1F870]  }
0x699: {  	v29 =	vld.idx.msk [tilespmem:v8+s15+$0x0], $0xffff;
	v8 =	vadd.f32 v41, v25  }
0x69a: {  	v37 =	vor.u32 v15, v32;
	v12 =	vadd.f32 v26, v12;
	v52 =	vld [tilespmem:$0x1F880]  }
0x69b: {  	v40 =	vld [tilespmem:$0x1F6A0];
	[tilespmem:v35+s20+$0x0] =	vst.idx.msk $0xffff, v8  }
0x69c: {  	v17 =	vld.idx.msk [tilespmem:v17+s15+$0x0], $0xffff;
	[tilespmem:v14+s20+$0x0] =	vst.idx.msk $0xffff, v12  }
0x69d: {  	v26 =	vor.u32 v1, v0;
	v1 =	vld [tilespmem:$0x1F760];
	_ =	sdelay $0x1  }
0x69e: {  	v22 =	vld.idx.msk [tilespmem:v37+s15+$0x0], $0xffff  }
0x69f: {  	v18 =	vand.u32 $0x3F, v28;
	v37 =	vshll.u32 v28, $0x7  }
0x6a0: {  	v33 =	vor.u32 v60, v18;
	v9 =	vor.u32 v40, v21;
	v12 =	vand.u32 $0x1C00, v37  }
0x6a1: {  	v38 =	vadd.f32 v17, v62;
	v17 =	vor.u32 v5, v12;
	v12 =	vperm.xlane v39, v1;
	v1 =	vld [tilespmem:$0x1F920];
	_ =	sdelay $0x1  }
0x6a2: {  	v22 =	vadd.f32 v22, v23;
	_ =	sdelay $0x1  }
0x6a3: {  	v37 =	vld.idx.msk [tilespmem:v33+s15+$0x0], $0xffff;
	[tilespmem:v9+s20+$0x0] =	vst.idx.msk $0xffff, v22  }
0x6a4: {  	v33 =	vor.u32 v1, v17;
	v1 =	vld [tilespmem:$0x1F930];
	_ =	sdelay $0x1  }
0x6a5: {  	v16 =	vand.u32 $0x3F, v24;
	v36 =	vor.u32 v52, v6;
	v52 =	vshll.u32 v24, $0x7  }
0x6a6: {  	v30 =	vor.u32 v60, v16;
	v14 =	vand.u32 $0x1C00, v52  }
0x6a7: {  	v34 =	vor.u32 v7, v20;
	v20 =	vor.u32 v5, v14  }
0x6a8: {  	v8 =	vor.u32 v1, v20;
	v1 =	vld [tilespmem:$0x1F7B0];
	_ =	sdelay $0x2  }
0x6a9: {  	v41 =	vor.u32 v7, v32;
	v29 =	vadd.f32 v29, v10;
	v30 =	vld.idx.msk [tilespmem:v30+s15+$0x0], $0xffff  }
0x6aa: {  	v52 =	vld [tilespmem:$0x1F6B0];
	[tilespmem:v26+s20+$0x0] =	vst.idx.msk $0xffff, v38  }
0x6ab: {  	v9 =	vor.u32 $0x30, v1;
	v1 =	vld [tilespmem:$0x1F6C0];
	[tilespmem:v36+s20+$0x0] =	vst.idx.msk $0xffff, v29  }
0x6ac: {  	v3 =	vld [tilespmem:$0x1F6D0]  }
0x6ad: {  	v34 =	vld.idx.msk [tilespmem:v34+s15+$0x0], $0xffff  }
0x6ae: {  	v28 =	vld.idx.msk [tilespmem:v41+s15+$0x0], $0xffff  }
0x6af: {  	v14 =	vperm.xlane v39, v48;
	v41 =	vor.u32 v11, v13;
	v27 =	vor.u32 v52, v27  }
0x6b0: {  	v32 =	vadd.f32 v37, v12  }
0x6b1: {  	v48 =	vadd.f32 v30, v14;
	v21 =	vor.u32 v3, v21  }
0x6b2: {  	v25 =	vadd.f32 v34, v25;
	[tilespmem:v33+s20+$0x0] =	vst.idx.msk $0xffff, v32  }
0x6b3: {  	v34 =	vadd.f32 v28, v23;
	v24 =	vand.u32 $0x3F, v9;
	[tilespmem:v8+s20+$0x0] =	vst.idx.msk $0xffff, v48;
	v37 =	vor.u32 $0x30, v1  }
0x6b4: {  	[tilespmem:v27+s20+$0x0] =	vst.idx.msk $0xffff, v25;
	v25 =	vld.idx.msk [tilespmem:v41+s15+$0x0], $0xffff;
	v38 =	vor.u32 v60, v24;
	v26 =	vand.u32 $0x3F, v37  }
0x6b5: {  	v41 =	vld [tilespmem:$0x1F8B0];
	v60 =	vor.u32 v60, v26  }
0x6b6: {  	[tilespmem:v21+s20+$0x0] =	vst.idx.msk $0xffff, v34  }
0x6b7: {  	v1 =	vld [tilespmem:$0x1F6F0]  }
0x6b8: {  	v36 =	vshll.u32 v9, $0x7  }
0x6b9: {  	v29 =	vor.u32 v11, v4;
	v23 =	vand.u32 $0x1C00, v36;
	v48 =	vshll.u32 v37, $0x7;
	v28 =	vld.idx.msk [tilespmem:v38+s15+$0x0], $0xffff  }
0x6ba: {  	v22 =	vor.u32 v5, v23;
	v27 =	vor.u32 v41, v0;
	v23 =	vand.u32 $0x1C00, v48;
	v30 =	vld.idx.msk [tilespmem:v60+s15+$0x0], $0xffff  }
0x6bb: {  	v33 =	vor.u32 v19, v22;
	v23 =	vor.u32 v5, v23;
	v60 =	vld [tilespmem:$0x1F6E0]  }
0x6bc: {  	v21 =	vperm.xlane v39, v58;
	v35 =	vor.u32 v1, v23;
	v1 =	vld [tilespmem:$0x1F8C0]  }
0x6bd: {  	v25 =	vadd.f32 v25, v62  }
0x6be: {  	v28 =	vadd.f32 v28, v21  }
0x6bf: {  	v31 =	vor.u32 v56, v18;
	v29 =	vld.idx.msk [tilespmem:v29+s15+$0x0], $0xffff;
	[tilespmem:v27+s20+$0x0] =	vst.idx.msk $0xffff, v25  }
0x6c0: {  	[tilespmem:v33+s20+$0x0] =	vst.idx.msk $0xffff, v28  }
0x6c1: {  	v19 =	vperm.xlane v39, v60;
	v48 =	vor.u32 v1, v6;
	v1 =	vld [tilespmem:$0x1F980];
	_ =	sdelay $0x1  }
0x6c2: {  	v30 =	vadd.f32 v30, v19  }
0x6c3: {  	v32 =	vor.u32 v56, v16;
	v31 =	vld.idx.msk [tilespmem:v31+s15+$0x0], $0xffff;
	v29 =	vadd.f32 v29, v10  }
0x6c4: {  	[tilespmem:v35+s20+$0x0] =	vst.idx.msk $0xffff, v30  }
0x6c5: {  	v60 =	vor.u32 v1, v17;
	[tilespmem:v48+s20+$0x0] =	vst.idx.msk $0xffff, v29  }
0x6c6: {  	v1 =	vld [tilespmem:$0x1F900];
	_ =	sdelay $0x1  }
0x6c7: {  	v9 =	vor.u32 v56, v24;
	v25 =	vld.idx.msk [tilespmem:v32+s15+$0x0], $0xffff;
	v48 =	vadd.f32 v31, v12;
	_ =	sdelay $0x1  }
0x6c8: {  	v8 =	vor.u32 v57, v20;
	v41 =	vor.u32 v51, v13;
	[tilespmem:v60+s20+$0x0] =	vst.idx.msk $0xffff, v48  }
0x6c9: {  	v57 =	vor.u32 v1, v0;
	v1 =	vld [tilespmem:$0x1F700]  }
0x6ca: {  	v58 =	vor.u32 v56, v26  }
0x6cb: {  	v33 =	vld.idx.msk [tilespmem:v9+s15+$0x0], $0xffff;
	v9 =	vor.u32 v11, v18;
	v25 =	vadd.f32 v25, v14;
	_ =	sdelay $0x1  }
0x6cc: {  	v56 =	vor.u32 v2, v22;
	v30 =	vld.idx.msk [tilespmem:v41+s15+$0x0], $0xffff;
	[tilespmem:v8+s20+$0x0] =	vst.idx.msk $0xffff, v25  }
0x6cd: {  	v60 =	vor.u32 v1, v23;
	v1 =	vld [tilespmem:$0x1F910]  }
0x6ce: {  	v31 =	vld.idx.msk [tilespmem:v58+s15+$0x0], $0xffff  }
0x6cf: {  	v27 =	vor.u32 v51, v4;
	v25 =	vld.idx.msk [tilespmem:v9+s15+$0x0], $0xffff;
	v9 =	vadd.f32 v33, v21;
	_ =	sdelay $0x1  }
0x6d0: {  	v41 =	vor.u32 v11, v16;
	[tilespmem:v56+s20+$0x0] =	vst.idx.msk $0xffff, v9  }
0x6d1: {  	v58 =	vor.u32 v11, v24;
	v8 =	vor.u32 v11, v26;
	v11 =	vor.u32 v1, v6;
	v1 =	vld [tilespmem:$0x1F9E0]  }
0x6d2: {  	v30 =	vadd.f32 v30, v62  }
0x6d3: {  	v27 =	vld.idx.msk [tilespmem:v27+s15+$0x0], $0xffff;
	v31 =	vadd.f32 v31, v19  }
0x6d4: {  	[tilespmem:v57+s20+$0x0] =	vst.idx.msk $0xffff, v30  }
0x6d5: {  	[tilespmem:v60+s20+$0x0] =	vst.idx.msk $0xffff, v31  }
0x6d6: {  	v48 =	vor.u32 v1, v17;
	v1 =	vld [tilespmem:$0x1F710];
	_ =	sdelay $0x1  }
0x6d7: {  	v27 =	vadd.f32 v27, v10;
	_ =	sdelay $0x1  }
0x6d8: {  	[tilespmem:v11+s20+$0x0] =	vst.idx.msk $0xffff, v27  }
0x6d9: {  	v60 =	vor.u32 v1, v22;
	v1 =	vld [tilespmem:$0x1FA60];
	_ =	sdelay $0x5  }
0x6da: {  	v41 =	vld.idx.msk [tilespmem:v41+s15+$0x0], $0xffff;
	v25 =	vadd.f32 v25, v12  }
0x6db: {  	v30 =	vld.idx.msk [tilespmem:v58+s15+$0x0], $0xffff  }
0x6dc: {  	v57 =	vor.u32 v54, v20;
	[tilespmem:v48+s20+$0x0] =	vst.idx.msk $0xffff, v25;
	v37 =	vld.idx.msk [tilespmem:v1+s15+$0x0], $0xffff  }
0x6dd: {  	v1 =	vld [tilespmem:$0x1F720];
	_ =	sdelay $0x1  }
0x6de: {  	v27 =	vadd.f32 v41, v14  }
0x6df: {  	v29 =	vld.idx.msk [tilespmem:v8+s15+$0x0], $0xffff;
	v30 =	vadd.f32 v30, v21  }
0x6e0: {  	v39 =	vld [tilespmem:$0x1F960];
	[tilespmem:v57+s20+$0x0] =	vst.idx.msk $0xffff, v27  }
0x6e1: {  	v56 =	vor.u32 v51, v18;
	[tilespmem:v60+s20+$0x0] =	vst.idx.msk $0xffff, v30;
	v38 =	vor.u32 v1, v23  }
0x6e2: {  	v1 =	vld [tilespmem:$0x1F7C0];
	_ =	sdelay $0x1  }
0x6e3: {  	v29 =	vadd.f32 v29, v19;
	_ =	sdelay $0x1  }
0x6e4: {  	v41 =	vor.u32 v39, v0;
	v27 =	vld.idx.msk [tilespmem:v56+s15+$0x0], $0xffff;
	[tilespmem:v38+s20+$0x0] =	vst.idx.msk $0xffff, v29  }
0x6e5: {  	v56 =	vor.u32 v1, v17;
	v1 =	vld [tilespmem:$0x1F7E0];
	_ =	sdelay $0x1  }
0x6e6: {  	v8 =	vadd.f32 v37, v62;
	_ =	sdelay $0x1  }
0x6e7: {  	[tilespmem:v41+s20+$0x0] =	vst.idx.msk $0xffff, v8  }
0x6e8: {  	v57 =	vor.u32 v1, v20;
	v1 =	vld [tilespmem:$0x1F730];
	_ =	sdelay $0x4  }
0x6e9: {  	v36 =	vor.u32 v1, v22;
	v1 =	vld [tilespmem:$0x1F740]  }
0x6ea: {  	v58 =	vor.u32 v51, v16  }
0x6eb: {  	v27 =	vadd.f32 v27, v12;
	_ =	sdelay $0x1  }
0x6ec: {  	v25 =	vor.u32 v51, v24;
	[tilespmem:v56+s20+$0x0] =	vst.idx.msk $0xffff, v27  }
0x6ed: {  	v38 =	vor.u32 v1, v23;
	v1 =	vld [tilespmem:$0x1FA40]  }
0x6ee: {  	v48 =	vor.u32 v51, v26;
	v51 =	vld.idx.msk [tilespmem:v58+s15+$0x0], $0xffff;
	_ =	sdelay $0x2  }
0x6ef: {  	v25 =	vld.idx.msk [tilespmem:v25+s15+$0x0], $0xffff;
	_ =	sdelay $0x1  }
0x6f0: {  	v54 =	vor.u32 v49, v4;
	v28 =	vadd.f32 v51, v14;
	v58 =	vld.idx.msk [tilespmem:v48+s15+$0x0], $0xffff;
	_ =	sdelay $0x1  }
0x6f1: {  	v37 =	vor.u32 v49, v16;
	[tilespmem:v57+s20+$0x0] =	vst.idx.msk $0xffff, v28;
	v39 =	vld.idx.msk [tilespmem:v1+s15+$0x0], $0xffff  }
0x6f2: {  	v25 =	vadd.f32 v25, v21;
	v1 =	vld [tilespmem:$0x1F970];
	_ =	sdelay $0x1  }
0x6f3: {  	v60 =	vor.u32 v49, v18;
	v8 =	vadd.f32 v58, v19;
	v27 =	vld.idx.msk [tilespmem:v54+s15+$0x0], $0xffff;
	[tilespmem:v36+s20+$0x0] =	vst.idx.msk $0xffff, v25  }
0x6f4: {  	v25 =	vld [tilespmem:$0x1F9A0]  }
0x6f5: {  	v54 =	vld.idx.msk [tilespmem:v37+s15+$0x0], $0xffff;
	[tilespmem:v38+s20+$0x0] =	vst.idx.msk $0xffff, v8  }
0x6f6: {  	v41 =	vor.u32 v49, v24;
	v48 =	vor.u32 v1, v6;
	v1 =	vld [tilespmem:$0x1F800];
	_ =	sdelay $0x1  }
0x6f7: {  	v32 =	vld.idx.msk [tilespmem:v60+s15+$0x0], $0xffff;
	v60 =	vor.u32 v55, v20  }
0x6f8: {  	v25 =	vor.u32 v25, v0;
	_ =	sdelay $0x1  }
0x6f9: {  	v28 =	vld.idx.msk [tilespmem:v41+s15+$0x0], $0xffff;
	v41 =	vor.u32 v43, v22;
	v43 =	vadd.f32 v54, v14;
	v57 =	vor.u32 v1, v17  }
0x6fa: {  	v30 =	vadd.f32 v39, v62  }
0x6fb: {  	v51 =	vor.u32 v49, v26;
	v27 =	vadd.f32 v27, v10;
	[tilespmem:v60+s20+$0x0] =	vst.idx.msk $0xffff, v43  }
0x6fc: {  	v58 =	vor.u32 v50, v18;
	[tilespmem:v25+s20+$0x0] =	vst.idx.msk $0xffff, v30;
	v25 =	vadd.f32 v32, v12  }
0x6fd: {  	v56 =	vor.u32 v50, v4;
	[tilespmem:v48+s20+$0x0] =	vst.idx.msk $0xffff, v27  }
0x6fe: {  	v27 =	vor.u32 v50, v16;
	[tilespmem:v57+s20+$0x0] =	vst.idx.msk $0xffff, v25  }
0x6ff: {  	v48 =	vor.u32 v50, v24;
	v1 =	vld [tilespmem:$0x1F9B0]  }
0x700: {  	v39 =	vld.idx.msk [tilespmem:v51+s15+$0x0], $0xffff  }
0x701: {  	v28 =	vadd.f32 v28, v21;
	v25 =	vld.idx.msk [tilespmem:v58+s15+$0x0], $0xffff  }
0x702: {  	v49 =	vor.u32 v45, v23;
	v8 =	vld.idx.msk [tilespmem:v56+s15+$0x0], $0xffff  }
0x703: {  	v56 =	vor.u32 v61, v17;
	v27 =	vld.idx.msk [tilespmem:v27+s15+$0x0], $0xffff;
	[tilespmem:v41+s20+$0x0] =	vst.idx.msk $0xffff, v28  }
0x704: {  	v51 =	vor.u32 v50, v26;
	v30 =	vld.idx.msk [tilespmem:v48+s15+$0x0], $0xffff;
	v55 =	vor.u32 v1, v6  }
0x705: {  	v29 =	vadd.f32 v39, v19;
	v58 =	vor.u32 v59, v20  }
0x706: {  	v60 =	vor.u32 v44, v22;
	v25 =	vadd.f32 v25, v12  }
0x707: {  	[tilespmem:v49+s20+$0x0] =	vst.idx.msk $0xffff, v29;
	v8 =	vadd.f32 v8, v10  }
0x708: {  	v27 =	vadd.f32 v27, v14;
	[tilespmem:v56+s20+$0x0] =	vst.idx.msk $0xffff, v25  }
0x709: {  	v31 =	vld.idx.msk [tilespmem:v51+s15+$0x0], $0xffff;
	v30 =	vadd.f32 v30, v21;
	[tilespmem:v55+s20+$0x0] =	vst.idx.msk $0xffff, v8  }
0x70a: {  	v35 =	vld [tilespmem:$0x1FA70];
	[tilespmem:v58+s20+$0x0] =	vst.idx.msk $0xffff, v27  }
0x70b: {  	v43 =	vor.u32 v42, v23;
	v41 =	vor.u32 v15, v16;
	[tilespmem:v60+s20+$0x0] =	vst.idx.msk $0xffff, v30  }
0x70c: {  	v1 =	vld [tilespmem:$0x1FA50]  }
0x70d: {  	v54 =	vor.u32 v15, v13  }
0x70e: {  	v57 =	vor.u32 v15, v4;
	v48 =	vadd.f32 v31, v19  }
0x70f: {  	v59 =	vor.u32 v15, v18  }
0x710: {  	v51 =	vld.idx.msk [tilespmem:v41+s15+$0x0], $0xffff;
	[tilespmem:v43+s20+$0x0] =	vst.idx.msk $0xffff, v48  }
0x711: {  	v50 =	vor.u32 v1, v6;
	v1 =	vld [tilespmem:$0x1F890]  }
0x712: {  	v61 =	vld.idx.msk [tilespmem:v54+s15+$0x0], $0xffff  }
0x713: {  	v56 =	vor.u32 v47, v20;
	v27 =	vld.idx.msk [tilespmem:v57+s15+$0x0], $0xffff  }
0x714: {  	v25 =	vor.u32 v15, v24;
	v45 =	vld.idx.msk [tilespmem:v59+s15+$0x0], $0xffff;
	v35 =	vor.u32 v35, v0;
	_ =	sdelay $0x1  }
0x715: {  	v59 =	vadd.f32 v51, v14;
	v54 =	vor.u32 v1, v17  }
0x716: {  	v8 =	vadd.f32 v61, v62  }
0x717: {  	v27 =	vadd.f32 v27, v10;
	[tilespmem:v56+s20+$0x0] =	vst.idx.msk $0xffff, v59  }
0x718: {  	v25 =	vld.idx.msk [tilespmem:v25+s15+$0x0], $0xffff;
	v29 =	vadd.f32 v45, v12;
	[tilespmem:v35+s20+$0x0] =	vst.idx.msk $0xffff, v8  }
0x719: {  	[tilespmem:v50+s20+$0x0] =	vst.idx.msk $0xffff, v27  }
0x71a: {  	v44 =	vor.u32 v15, v26;
	v57 =	vor.u32 v63, v22;
	[tilespmem:v54+s20+$0x0] =	vst.idx.msk $0xffff, v29  }
0x71b: {  	v1 =	vld [tilespmem:$0x1F770];
	_ =	sdelay $0x1  }
0x71c: {  	v49 =	vor.u32 v7, v13;
	v25 =	vadd.f32 v25, v21  }
0x71d: {  	v4 =	vor.u32 v7, v4  }
0x71e: {  	v55 =	vor.u32 v7, v18;
	v30 =	vld.idx.msk [tilespmem:v44+s15+$0x0], $0xffff;
	[tilespmem:v57+s20+$0x0] =	vst.idx.msk $0xffff, v25  }
0x71f: {  	v16 =	vor.u32 v7, v16;
	v0 =	vor.u32 v1, v0;
	v1 =	vld [tilespmem:$0x1F780]  }
0x720: {  	v24 =	vor.u32 v7, v24;
	v58 =	vor.u32 v40, v23  }
0x721: {  	v26 =	vor.u32 v7, v26;
	v27 =	vld.idx.msk [tilespmem:v49+s15+$0x0], $0xffff  }
0x722: {  	v4 =	vld.idx.msk [tilespmem:v4+s15+$0x0], $0xffff  }
0x723: {  	v60 =	vadd.f32 v30, v19;
	v8 =	vld.idx.msk [tilespmem:v55+s15+$0x0], $0xffff  }
0x724: {  	v16 =	vld.idx.msk [tilespmem:v16+s15+$0x0], $0xffff;
	v6 =	vor.u32 v1, v6  }
0x725: {  	v17 =	vor.u32 v46, v17;
	v61 =	vld.idx.msk [tilespmem:v24+s15+$0x0], $0xffff;
	[tilespmem:v58+s20+$0x0] =	vst.idx.msk $0xffff, v60  }
0x726: {  	v20 =	vor.u32 v53, v20;
	v24 =	vadd.f32 v27, v62;
	v25 =	vld.idx.msk [tilespmem:v26+s15+$0x0], $0xffff  }
0x727: {  	v4 =	vadd.f32 v4, v10;
	v62 =	vor.u32 v52, v22  }
0x728: {  	v63 =	vor.u32 v3, v23;
	[tilespmem:v0+s20+$0x0] =	vst.idx.msk $0xffff, v24;
	v0 =	vadd.f32 v8, v12  }
0x729: {  	[tilespmem:v6+s20+$0x0] =	vst.idx.msk $0xffff, v4;
	v4 =	vadd.f32 v16, v14  }
0x72a: {  	[tilespmem:v17+s20+$0x0] =	vst.idx.msk $0xffff, v0;
	v0 =	vadd.f32 v61, v21  }
0x72b: {  	[tilespmem:v20+s20+$0x0] =	vst.idx.msk $0xffff, v4;
	v4 =	vadd.f32 v25, v19  }
0x72c: {  	[tilespmem:v62+s20+$0x0] =	vst.idx.msk $0xffff, v0  }
0x72d: {  	[tilespmem:v63+s20+$0x0] =	vst.idx.msk $0xffff, v4  }
0x72e: {  	s23 =	sadd.s32 $0x1, s23;
	v2 =	vld [tilespmem:$0x1FFF0]  }
0x72f: {  	p0 =	sne.s32 s23, $0x64;
	v3 =	vld [tilespmem:$0x1FFE0]  }
.Ltmp5:
0x730: {  	s24 =	sshll.u32 s24, $0x12;
	v49 =	vld [tilespmem:$0x1FFB0];
	(pc) =	sbr.rel @p0 .LBB2_2-.Ltmp5, $4  }
0x731: {  	s24 =	sor.u32 s4, s24;
	v41 =	vld [tilespmem:$0x1FF90]  }
0x732: {  	s24 =	sshrl.u32 s24, $0x3;
	v43 =	vld [tilespmem:$0x1FFC0]  }
0x733: {  	s24 =	sadd.s32 s6, s24;
	v45 =	vld [tilespmem:$0x1FFA0]  }
0x734: {  	v25 =	vlaneseq.u32;
	[hbm4b:s24+s11] =	stream.strided.scatter [tilespmem:s20], [sflag:$0x4], $0x2000, s12, s11, $0x38;
	v46 =	vld [tilespmem:$0x1FFD0]  }
0x735: {  	s22 =	sadd.s32 $0x1, s22  }
0x736: {  	_ =	swait.ge [sflag:s21], $0x2000;
	p0 =	sne.s32 s22, s8  }
.Ltmp6:
0x737: {  	[sflag:s21] =	ssyncset.done $0x0;
	(pc) =	sbr.rel @p0 .LBB2_1-.Ltmp6, $4  }
0x738: {  	[sflag:s21] =	ssyncadd.s32 $0xFFFFE000  }
0x739: {  	_ =	swait.ge [sflag:s19], $0x2000  }
0x73a: {  	[sflag:s19] =	ssyncset.done $0x0  }
0x73b: {  	[sflag:s19] =	ssyncadd.s32 $0xFFFFE000  }
0x73c: {  	_ =	sfence.sel $0x180000  }
0x73d: {  	[bflag:$0x0] =	sbarrier.arrive $0xFFFF  }
0x73e: {  	p0 =	sne.s32 s1, $0x0;
	_ =	strace $0x90000047  }
0x73f: {  	s0 =	sadd.s32 @!p0 $0x100000, s0;
	[bflag:$0x2] =	sbarrier.arrive $0xFFFF  }
0x740: {  	[sflag:s0] =	ssyncadd.tile.s32 @!p0 $0x1;
	_ =	shalt  }
.Lfunc_end2:
_tile_overlayer_lowered:
.L_overlay_start_2:
0x741: {  	(tag) =	ssettag $0x2  }
0x742: {  	s0 =	rddreg [dreg:$0x0];
	s2 =	stileid.u32  }
0x743: {  	s1 =	rddreg [dreg:$0x1];
	p0 =	sne.s32 s2, $0x0  }
0x744: {  	s3 =	rddreg [dreg:$0x2];
	[bflag:$0x3] =	sbarrier.arrive $0xFFFF;
	s2 =	simm.s32 @!p0 $0x1C05  }
0x745: {  	[timem:s3], [sflag:s2] =	dma.local @!p0 [hbm:s0], s1  }
0x746: {  	s0 =	simm.s32 @!p0 $0x5  }
0x747: {  	_ =	swait.ge @!p0 [sflag:s0], s1  }
0x748: {  	s1 =	ssub.s32 @!p0 $0x0, s1;
	[sflag:s0] =	ssyncset.done @!p0 $0x0  }
0x749: {  	[sflag:s0] =	ssyncadd.s32 @!p0 s1  }
0x74a: {  	[bflag:$0x3] =	sbarrier.arrive $0xFFFF  }
0x74b: {  	_ =	shalt  }

</sc_bundles>
